<compile_context>
chip_gen: v7x
topology: tpu7x:2x2x1
jax: 0.10.2.dev20260603
libtpu: 0.0.44.dev20260713+nightly
codegen_flags: <defaults>
</compile_context>

<pallas_src>
import functools

import jax
import jax.numpy as jnp
from jax import lax
from jax.experimental import pallas as pl
from jax.experimental.pallas import tpu as pltpu
from jax.experimental.pallas import tpu_sc as plsc

_N = 50000
_D = 512
_S = _N - 1
_RTC = 38400
_BRT = 3840
_NBT = _RTC // _BRT
_TR = 80
_NT = (_N - _RTC) // _TR
_NW = 32
_TPW = -(-_NT // _NW)
_PADSC = _N - _RTC + 16
_NEG = float("-inf")

_mesh = plsc.VectorSubcoreMesh(core_axis_name="c", subcore_axis_name="s")


def _k1_body(hv_hbm, w_hbm, scores_hbm,
             w_v, hb0, hb1, sc_all, sem0, sem1, semo):
    wid = lax.axis_index("s") * 2 + lax.axis_index("c")
    iota = lax.iota(jnp.int32, 16)
    lane0 = iota == 0
    pltpu.sync_copy(w_hbm.at[0, pl.ds(0, _D)], w_v)
    wv = [w_v[pl.ds(16 * k, 16)] for k in range(32)]
    hbufs = (hb0, hb1)
    sems = (sem0, sem1)

    def tile_id(l):
        t = wid + _NW * l
        return jnp.where(t < _NT, t, 0)

    def in_copy(l):
        t = tile_id(l)
        return pltpu.make_async_copy(
            hv_hbm.at[pl.ds(_RTC + t * _TR, _TR)], hbufs[l % 2], sems[l % 2])

    def out_copy(l):
        t = tile_id(l)
        return pltpu.make_async_copy(
            sc_all.at[pl.ds(l * _TR, _TR)],
            scores_hbm.at[pl.ds(t * _TR, _TR)], semo)

    in_copy(0).start()

    for l in range(_TPW):
        if l + 1 < _TPW:
            in_copy(l + 1).start()
        in_copy(l).wait()
        hb = hbufs[l % 2]
        base = l * _TR

        @plsc.parallel_loop(0, _TR, 1, unroll=4)
        def _row(rr, hb=hb, base=base):
            ps = [hb[rr, pl.ds(16 * k, 16)] * wv[k] for k in range(32)]
            while len(ps) > 1:
                ps = [ps[i] + ps[i + 1] for i in range(0, len(ps), 2)]
            plsc.store_scatter(
                sc_all, [jnp.full((16,), base + rr, jnp.int32)],
                jnp.full((16,), jnp.sum(ps[0])), mask=lane0)

        out_copy(l).start()

    for l in range(_TPW):
        out_copy(l).wait()


_k1 = functools.partial(
    pl.kernel,
    out_type=[jax.ShapeDtypeStruct((_PADSC,), jnp.float32)],
    mesh=_mesh,
    compiler_params=pltpu.CompilerParams(needs_layout_passes=False),
    scratch_types=[
        pltpu.VMEM((_D,), jnp.float32),
        pltpu.VMEM((_TR, _D), jnp.float32),
        pltpu.VMEM((_TR, _D), jnp.float32),
        pltpu.VMEM((_TPW * _TR,), jnp.float32),
        pltpu.SemaphoreType.DMA,
        pltpu.SemaphoreType.DMA,
        pltpu.SemaphoreType.DMA,
    ],
)(_k1_body)


def _tc_body(hv_ref, w_ref, out_ref):
    w1 = w_ref[:, :_D]
    out_ref[...] = jax.lax.dot_general(
        w1, hv_ref[...], (((1,), (1,)), ((), ())),
        preferred_element_type=jnp.float32)


def _ep_body(dest_ref, tcs_ref, scs_ref, probs_ref, logp_ref):
    s1 = tcs_ref[...]
    s2 = scs_ref[...].reshape(1, _PADSC)
    c1 = lax.broadcasted_iota(jnp.int32, (1, _RTC), 1)
    c2 = lax.broadcasted_iota(jnp.int32, (1, _PADSC), 1) + _RTC
    s2 = jnp.where(c2 >= _S, _NEG, s2)
    m = jnp.maximum(jnp.max(s1), jnp.max(s2))
    e1 = jnp.exp(s1 - m)
    e2 = jnp.exp(s2 - m)
    rz = 1.0 / (jnp.sum(e1) + jnp.sum(e2))
    probs_ref[:, :_RTC] = e1 * rz
    probs_ref[:, _RTC:] = (e2 * rz)[:, :_S - _RTC]
    d = dest_ref[0]
    sd = jnp.maximum(jnp.max(jnp.where(c1 == d, s1, _NEG)),
                     jnp.max(jnp.where(c2 == d, s2, _NEG)))
    logp_ref[...] = jnp.broadcast_to(sd - m + jnp.log(rz), (1, 1))


def kernel(hv, W, b, dest):
    del b
    dest_arr = jnp.asarray(dest, dtype=jnp.int32).reshape((1,))
    tc_scores_fn = pl.pallas_call(
        _tc_body,
        grid=(_NBT,),
        in_specs=[
            pl.BlockSpec((_BRT, _D), lambda i: (i, 0)),
            pl.BlockSpec((1, 2 * _D), lambda i: (0, 0)),
        ],
        out_specs=pl.BlockSpec((1, _BRT), lambda i: (0, i)),
        out_shape=jax.ShapeDtypeStruct((1, _RTC), jnp.float32),
    )
    (sc_scores,) = _k1(hv, W)
    tc_scores = tc_scores_fn(hv, W)
    probs, logp = pl.pallas_call(
        _ep_body,
        in_specs=[
            pl.BlockSpec(memory_space=pltpu.SMEM),
            pl.BlockSpec((1, _RTC), lambda: (0, 0)),
            pl.BlockSpec((_PADSC,), lambda: (0,)),
        ],
        out_specs=[
            pl.BlockSpec((1, _S), lambda: (0, 0)),
            pl.BlockSpec((1, 1), lambda: (0, 0)),
        ],
        out_shape=[
            jax.ShapeDtypeStruct((1, _S), jnp.float32),
            jax.ShapeDtypeStruct((1, 1), jnp.float32),
        ],
    )(dest_arr, tc_scores, sc_scores)
    return (probs, logp)

# --- scband reference (transcript-rebuilt; emitter-appended) ---
"""Pipeline reference for scband-choose-dest-and-update-40072044871721 (READ-ONLY COPY).

The authoritative reference and input builder live on the scoring server;
editing this copy changes nothing except your own understanding.
"""

import jax, jax.numpy as jnp
import numpy as np

N = 50000  # total nodes in graph; src = N-1, possible dests = N-1
D = 512    # node_hidden_size


def setup_inputs(seed: int = 0) -> dict:
    key = jax.random.key(seed)
    k1, k2 = jax.random.split(key, 2)
    hv = jax.random.normal(k1, (N, D), dtype=jnp.float32)
    # choose_dest = nn.Linear(2*D, 1)
    W = jax.random.normal(k2, (1, 2 * D), dtype=jnp.float32) * (1.0 / np.sqrt(2 * D))
    b = jnp.zeros((1,), dtype=jnp.float32)
    dest = 12345  # provided destination during training
    return {"hv": hv, "W": W, "b": b, "dest": dest}


def reference(hv, W, b, dest):
    # src is the newest node
    src = hv.shape[0] - 1
    src_embed = hv[src]                                   # gather row
    possible_dests_embed = hv[:src]                       # [src, D]
    src_embed_expand = jnp.broadcast_to(src_embed[None, :], (src, hv.shape[1]))
    feats = jnp.concatenate([possible_dests_embed, src_embed_expand], axis=1)  # [src, 2D]
    dests_scores = (feats @ W.T + b).reshape(1, -1)       # [1, src]
    dests_probs = jax.nn.softmax(dests_scores, axis=1)
    # training path: log_prob of the chosen dest
    logp = jax.nn.log_softmax(dests_scores, axis=1)
    log_prob = jax.lax.dynamic_slice(logp, (0, dest), (1, 1))  # logp[:, dest:dest+1]
    return (dests_probs, log_prob)

if __name__ == "__main__":
    import jax
    _d = setup_inputs()
    print(jax.jit(kernel)(*tuple(_d.values())))

</pallas_src>

<mosaic_0001>
#map = affine_map<(d0, d1) -> (0, 0)>
#map1 = affine_map<(d0, d1) -> (0)>
module attributes {stable_mosaic.version = 14 : i64} {
  func.func @_k1_body(%arg0: i32, %arg1: i32, %arg2: memref<50000x512xf32, #tpu.memory_space<hbm>>, %arg3: memref<1x1024xf32, #tpu.memory_space<hbm>>, %arg4: memref<11616xf32, #tpu.memory_space<hbm>>, %arg5: memref<512xf32, #tpu.memory_space<vmem>>, %arg6: memref<80x512xf32, #tpu.memory_space<vmem>>, %arg7: memref<80x512xf32, #tpu.memory_space<vmem>>, %arg8: memref<400xf32, #tpu.memory_space<vmem>>, %arg9: memref<!tpu.dma_semaphore, #tpu.memory_space<semaphore_mem>>, %arg10: memref<!tpu.dma_semaphore, #tpu.memory_space<semaphore_mem>>, %arg11: memref<!tpu.dma_semaphore, #tpu.memory_space<semaphore_mem>>) attributes {dimension_semantics = [#tpu.dimension_semantics<core_parallel>, #tpu.dimension_semantics<subcore_parallel>], iteration_bounds = array<i64: 2, 16>, scalar_prefetch = 0 : i64, scratch_operands = 7 : i64, tpu.core_type = #tpu.core_type<sc_vector_subcore>, window_params = [{transform_indices = #map}, {transform_indices = #map}, {transform_indices = #map1}]} {
    %mul3A = arith.constant 2 : i32
    %mul3A_0 = arith.muli %arg1, %mul3A : i32
    %add3A = arith.addi %mul3A_0, %arg0 : i32
    %iota3A = tpu.iota {dimensions = array<i32: 0>} : vector<16xi32>
    %eq3A = arith.constant 0 : i32
    %eq3A_1 = vector.broadcast %eq3A : i32 to vector<16xi32>
    %eq3A_2 = arith.cmpi eq, %iota3A, %eq3A_1 : vector<16xi32>
    %run_scoped3A = arith.constant 0 : i32
    "tpu.region"() ({
      %run_scoped3A_355 = tpu.sem_alloc : memref<!tpu.dma_semaphore, #tpu.memory_space<semaphore_mem>>
      %dma_start3A_356 = arith.constant 0 : i32
      %dma_start3A_357 = tpu.memref_slice %arg3[%run_scoped3A, %dma_start3A_356] : memref<1x1024xf32, #tpu.memory_space<hbm>> -> memref<1x512xf32, #tpu.memory_space<hbm>>
      %dma_start3A_358 = tpu.memref_squeeze %dma_start3A_357 : memref<1x512xf32, #tpu.memory_space<hbm>> -> memref<512xf32, #tpu.memory_space<hbm>>
      %dma_start3A_359 = arith.constant 0 : i32
      %dma_start3A_360 = tpu.memref_slice %arg3[%run_scoped3A, %dma_start3A_359] : memref<1x1024xf32, #tpu.memory_space<hbm>> -> memref<1x512xf32, #tpu.memory_space<hbm>>
      %dma_start3A_361 = tpu.memref_squeeze %dma_start3A_360 : memref<1x512xf32, #tpu.memory_space<hbm>> -> memref<512xf32, #tpu.memory_space<hbm>>
      tpu.enqueue_dma source(%dma_start3A_361 : memref<512xf32, #tpu.memory_space<hbm>>) target(%arg5 : memref<512xf32, #tpu.memory_space<vmem>>) target_semaphore(%run_scoped3A_355 : memref<!tpu.dma_semaphore, #tpu.memory_space<semaphore_mem>>)
      %dma_wait3A_362 = arith.constant 0 : i32
      %dma_wait3A_363 = tpu.memref_slice %arg3[%run_scoped3A, %dma_wait3A_362] : memref<1x1024xf32, #tpu.memory_space<hbm>> -> memref<1x512xf32, #tpu.memory_space<hbm>>
      %dma_wait3A_364 = tpu.memref_squeeze %dma_wait3A_363 : memref<1x512xf32, #tpu.memory_space<hbm>> -> memref<512xf32, #tpu.memory_space<hbm>>
      %dma_wait3A_365 = arith.constant 0 : i32
      %dma_wait3A_366 = tpu.memref_slice %arg3[%run_scoped3A, %dma_wait3A_365] : memref<1x1024xf32, #tpu.memory_space<hbm>> -> memref<1x512xf32, #tpu.memory_space<hbm>>
      %dma_wait3A_367 = tpu.memref_squeeze %dma_wait3A_366 : memref<1x512xf32, #tpu.memory_space<hbm>> -> memref<512xf32, #tpu.memory_space<hbm>>
      tpu.wait_dma2 semaphore(%run_scoped3A_355 : memref<!tpu.dma_semaphore, #tpu.memory_space<semaphore_mem>>) src(%dma_wait3A_367 : memref<512xf32, #tpu.memory_space<hbm>>) dst(%arg5 : memref<512xf32, #tpu.memory_space<vmem>>)
      tpu.yield
    }) : () -> ()
    %get3A = arith.constant 0 : index
    %get3A_3 = tpu.vector_load %arg5[%get3A] {strides = array<i32>} : memref<512xf32, #tpu.memory_space<vmem>>, vector<16xf32>,
    %get3A_4 = arith.constant 16 : index
    %get3A_5 = tpu.vector_load %arg5[%get3A_4] {strides = array<i32>} : memref<512xf32, #tpu.memory_space<vmem>>, vector<16xf32>,
    %get3A_6 = arith.constant 32 : index
    %get3A_7 = tpu.vector_load %arg5[%get3A_6] {strides = array<i32>} : memref<512xf32, #tpu.memory_space<vmem>>, vector<16xf32>,
    %get3A_8 = arith.constant 48 : index
    %get3A_9 = tpu.vector_load %arg5[%get3A_8] {strides = array<i32>} : memref<512xf32, #tpu.memory_space<vmem>>, vector<16xf32>,
    %get3A_10 = arith.constant 64 : index
    %get3A_11 = tpu.vector_load %arg5[%get3A_10] {strides = array<i32>} : memref<512xf32, #tpu.memory_space<vmem>>, vector<16xf32>,
    %get3A_12 = arith.constant 80 : index
    %get3A_13 = tpu.vector_load %arg5[%get3A_12] {strides = array<i32>} : memref<512xf32, #tpu.memory_space<vmem>>, vector<16xf32>,
    %get3A_14 = arith.constant 96 : index
    %get3A_15 = tpu.vector_load %arg5[%get3A_14] {strides = array<i32>} : memref<512xf32, #tpu.memory_space<vmem>>, vector<16xf32>,
    %get3A_16 = arith.constant 112 : index
    %get3A_17 = tpu.vector_load %arg5[%get3A_16] {strides = array<i32>} : memref<512xf32, #tpu.memory_space<vmem>>, vector<16xf32>,
    %get3A_18 = arith.constant 128 : index
    %get3A_19 = tpu.vector_load %arg5[%get3A_18] {strides = array<i32>} : memref<512xf32, #tpu.memory_space<vmem>>, vector<16xf32>,
    %get3A_20 = arith.constant 144 : index
    %get3A_21 = tpu.vector_load %arg5[%get3A_20] {strides = array<i32>} : memref<512xf32, #tpu.memory_space<vmem>>, vector<16xf32>,
    %get3A_22 = arith.constant 160 : index
    %get3A_23 = tpu.vector_load %arg5[%get3A_22] {strides = array<i32>} : memref<512xf32, #tpu.memory_space<vmem>>, vector<16xf32>,
    %get3A_24 = arith.constant 176 : index
    %get3A_25 = tpu.vector_load %arg5[%get3A_24] {strides = array<i32>} : memref<512xf32, #tpu.memory_space<vmem>>, vector<16xf32>,
    %get3A_26 = arith.constant 192 : index
    %get3A_27 = tpu.vector_load %arg5[%get3A_26] {strides = array<i32>} : memref<512xf32, #tpu.memory_space<vmem>>, vector<16xf32>,
    %get3A_28 = arith.constant 208 : index
    %get3A_29 = tpu.vector_load %arg5[%get3A_28] {strides = array<i32>} : memref<512xf32, #tpu.memory_space<vmem>>, vector<16xf32>,
    %get3A_30 = arith.constant 224 : index
    %get3A_31 = tpu.vector_load %arg5[%get3A_30] {strides = array<i32>} : memref<512xf32, #tpu.memory_space<vmem>>, vector<16xf32>,
    %get3A_32 = arith.constant 240 : index
    %get3A_33 = tpu.vector_load %arg5[%get3A_32] {strides = array<i32>} : memref<512xf32, #tpu.memory_space<vmem>>, vector<16xf32>,
    %get3A_34 = arith.constant 256 : index
    %get3A_35 = tpu.vector_load %arg5[%get3A_34] {strides = array<i32>} : memref<512xf32, #tpu.memory_space<vmem>>, vector<16xf32>,
    %get3A_36 = arith.constant 272 : index
    %get3A_37 = tpu.vector_load %arg5[%get3A_36] {strides = array<i32>} : memref<512xf32, #tpu.memory_space<vmem>>, vector<16xf32>,
    %get3A_38 = arith.constant 288 : index
    %get3A_39 = tpu.vector_load %arg5[%get3A_38] {strides = array<i32>} : memref<512xf32, #tpu.memory_space<vmem>>, vector<16xf32>,
    %get3A_40 = arith.constant 304 : index
    %get3A_41 = tpu.vector_load %arg5[%get3A_40] {strides = array<i32>} : memref<512xf32, #tpu.memory_space<vmem>>, vector<16xf32>,
    %get3A_42 = arith.constant 320 : index
    %get3A_43 = tpu.vector_load %arg5[%get3A_42] {strides = array<i32>} : memref<512xf32, #tpu.memory_space<vmem>>, vector<16xf32>,
    %get3A_44 = arith.constant 336 : index
    %get3A_45 = tpu.vector_load %arg5[%get3A_44] {strides = array<i32>} : memref<512xf32, #tpu.memory_space<vmem>>, vector<16xf32>,
    %get3A_46 = arith.constant 352 : index
    %get3A_47 = tpu.vector_load %arg5[%get3A_46] {strides = array<i32>} : memref<512xf32, #tpu.memory_space<vmem>>, vector<16xf32>,
    %get3A_48 = arith.constant 368 : index
    %get3A_49 = tpu.vector_load %arg5[%get3A_48] {strides = array<i32>} : memref<512xf32, #tpu.memory_space<vmem>>, vector<16xf32>,
    %get3A_50 = arith.constant 384 : index
    %get3A_51 = tpu.vector_load %arg5[%get3A_50] {strides = array<i32>} : memref<512xf32, #tpu.memory_space<vmem>>, vector<16xf32>,
    %get3A_52 = arith.constant 400 : index
    %get3A_53 = tpu.vector_load %arg5[%get3A_52] {strides = array<i32>} : memref<512xf32, #tpu.memory_space<vmem>>, vector<16xf32>,
    %get3A_54 = arith.constant 416 : index
    %get3A_55 = tpu.vector_load %arg5[%get3A_54] {strides = array<i32>} : memref<512xf32, #tpu.memory_space<vmem>>, vector<16xf32>,
    %get3A_56 = arith.constant 432 : index
    %get3A_57 = tpu.vector_load %arg5[%get3A_56] {strides = array<i32>} : memref<512xf32, #tpu.memory_space<vmem>>, vector<16xf32>,
    %get3A_58 = arith.constant 448 : index
    %get3A_59 = tpu.vector_load %arg5[%get3A_58] {strides = array<i32>} : memref<512xf32, #tpu.memory_space<vmem>>, vector<16xf32>,
    %get3A_60 = arith.constant 464 : index
    %get3A_61 = tpu.vector_load %arg5[%get3A_60] {strides = array<i32>} : memref<512xf32, #tpu.memory_space<vmem>>, vector<16xf32>,
    %get3A_62 = arith.constant 480 : index
    %get3A_63 = tpu.vector_load %arg5[%get3A_62] {strides = array<i32>} : memref<512xf32, #tpu.memory_space<vmem>>, vector<16xf32>,
    %get3A_64 = arith.constant 496 : index
    %get3A_65 = tpu.vector_load %arg5[%get3A_64] {strides = array<i32>} : memref<512xf32, #tpu.memory_space<vmem>>, vector<16xf32>,
    %add3A_66 = arith.constant 0 : i32
    %add3A_67 = arith.addi %add3A, %add3A_66 : i32
    %lt3A = arith.constant 145 : i32
    %lt3A_68 = arith.cmpi slt, %add3A_67, %lt3A : i32
    %jit3A = arith.constant 0 : i32
    %select_n3A = arith.select %lt3A_68, %add3A_67, %jit3A : i32
    %mul3A_69 = arith.constant 80 : i32
    %mul3A_70 = arith.muli %select_n3A, %mul3A_69 : i32
    %add3A_71 = arith.constant 38400 : i32
    %add3A_72 = arith.addi %add3A_71, %mul3A_70 : i32
    %dma_start3A = arith.constant 0 : i32
    %dma_start3A_73 = tpu.memref_slice %arg2[%add3A_72, %dma_start3A] : memref<50000x512xf32, #tpu.memory_space<hbm>> -> memref<80x512xf32, #tpu.memory_space<hbm>>
    %dma_start3A_74 = arith.constant 0 : i32
    %dma_start3A_75 = tpu.memref_slice %arg2[%add3A_72, %dma_start3A_74] : memref<50000x512xf32, #tpu.memory_space<hbm>> -> memref<80x512xf32, #tpu.memory_space<hbm>>
    tpu.enqueue_dma source(%dma_start3A_75 : memref<80x512xf32, #tpu.memory_space<hbm>>) target(%arg6 : memref<80x512xf32, #tpu.memory_space<vmem>>) target_semaphore(%arg9 : memref<!tpu.dma_semaphore, #tpu.memory_space<semaphore_mem>>)
    %add3A_76 = arith.constant 32 : i32
    %add3A_77 = arith.addi %add3A, %add3A_76 : i32
    %lt3A_78 = arith.constant 145 : i32
    %lt3A_79 = arith.cmpi slt, %add3A_77, %lt3A_78 : i32
    %jit3A_80 = arith.constant 0 : i32
    %select_n3A_81 = arith.select %lt3A_79, %add3A_77, %jit3A_80 : i32
    %mul3A_82 = arith.constant 80 : i32
    %mul3A_83 = arith.muli %select_n3A_81, %mul3A_82 : i32
    %add3A_84 = arith.constant 38400 : i32
    %add3A_85 = arith.addi %add3A_84, %mul3A_83 : i32
    %dma_start3A_86 = arith.constant 0 : i32
    %dma_start3A_87 = tpu.memref_slice %arg2[%add3A_85, %dma_start3A_86] : memref<50000x512xf32, #tpu.memory_space<hbm>> -> memref<80x512xf32, #tpu.memory_space<hbm>>
    %dma_start3A_88 = arith.constant 0 : i32
    %dma_start3A_89 = tpu.memref_slice %arg2[%add3A_85, %dma_start3A_88] : memref<50000x512xf32, #tpu.memory_space<hbm>> -> memref<80x512xf32, #tpu.memory_space<hbm>>
    tpu.enqueue_dma source(%dma_start3A_89 : memref<80x512xf32, #tpu.memory_space<hbm>>) target(%arg7 : memref<80x512xf32, #tpu.memory_space<vmem>>) target_semaphore(%arg10 : memref<!tpu.dma_semaphore, #tpu.memory_space<semaphore_mem>>)
    %add3A_90 = arith.constant 0 : i32
    %add3A_91 = arith.addi %add3A, %add3A_90 : i32
    %lt3A_92 = arith.constant 145 : i32
    %lt3A_93 = arith.cmpi slt, %add3A_91, %lt3A_92 : i32
    %jit3A_94 = arith.constant 0 : i32
    %select_n3A_95 = arith.select %lt3A_93, %add3A_91, %jit3A_94 : i32
    %mul3A_96 = arith.constant 80 : i32
    %mul3A_97 = arith.muli %select_n3A_95, %mul3A_96 : i32
    %add3A_98 = arith.constant 38400 : i32
    %add3A_99 = arith.addi %add3A_98, %mul3A_97 : i32
    %dma_wait3A = arith.constant 0 : i32
    %dma_wait3A_100 = tpu.memref_slice %arg2[%add3A_99, %dma_wait3A] : memref<50000x512xf32, #tpu.memory_space<hbm>> -> memref<80x512xf32, #tpu.memory_space<hbm>>
    %dma_wait3A_101 = arith.constant 0 : i32
    %dma_wait3A_102 = tpu.memref_slice %arg2[%add3A_99, %dma_wait3A_101] : memref<50000x512xf32, #tpu.memory_space<hbm>> -> memref<80x512xf32, #tpu.memory_space<hbm>>
    tpu.wait_dma2 semaphore(%arg9 : memref<!tpu.dma_semaphore, #tpu.memory_space<semaphore_mem>>) src(%dma_wait3A_102 : memref<80x512xf32, #tpu.memory_space<hbm>>) dst(%arg6 : memref<80x512xf32, #tpu.memory_space<vmem>>)
    %parallel_loop3A = arith.constant 0 : i32
    %parallel_loop3A_103 = arith.constant 80 : i32
    %parallel_loop3A_104 = arith.constant 1 : i32
    scf.for %parallel_loop3A_355 = %parallel_loop3A to %parallel_loop3A_103 step %parallel_loop3A_104  : i32 {
      %parallel_loop3A_356 = arith.index_cast %parallel_loop3A_355 : i32 to index
      %parallel_loop3A_357 = arith.constant 0 : index
      %parallel_loop3A_358 = tpu.vector_load %arg6[%parallel_loop3A_356, %parallel_loop3A_357] {strides = array<i32>} : memref<80x512xf32, #tpu.memory_space<vmem>>, vector<16xf32>,
      %parallel_loop3A_359 = arith.mulf %parallel_loop3A_358, %get3A_3 : vector<16xf32>
      %parallel_loop3A_360 = arith.index_cast %parallel_loop3A_355 : i32 to index
      %parallel_loop3A_361 = arith.constant 16 : index
      %parallel_loop3A_362 = tpu.vector_load %arg6[%parallel_loop3A_360, %parallel_loop3A_361] {strides = array<i32>} : memref<80x512xf32, #tpu.memory_space<vmem>>, vector<16xf32>,
      %parallel_loop3A_363 = arith.mulf %parallel_loop3A_362, %get3A_5 : vector<16xf32>
      %parallel_loop3A_364 = arith.index_cast %parallel_loop3A_355 : i32 to index
      %parallel_loop3A_365 = arith.constant 32 : index
      %parallel_loop3A_366 = tpu.vector_load %arg6[%parallel_loop3A_364, %parallel_loop3A_365] {strides = array<i32>} : memref<80x512xf32, #tpu.memory_space<vmem>>, vector<16xf32>,
      %parallel_loop3A_367 = arith.mulf %parallel_loop3A_366, %get3A_7 : vector<16xf32>
      %parallel_loop3A_368 = arith.index_cast %parallel_loop3A_355 : i32 to index
      %parallel_loop3A_369 = arith.constant 48 : index
      %parallel_loop3A_370 = tpu.vector_load %arg6[%parallel_loop3A_368, %parallel_loop3A_369] {strides = array<i32>} : memref<80x512xf32, #tpu.memory_space<vmem>>, vector<16xf32>,
      %parallel_loop3A_371 = arith.mulf %parallel_loop3A_370, %get3A_9 : vector<16xf32>
      %parallel_loop3A_372 = arith.index_cast %parallel_loop3A_355 : i32 to index
      %parallel_loop3A_373 = arith.constant 64 : index
      %parallel_loop3A_374 = tpu.vector_load %arg6[%parallel_loop3A_372, %parallel_loop3A_373] {strides = array<i32>} : memref<80x512xf32, #tpu.memory_space<vmem>>, vector<16xf32>,
      %parallel_loop3A_375 = arith.mulf %parallel_loop3A_374, %get3A_11 : vector<16xf32>
      %parallel_loop3A_376 = arith.index_cast %parallel_loop3A_355 : i32 to index
      %parallel_loop3A_377 = arith.constant 80 : index
      %parallel_loop3A_378 = tpu.vector_load %arg6[%parallel_loop3A_376, %parallel_loop3A_377] {strides = array<i32>} : memref<80x512xf32, #tpu.memory_space<vmem>>, vector<16xf32>,
      %parallel_loop3A_379 = arith.mulf %parallel_loop3A_378, %get3A_13 : vector<16xf32>
      %parallel_loop3A_380 = arith.index_cast %parallel_loop3A_355 : i32 to index
      %parallel_loop3A_381 = arith.constant 96 : index
      %parallel_loop3A_382 = tpu.vector_load %arg6[%parallel_loop3A_380, %parallel_loop3A_381] {strides = array<i32>} : memref<80x512xf32, #tpu.memory_space<vmem>>, vector<16xf32>,
      %parallel_loop3A_383 = arith.mulf %parallel_loop3A_382, %get3A_15 : vector<16xf32>
      %parallel_loop3A_384 = arith.index_cast %parallel_loop3A_355 : i32 to index
      %parallel_loop3A_385 = arith.constant 112 : index
      %parallel_loop3A_386 = tpu.vector_load %arg6[%parallel_loop3A_384, %parallel_loop3A_385] {strides = array<i32>} : memref<80x512xf32, #tpu.memory_space<vmem>>, vector<16xf32>,
      %parallel_loop3A_387 = arith.mulf %parallel_loop3A_386, %get3A_17 : vector<16xf32>
      %parallel_loop3A_388 = arith.index_cast %parallel_loop3A_355 : i32 to index
      %parallel_loop3A_389 = arith.constant 128 : index
      %parallel_loop3A_390 = tpu.vector_load %arg6[%parallel_loop3A_388, %parallel_loop3A_389] {strides = array<i32>} : memref<80x512xf32, #tpu.memory_space<vmem>>, vector<16xf32>,
      %parallel_loop3A_391 = arith.mulf %parallel_loop3A_390, %get3A_19 : vector<16xf32>
      %parallel_loop3A_392 = arith.index_cast %parallel_loop3A_355 : i32 to index
      %parallel_loop3A_393 = arith.constant 144 : index
      %parallel_loop3A_394 = tpu.vector_load %arg6[%parallel_loop3A_392, %parallel_loop3A_393] {strides = array<i32>} : memref<80x512xf32, #tpu.memory_space<vmem>>, vector<16xf32>,
      %parallel_loop3A_395 = arith.mulf %parallel_loop3A_394, %get3A_21 : vector<16xf32>
      %parallel_loop3A_396 = arith.index_cast %parallel_loop3A_355 : i32 to index
      %parallel_loop3A_397 = arith.constant 160 : index
      %parallel_loop3A_398 = tpu.vector_load %arg6[%parallel_loop3A_396, %parallel_loop3A_397] {strides = array<i32>} : memref<80x512xf32, #tpu.memory_space<vmem>>, vector<16xf32>,
      %parallel_loop3A_399 = arith.mulf %parallel_loop3A_398, %get3A_23 : vector<16xf32>
      %parallel_loop3A_400 = arith.index_cast %parallel_loop3A_355 : i32 to index
      %parallel_loop3A_401 = arith.constant 176 : index
      %parallel_loop3A_402 = tpu.vector_load %arg6[%parallel_loop3A_400, %parallel_loop3A_401] {strides = array<i32>} : memref<80x512xf32, #tpu.memory_space<vmem>>, vector<16xf32>,
      %parallel_loop3A_403 = arith.mulf %parallel_loop3A_402, %get3A_25 : vector<16xf32>
      %parallel_loop3A_404 = arith.index_cast %parallel_loop3A_355 : i32 to index
      %parallel_loop3A_405 = arith.constant 192 : index
      %parallel_loop3A_406 = tpu.vector_load %arg6[%parallel_loop3A_404, %parallel_loop3A_405] {strides = array<i32>} : memref<80x512xf32, #tpu.memory_space<vmem>>, vector<16xf32>,
      %parallel_loop3A_407 = arith.mulf %parallel_loop3A_406, %get3A_27 : vector<16xf32>
      %parallel_loop3A_408 = arith.index_cast %parallel_loop3A_355 : i32 to index
      %parallel_loop3A_409 = arith.constant 208 : index
      %parallel_loop3A_410 = tpu.vector_load %arg6[%parallel_loop3A_408, %parallel_loop3A_409] {strides = array<i32>} : memref<80x512xf32, #tpu.memory_space<vmem>>, vector<16xf32>,
      %parallel_loop3A_411 = arith.mulf %parallel_loop3A_410, %get3A_29 : vector<16xf32>
      %parallel_loop3A_412 = arith.index_cast %parallel_loop3A_355 : i32 to index
      %parallel_loop3A_413 = arith.constant 224 : index
      %parallel_loop3A_414 = tpu.vector_load %arg6[%parallel_loop3A_412, %parallel_loop3A_413] {strides = array<i32>} : memref<80x512xf32, #tpu.memory_space<vmem>>, vector<16xf32>,
      %parallel_loop3A_415 = arith.mulf %parallel_loop3A_414, %get3A_31 : vector<16xf32>
      %parallel_loop3A_416 = arith.index_cast %parallel_loop3A_355 : i32 to index
      %parallel_loop3A_417 = arith.constant 240 : index
      %parallel_loop3A_418 = tpu.vector_load %arg6[%parallel_loop3A_416, %parallel_loop3A_417] {strides = array<i32>} : memref<80x512xf32, #tpu.memory_space<vmem>>, vector<16xf32>,
      %parallel_loop3A_419 = arith.mulf %parallel_loop3A_418, %get3A_33 : vector<16xf32>
      %parallel_loop3A_420 = arith.index_cast %parallel_loop3A_355 : i32 to index
      %parallel_loop3A_421 = arith.constant 256 : index
      %parallel_loop3A_422 = tpu.vector_load %arg6[%parallel_loop3A_420, %parallel_loop3A_421] {strides = array<i32>} : memref<80x512xf32, #tpu.memory_space<vmem>>, vector<16xf32>,
      %parallel_loop3A_423 = arith.mulf %parallel_loop3A_422, %get3A_35 : vector<16xf32>
      %parallel_loop3A_424 = arith.index_cast %parallel_loop3A_355 : i32 to index
      %parallel_loop3A_425 = arith.constant 272 : index
      %parallel_loop3A_426 = tpu.vector_load %arg6[%parallel_loop3A_424, %parallel_loop3A_425] {strides = array<i32>} : memref<80x512xf32, #tpu.memory_space<vmem>>, vector<16xf32>,
      %parallel_loop3A_427 = arith.mulf %parallel_loop3A_426, %get3A_37 : vector<16xf32>
      %parallel_loop3A_428 = arith.index_cast %parallel_loop3A_355 : i32 to index
      %parallel_loop3A_429 = arith.constant 288 : index
      %parallel_loop3A_430 = tpu.vector_load %arg6[%parallel_loop3A_428, %parallel_loop3A_429] {strides = array<i32>} : memref<80x512xf32, #tpu.memory_space<vmem>>, vector<16xf32>,
      %parallel_loop3A_431 = arith.mulf %parallel_loop3A_430, %get3A_39 : vector<16xf32>
      %parallel_loop3A_432 = arith.index_cast %parallel_loop3A_355 : i32 to index
      %parallel_loop3A_433 = arith.constant 304 : index
      %parallel_loop3A_434 = tpu.vector_load %arg6[%parallel_loop3A_432, %parallel_loop3A_433] {strides = array<i32>} : memref<80x512xf32, #tpu.memory_space<vmem>>, vector<16xf32>,
      %parallel_loop3A_435 = arith.mulf %parallel_loop3A_434, %get3A_41 : vector<16xf32>
      %parallel_loop3A_436 = arith.index_cast %parallel_loop3A_355 : i32 to index
      %parallel_loop3A_437 = arith.constant 320 : index
      %parallel_loop3A_438 = tpu.vector_load %arg6[%parallel_loop3A_436, %parallel_loop3A_437] {strides = array<i32>} : memref<80x512xf32, #tpu.memory_space<vmem>>, vector<16xf32>,
      %parallel_loop3A_439 = arith.mulf %parallel_loop3A_438, %get3A_43 : vector<16xf32>
      %parallel_loop3A_440 = arith.index_cast %parallel_loop3A_355 : i32 to index
      %parallel_loop3A_441 = arith.constant 336 : index
      %parallel_loop3A_442 = tpu.vector_load %arg6[%parallel_loop3A_440, %parallel_loop3A_441] {strides = array<i32>} : memref<80x512xf32, #tpu.memory_space<vmem>>, vector<16xf32>,
      %parallel_loop3A_443 = arith.mulf %parallel_loop3A_442, %get3A_45 : vector<16xf32>
      %parallel_loop3A_444 = arith.index_cast %parallel_loop3A_355 : i32 to index
      %parallel_loop3A_445 = arith.constant 352 : index
      %parallel_loop3A_446 = tpu.vector_load %arg6[%parallel_loop3A_444, %parallel_loop3A_445] {strides = array<i32>} : memref<80x512xf32, #tpu.memory_space<vmem>>, vector<16xf32>,
      %parallel_loop3A_447 = arith.mulf %parallel_loop3A_446, %get3A_47 : vector<16xf32>
      %parallel_loop3A_448 = arith.index_cast %parallel_loop3A_355 : i32 to index
      %parallel_loop3A_449 = arith.constant 368 : index
      %parallel_loop3A_450 = tpu.vector_load %arg6[%parallel_loop3A_448, %parallel_loop3A_449] {strides = array<i32>} : memref<80x512xf32, #tpu.memory_space<vmem>>, vector<16xf32>,
      %parallel_loop3A_451 = arith.mulf %parallel_loop3A_450, %get3A_49 : vector<16xf32>
      %parallel_loop3A_452 = arith.index_cast %parallel_loop3A_355 : i32 to index
      %parallel_loop3A_453 = arith.constant 384 : index
      %parallel_loop3A_454 = tpu.vector_load %arg6[%parallel_loop3A_452, %parallel_loop3A_453] {strides = array<i32>} : memref<80x512xf32, #tpu.memory_space<vmem>>, vector<16xf32>,
      %parallel_loop3A_455 = arith.mulf %parallel_loop3A_454, %get3A_51 : vector<16xf32>
      %parallel_loop3A_456 = arith.index_cast %parallel_loop3A_355 : i32 to index
      %parallel_loop3A_457 = arith.constant 400 : index
      %parallel_loop3A_458 = tpu.vector_load %arg6[%parallel_loop3A_456, %parallel_loop3A_457] {strides = array<i32>} : memref<80x512xf32, #tpu.memory_space<vmem>>, vector<16xf32>,
      %parallel_loop3A_459 = arith.mulf %parallel_loop3A_458, %get3A_53 : vector<16xf32>
      %parallel_loop3A_460 = arith.index_cast %parallel_loop3A_355 : i32 to index
      %parallel_loop3A_461 = arith.constant 416 : index
      %parallel_loop3A_462 = tpu.vector_load %arg6[%parallel_loop3A_460, %parallel_loop3A_461] {strides = array<i32>} : memref<80x512xf32, #tpu.memory_space<vmem>>, vector<16xf32>,
      %parallel_loop3A_463 = arith.mulf %parallel_loop3A_462, %get3A_55 : vector<16xf32>
      %parallel_loop3A_464 = arith.index_cast %parallel_loop3A_355 : i32 to index
      %parallel_loop3A_465 = arith.constant 432 : index
      %parallel_loop3A_466 = tpu.vector_load %arg6[%parallel_loop3A_464, %parallel_loop3A_465] {strides = array<i32>} : memref<80x512xf32, #tpu.memory_space<vmem>>, vector<16xf32>,
      %parallel_loop3A_467 = arith.mulf %parallel_loop3A_466, %get3A_57 : vector<16xf32>
      %parallel_loop3A_468 = arith.index_cast %parallel_loop3A_355 : i32 to index
      %parallel_loop3A_469 = arith.constant 448 : index
      %parallel_loop3A_470 = tpu.vector_load %arg6[%parallel_loop3A_468, %parallel_loop3A_469] {strides = array<i32>} : memref<80x512xf32, #tpu.memory_space<vmem>>, vector<16xf32>,
      %parallel_loop3A_471 = arith.mulf %parallel_loop3A_470, %get3A_59 : vector<16xf32>
      %parallel_loop3A_472 = arith.index_cast %parallel_loop3A_355 : i32 to index
      %parallel_loop3A_473 = arith.constant 464 : index
      %parallel_loop3A_474 = tpu.vector_load %arg6[%parallel_loop3A_472, %parallel_loop3A_473] {strides = array<i32>} : memref<80x512xf32, #tpu.memory_space<vmem>>, vector<16xf32>,
      %parallel_loop3A_475 = arith.mulf %parallel_loop3A_474, %get3A_61 : vector<16xf32>
      %parallel_loop3A_476 = arith.index_cast %parallel_loop3A_355 : i32 to index
      %parallel_loop3A_477 = arith.constant 480 : index
      %parallel_loop3A_478 = tpu.vector_load %arg6[%parallel_loop3A_476, %parallel_loop3A_477] {strides = array<i32>} : memref<80x512xf32, #tpu.memory_space<vmem>>, vector<16xf32>,
      %parallel_loop3A_479 = arith.mulf %parallel_loop3A_478, %get3A_63 : vector<16xf32>
      %parallel_loop3A_480 = arith.index_cast %parallel_loop3A_355 : i32 to index
      %parallel_loop3A_481 = arith.constant 496 : index
      %parallel_loop3A_482 = tpu.vector_load %arg6[%parallel_loop3A_480, %parallel_loop3A_481] {strides = array<i32>} : memref<80x512xf32, #tpu.memory_space<vmem>>, vector<16xf32>,
      %parallel_loop3A_483 = arith.mulf %parallel_loop3A_482, %get3A_65 : vector<16xf32>
      %parallel_loop3A_484 = arith.addf %parallel_loop3A_359, %parallel_loop3A_363 : vector<16xf32>
      %parallel_loop3A_485 = arith.addf %parallel_loop3A_367, %parallel_loop3A_371 : vector<16xf32>
      %parallel_loop3A_486 = arith.addf %parallel_loop3A_375, %parallel_loop3A_379 : vector<16xf32>
      %parallel_loop3A_487 = arith.addf %parallel_loop3A_383, %parallel_loop3A_387 : vector<16xf32>
      %parallel_loop3A_488 = arith.addf %parallel_loop3A_391, %parallel_loop3A_395 : vector<16xf32>
      %parallel_loop3A_489 = arith.addf %parallel_loop3A_399, %parallel_loop3A_403 : vector<16xf32>
      %parallel_loop3A_490 = arith.addf %parallel_loop3A_407, %parallel_loop3A_411 : vector<16xf32>
      %parallel_loop3A_491 = arith.addf %parallel_loop3A_415, %parallel_loop3A_419 : vector<16xf32>
      %parallel_loop3A_492 = arith.addf %parallel_loop3A_423, %parallel_loop3A_427 : vector<16xf32>
      %parallel_loop3A_493 = arith.addf %parallel_loop3A_431, %parallel_loop3A_435 : vector<16xf32>
      %parallel_loop3A_494 = arith.addf %parallel_loop3A_439, %parallel_loop3A_443 : vector<16xf32>
      %parallel_loop3A_495 = arith.addf %parallel_loop3A_447, %parallel_loop3A_451 : vector<16xf32>
      %parallel_loop3A_496 = arith.addf %parallel_loop3A_455, %parallel_loop3A_459 : vector<16xf32>
      %parallel_loop3A_497 = arith.addf %parallel_loop3A_463, %parallel_loop3A_467 : vector<16xf32>
      %parallel_loop3A_498 = arith.addf %parallel_loop3A_471, %parallel_loop3A_475 : vector<16xf32>
      %parallel_loop3A_499 = arith.addf %parallel_loop3A_479, %parallel_loop3A_483 : vector<16xf32>
      %parallel_loop3A_500 = arith.addf %parallel_loop3A_484, %parallel_loop3A_485 : vector<16xf32>
      %parallel_loop3A_501 = arith.addf %parallel_loop3A_486, %parallel_loop3A_487 : vector<16xf32>
      %parallel_loop3A_502 = arith.addf %parallel_loop3A_488, %parallel_loop3A_489 : vector<16xf32>
      %parallel_loop3A_503 = arith.addf %parallel_loop3A_490, %parallel_loop3A_491 : vector<16xf32>
      %parallel_loop3A_504 = arith.addf %parallel_loop3A_492, %parallel_loop3A_493 : vector<16xf32>
      %parallel_loop3A_505 = arith.addf %parallel_loop3A_494, %parallel_loop3A_495 : vector<16xf32>
      %parallel_loop3A_506 = arith.addf %parallel_loop3A_496, %parallel_loop3A_497 : vector<16xf32>
      %parallel_loop3A_507 = arith.addf %parallel_loop3A_498, %parallel_loop3A_499 : vector<16xf32>
      %parallel_loop3A_508 = arith.addf %parallel_loop3A_500, %parallel_loop3A_501 : vector<16xf32>
      %parallel_loop3A_509 = arith.addf %parallel_loop3A_502, %parallel_loop3A_503 : vector<16xf32>
      %parallel_loop3A_510 = arith.addf %parallel_loop3A_504, %parallel_loop3A_505 : vector<16xf32>
      %parallel_loop3A_511 = arith.addf %parallel_loop3A_506, %parallel_loop3A_507 : vector<16xf32>
      %parallel_loop3A_512 = arith.addf %parallel_loop3A_508, %parallel_loop3A_509 : vector<16xf32>
      %parallel_loop3A_513 = arith.addf %parallel_loop3A_510, %parallel_loop3A_511 : vector<16xf32>
      %parallel_loop3A_514 = arith.addf %parallel_loop3A_512, %parallel_loop3A_513 : vector<16xf32>
      %parallel_loop3A_515 = arith.constant 0 : i32
      %parallel_loop3A_516 = arith.addi %parallel_loop3A_515, %parallel_loop3A_355 : i32
      %parallel_loop3A_517 = vector.broadcast %parallel_loop3A_516 : i32 to vector<16xi32>
      %parallel_loop3A_518 = arith.constant true
      %parallel_loop3A_519 = vector.broadcast %parallel_loop3A_518 : i1 to vector<16xi1>
      %parallel_loop3A_520 = tpu.scan <sum>, %parallel_loop3A_514 masked %parallel_loop3A_519 : vector<16xf32>, vector<16xi1> -> vector<16xf32>
      %parallel_loop3A_521 = vector.extract %parallel_loop3A_520[15] : f32 from vector<16xf32>
      %parallel_loop3A_522 = vector.broadcast %parallel_loop3A_521 : f32 to vector<16xf32>
      tpu.vector_store_idx %arg8[%parallel_loop3A_517], %parallel_loop3A_522 masked %eq3A_2 : memref<400xf32, #tpu.memory_space<vmem>>[vector<16xi32>], vector<16xf32>, vector<16xi1>
    } {sc.loop_unroll_factor = 4 : i64, sc.parallel_access}
    %add3A_105 = arith.constant 0 : i32
    %add3A_106 = arith.addi %add3A, %add3A_105 : i32
    %lt3A_107 = arith.constant 145 : i32
    %lt3A_108 = arith.cmpi slt, %add3A_106, %lt3A_107 : i32
    %jit3A_109 = arith.constant 0 : i32
    %select_n3A_110 = arith.select %lt3A_108, %add3A_106, %jit3A_109 : i32
    %mul3A_111 = arith.constant 80 : i32
    %mul3A_112 = arith.muli %select_n3A_110, %mul3A_111 : i32
    %dma_start3A_113 = arith.constant 0 : i32
    %dma_start3A_114 = tpu.memref_slice %arg8[%dma_start3A_113] : memref<400xf32, #tpu.memory_space<vmem>> -> memref<80xf32, #tpu.memory_space<vmem>>
    %dma_start3A_115 = tpu.memref_slice %arg4[%mul3A_112] : memref<11616xf32, #tpu.memory_space<hbm>> -> memref<80xf32, #tpu.memory_space<hbm>>
    %dma_start3A_116 = tpu.memref_slice %arg4[%mul3A_112] : memref<11616xf32, #tpu.memory_space<hbm>> -> memref<80xf32, #tpu.memory_space<hbm>>
    %dma_start3A_117 = arith.constant 0 : i32
    %dma_start3A_118 = tpu.memref_slice %arg8[%dma_start3A_117] : memref<400xf32, #tpu.memory_space<vmem>> -> memref<80xf32, #tpu.memory_space<vmem>>
    tpu.enqueue_dma source(%dma_start3A_118 : memref<80xf32, #tpu.memory_space<vmem>>) target(%dma_start3A_116 : memref<80xf32, #tpu.memory_space<hbm>>) target_semaphore(%arg11 : memref<!tpu.dma_semaphore, #tpu.memory_space<semaphore_mem>>)
    %add3A_119 = arith.constant 64 : i32
    %add3A_120 = arith.addi %add3A, %add3A_119 : i32
    %lt3A_121 = arith.constant 145 : i32
    %lt3A_122 = arith.cmpi slt, %add3A_120, %lt3A_121 : i32
    %jit3A_123 = arith.constant 0 : i32
    %select_n3A_124 = arith.select %lt3A_122, %add3A_120, %jit3A_123 : i32
    %mul3A_125 = arith.constant 80 : i32
    %mul3A_126 = arith.muli %select_n3A_124, %mul3A_125 : i32
    %add3A_127 = arith.constant 38400 : i32
    %add3A_128 = arith.addi %add3A_127, %mul3A_126 : i32
    %dma_start3A_129 = arith.constant 0 : i32
    %dma_start3A_130 = tpu.memref_slice %arg2[%add3A_128, %dma_start3A_129] : memref<50000x512xf32, #tpu.memory_space<hbm>> -> memref<80x512xf32, #tpu.memory_space<hbm>>
    %dma_start3A_131 = arith.constant 0 : i32
    %dma_start3A_132 = tpu.memref_slice %arg2[%add3A_128, %dma_start3A_131] : memref<50000x512xf32, #tpu.memory_space<hbm>> -> memref<80x512xf32, #tpu.memory_space<hbm>>
    tpu.enqueue_dma source(%dma_start3A_132 : memref<80x512xf32, #tpu.memory_space<hbm>>) target(%arg6 : memref<80x512xf32, #tpu.memory_space<vmem>>) target_semaphore(%arg9 : memref<!tpu.dma_semaphore, #tpu.memory_space<semaphore_mem>>)
    %add3A_133 = arith.constant 32 : i32
    %add3A_134 = arith.addi %add3A, %add3A_133 : i32
    %lt3A_135 = arith.constant 145 : i32
    %lt3A_136 = arith.cmpi slt, %add3A_134, %lt3A_135 : i32
    %jit3A_137 = arith.constant 0 : i32
    %select_n3A_138 = arith.select %lt3A_136, %add3A_134, %jit3A_137 : i32
    %mul3A_139 = arith.constant 80 : i32
    %mul3A_140 = arith.muli %select_n3A_138, %mul3A_139 : i32
    %add3A_141 = arith.constant 38400 : i32
    %add3A_142 = arith.addi %add3A_141, %mul3A_140 : i32
    %dma_wait3A_143 = arith.constant 0 : i32
    %dma_wait3A_144 = tpu.memref_slice %arg2[%add3A_142, %dma_wait3A_143] : memref<50000x512xf32, #tpu.memory_space<hbm>> -> memref<80x512xf32, #tpu.memory_space<hbm>>
    %dma_wait3A_145 = arith.constant 0 : i32
    %dma_wait3A_146 = tpu.memref_slice %arg2[%add3A_142, %dma_wait3A_145] : memref<50000x512xf32, #tpu.memory_space<hbm>> -> memref<80x512xf32, #tpu.memory_space<hbm>>
    tpu.wait_dma2 semaphore(%arg10 : memref<!tpu.dma_semaphore, #tpu.memory_space<semaphore_mem>>) src(%dma_wait3A_146 : memref<80x512xf32, #tpu.memory_space<hbm>>) dst(%arg7 : memref<80x512xf32, #tpu.memory_space<vmem>>)
    %parallel_loop3A_147 = arith.constant 0 : i32
    %parallel_loop3A_148 = arith.constant 80 : i32
    %parallel_loop3A_149 = arith.constant 1 : i32
    scf.for %parallel_loop3A_355 = %parallel_loop3A_147 to %parallel_loop3A_148 step %parallel_loop3A_149  : i32 {
      %parallel_loop3A_356 = arith.index_cast %parallel_loop3A_355 : i32 to index
      %parallel_loop3A_357 = arith.constant 0 : index
      %parallel_loop3A_358 = tpu.vector_load %arg7[%parallel_loop3A_356, %parallel_loop3A_357] {strides = array<i32>} : memref<80x512xf32, #tpu.memory_space<vmem>>, vector<16xf32>,
      %parallel_loop3A_359 = arith.mulf %parallel_loop3A_358, %get3A_3 : vector<16xf32>
      %parallel_loop3A_360 = arith.index_cast %parallel_loop3A_355 : i32 to index
      %parallel_loop3A_361 = arith.constant 16 : index
      %parallel_loop3A_362 = tpu.vector_load %arg7[%parallel_loop3A_360, %parallel_loop3A_361] {strides = array<i32>} : memref<80x512xf32, #tpu.memory_space<vmem>>, vector<16xf32>,
      %parallel_loop3A_363 = arith.mulf %parallel_loop3A_362, %get3A_5 : vector<16xf32>
      %parallel_loop3A_364 = arith.index_cast %parallel_loop3A_355 : i32 to index
      %parallel_loop3A_365 = arith.constant 32 : index
      %parallel_loop3A_366 = tpu.vector_load %arg7[%parallel_loop3A_364, %parallel_loop3A_365] {strides = array<i32>} : memref<80x512xf32, #tpu.memory_space<vmem>>, vector<16xf32>,
      %parallel_loop3A_367 = arith.mulf %parallel_loop3A_366, %get3A_7 : vector<16xf32>
      %parallel_loop3A_368 = arith.index_cast %parallel_loop3A_355 : i32 to index
      %parallel_loop3A_369 = arith.constant 48 : index
      %parallel_loop3A_370 = tpu.vector_load %arg7[%parallel_loop3A_368, %parallel_loop3A_369] {strides = array<i32>} : memref<80x512xf32, #tpu.memory_space<vmem>>, vector<16xf32>,
      %parallel_loop3A_371 = arith.mulf %parallel_loop3A_370, %get3A_9 : vector<16xf32>
      %parallel_loop3A_372 = arith.index_cast %parallel_loop3A_355 : i32 to index
      %parallel_loop3A_373 = arith.constant 64 : index
      %parallel_loop3A_374 = tpu.vector_load %arg7[%parallel_loop3A_372, %parallel_loop3A_373] {strides = array<i32>} : memref<80x512xf32, #tpu.memory_space<vmem>>, vector<16xf32>,
      %parallel_loop3A_375 = arith.mulf %parallel_loop3A_374, %get3A_11 : vector<16xf32>
      %parallel_loop3A_376 = arith.index_cast %parallel_loop3A_355 : i32 to index
      %parallel_loop3A_377 = arith.constant 80 : index
      %parallel_loop3A_378 = tpu.vector_load %arg7[%parallel_loop3A_376, %parallel_loop3A_377] {strides = array<i32>} : memref<80x512xf32, #tpu.memory_space<vmem>>, vector<16xf32>,
      %parallel_loop3A_379 = arith.mulf %parallel_loop3A_378, %get3A_13 : vector<16xf32>
      %parallel_loop3A_380 = arith.index_cast %parallel_loop3A_355 : i32 to index
      %parallel_loop3A_381 = arith.constant 96 : index
      %parallel_loop3A_382 = tpu.vector_load %arg7[%parallel_loop3A_380, %parallel_loop3A_381] {strides = array<i32>} : memref<80x512xf32, #tpu.memory_space<vmem>>, vector<16xf32>,
      %parallel_loop3A_383 = arith.mulf %parallel_loop3A_382, %get3A_15 : vector<16xf32>
      %parallel_loop3A_384 = arith.index_cast %parallel_loop3A_355 : i32 to index
      %parallel_loop3A_385 = arith.constant 112 : index
      %parallel_loop3A_386 = tpu.vector_load %arg7[%parallel_loop3A_384, %parallel_loop3A_385] {strides = array<i32>} : memref<80x512xf32, #tpu.memory_space<vmem>>, vector<16xf32>,
      %parallel_loop3A_387 = arith.mulf %parallel_loop3A_386, %get3A_17 : vector<16xf32>
      %parallel_loop3A_388 = arith.index_cast %parallel_loop3A_355 : i32 to index
      %parallel_loop3A_389 = arith.constant 128 : index
      %parallel_loop3A_390 = tpu.vector_load %arg7[%parallel_loop3A_388, %parallel_loop3A_389] {strides = array<i32>} : memref<80x512xf32, #tpu.memory_space<vmem>>, vector<16xf32>,
      %parallel_loop3A_391 = arith.mulf %parallel_loop3A_390, %get3A_19 : vector<16xf32>
      %parallel_loop3A_392 = arith.index_cast %parallel_loop3A_355 : i32 to index
      %parallel_loop3A_393 = arith.constant 144 : index
      %parallel_loop3A_394 = tpu.vector_load %arg7[%parallel_loop3A_392, %parallel_loop3A_393] {strides = array<i32>} : memref<80x512xf32, #tpu.memory_space<vmem>>, vector<16xf32>,
      %parallel_loop3A_395 = arith.mulf %parallel_loop3A_394, %get3A_21 : vector<16xf32>
      %parallel_loop3A_396 = arith.index_cast %parallel_loop3A_355 : i32 to index
      %parallel_loop3A_397 = arith.constant 160 : index
      %parallel_loop3A_398 = tpu.vector_load %arg7[%parallel_loop3A_396, %parallel_loop3A_397] {strides = array<i32>} : memref<80x512xf32, #tpu.memory_space<vmem>>, vector<16xf32>,
      %parallel_loop3A_399 = arith.mulf %parallel_loop3A_398, %get3A_23 : vector<16xf32>
      %parallel_loop3A_400 = arith.index_cast %parallel_loop3A_355 : i32 to index
      %parallel_loop3A_401 = arith.constant 176 : index
      %parallel_loop3A_402 = tpu.vector_load %arg7[%parallel_loop3A_400, %parallel_loop3A_401] {strides = array<i32>} : memref<80x512xf32, #tpu.memory_space<vmem>>, vector<16xf32>,
      %parallel_loop3A_403 = arith.mulf %parallel_loop3A_402, %get3A_25 : vector<16xf32>
      %parallel_loop3A_404 = arith.index_cast %parallel_loop3A_355 : i32 to index
      %parallel_loop3A_405 = arith.constant 192 : index
      %parallel_loop3A_406 = tpu.vector_load %arg7[%parallel_loop3A_404, %parallel_loop3A_405] {strides = array<i32>} : memref<80x512xf32, #tpu.memory_space<vmem>>, vector<16xf32>,
      %parallel_loop3A_407 = arith.mulf %parallel_loop3A_406, %get3A_27 : vector<16xf32>
      %parallel_loop3A_408 = arith.index_cast %parallel_loop3A_355 : i32 to index
      %parallel_loop3A_409 = arith.constant 208 : index
      %parallel_loop3A_410 = tpu.vector_load %arg7[%parallel_loop3A_408, %parallel_loop3A_409] {strides = array<i32>} : memref<80x512xf32, #tpu.memory_space<vmem>>, vector<16xf32>,
      %parallel_loop3A_411 = arith.mulf %parallel_loop3A_410, %get3A_29 : vector<16xf32>
      %parallel_loop3A_412 = arith.index_cast %parallel_loop3A_355 : i32 to index
      %parallel_loop3A_413 = arith.constant 224 : index
      %parallel_loop3A_414 = tpu.vector_load %arg7[%parallel_loop3A_412, %parallel_loop3A_413] {strides = array<i32>} : memref<80x512xf32, #tpu.memory_space<vmem>>, vector<16xf32>,
      %parallel_loop3A_415 = arith.mulf %parallel_loop3A_414, %get3A_31 : vector<16xf32>
      %parallel_loop3A_416 = arith.index_cast %parallel_loop3A_355 : i32 to index
      %parallel_loop3A_417 = arith.constant 240 : index
      %parallel_loop3A_418 = tpu.vector_load %arg7[%parallel_loop3A_416, %parallel_loop3A_417] {strides = array<i32>} : memref<80x512xf32, #tpu.memory_space<vmem>>, vector<16xf32>,
      %parallel_loop3A_419 = arith.mulf %parallel_loop3A_418, %get3A_33 : vector<16xf32>
      %parallel_loop3A_420 = arith.index_cast %parallel_loop3A_355 : i32 to index
      %parallel_loop3A_421 = arith.constant 256 : index
      %parallel_loop3A_422 = tpu.vector_load %arg7[%parallel_loop3A_420, %parallel_loop3A_421] {strides = array<i32>} : memref<80x512xf32, #tpu.memory_space<vmem>>, vector<16xf32>,
      %parallel_loop3A_423 = arith.mulf %parallel_loop3A_422, %get3A_35 : vector<16xf32>
      %parallel_loop3A_424 = arith.index_cast %parallel_loop3A_355 : i32 to index
      %parallel_loop3A_425 = arith.constant 272 : index
      %parallel_loop3A_426 = tpu.vector_load %arg7[%parallel_loop3A_424, %parallel_loop3A_425] {strides = array<i32>} : memref<80x512xf32, #tpu.memory_space<vmem>>, vector<16xf32>,
      %parallel_loop3A_427 = arith.mulf %parallel_loop3A_426, %get3A_37 : vector<16xf32>
      %parallel_loop3A_428 = arith.index_cast %parallel_loop3A_355 : i32 to index
      %parallel_loop3A_429 = arith.constant 288 : index
      %parallel_loop3A_430 = tpu.vector_load %arg7[%parallel_loop3A_428, %parallel_loop3A_429] {strides = array<i32>} : memref<80x512xf32, #tpu.memory_space<vmem>>, vector<16xf32>,
      %parallel_loop3A_431 = arith.mulf %parallel_loop3A_430, %get3A_39 : vector<16xf32>
      %parallel_loop3A_432 = arith.index_cast %parallel_loop3A_355 : i32 to index
      %parallel_loop3A_433 = arith.constant 304 : index
      %parallel_loop3A_434 = tpu.vector_load %arg7[%parallel_loop3A_432, %parallel_loop3A_433] {strides = array<i32>} : memref<80x512xf32, #tpu.memory_space<vmem>>, vector<16xf32>,
      %parallel_loop3A_435 = arith.mulf %parallel_loop3A_434, %get3A_41 : vector<16xf32>
      %parallel_loop3A_436 = arith.index_cast %parallel_loop3A_355 : i32 to index
      %parallel_loop3A_437 = arith.constant 320 : index
      %parallel_loop3A_438 = tpu.vector_load %arg7[%parallel_loop3A_436, %parallel_loop3A_437] {strides = array<i32>} : memref<80x512xf32, #tpu.memory_space<vmem>>, vector<16xf32>,
      %parallel_loop3A_439 = arith.mulf %parallel_loop3A_438, %get3A_43 : vector<16xf32>
      %parallel_loop3A_440 = arith.index_cast %parallel_loop3A_355 : i32 to index
      %parallel_loop3A_441 = arith.constant 336 : index
      %parallel_loop3A_442 = tpu.vector_load %arg7[%parallel_loop3A_440, %parallel_loop3A_441] {strides = array<i32>} : memref<80x512xf32, #tpu.memory_space<vmem>>, vector<16xf32>,
      %parallel_loop3A_443 = arith.mulf %parallel_loop3A_442, %get3A_45 : vector<16xf32>
      %parallel_loop3A_444 = arith.index_cast %parallel_loop3A_355 : i32 to index
      %parallel_loop3A_445 = arith.constant 352 : index
      %parallel_loop3A_446 = tpu.vector_load %arg7[%parallel_loop3A_444, %parallel_loop3A_445] {strides = array<i32>} : memref<80x512xf32, #tpu.memory_space<vmem>>, vector<16xf32>,
      %parallel_loop3A_447 = arith.mulf %parallel_loop3A_446, %get3A_47 : vector<16xf32>
      %parallel_loop3A_448 = arith.index_cast %parallel_loop3A_355 : i32 to index
      %parallel_loop3A_449 = arith.constant 368 : index
      %parallel_loop3A_450 = tpu.vector_load %arg7[%parallel_loop3A_448, %parallel_loop3A_449] {strides = array<i32>} : memref<80x512xf32, #tpu.memory_space<vmem>>, vector<16xf32>,
      %parallel_loop3A_451 = arith.mulf %parallel_loop3A_450, %get3A_49 : vector<16xf32>
      %parallel_loop3A_452 = arith.index_cast %parallel_loop3A_355 : i32 to index
      %parallel_loop3A_453 = arith.constant 384 : index
      %parallel_loop3A_454 = tpu.vector_load %arg7[%parallel_loop3A_452, %parallel_loop3A_453] {strides = array<i32>} : memref<80x512xf32, #tpu.memory_space<vmem>>, vector<16xf32>,
      %parallel_loop3A_455 = arith.mulf %parallel_loop3A_454, %get3A_51 : vector<16xf32>
      %parallel_loop3A_456 = arith.index_cast %parallel_loop3A_355 : i32 to index
      %parallel_loop3A_457 = arith.constant 400 : index
      %parallel_loop3A_458 = tpu.vector_load %arg7[%parallel_loop3A_456, %parallel_loop3A_457] {strides = array<i32>} : memref<80x512xf32, #tpu.memory_space<vmem>>, vector<16xf32>,
      %parallel_loop3A_459 = arith.mulf %parallel_loop3A_458, %get3A_53 : vector<16xf32>
      %parallel_loop3A_460 = arith.index_cast %parallel_loop3A_355 : i32 to index
      %parallel_loop3A_461 = arith.constant 416 : index
      %parallel_loop3A_462 = tpu.vector_load %arg7[%parallel_loop3A_460, %parallel_loop3A_461] {strides = array<i32>} : memref<80x512xf32, #tpu.memory_space<vmem>>, vector<16xf32>,
      %parallel_loop3A_463 = arith.mulf %parallel_loop3A_462, %get3A_55 : vector<16xf32>
      %parallel_loop3A_464 = arith.index_cast %parallel_loop3A_355 : i32 to index
      %parallel_loop3A_465 = arith.constant 432 : index
      %parallel_loop3A_466 = tpu.vector_load %arg7[%parallel_loop3A_464, %parallel_loop3A_465] {strides = array<i32>} : memref<80x512xf32, #tpu.memory_space<vmem>>, vector<16xf32>,
      %parallel_loop3A_467 = arith.mulf %parallel_loop3A_466, %get3A_57 : vector<16xf32>
      %parallel_loop3A_468 = arith.index_cast %parallel_loop3A_355 : i32 to index
      %parallel_loop3A_469 = arith.constant 448 : index
      %parallel_loop3A_470 = tpu.vector_load %arg7[%parallel_loop3A_468, %parallel_loop3A_469] {strides = array<i32>} : memref<80x512xf32, #tpu.memory_space<vmem>>, vector<16xf32>,
      %parallel_loop3A_471 = arith.mulf %parallel_loop3A_470, %get3A_59 : vector<16xf32>
      %parallel_loop3A_472 = arith.index_cast %parallel_loop3A_355 : i32 to index
      %parallel_loop3A_473 = arith.constant 464 : index
      %parallel_loop3A_474 = tpu.vector_load %arg7[%parallel_loop3A_472, %parallel_loop3A_473] {strides = array<i32>} : memref<80x512xf32, #tpu.memory_space<vmem>>, vector<16xf32>,
      %parallel_loop3A_475 = arith.mulf %parallel_loop3A_474, %get3A_61 : vector<16xf32>
      %parallel_loop3A_476 = arith.index_cast %parallel_loop3A_355 : i32 to index
      %parallel_loop3A_477 = arith.constant 480 : index
      %parallel_loop3A_478 = tpu.vector_load %arg7[%parallel_loop3A_476, %parallel_loop3A_477] {strides = array<i32>} : memref<80x512xf32, #tpu.memory_space<vmem>>, vector<16xf32>,
      %parallel_loop3A_479 = arith.mulf %parallel_loop3A_478, %get3A_63 : vector<16xf32>
      %parallel_loop3A_480 = arith.index_cast %parallel_loop3A_355 : i32 to index
      %parallel_loop3A_481 = arith.constant 496 : index
      %parallel_loop3A_482 = tpu.vector_load %arg7[%parallel_loop3A_480, %parallel_loop3A_481] {strides = array<i32>} : memref<80x512xf32, #tpu.memory_space<vmem>>, vector<16xf32>,
      %parallel_loop3A_483 = arith.mulf %parallel_loop3A_482, %get3A_65 : vector<16xf32>
      %parallel_loop3A_484 = arith.addf %parallel_loop3A_359, %parallel_loop3A_363 : vector<16xf32>
      %parallel_loop3A_485 = arith.addf %parallel_loop3A_367, %parallel_loop3A_371 : vector<16xf32>
      %parallel_loop3A_486 = arith.addf %parallel_loop3A_375, %parallel_loop3A_379 : vector<16xf32>
      %parallel_loop3A_487 = arith.addf %parallel_loop3A_383, %parallel_loop3A_387 : vector<16xf32>
      %parallel_loop3A_488 = arith.addf %parallel_loop3A_391, %parallel_loop3A_395 : vector<16xf32>
      %parallel_loop3A_489 = arith.addf %parallel_loop3A_399, %parallel_loop3A_403 : vector<16xf32>
      %parallel_loop3A_490 = arith.addf %parallel_loop3A_407, %parallel_loop3A_411 : vector<16xf32>
      %parallel_loop3A_491 = arith.addf %parallel_loop3A_415, %parallel_loop3A_419 : vector<16xf32>
      %parallel_loop3A_492 = arith.addf %parallel_loop3A_423, %parallel_loop3A_427 : vector<16xf32>
      %parallel_loop3A_493 = arith.addf %parallel_loop3A_431, %parallel_loop3A_435 : vector<16xf32>
      %parallel_loop3A_494 = arith.addf %parallel_loop3A_439, %parallel_loop3A_443 : vector<16xf32>
      %parallel_loop3A_495 = arith.addf %parallel_loop3A_447, %parallel_loop3A_451 : vector<16xf32>
      %parallel_loop3A_496 = arith.addf %parallel_loop3A_455, %parallel_loop3A_459 : vector<16xf32>
      %parallel_loop3A_497 = arith.addf %parallel_loop3A_463, %parallel_loop3A_467 : vector<16xf32>
      %parallel_loop3A_498 = arith.addf %parallel_loop3A_471, %parallel_loop3A_475 : vector<16xf32>
      %parallel_loop3A_499 = arith.addf %parallel_loop3A_479, %parallel_loop3A_483 : vector<16xf32>
      %parallel_loop3A_500 = arith.addf %parallel_loop3A_484, %parallel_loop3A_485 : vector<16xf32>
      %parallel_loop3A_501 = arith.addf %parallel_loop3A_486, %parallel_loop3A_487 : vector<16xf32>
      %parallel_loop3A_502 = arith.addf %parallel_loop3A_488, %parallel_loop3A_489 : vector<16xf32>
      %parallel_loop3A_503 = arith.addf %parallel_loop3A_490, %parallel_loop3A_491 : vector<16xf32>
      %parallel_loop3A_504 = arith.addf %parallel_loop3A_492, %parallel_loop3A_493 : vector<16xf32>
      %parallel_loop3A_505 = arith.addf %parallel_loop3A_494, %parallel_loop3A_495 : vector<16xf32>
      %parallel_loop3A_506 = arith.addf %parallel_loop3A_496, %parallel_loop3A_497 : vector<16xf32>
      %parallel_loop3A_507 = arith.addf %parallel_loop3A_498, %parallel_loop3A_499 : vector<16xf32>
      %parallel_loop3A_508 = arith.addf %parallel_loop3A_500, %parallel_loop3A_501 : vector<16xf32>
      %parallel_loop3A_509 = arith.addf %parallel_loop3A_502, %parallel_loop3A_503 : vector<16xf32>
      %parallel_loop3A_510 = arith.addf %parallel_loop3A_504, %parallel_loop3A_505 : vector<16xf32>
      %parallel_loop3A_511 = arith.addf %parallel_loop3A_506, %parallel_loop3A_507 : vector<16xf32>
      %parallel_loop3A_512 = arith.addf %parallel_loop3A_508, %parallel_loop3A_509 : vector<16xf32>
      %parallel_loop3A_513 = arith.addf %parallel_loop3A_510, %parallel_loop3A_511 : vector<16xf32>
      %parallel_loop3A_514 = arith.addf %parallel_loop3A_512, %parallel_loop3A_513 : vector<16xf32>
      %parallel_loop3A_515 = arith.constant 80 : i32
      %parallel_loop3A_516 = arith.addi %parallel_loop3A_515, %parallel_loop3A_355 : i32
      %parallel_loop3A_517 = vector.broadcast %parallel_loop3A_516 : i32 to vector<16xi32>
      %parallel_loop3A_518 = arith.constant true
      %parallel_loop3A_519 = vector.broadcast %parallel_loop3A_518 : i1 to vector<16xi1>
      %parallel_loop3A_520 = tpu.scan <sum>, %parallel_loop3A_514 masked %parallel_loop3A_519 : vector<16xf32>, vector<16xi1> -> vector<16xf32>
      %parallel_loop3A_521 = vector.extract %parallel_loop3A_520[15] : f32 from vector<16xf32>
      %parallel_loop3A_522 = vector.broadcast %parallel_loop3A_521 : f32 to vector<16xf32>
      tpu.vector_store_idx %arg8[%parallel_loop3A_517], %parallel_loop3A_522 masked %eq3A_2 : memref<400xf32, #tpu.memory_space<vmem>>[vector<16xi32>], vector<16xf32>, vector<16xi1>
    } {sc.loop_unroll_factor = 4 : i64, sc.parallel_access}
    %add3A_150 = arith.constant 32 : i32
    %add3A_151 = arith.addi %add3A, %add3A_150 : i32
    %lt3A_152 = arith.constant 145 : i32
    %lt3A_153 = arith.cmpi slt, %add3A_151, %lt3A_152 : i32
    %jit3A_154 = arith.constant 0 : i32
    %select_n3A_155 = arith.select %lt3A_153, %add3A_151, %jit3A_154 : i32
    %mul3A_156 = arith.constant 80 : i32
    %mul3A_157 = arith.muli %select_n3A_155, %mul3A_156 : i32
    %dma_start3A_158 = arith.constant 80 : i32
    %dma_start3A_159 = tpu.memref_slice %arg8[%dma_start3A_158] : memref<400xf32, #tpu.memory_space<vmem>> -> memref<80xf32, #tpu.memory_space<vmem>>
    %dma_start3A_160 = tpu.memref_slice %arg4[%mul3A_157] : memref<11616xf32, #tpu.memory_space<hbm>> -> memref<80xf32, #tpu.memory_space<hbm>>
    %dma_start3A_161 = tpu.memref_slice %arg4[%mul3A_157] : memref<11616xf32, #tpu.memory_space<hbm>> -> memref<80xf32, #tpu.memory_space<hbm>>
    %dma_start3A_162 = arith.constant 80 : i32
    %dma_start3A_163 = tpu.memref_slice %arg8[%dma_start3A_162] : memref<400xf32, #tpu.memory_space<vmem>> -> memref<80xf32, #tpu.memory_space<vmem>>
    tpu.enqueue_dma source(%dma_start3A_163 : memref<80xf32, #tpu.memory_space<vmem>>) target(%dma_start3A_161 : memref<80xf32, #tpu.memory_space<hbm>>) target_semaphore(%arg11 : memref<!tpu.dma_semaphore, #tpu.memory_space<semaphore_mem>>)
    %add3A_164 = arith.constant 96 : i32
    %add3A_165 = arith.addi %add3A, %add3A_164 : i32
    %lt3A_166 = arith.constant 145 : i32
    %lt3A_167 = arith.cmpi slt, %add3A_165, %lt3A_166 : i32
    %jit3A_168 = arith.constant 0 : i32
    %select_n3A_169 = arith.select %lt3A_167, %add3A_165, %jit3A_168 : i32
    %mul3A_170 = arith.constant 80 : i32
    %mul3A_171 = arith.muli %select_n3A_169, %mul3A_170 : i32
    %add3A_172 = arith.constant 38400 : i32
    %add3A_173 = arith.addi %add3A_172, %mul3A_171 : i32
    %dma_start3A_174 = arith.constant 0 : i32
    %dma_start3A_175 = tpu.memref_slice %arg2[%add3A_173, %dma_start3A_174] : memref<50000x512xf32, #tpu.memory_space<hbm>> -> memref<80x512xf32, #tpu.memory_space<hbm>>
    %dma_start3A_176 = arith.constant 0 : i32
    %dma_start3A_177 = tpu.memref_slice %arg2[%add3A_173, %dma_start3A_176] : memref<50000x512xf32, #tpu.memory_space<hbm>> -> memref<80x512xf32, #tpu.memory_space<hbm>>
    tpu.enqueue_dma source(%dma_start3A_177 : memref<80x512xf32, #tpu.memory_space<hbm>>) target(%arg7 : memref<80x512xf32, #tpu.memory_space<vmem>>) target_semaphore(%arg10 : memref<!tpu.dma_semaphore, #tpu.memory_space<semaphore_mem>>)
    %add3A_178 = arith.constant 64 : i32
    %add3A_179 = arith.addi %add3A, %add3A_178 : i32
    %lt3A_180 = arith.constant 145 : i32
    %lt3A_181 = arith.cmpi slt, %add3A_179, %lt3A_180 : i32
    %jit3A_182 = arith.constant 0 : i32
    %select_n3A_183 = arith.select %lt3A_181, %add3A_179, %jit3A_182 : i32
    %mul3A_184 = arith.constant 80 : i32
    %mul3A_185 = arith.muli %select_n3A_183, %mul3A_184 : i32
    %add3A_186 = arith.constant 38400 : i32
    %add3A_187 = arith.addi %add3A_186, %mul3A_185 : i32
    %dma_wait3A_188 = arith.constant 0 : i32
    %dma_wait3A_189 = tpu.memref_slice %arg2[%add3A_187, %dma_wait3A_188] : memref<50000x512xf32, #tpu.memory_space<hbm>> -> memref<80x512xf32, #tpu.memory_space<hbm>>
    %dma_wait3A_190 = arith.constant 0 : i32
    %dma_wait3A_191 = tpu.memref_slice %arg2[%add3A_187, %dma_wait3A_190] : memref<50000x512xf32, #tpu.memory_space<hbm>> -> memref<80x512xf32, #tpu.memory_space<hbm>>
    tpu.wait_dma2 semaphore(%arg9 : memref<!tpu.dma_semaphore, #tpu.memory_space<semaphore_mem>>) src(%dma_wait3A_191 : memref<80x512xf32, #tpu.memory_space<hbm>>) dst(%arg6 : memref<80x512xf32, #tpu.memory_space<vmem>>)
    %parallel_loop3A_192 = arith.constant 0 : i32
    %parallel_loop3A_193 = arith.constant 80 : i32
    %parallel_loop3A_194 = arith.constant 1 : i32
    scf.for %parallel_loop3A_355 = %parallel_loop3A_192 to %parallel_loop3A_193 step %parallel_loop3A_194  : i32 {
      %parallel_loop3A_356 = arith.index_cast %parallel_loop3A_355 : i32 to index
      %parallel_loop3A_357 = arith.constant 0 : index
      %parallel_loop3A_358 = tpu.vector_load %arg6[%parallel_loop3A_356, %parallel_loop3A_357] {strides = array<i32>} : memref<80x512xf32, #tpu.memory_space<vmem>>, vector<16xf32>,
      %parallel_loop3A_359 = arith.mulf %parallel_loop3A_358, %get3A_3 : vector<16xf32>
      %parallel_loop3A_360 = arith.index_cast %parallel_loop3A_355 : i32 to index
      %parallel_loop3A_361 = arith.constant 16 : index
      %parallel_loop3A_362 = tpu.vector_load %arg6[%parallel_loop3A_360, %parallel_loop3A_361] {strides = array<i32>} : memref<80x512xf32, #tpu.memory_space<vmem>>, vector<16xf32>,
      %parallel_loop3A_363 = arith.mulf %parallel_loop3A_362, %get3A_5 : vector<16xf32>
      %parallel_loop3A_364 = arith.index_cast %parallel_loop3A_355 : i32 to index
      %parallel_loop3A_365 = arith.constant 32 : index
      %parallel_loop3A_366 = tpu.vector_load %arg6[%parallel_loop3A_364, %parallel_loop3A_365] {strides = array<i32>} : memref<80x512xf32, #tpu.memory_space<vmem>>, vector<16xf32>,
      %parallel_loop3A_367 = arith.mulf %parallel_loop3A_366, %get3A_7 : vector<16xf32>
      %parallel_loop3A_368 = arith.index_cast %parallel_loop3A_355 : i32 to index
      %parallel_loop3A_369 = arith.constant 48 : index
      %parallel_loop3A_370 = tpu.vector_load %arg6[%parallel_loop3A_368, %parallel_loop3A_369] {strides = array<i32>} : memref<80x512xf32, #tpu.memory_space<vmem>>, vector<16xf32>,
      %parallel_loop3A_371 = arith.mulf %parallel_loop3A_370, %get3A_9 : vector<16xf32>
      %parallel_loop3A_372 = arith.index_cast %parallel_loop3A_355 : i32 to index
      %parallel_loop3A_373 = arith.constant 64 : index
      %parallel_loop3A_374 = tpu.vector_load %arg6[%parallel_loop3A_372, %parallel_loop3A_373] {strides = array<i32>} : memref<80x512xf32, #tpu.memory_space<vmem>>, vector<16xf32>,
      %parallel_loop3A_375 = arith.mulf %parallel_loop3A_374, %get3A_11 : vector<16xf32>
      %parallel_loop3A_376 = arith.index_cast %parallel_loop3A_355 : i32 to index
      %parallel_loop3A_377 = arith.constant 80 : index
      %parallel_loop3A_378 = tpu.vector_load %arg6[%parallel_loop3A_376, %parallel_loop3A_377] {strides = array<i32>} : memref<80x512xf32, #tpu.memory_space<vmem>>, vector<16xf32>,
      %parallel_loop3A_379 = arith.mulf %parallel_loop3A_378, %get3A_13 : vector<16xf32>
      %parallel_loop3A_380 = arith.index_cast %parallel_loop3A_355 : i32 to index
      %parallel_loop3A_381 = arith.constant 96 : index
      %parallel_loop3A_382 = tpu.vector_load %arg6[%parallel_loop3A_380, %parallel_loop3A_381] {strides = array<i32>} : memref<80x512xf32, #tpu.memory_space<vmem>>, vector<16xf32>,
      %parallel_loop3A_383 = arith.mulf %parallel_loop3A_382, %get3A_15 : vector<16xf32>
      %parallel_loop3A_384 = arith.index_cast %parallel_loop3A_355 : i32 to index
      %parallel_loop3A_385 = arith.constant 112 : index
      %parallel_loop3A_386 = tpu.vector_load %arg6[%parallel_loop3A_384, %parallel_loop3A_385] {strides = array<i32>} : memref<80x512xf32, #tpu.memory_space<vmem>>, vector<16xf32>,
      %parallel_loop3A_387 = arith.mulf %parallel_loop3A_386, %get3A_17 : vector<16xf32>
      %parallel_loop3A_388 = arith.index_cast %parallel_loop3A_355 : i32 to index
      %parallel_loop3A_389 = arith.constant 128 : index
      %parallel_loop3A_390 = tpu.vector_load %arg6[%parallel_loop3A_388, %parallel_loop3A_389] {strides = array<i32>} : memref<80x512xf32, #tpu.memory_space<vmem>>, vector<16xf32>,
      %parallel_loop3A_391 = arith.mulf %parallel_loop3A_390, %get3A_19 : vector<16xf32>
      %parallel_loop3A_392 = arith.index_cast %parallel_loop3A_355 : i32 to index
      %parallel_loop3A_393 = arith.constant 144 : index
      %parallel_loop3A_394 = tpu.vector_load %arg6[%parallel_loop3A_392, %parallel_loop3A_393] {strides = array<i32>} : memref<80x512xf32, #tpu.memory_space<vmem>>, vector<16xf32>,
      %parallel_loop3A_395 = arith.mulf %parallel_loop3A_394, %get3A_21 : vector<16xf32>
      %parallel_loop3A_396 = arith.index_cast %parallel_loop3A_355 : i32 to index
      %parallel_loop3A_397 = arith.constant 160 : index
      %parallel_loop3A_398 = tpu.vector_load %arg6[%parallel_loop3A_396, %parallel_loop3A_397] {strides = array<i32>} : memref<80x512xf32, #tpu.memory_space<vmem>>, vector<16xf32>,
      %parallel_loop3A_399 = arith.mulf %parallel_loop3A_398, %get3A_23 : vector<16xf32>
      %parallel_loop3A_400 = arith.index_cast %parallel_loop3A_355 : i32 to index
      %parallel_loop3A_401 = arith.constant 176 : index
      %parallel_loop3A_402 = tpu.vector_load %arg6[%parallel_loop3A_400, %parallel_loop3A_401] {strides = array<i32>} : memref<80x512xf32, #tpu.memory_space<vmem>>, vector<16xf32>,
      %parallel_loop3A_403 = arith.mulf %parallel_loop3A_402, %get3A_25 : vector<16xf32>
      %parallel_loop3A_404 = arith.index_cast %parallel_loop3A_355 : i32 to index
      %parallel_loop3A_405 = arith.constant 192 : index
      %parallel_loop3A_406 = tpu.vector_load %arg6[%parallel_loop3A_404, %parallel_loop3A_405] {strides = array<i32>} : memref<80x512xf32, #tpu.memory_space<vmem>>, vector<16xf32>,
      %parallel_loop3A_407 = arith.mulf %parallel_loop3A_406, %get3A_27 : vector<16xf32>
      %parallel_loop3A_408 = arith.index_cast %parallel_loop3A_355 : i32 to index
      %parallel_loop3A_409 = arith.constant 208 : index
      %parallel_loop3A_410 = tpu.vector_load %arg6[%parallel_loop3A_408, %parallel_loop3A_409] {strides = array<i32>} : memref<80x512xf32, #tpu.memory_space<vmem>>, vector<16xf32>,
      %parallel_loop3A_411 = arith.mulf %parallel_loop3A_410, %get3A_29 : vector<16xf32>
      %parallel_loop3A_412 = arith.index_cast %parallel_loop3A_355 : i32 to index
      %parallel_loop3A_413 = arith.constant 224 : index
      %parallel_loop3A_414 = tpu.vector_load %arg6[%parallel_loop3A_412, %parallel_loop3A_413] {strides = array<i32>} : memref<80x512xf32, #tpu.memory_space<vmem>>, vector<16xf32>,
      %parallel_loop3A_415 = arith.mulf %parallel_loop3A_414, %get3A_31 : vector<16xf32>
      %parallel_loop3A_416 = arith.index_cast %parallel_loop3A_355 : i32 to index
      %parallel_loop3A_417 = arith.constant 240 : index
      %parallel_loop3A_418 = tpu.vector_load %arg6[%parallel_loop3A_416, %parallel_loop3A_417] {strides = array<i32>} : memref<80x512xf32, #tpu.memory_space<vmem>>, vector<16xf32>,
      %parallel_loop3A_419 = arith.mulf %parallel_loop3A_418, %get3A_33 : vector<16xf32>
      %parallel_loop3A_420 = arith.index_cast %parallel_loop3A_355 : i32 to index
      %parallel_loop3A_421 = arith.constant 256 : index
      %parallel_loop3A_422 = tpu.vector_load %arg6[%parallel_loop3A_420, %parallel_loop3A_421] {strides = array<i32>} : memref<80x512xf32, #tpu.memory_space<vmem>>, vector<16xf32>,
      %parallel_loop3A_423 = arith.mulf %parallel_loop3A_422, %get3A_35 : vector<16xf32>
      %parallel_loop3A_424 = arith.index_cast %parallel_loop3A_355 : i32 to index
      %parallel_loop3A_425 = arith.constant 272 : index
      %parallel_loop3A_426 = tpu.vector_load %arg6[%parallel_loop3A_424, %parallel_loop3A_425] {strides = array<i32>} : memref<80x512xf32, #tpu.memory_space<vmem>>, vector<16xf32>,
      %parallel_loop3A_427 = arith.mulf %parallel_loop3A_426, %get3A_37 : vector<16xf32>
      %parallel_loop3A_428 = arith.index_cast %parallel_loop3A_355 : i32 to index
      %parallel_loop3A_429 = arith.constant 288 : index
      %parallel_loop3A_430 = tpu.vector_load %arg6[%parallel_loop3A_428, %parallel_loop3A_429] {strides = array<i32>} : memref<80x512xf32, #tpu.memory_space<vmem>>, vector<16xf32>,
      %parallel_loop3A_431 = arith.mulf %parallel_loop3A_430, %get3A_39 : vector<16xf32>
      %parallel_loop3A_432 = arith.index_cast %parallel_loop3A_355 : i32 to index
      %parallel_loop3A_433 = arith.constant 304 : index
      %parallel_loop3A_434 = tpu.vector_load %arg6[%parallel_loop3A_432, %parallel_loop3A_433] {strides = array<i32>} : memref<80x512xf32, #tpu.memory_space<vmem>>, vector<16xf32>,
      %parallel_loop3A_435 = arith.mulf %parallel_loop3A_434, %get3A_41 : vector<16xf32>
      %parallel_loop3A_436 = arith.index_cast %parallel_loop3A_355 : i32 to index
      %parallel_loop3A_437 = arith.constant 320 : index
      %parallel_loop3A_438 = tpu.vector_load %arg6[%parallel_loop3A_436, %parallel_loop3A_437] {strides = array<i32>} : memref<80x512xf32, #tpu.memory_space<vmem>>, vector<16xf32>,
      %parallel_loop3A_439 = arith.mulf %parallel_loop3A_438, %get3A_43 : vector<16xf32>
      %parallel_loop3A_440 = arith.index_cast %parallel_loop3A_355 : i32 to index
      %parallel_loop3A_441 = arith.constant 336 : index
      %parallel_loop3A_442 = tpu.vector_load %arg6[%parallel_loop3A_440, %parallel_loop3A_441] {strides = array<i32>} : memref<80x512xf32, #tpu.memory_space<vmem>>, vector<16xf32>,
      %parallel_loop3A_443 = arith.mulf %parallel_loop3A_442, %get3A_45 : vector<16xf32>
      %parallel_loop3A_444 = arith.index_cast %parallel_loop3A_355 : i32 to index
      %parallel_loop3A_445 = arith.constant 352 : index
      %parallel_loop3A_446 = tpu.vector_load %arg6[%parallel_loop3A_444, %parallel_loop3A_445] {strides = array<i32>} : memref<80x512xf32, #tpu.memory_space<vmem>>, vector<16xf32>,
      %parallel_loop3A_447 = arith.mulf %parallel_loop3A_446, %get3A_47 : vector<16xf32>
      %parallel_loop3A_448 = arith.index_cast %parallel_loop3A_355 : i32 to index
      %parallel_loop3A_449 = arith.constant 368 : index
      %parallel_loop3A_450 = tpu.vector_load %arg6[%parallel_loop3A_448, %parallel_loop3A_449] {strides = array<i32>} : memref<80x512xf32, #tpu.memory_space<vmem>>, vector<16xf32>,
      %parallel_loop3A_451 = arith.mulf %parallel_loop3A_450, %get3A_49 : vector<16xf32>
      %parallel_loop3A_452 = arith.index_cast %parallel_loop3A_355 : i32 to index
      %parallel_loop3A_453 = arith.constant 384 : index
      %parallel_loop3A_454 = tpu.vector_load %arg6[%parallel_loop3A_452, %parallel_loop3A_453] {strides = array<i32>} : memref<80x512xf32, #tpu.memory_space<vmem>>, vector<16xf32>,
      %parallel_loop3A_455 = arith.mulf %parallel_loop3A_454, %get3A_51 : vector<16xf32>
      %parallel_loop3A_456 = arith.index_cast %parallel_loop3A_355 : i32 to index
      %parallel_loop3A_457 = arith.constant 400 : index
      %parallel_loop3A_458 = tpu.vector_load %arg6[%parallel_loop3A_456, %parallel_loop3A_457] {strides = array<i32>} : memref<80x512xf32, #tpu.memory_space<vmem>>, vector<16xf32>,
      %parallel_loop3A_459 = arith.mulf %parallel_loop3A_458, %get3A_53 : vector<16xf32>
      %parallel_loop3A_460 = arith.index_cast %parallel_loop3A_355 : i32 to index
      %parallel_loop3A_461 = arith.constant 416 : index
      %parallel_loop3A_462 = tpu.vector_load %arg6[%parallel_loop3A_460, %parallel_loop3A_461] {strides = array<i32>} : memref<80x512xf32, #tpu.memory_space<vmem>>, vector<16xf32>,
      %parallel_loop3A_463 = arith.mulf %parallel_loop3A_462, %get3A_55 : vector<16xf32>
      %parallel_loop3A_464 = arith.index_cast %parallel_loop3A_355 : i32 to index
      %parallel_loop3A_465 = arith.constant 432 : index
      %parallel_loop3A_466 = tpu.vector_load %arg6[%parallel_loop3A_464, %parallel_loop3A_465] {strides = array<i32>} : memref<80x512xf32, #tpu.memory_space<vmem>>, vector<16xf32>,
      %parallel_loop3A_467 = arith.mulf %parallel_loop3A_466, %get3A_57 : vector<16xf32>
      %parallel_loop3A_468 = arith.index_cast %parallel_loop3A_355 : i32 to index
      %parallel_loop3A_469 = arith.constant 448 : index
      %parallel_loop3A_470 = tpu.vector_load %arg6[%parallel_loop3A_468, %parallel_loop3A_469] {strides = array<i32>} : memref<80x512xf32, #tpu.memory_space<vmem>>, vector<16xf32>,
      %parallel_loop3A_471 = arith.mulf %parallel_loop3A_470, %get3A_59 : vector<16xf32>
      %parallel_loop3A_472 = arith.index_cast %parallel_loop3A_355 : i32 to index
      %parallel_loop3A_473 = arith.constant 464 : index
      %parallel_loop3A_474 = tpu.vector_load %arg6[%parallel_loop3A_472, %parallel_loop3A_473] {strides = array<i32>} : memref<80x512xf32, #tpu.memory_space<vmem>>, vector<16xf32>,
      %parallel_loop3A_475 = arith.mulf %parallel_loop3A_474, %get3A_61 : vector<16xf32>
      %parallel_loop3A_476 = arith.index_cast %parallel_loop3A_355 : i32 to index
      %parallel_loop3A_477 = arith.constant 480 : index
      %parallel_loop3A_478 = tpu.vector_load %arg6[%parallel_loop3A_476, %parallel_loop3A_477] {strides = array<i32>} : memref<80x512xf32, #tpu.memory_space<vmem>>, vector<16xf32>,
      %parallel_loop3A_479 = arith.mulf %parallel_loop3A_478, %get3A_63 : vector<16xf32>
      %parallel_loop3A_480 = arith.index_cast %parallel_loop3A_355 : i32 to index
      %parallel_loop3A_481 = arith.constant 496 : index
      %parallel_loop3A_482 = tpu.vector_load %arg6[%parallel_loop3A_480, %parallel_loop3A_481] {strides = array<i32>} : memref<80x512xf32, #tpu.memory_space<vmem>>, vector<16xf32>,
      %parallel_loop3A_483 = arith.mulf %parallel_loop3A_482, %get3A_65 : vector<16xf32>
      %parallel_loop3A_484 = arith.addf %parallel_loop3A_359, %parallel_loop3A_363 : vector<16xf32>
      %parallel_loop3A_485 = arith.addf %parallel_loop3A_367, %parallel_loop3A_371 : vector<16xf32>
      %parallel_loop3A_486 = arith.addf %parallel_loop3A_375, %parallel_loop3A_379 : vector<16xf32>
      %parallel_loop3A_487 = arith.addf %parallel_loop3A_383, %parallel_loop3A_387 : vector<16xf32>
      %parallel_loop3A_488 = arith.addf %parallel_loop3A_391, %parallel_loop3A_395 : vector<16xf32>
      %parallel_loop3A_489 = arith.addf %parallel_loop3A_399, %parallel_loop3A_403 : vector<16xf32>
      %parallel_loop3A_490 = arith.addf %parallel_loop3A_407, %parallel_loop3A_411 : vector<16xf32>
      %parallel_loop3A_491 = arith.addf %parallel_loop3A_415, %parallel_loop3A_419 : vector<16xf32>
      %parallel_loop3A_492 = arith.addf %parallel_loop3A_423, %parallel_loop3A_427 : vector<16xf32>
      %parallel_loop3A_493 = arith.addf %parallel_loop3A_431, %parallel_loop3A_435 : vector<16xf32>
      %parallel_loop3A_494 = arith.addf %parallel_loop3A_439, %parallel_loop3A_443 : vector<16xf32>
      %parallel_loop3A_495 = arith.addf %parallel_loop3A_447, %parallel_loop3A_451 : vector<16xf32>
      %parallel_loop3A_496 = arith.addf %parallel_loop3A_455, %parallel_loop3A_459 : vector<16xf32>
      %parallel_loop3A_497 = arith.addf %parallel_loop3A_463, %parallel_loop3A_467 : vector<16xf32>
      %parallel_loop3A_498 = arith.addf %parallel_loop3A_471, %parallel_loop3A_475 : vector<16xf32>
      %parallel_loop3A_499 = arith.addf %parallel_loop3A_479, %parallel_loop3A_483 : vector<16xf32>
      %parallel_loop3A_500 = arith.addf %parallel_loop3A_484, %parallel_loop3A_485 : vector<16xf32>
      %parallel_loop3A_501 = arith.addf %parallel_loop3A_486, %parallel_loop3A_487 : vector<16xf32>
      %parallel_loop3A_502 = arith.addf %parallel_loop3A_488, %parallel_loop3A_489 : vector<16xf32>
      %parallel_loop3A_503 = arith.addf %parallel_loop3A_490, %parallel_loop3A_491 : vector<16xf32>
      %parallel_loop3A_504 = arith.addf %parallel_loop3A_492, %parallel_loop3A_493 : vector<16xf32>
      %parallel_loop3A_505 = arith.addf %parallel_loop3A_494, %parallel_loop3A_495 : vector<16xf32>
      %parallel_loop3A_506 = arith.addf %parallel_loop3A_496, %parallel_loop3A_497 : vector<16xf32>
      %parallel_loop3A_507 = arith.addf %parallel_loop3A_498, %parallel_loop3A_499 : vector<16xf32>
      %parallel_loop3A_508 = arith.addf %parallel_loop3A_500, %parallel_loop3A_501 : vector<16xf32>
      %parallel_loop3A_509 = arith.addf %parallel_loop3A_502, %parallel_loop3A_503 : vector<16xf32>
      %parallel_loop3A_510 = arith.addf %parallel_loop3A_504, %parallel_loop3A_505 : vector<16xf32>
      %parallel_loop3A_511 = arith.addf %parallel_loop3A_506, %parallel_loop3A_507 : vector<16xf32>
      %parallel_loop3A_512 = arith.addf %parallel_loop3A_508, %parallel_loop3A_509 : vector<16xf32>
      %parallel_loop3A_513 = arith.addf %parallel_loop3A_510, %parallel_loop3A_511 : vector<16xf32>
      %parallel_loop3A_514 = arith.addf %parallel_loop3A_512, %parallel_loop3A_513 : vector<16xf32>
      %parallel_loop3A_515 = arith.constant 160 : i32
      %parallel_loop3A_516 = arith.addi %parallel_loop3A_515, %parallel_loop3A_355 : i32
      %parallel_loop3A_517 = vector.broadcast %parallel_loop3A_516 : i32 to vector<16xi32>
      %parallel_loop3A_518 = arith.constant true
      %parallel_loop3A_519 = vector.broadcast %parallel_loop3A_518 : i1 to vector<16xi1>
      %parallel_loop3A_520 = tpu.scan <sum>, %parallel_loop3A_514 masked %parallel_loop3A_519 : vector<16xf32>, vector<16xi1> -> vector<16xf32>
      %parallel_loop3A_521 = vector.extract %parallel_loop3A_520[15] : f32 from vector<16xf32>
      %parallel_loop3A_522 = vector.broadcast %parallel_loop3A_521 : f32 to vector<16xf32>
      tpu.vector_store_idx %arg8[%parallel_loop3A_517], %parallel_loop3A_522 masked %eq3A_2 : memref<400xf32, #tpu.memory_space<vmem>>[vector<16xi32>], vector<16xf32>, vector<16xi1>
    } {sc.loop_unroll_factor = 4 : i64, sc.parallel_access}
    %add3A_195 = arith.constant 64 : i32
    %add3A_196 = arith.addi %add3A, %add3A_195 : i32
    %lt3A_197 = arith.constant 145 : i32
    %lt3A_198 = arith.cmpi slt, %add3A_196, %lt3A_197 : i32
    %jit3A_199 = arith.constant 0 : i32
    %select_n3A_200 = arith.select %lt3A_198, %add3A_196, %jit3A_199 : i32
    %mul3A_201 = arith.constant 80 : i32
    %mul3A_202 = arith.muli %select_n3A_200, %mul3A_201 : i32
    %dma_start3A_203 = arith.constant 160 : i32
    %dma_start3A_204 = tpu.memref_slice %arg8[%dma_start3A_203] : memref<400xf32, #tpu.memory_space<vmem>> -> memref<80xf32, #tpu.memory_space<vmem>>
    %dma_start3A_205 = tpu.memref_slice %arg4[%mul3A_202] : memref<11616xf32, #tpu.memory_space<hbm>> -> memref<80xf32, #tpu.memory_space<hbm>>
    %dma_start3A_206 = tpu.memref_slice %arg4[%mul3A_202] : memref<11616xf32, #tpu.memory_space<hbm>> -> memref<80xf32, #tpu.memory_space<hbm>>
    %dma_start3A_207 = arith.constant 160 : i32
    %dma_start3A_208 = tpu.memref_slice %arg8[%dma_start3A_207] : memref<400xf32, #tpu.memory_space<vmem>> -> memref<80xf32, #tpu.memory_space<vmem>>
    tpu.enqueue_dma source(%dma_start3A_208 : memref<80xf32, #tpu.memory_space<vmem>>) target(%dma_start3A_206 : memref<80xf32, #tpu.memory_space<hbm>>) target_semaphore(%arg11 : memref<!tpu.dma_semaphore, #tpu.memory_space<semaphore_mem>>)
    %add3A_209 = arith.constant 128 : i32
    %add3A_210 = arith.addi %add3A, %add3A_209 : i32
    %lt3A_211 = arith.constant 145 : i32
    %lt3A_212 = arith.cmpi slt, %add3A_210, %lt3A_211 : i32
    %jit3A_213 = arith.constant 0 : i32
    %select_n3A_214 = arith.select %lt3A_212, %add3A_210, %jit3A_213 : i32
    %mul3A_215 = arith.constant 80 : i32
    %mul3A_216 = arith.muli %select_n3A_214, %mul3A_215 : i32
    %add3A_217 = arith.constant 38400 : i32
    %add3A_218 = arith.addi %add3A_217, %mul3A_216 : i32
    %dma_start3A_219 = arith.constant 0 : i32
    %dma_start3A_220 = tpu.memref_slice %arg2[%add3A_218, %dma_start3A_219] : memref<50000x512xf32, #tpu.memory_space<hbm>> -> memref<80x512xf32, #tpu.memory_space<hbm>>
    %dma_start3A_221 = arith.constant 0 : i32
    %dma_start3A_222 = tpu.memref_slice %arg2[%add3A_218, %dma_start3A_221] : memref<50000x512xf32, #tpu.memory_space<hbm>> -> memref<80x512xf32, #tpu.memory_space<hbm>>
    tpu.enqueue_dma source(%dma_start3A_222 : memref<80x512xf32, #tpu.memory_space<hbm>>) target(%arg6 : memref<80x512xf32, #tpu.memory_space<vmem>>) target_semaphore(%arg9 : memref<!tpu.dma_semaphore, #tpu.memory_space<semaphore_mem>>)
    %add3A_223 = arith.constant 96 : i32
    %add3A_224 = arith.addi %add3A, %add3A_223 : i32
    %lt3A_225 = arith.constant 145 : i32
    %lt3A_226 = arith.cmpi slt, %add3A_224, %lt3A_225 : i32
    %jit3A_227 = arith.constant 0 : i32
    %select_n3A_228 = arith.select %lt3A_226, %add3A_224, %jit3A_227 : i32
    %mul3A_229 = arith.constant 80 : i32
    %mul3A_230 = arith.muli %select_n3A_228, %mul3A_229 : i32
    %add3A_231 = arith.constant 38400 : i32
    %add3A_232 = arith.addi %add3A_231, %mul3A_230 : i32
    %dma_wait3A_233 = arith.constant 0 : i32
    %dma_wait3A_234 = tpu.memref_slice %arg2[%add3A_232, %dma_wait3A_233] : memref<50000x512xf32, #tpu.memory_space<hbm>> -> memref<80x512xf32, #tpu.memory_space<hbm>>
    %dma_wait3A_235 = arith.constant 0 : i32
    %dma_wait3A_236 = tpu.memref_slice %arg2[%add3A_232, %dma_wait3A_235] : memref<50000x512xf32, #tpu.memory_space<hbm>> -> memref<80x512xf32, #tpu.memory_space<hbm>>
    tpu.wait_dma2 semaphore(%arg10 : memref<!tpu.dma_semaphore, #tpu.memory_space<semaphore_mem>>) src(%dma_wait3A_236 : memref<80x512xf32, #tpu.memory_space<hbm>>) dst(%arg7 : memref<80x512xf32, #tpu.memory_space<vmem>>)
    %parallel_loop3A_237 = arith.constant 0 : i32
    %parallel_loop3A_238 = arith.constant 80 : i32
    %parallel_loop3A_239 = arith.constant 1 : i32
    scf.for %parallel_loop3A_355 = %parallel_loop3A_237 to %parallel_loop3A_238 step %parallel_loop3A_239  : i32 {
      %parallel_loop3A_356 = arith.index_cast %parallel_loop3A_355 : i32 to index
      %parallel_loop3A_357 = arith.constant 0 : index
      %parallel_loop3A_358 = tpu.vector_load %arg7[%parallel_loop3A_356, %parallel_loop3A_357] {strides = array<i32>} : memref<80x512xf32, #tpu.memory_space<vmem>>, vector<16xf32>,
      %parallel_loop3A_359 = arith.mulf %parallel_loop3A_358, %get3A_3 : vector<16xf32>
      %parallel_loop3A_360 = arith.index_cast %parallel_loop3A_355 : i32 to index
      %parallel_loop3A_361 = arith.constant 16 : index
      %parallel_loop3A_362 = tpu.vector_load %arg7[%parallel_loop3A_360, %parallel_loop3A_361] {strides = array<i32>} : memref<80x512xf32, #tpu.memory_space<vmem>>, vector<16xf32>,
      %parallel_loop3A_363 = arith.mulf %parallel_loop3A_362, %get3A_5 : vector<16xf32>
      %parallel_loop3A_364 = arith.index_cast %parallel_loop3A_355 : i32 to index
      %parallel_loop3A_365 = arith.constant 32 : index
      %parallel_loop3A_366 = tpu.vector_load %arg7[%parallel_loop3A_364, %parallel_loop3A_365] {strides = array<i32>} : memref<80x512xf32, #tpu.memory_space<vmem>>, vector<16xf32>,
      %parallel_loop3A_367 = arith.mulf %parallel_loop3A_366, %get3A_7 : vector<16xf32>
      %parallel_loop3A_368 = arith.index_cast %parallel_loop3A_355 : i32 to index
      %parallel_loop3A_369 = arith.constant 48 : index
      %parallel_loop3A_370 = tpu.vector_load %arg7[%parallel_loop3A_368, %parallel_loop3A_369] {strides = array<i32>} : memref<80x512xf32, #tpu.memory_space<vmem>>, vector<16xf32>,
      %parallel_loop3A_371 = arith.mulf %parallel_loop3A_370, %get3A_9 : vector<16xf32>
      %parallel_loop3A_372 = arith.index_cast %parallel_loop3A_355 : i32 to index
      %parallel_loop3A_373 = arith.constant 64 : index
      %parallel_loop3A_374 = tpu.vector_load %arg7[%parallel_loop3A_372, %parallel_loop3A_373] {strides = array<i32>} : memref<80x512xf32, #tpu.memory_space<vmem>>, vector<16xf32>,
      %parallel_loop3A_375 = arith.mulf %parallel_loop3A_374, %get3A_11 : vector<16xf32>
      %parallel_loop3A_376 = arith.index_cast %parallel_loop3A_355 : i32 to index
      %parallel_loop3A_377 = arith.constant 80 : index
      %parallel_loop3A_378 = tpu.vector_load %arg7[%parallel_loop3A_376, %parallel_loop3A_377] {strides = array<i32>} : memref<80x512xf32, #tpu.memory_space<vmem>>, vector<16xf32>,
      %parallel_loop3A_379 = arith.mulf %parallel_loop3A_378, %get3A_13 : vector<16xf32>
      %parallel_loop3A_380 = arith.index_cast %parallel_loop3A_355 : i32 to index
      %parallel_loop3A_381 = arith.constant 96 : index
      %parallel_loop3A_382 = tpu.vector_load %arg7[%parallel_loop3A_380, %parallel_loop3A_381] {strides = array<i32>} : memref<80x512xf32, #tpu.memory_space<vmem>>, vector<16xf32>,
      %parallel_loop3A_383 = arith.mulf %parallel_loop3A_382, %get3A_15 : vector<16xf32>
      %parallel_loop3A_384 = arith.index_cast %parallel_loop3A_355 : i32 to index
      %parallel_loop3A_385 = arith.constant 112 : index
      %parallel_loop3A_386 = tpu.vector_load %arg7[%parallel_loop3A_384, %parallel_loop3A_385] {strides = array<i32>} : memref<80x512xf32, #tpu.memory_space<vmem>>, vector<16xf32>,
      %parallel_loop3A_387 = arith.mulf %parallel_loop3A_386, %get3A_17 : vector<16xf32>
      %parallel_loop3A_388 = arith.index_cast %parallel_loop3A_355 : i32 to index
      %parallel_loop3A_389 = arith.constant 128 : index
      %parallel_loop3A_390 = tpu.vector_load %arg7[%parallel_loop3A_388, %parallel_loop3A_389] {strides = array<i32>} : memref<80x512xf32, #tpu.memory_space<vmem>>, vector<16xf32>,
      %parallel_loop3A_391 = arith.mulf %parallel_loop3A_390, %get3A_19 : vector<16xf32>
      %parallel_loop3A_392 = arith.index_cast %parallel_loop3A_355 : i32 to index
      %parallel_loop3A_393 = arith.constant 144 : index
      %parallel_loop3A_394 = tpu.vector_load %arg7[%parallel_loop3A_392, %parallel_loop3A_393] {strides = array<i32>} : memref<80x512xf32, #tpu.memory_space<vmem>>, vector<16xf32>,
      %parallel_loop3A_395 = arith.mulf %parallel_loop3A_394, %get3A_21 : vector<16xf32>
      %parallel_loop3A_396 = arith.index_cast %parallel_loop3A_355 : i32 to index
      %parallel_loop3A_397 = arith.constant 160 : index
      %parallel_loop3A_398 = tpu.vector_load %arg7[%parallel_loop3A_396, %parallel_loop3A_397] {strides = array<i32>} : memref<80x512xf32, #tpu.memory_space<vmem>>, vector<16xf32>,
      %parallel_loop3A_399 = arith.mulf %parallel_loop3A_398, %get3A_23 : vector<16xf32>
      %parallel_loop3A_400 = arith.index_cast %parallel_loop3A_355 : i32 to index
      %parallel_loop3A_401 = arith.constant 176 : index
      %parallel_loop3A_402 = tpu.vector_load %arg7[%parallel_loop3A_400, %parallel_loop3A_401] {strides = array<i32>} : memref<80x512xf32, #tpu.memory_space<vmem>>, vector<16xf32>,
      %parallel_loop3A_403 = arith.mulf %parallel_loop3A_402, %get3A_25 : vector<16xf32>
      %parallel_loop3A_404 = arith.index_cast %parallel_loop3A_355 : i32 to index
      %parallel_loop3A_405 = arith.constant 192 : index
      %parallel_loop3A_406 = tpu.vector_load %arg7[%parallel_loop3A_404, %parallel_loop3A_405] {strides = array<i32>} : memref<80x512xf32, #tpu.memory_space<vmem>>, vector<16xf32>,
      %parallel_loop3A_407 = arith.mulf %parallel_loop3A_406, %get3A_27 : vector<16xf32>
      %parallel_loop3A_408 = arith.index_cast %parallel_loop3A_355 : i32 to index
      %parallel_loop3A_409 = arith.constant 208 : index
      %parallel_loop3A_410 = tpu.vector_load %arg7[%parallel_loop3A_408, %parallel_loop3A_409] {strides = array<i32>} : memref<80x512xf32, #tpu.memory_space<vmem>>, vector<16xf32>,
      %parallel_loop3A_411 = arith.mulf %parallel_loop3A_410, %get3A_29 : vector<16xf32>
      %parallel_loop3A_412 = arith.index_cast %parallel_loop3A_355 : i32 to index
      %parallel_loop3A_413 = arith.constant 224 : index
      %parallel_loop3A_414 = tpu.vector_load %arg7[%parallel_loop3A_412, %parallel_loop3A_413] {strides = array<i32>} : memref<80x512xf32, #tpu.memory_space<vmem>>, vector<16xf32>,
      %parallel_loop3A_415 = arith.mulf %parallel_loop3A_414, %get3A_31 : vector<16xf32>
      %parallel_loop3A_416 = arith.index_cast %parallel_loop3A_355 : i32 to index
      %parallel_loop3A_417 = arith.constant 240 : index
      %parallel_loop3A_418 = tpu.vector_load %arg7[%parallel_loop3A_416, %parallel_loop3A_417] {strides = array<i32>} : memref<80x512xf32, #tpu.memory_space<vmem>>, vector<16xf32>,
      %parallel_loop3A_419 = arith.mulf %parallel_loop3A_418, %get3A_33 : vector<16xf32>
      %parallel_loop3A_420 = arith.index_cast %parallel_loop3A_355 : i32 to index
      %parallel_loop3A_421 = arith.constant 256 : index
      %parallel_loop3A_422 = tpu.vector_load %arg7[%parallel_loop3A_420, %parallel_loop3A_421] {strides = array<i32>} : memref<80x512xf32, #tpu.memory_space<vmem>>, vector<16xf32>,
      %parallel_loop3A_423 = arith.mulf %parallel_loop3A_422, %get3A_35 : vector<16xf32>
      %parallel_loop3A_424 = arith.index_cast %parallel_loop3A_355 : i32 to index
      %parallel_loop3A_425 = arith.constant 272 : index
      %parallel_loop3A_426 = tpu.vector_load %arg7[%parallel_loop3A_424, %parallel_loop3A_425] {strides = array<i32>} : memref<80x512xf32, #tpu.memory_space<vmem>>, vector<16xf32>,
      %parallel_loop3A_427 = arith.mulf %parallel_loop3A_426, %get3A_37 : vector<16xf32>
      %parallel_loop3A_428 = arith.index_cast %parallel_loop3A_355 : i32 to index
      %parallel_loop3A_429 = arith.constant 288 : index
      %parallel_loop3A_430 = tpu.vector_load %arg7[%parallel_loop3A_428, %parallel_loop3A_429] {strides = array<i32>} : memref<80x512xf32, #tpu.memory_space<vmem>>, vector<16xf32>,
      %parallel_loop3A_431 = arith.mulf %parallel_loop3A_430, %get3A_39 : vector<16xf32>
      %parallel_loop3A_432 = arith.index_cast %parallel_loop3A_355 : i32 to index
      %parallel_loop3A_433 = arith.constant 304 : index
      %parallel_loop3A_434 = tpu.vector_load %arg7[%parallel_loop3A_432, %parallel_loop3A_433] {strides = array<i32>} : memref<80x512xf32, #tpu.memory_space<vmem>>, vector<16xf32>,
      %parallel_loop3A_435 = arith.mulf %parallel_loop3A_434, %get3A_41 : vector<16xf32>
      %parallel_loop3A_436 = arith.index_cast %parallel_loop3A_355 : i32 to index
      %parallel_loop3A_437 = arith.constant 320 : index
      %parallel_loop3A_438 = tpu.vector_load %arg7[%parallel_loop3A_436, %parallel_loop3A_437] {strides = array<i32>} : memref<80x512xf32, #tpu.memory_space<vmem>>, vector<16xf32>,
      %parallel_loop3A_439 = arith.mulf %parallel_loop3A_438, %get3A_43 : vector<16xf32>
      %parallel_loop3A_440 = arith.index_cast %parallel_loop3A_355 : i32 to index
      %parallel_loop3A_441 = arith.constant 336 : index
      %parallel_loop3A_442 = tpu.vector_load %arg7[%parallel_loop3A_440, %parallel_loop3A_441] {strides = array<i32>} : memref<80x512xf32, #tpu.memory_space<vmem>>, vector<16xf32>,
      %parallel_loop3A_443 = arith.mulf %parallel_loop3A_442, %get3A_45 : vector<16xf32>
      %parallel_loop3A_444 = arith.index_cast %parallel_loop3A_355 : i32 to index
      %parallel_loop3A_445 = arith.constant 352 : index
      %parallel_loop3A_446 = tpu.vector_load %arg7[%parallel_loop3A_444, %parallel_loop3A_445] {strides = array<i32>} : memref<80x512xf32, #tpu.memory_space<vmem>>, vector<16xf32>,
      %parallel_loop3A_447 = arith.mulf %parallel_loop3A_446, %get3A_47 : vector<16xf32>
      %parallel_loop3A_448 = arith.index_cast %parallel_loop3A_355 : i32 to index
      %parallel_loop3A_449 = arith.constant 368 : index
      %parallel_loop3A_450 = tpu.vector_load %arg7[%parallel_loop3A_448, %parallel_loop3A_449] {strides = array<i32>} : memref<80x512xf32, #tpu.memory_space<vmem>>, vector<16xf32>,
      %parallel_loop3A_451 = arith.mulf %parallel_loop3A_450, %get3A_49 : vector<16xf32>
      %parallel_loop3A_452 = arith.index_cast %parallel_loop3A_355 : i32 to index
      %parallel_loop3A_453 = arith.constant 384 : index
      %parallel_loop3A_454 = tpu.vector_load %arg7[%parallel_loop3A_452, %parallel_loop3A_453] {strides = array<i32>} : memref<80x512xf32, #tpu.memory_space<vmem>>, vector<16xf32>,
      %parallel_loop3A_455 = arith.mulf %parallel_loop3A_454, %get3A_51 : vector<16xf32>
      %parallel_loop3A_456 = arith.index_cast %parallel_loop3A_355 : i32 to index
      %parallel_loop3A_457 = arith.constant 400 : index
      %parallel_loop3A_458 = tpu.vector_load %arg7[%parallel_loop3A_456, %parallel_loop3A_457] {strides = array<i32>} : memref<80x512xf32, #tpu.memory_space<vmem>>, vector<16xf32>,
      %parallel_loop3A_459 = arith.mulf %parallel_loop3A_458, %get3A_53 : vector<16xf32>
      %parallel_loop3A_460 = arith.index_cast %parallel_loop3A_355 : i32 to index
      %parallel_loop3A_461 = arith.constant 416 : index
      %parallel_loop3A_462 = tpu.vector_load %arg7[%parallel_loop3A_460, %parallel_loop3A_461] {strides = array<i32>} : memref<80x512xf32, #tpu.memory_space<vmem>>, vector<16xf32>,
      %parallel_loop3A_463 = arith.mulf %parallel_loop3A_462, %get3A_55 : vector<16xf32>
      %parallel_loop3A_464 = arith.index_cast %parallel_loop3A_355 : i32 to index
      %parallel_loop3A_465 = arith.constant 432 : index
      %parallel_loop3A_466 = tpu.vector_load %arg7[%parallel_loop3A_464, %parallel_loop3A_465] {strides = array<i32>} : memref<80x512xf32, #tpu.memory_space<vmem>>, vector<16xf32>,
      %parallel_loop3A_467 = arith.mulf %parallel_loop3A_466, %get3A_57 : vector<16xf32>
      %parallel_loop3A_468 = arith.index_cast %parallel_loop3A_355 : i32 to index
      %parallel_loop3A_469 = arith.constant 448 : index
      %parallel_loop3A_470 = tpu.vector_load %arg7[%parallel_loop3A_468, %parallel_loop3A_469] {strides = array<i32>} : memref<80x512xf32, #tpu.memory_space<vmem>>, vector<16xf32>,
      %parallel_loop3A_471 = arith.mulf %parallel_loop3A_470, %get3A_59 : vector<16xf32>
      %parallel_loop3A_472 = arith.index_cast %parallel_loop3A_355 : i32 to index
      %parallel_loop3A_473 = arith.constant 464 : index
      %parallel_loop3A_474 = tpu.vector_load %arg7[%parallel_loop3A_472, %parallel_loop3A_473] {strides = array<i32>} : memref<80x512xf32, #tpu.memory_space<vmem>>, vector<16xf32>,
      %parallel_loop3A_475 = arith.mulf %parallel_loop3A_474, %get3A_61 : vector<16xf32>
      %parallel_loop3A_476 = arith.index_cast %parallel_loop3A_355 : i32 to index
      %parallel_loop3A_477 = arith.constant 480 : index
      %parallel_loop3A_478 = tpu.vector_load %arg7[%parallel_loop3A_476, %parallel_loop3A_477] {strides = array<i32>} : memref<80x512xf32, #tpu.memory_space<vmem>>, vector<16xf32>,
      %parallel_loop3A_479 = arith.mulf %parallel_loop3A_478, %get3A_63 : vector<16xf32>
      %parallel_loop3A_480 = arith.index_cast %parallel_loop3A_355 : i32 to index
      %parallel_loop3A_481 = arith.constant 496 : index
      %parallel_loop3A_482 = tpu.vector_load %arg7[%parallel_loop3A_480, %parallel_loop3A_481] {strides = array<i32>} : memref<80x512xf32, #tpu.memory_space<vmem>>, vector<16xf32>,
      %parallel_loop3A_483 = arith.mulf %parallel_loop3A_482, %get3A_65 : vector<16xf32>
      %parallel_loop3A_484 = arith.addf %parallel_loop3A_359, %parallel_loop3A_363 : vector<16xf32>
      %parallel_loop3A_485 = arith.addf %parallel_loop3A_367, %parallel_loop3A_371 : vector<16xf32>
      %parallel_loop3A_486 = arith.addf %parallel_loop3A_375, %parallel_loop3A_379 : vector<16xf32>
      %parallel_loop3A_487 = arith.addf %parallel_loop3A_383, %parallel_loop3A_387 : vector<16xf32>
      %parallel_loop3A_488 = arith.addf %parallel_loop3A_391, %parallel_loop3A_395 : vector<16xf32>
      %parallel_loop3A_489 = arith.addf %parallel_loop3A_399, %parallel_loop3A_403 : vector<16xf32>
      %parallel_loop3A_490 = arith.addf %parallel_loop3A_407, %parallel_loop3A_411 : vector<16xf32>
      %parallel_loop3A_491 = arith.addf %parallel_loop3A_415, %parallel_loop3A_419 : vector<16xf32>
      %parallel_loop3A_492 = arith.addf %parallel_loop3A_423, %parallel_loop3A_427 : vector<16xf32>
      %parallel_loop3A_493 = arith.addf %parallel_loop3A_431, %parallel_loop3A_435 : vector<16xf32>
      %parallel_loop3A_494 = arith.addf %parallel_loop3A_439, %parallel_loop3A_443 : vector<16xf32>
      %parallel_loop3A_495 = arith.addf %parallel_loop3A_447, %parallel_loop3A_451 : vector<16xf32>
      %parallel_loop3A_496 = arith.addf %parallel_loop3A_455, %parallel_loop3A_459 : vector<16xf32>
      %parallel_loop3A_497 = arith.addf %parallel_loop3A_463, %parallel_loop3A_467 : vector<16xf32>
      %parallel_loop3A_498 = arith.addf %parallel_loop3A_471, %parallel_loop3A_475 : vector<16xf32>
      %parallel_loop3A_499 = arith.addf %parallel_loop3A_479, %parallel_loop3A_483 : vector<16xf32>
      %parallel_loop3A_500 = arith.addf %parallel_loop3A_484, %parallel_loop3A_485 : vector<16xf32>
      %parallel_loop3A_501 = arith.addf %parallel_loop3A_486, %parallel_loop3A_487 : vector<16xf32>
      %parallel_loop3A_502 = arith.addf %parallel_loop3A_488, %parallel_loop3A_489 : vector<16xf32>
      %parallel_loop3A_503 = arith.addf %parallel_loop3A_490, %parallel_loop3A_491 : vector<16xf32>
      %parallel_loop3A_504 = arith.addf %parallel_loop3A_492, %parallel_loop3A_493 : vector<16xf32>
      %parallel_loop3A_505 = arith.addf %parallel_loop3A_494, %parallel_loop3A_495 : vector<16xf32>
      %parallel_loop3A_506 = arith.addf %parallel_loop3A_496, %parallel_loop3A_497 : vector<16xf32>
      %parallel_loop3A_507 = arith.addf %parallel_loop3A_498, %parallel_loop3A_499 : vector<16xf32>
      %parallel_loop3A_508 = arith.addf %parallel_loop3A_500, %parallel_loop3A_501 : vector<16xf32>
      %parallel_loop3A_509 = arith.addf %parallel_loop3A_502, %parallel_loop3A_503 : vector<16xf32>
      %parallel_loop3A_510 = arith.addf %parallel_loop3A_504, %parallel_loop3A_505 : vector<16xf32>
      %parallel_loop3A_511 = arith.addf %parallel_loop3A_506, %parallel_loop3A_507 : vector<16xf32>
      %parallel_loop3A_512 = arith.addf %parallel_loop3A_508, %parallel_loop3A_509 : vector<16xf32>
      %parallel_loop3A_513 = arith.addf %parallel_loop3A_510, %parallel_loop3A_511 : vector<16xf32>
      %parallel_loop3A_514 = arith.addf %parallel_loop3A_512, %parallel_loop3A_513 : vector<16xf32>
      %parallel_loop3A_515 = arith.constant 240 : i32
      %parallel_loop3A_516 = arith.addi %parallel_loop3A_515, %parallel_loop3A_355 : i32
      %parallel_loop3A_517 = vector.broadcast %parallel_loop3A_516 : i32 to vector<16xi32>
      %parallel_loop3A_518 = arith.constant true
      %parallel_loop3A_519 = vector.broadcast %parallel_loop3A_518 : i1 to vector<16xi1>
      %parallel_loop3A_520 = tpu.scan <sum>, %parallel_loop3A_514 masked %parallel_loop3A_519 : vector<16xf32>, vector<16xi1> -> vector<16xf32>
      %parallel_loop3A_521 = vector.extract %parallel_loop3A_520[15] : f32 from vector<16xf32>
      %parallel_loop3A_522 = vector.broadcast %parallel_loop3A_521 : f32 to vector<16xf32>
      tpu.vector_store_idx %arg8[%parallel_loop3A_517], %parallel_loop3A_522 masked %eq3A_2 : memref<400xf32, #tpu.memory_space<vmem>>[vector<16xi32>], vector<16xf32>, vector<16xi1>
    } {sc.loop_unroll_factor = 4 : i64, sc.parallel_access}
    %add3A_240 = arith.constant 96 : i32
    %add3A_241 = arith.addi %add3A, %add3A_240 : i32
    %lt3A_242 = arith.constant 145 : i32
    %lt3A_243 = arith.cmpi slt, %add3A_241, %lt3A_242 : i32
    %jit3A_244 = arith.constant 0 : i32
    %select_n3A_245 = arith.select %lt3A_243, %add3A_241, %jit3A_244 : i32
    %mul3A_246 = arith.constant 80 : i32
    %mul3A_247 = arith.muli %select_n3A_245, %mul3A_246 : i32
    %dma_start3A_248 = arith.constant 240 : i32
    %dma_start3A_249 = tpu.memref_slice %arg8[%dma_start3A_248] : memref<400xf32, #tpu.memory_space<vmem>> -> memref<80xf32, #tpu.memory_space<vmem>>
    %dma_start3A_250 = tpu.memref_slice %arg4[%mul3A_247] : memref<11616xf32, #tpu.memory_space<hbm>> -> memref<80xf32, #tpu.memory_space<hbm>>
    %dma_start3A_251 = tpu.memref_slice %arg4[%mul3A_247] : memref<11616xf32, #tpu.memory_space<hbm>> -> memref<80xf32, #tpu.memory_space<hbm>>
    %dma_start3A_252 = arith.constant 240 : i32
    %dma_start3A_253 = tpu.memref_slice %arg8[%dma_start3A_252] : memref<400xf32, #tpu.memory_space<vmem>> -> memref<80xf32, #tpu.memory_space<vmem>>
    tpu.enqueue_dma source(%dma_start3A_253 : memref<80xf32, #tpu.memory_space<vmem>>) target(%dma_start3A_251 : memref<80xf32, #tpu.memory_space<hbm>>) target_semaphore(%arg11 : memref<!tpu.dma_semaphore, #tpu.memory_space<semaphore_mem>>)
    %add3A_254 = arith.constant 128 : i32
    %add3A_255 = arith.addi %add3A, %add3A_254 : i32
    %lt3A_256 = arith.constant 145 : i32
    %lt3A_257 = arith.cmpi slt, %add3A_255, %lt3A_256 : i32
    %jit3A_258 = arith.constant 0 : i32
    %select_n3A_259 = arith.select %lt3A_257, %add3A_255, %jit3A_258 : i32
    %mul3A_260 = arith.constant 80 : i32
    %mul3A_261 = arith.muli %select_n3A_259, %mul3A_260 : i32
    %add3A_262 = arith.constant 38400 : i32
    %add3A_263 = arith.addi %add3A_262, %mul3A_261 : i32
    %dma_wait3A_264 = arith.constant 0 : i32
    %dma_wait3A_265 = tpu.memref_slice %arg2[%add3A_263, %dma_wait3A_264] : memref<50000x512xf32, #tpu.memory_space<hbm>> -> memref<80x512xf32, #tpu.memory_space<hbm>>
    %dma_wait3A_266 = arith.constant 0 : i32
    %dma_wait3A_267 = tpu.memref_slice %arg2[%add3A_263, %dma_wait3A_266] : memref<50000x512xf32, #tpu.memory_space<hbm>> -> memref<80x512xf32, #tpu.memory_space<hbm>>
    tpu.wait_dma2 semaphore(%arg9 : memref<!tpu.dma_semaphore, #tpu.memory_space<semaphore_mem>>) src(%dma_wait3A_267 : memref<80x512xf32, #tpu.memory_space<hbm>>) dst(%arg6 : memref<80x512xf32, #tpu.memory_space<vmem>>)
    %parallel_loop3A_268 = arith.constant 0 : i32
    %parallel_loop3A_269 = arith.constant 80 : i32
    %parallel_loop3A_270 = arith.constant 1 : i32
    scf.for %parallel_loop3A_355 = %parallel_loop3A_268 to %parallel_loop3A_269 step %parallel_loop3A_270  : i32 {
      %parallel_loop3A_356 = arith.index_cast %parallel_loop3A_355 : i32 to index
      %parallel_loop3A_357 = arith.constant 0 : index
      %parallel_loop3A_358 = tpu.vector_load %arg6[%parallel_loop3A_356, %parallel_loop3A_357] {strides = array<i32>} : memref<80x512xf32, #tpu.memory_space<vmem>>, vector<16xf32>,
      %parallel_loop3A_359 = arith.mulf %parallel_loop3A_358, %get3A_3 : vector<16xf32>
      %parallel_loop3A_360 = arith.index_cast %parallel_loop3A_355 : i32 to index
      %parallel_loop3A_361 = arith.constant 16 : index
      %parallel_loop3A_362 = tpu.vector_load %arg6[%parallel_loop3A_360, %parallel_loop3A_361] {strides = array<i32>} : memref<80x512xf32, #tpu.memory_space<vmem>>, vector<16xf32>,
      %parallel_loop3A_363 = arith.mulf %parallel_loop3A_362, %get3A_5 : vector<16xf32>
      %parallel_loop3A_364 = arith.index_cast %parallel_loop3A_355 : i32 to index
      %parallel_loop3A_365 = arith.constant 32 : index
      %parallel_loop3A_366 = tpu.vector_load %arg6[%parallel_loop3A_364, %parallel_loop3A_365] {strides = array<i32>} : memref<80x512xf32, #tpu.memory_space<vmem>>, vector<16xf32>,
      %parallel_loop3A_367 = arith.mulf %parallel_loop3A_366, %get3A_7 : vector<16xf32>
      %parallel_loop3A_368 = arith.index_cast %parallel_loop3A_355 : i32 to index
      %parallel_loop3A_369 = arith.constant 48 : index
      %parallel_loop3A_370 = tpu.vector_load %arg6[%parallel_loop3A_368, %parallel_loop3A_369] {strides = array<i32>} : memref<80x512xf32, #tpu.memory_space<vmem>>, vector<16xf32>,
      %parallel_loop3A_371 = arith.mulf %parallel_loop3A_370, %get3A_9 : vector<16xf32>
      %parallel_loop3A_372 = arith.index_cast %parallel_loop3A_355 : i32 to index
      %parallel_loop3A_373 = arith.constant 64 : index
      %parallel_loop3A_374 = tpu.vector_load %arg6[%parallel_loop3A_372, %parallel_loop3A_373] {strides = array<i32>} : memref<80x512xf32, #tpu.memory_space<vmem>>, vector<16xf32>,
      %parallel_loop3A_375 = arith.mulf %parallel_loop3A_374, %get3A_11 : vector<16xf32>
      %parallel_loop3A_376 = arith.index_cast %parallel_loop3A_355 : i32 to index
      %parallel_loop3A_377 = arith.constant 80 : index
      %parallel_loop3A_378 = tpu.vector_load %arg6[%parallel_loop3A_376, %parallel_loop3A_377] {strides = array<i32>} : memref<80x512xf32, #tpu.memory_space<vmem>>, vector<16xf32>,
      %parallel_loop3A_379 = arith.mulf %parallel_loop3A_378, %get3A_13 : vector<16xf32>
      %parallel_loop3A_380 = arith.index_cast %parallel_loop3A_355 : i32 to index
      %parallel_loop3A_381 = arith.constant 96 : index
      %parallel_loop3A_382 = tpu.vector_load %arg6[%parallel_loop3A_380, %parallel_loop3A_381] {strides = array<i32>} : memref<80x512xf32, #tpu.memory_space<vmem>>, vector<16xf32>,
      %parallel_loop3A_383 = arith.mulf %parallel_loop3A_382, %get3A_15 : vector<16xf32>
      %parallel_loop3A_384 = arith.index_cast %parallel_loop3A_355 : i32 to index
      %parallel_loop3A_385 = arith.constant 112 : index
      %parallel_loop3A_386 = tpu.vector_load %arg6[%parallel_loop3A_384, %parallel_loop3A_385] {strides = array<i32>} : memref<80x512xf32, #tpu.memory_space<vmem>>, vector<16xf32>,
      %parallel_loop3A_387 = arith.mulf %parallel_loop3A_386, %get3A_17 : vector<16xf32>
      %parallel_loop3A_388 = arith.index_cast %parallel_loop3A_355 : i32 to index
      %parallel_loop3A_389 = arith.constant 128 : index
      %parallel_loop3A_390 = tpu.vector_load %arg6[%parallel_loop3A_388, %parallel_loop3A_389] {strides = array<i32>} : memref<80x512xf32, #tpu.memory_space<vmem>>, vector<16xf32>,
      %parallel_loop3A_391 = arith.mulf %parallel_loop3A_390, %get3A_19 : vector<16xf32>
      %parallel_loop3A_392 = arith.index_cast %parallel_loop3A_355 : i32 to index
      %parallel_loop3A_393 = arith.constant 144 : index
      %parallel_loop3A_394 = tpu.vector_load %arg6[%parallel_loop3A_392, %parallel_loop3A_393] {strides = array<i32>} : memref<80x512xf32, #tpu.memory_space<vmem>>, vector<16xf32>,
      %parallel_loop3A_395 = arith.mulf %parallel_loop3A_394, %get3A_21 : vector<16xf32>
      %parallel_loop3A_396 = arith.index_cast %parallel_loop3A_355 : i32 to index
      %parallel_loop3A_397 = arith.constant 160 : index
      %parallel_loop3A_398 = tpu.vector_load %arg6[%parallel_loop3A_396, %parallel_loop3A_397] {strides = array<i32>} : memref<80x512xf32, #tpu.memory_space<vmem>>, vector<16xf32>,
      %parallel_loop3A_399 = arith.mulf %parallel_loop3A_398, %get3A_23 : vector<16xf32>
      %parallel_loop3A_400 = arith.index_cast %parallel_loop3A_355 : i32 to index
      %parallel_loop3A_401 = arith.constant 176 : index
      %parallel_loop3A_402 = tpu.vector_load %arg6[%parallel_loop3A_400, %parallel_loop3A_401] {strides = array<i32>} : memref<80x512xf32, #tpu.memory_space<vmem>>, vector<16xf32>,
      %parallel_loop3A_403 = arith.mulf %parallel_loop3A_402, %get3A_25 : vector<16xf32>
      %parallel_loop3A_404 = arith.index_cast %parallel_loop3A_355 : i32 to index
      %parallel_loop3A_405 = arith.constant 192 : index
      %parallel_loop3A_406 = tpu.vector_load %arg6[%parallel_loop3A_404, %parallel_loop3A_405] {strides = array<i32>} : memref<80x512xf32, #tpu.memory_space<vmem>>, vector<16xf32>,
      %parallel_loop3A_407 = arith.mulf %parallel_loop3A_406, %get3A_27 : vector<16xf32>
      %parallel_loop3A_408 = arith.index_cast %parallel_loop3A_355 : i32 to index
      %parallel_loop3A_409 = arith.constant 208 : index
      %parallel_loop3A_410 = tpu.vector_load %arg6[%parallel_loop3A_408, %parallel_loop3A_409] {strides = array<i32>} : memref<80x512xf32, #tpu.memory_space<vmem>>, vector<16xf32>,
      %parallel_loop3A_411 = arith.mulf %parallel_loop3A_410, %get3A_29 : vector<16xf32>
      %parallel_loop3A_412 = arith.index_cast %parallel_loop3A_355 : i32 to index
      %parallel_loop3A_413 = arith.constant 224 : index
      %parallel_loop3A_414 = tpu.vector_load %arg6[%parallel_loop3A_412, %parallel_loop3A_413] {strides = array<i32>} : memref<80x512xf32, #tpu.memory_space<vmem>>, vector<16xf32>,
      %parallel_loop3A_415 = arith.mulf %parallel_loop3A_414, %get3A_31 : vector<16xf32>
      %parallel_loop3A_416 = arith.index_cast %parallel_loop3A_355 : i32 to index
      %parallel_loop3A_417 = arith.constant 240 : index
      %parallel_loop3A_418 = tpu.vector_load %arg6[%parallel_loop3A_416, %parallel_loop3A_417] {strides = array<i32>} : memref<80x512xf32, #tpu.memory_space<vmem>>, vector<16xf32>,
      %parallel_loop3A_419 = arith.mulf %parallel_loop3A_418, %get3A_33 : vector<16xf32>
      %parallel_loop3A_420 = arith.index_cast %parallel_loop3A_355 : i32 to index
      %parallel_loop3A_421 = arith.constant 256 : index
      %parallel_loop3A_422 = tpu.vector_load %arg6[%parallel_loop3A_420, %parallel_loop3A_421] {strides = array<i32>} : memref<80x512xf32, #tpu.memory_space<vmem>>, vector<16xf32>,
      %parallel_loop3A_423 = arith.mulf %parallel_loop3A_422, %get3A_35 : vector<16xf32>
      %parallel_loop3A_424 = arith.index_cast %parallel_loop3A_355 : i32 to index
      %parallel_loop3A_425 = arith.constant 272 : index
      %parallel_loop3A_426 = tpu.vector_load %arg6[%parallel_loop3A_424, %parallel_loop3A_425] {strides = array<i32>} : memref<80x512xf32, #tpu.memory_space<vmem>>, vector<16xf32>,
      %parallel_loop3A_427 = arith.mulf %parallel_loop3A_426, %get3A_37 : vector<16xf32>
      %parallel_loop3A_428 = arith.index_cast %parallel_loop3A_355 : i32 to index
      %parallel_loop3A_429 = arith.constant 288 : index
      %parallel_loop3A_430 = tpu.vector_load %arg6[%parallel_loop3A_428, %parallel_loop3A_429] {strides = array<i32>} : memref<80x512xf32, #tpu.memory_space<vmem>>, vector<16xf32>,
      %parallel_loop3A_431 = arith.mulf %parallel_loop3A_430, %get3A_39 : vector<16xf32>
      %parallel_loop3A_432 = arith.index_cast %parallel_loop3A_355 : i32 to index
      %parallel_loop3A_433 = arith.constant 304 : index
      %parallel_loop3A_434 = tpu.vector_load %arg6[%parallel_loop3A_432, %parallel_loop3A_433] {strides = array<i32>} : memref<80x512xf32, #tpu.memory_space<vmem>>, vector<16xf32>,
      %parallel_loop3A_435 = arith.mulf %parallel_loop3A_434, %get3A_41 : vector<16xf32>
      %parallel_loop3A_436 = arith.index_cast %parallel_loop3A_355 : i32 to index
      %parallel_loop3A_437 = arith.constant 320 : index
      %parallel_loop3A_438 = tpu.vector_load %arg6[%parallel_loop3A_436, %parallel_loop3A_437] {strides = array<i32>} : memref<80x512xf32, #tpu.memory_space<vmem>>, vector<16xf32>,
      %parallel_loop3A_439 = arith.mulf %parallel_loop3A_438, %get3A_43 : vector<16xf32>
      %parallel_loop3A_440 = arith.index_cast %parallel_loop3A_355 : i32 to index
      %parallel_loop3A_441 = arith.constant 336 : index
      %parallel_loop3A_442 = tpu.vector_load %arg6[%parallel_loop3A_440, %parallel_loop3A_441] {strides = array<i32>} : memref<80x512xf32, #tpu.memory_space<vmem>>, vector<16xf32>,
      %parallel_loop3A_443 = arith.mulf %parallel_loop3A_442, %get3A_45 : vector<16xf32>
      %parallel_loop3A_444 = arith.index_cast %parallel_loop3A_355 : i32 to index
      %parallel_loop3A_445 = arith.constant 352 : index
      %parallel_loop3A_446 = tpu.vector_load %arg6[%parallel_loop3A_444, %parallel_loop3A_445] {strides = array<i32>} : memref<80x512xf32, #tpu.memory_space<vmem>>, vector<16xf32>,
      %parallel_loop3A_447 = arith.mulf %parallel_loop3A_446, %get3A_47 : vector<16xf32>
      %parallel_loop3A_448 = arith.index_cast %parallel_loop3A_355 : i32 to index
      %parallel_loop3A_449 = arith.constant 368 : index
      %parallel_loop3A_450 = tpu.vector_load %arg6[%parallel_loop3A_448, %parallel_loop3A_449] {strides = array<i32>} : memref<80x512xf32, #tpu.memory_space<vmem>>, vector<16xf32>,
      %parallel_loop3A_451 = arith.mulf %parallel_loop3A_450, %get3A_49 : vector<16xf32>
      %parallel_loop3A_452 = arith.index_cast %parallel_loop3A_355 : i32 to index
      %parallel_loop3A_453 = arith.constant 384 : index
      %parallel_loop3A_454 = tpu.vector_load %arg6[%parallel_loop3A_452, %parallel_loop3A_453] {strides = array<i32>} : memref<80x512xf32, #tpu.memory_space<vmem>>, vector<16xf32>,
      %parallel_loop3A_455 = arith.mulf %parallel_loop3A_454, %get3A_51 : vector<16xf32>
      %parallel_loop3A_456 = arith.index_cast %parallel_loop3A_355 : i32 to index
      %parallel_loop3A_457 = arith.constant 400 : index
      %parallel_loop3A_458 = tpu.vector_load %arg6[%parallel_loop3A_456, %parallel_loop3A_457] {strides = array<i32>} : memref<80x512xf32, #tpu.memory_space<vmem>>, vector<16xf32>,
      %parallel_loop3A_459 = arith.mulf %parallel_loop3A_458, %get3A_53 : vector<16xf32>
      %parallel_loop3A_460 = arith.index_cast %parallel_loop3A_355 : i32 to index
      %parallel_loop3A_461 = arith.constant 416 : index
      %parallel_loop3A_462 = tpu.vector_load %arg6[%parallel_loop3A_460, %parallel_loop3A_461] {strides = array<i32>} : memref<80x512xf32, #tpu.memory_space<vmem>>, vector<16xf32>,
      %parallel_loop3A_463 = arith.mulf %parallel_loop3A_462, %get3A_55 : vector<16xf32>
      %parallel_loop3A_464 = arith.index_cast %parallel_loop3A_355 : i32 to index
      %parallel_loop3A_465 = arith.constant 432 : index
      %parallel_loop3A_466 = tpu.vector_load %arg6[%parallel_loop3A_464, %parallel_loop3A_465] {strides = array<i32>} : memref<80x512xf32, #tpu.memory_space<vmem>>, vector<16xf32>,
      %parallel_loop3A_467 = arith.mulf %parallel_loop3A_466, %get3A_57 : vector<16xf32>
      %parallel_loop3A_468 = arith.index_cast %parallel_loop3A_355 : i32 to index
      %parallel_loop3A_469 = arith.constant 448 : index
      %parallel_loop3A_470 = tpu.vector_load %arg6[%parallel_loop3A_468, %parallel_loop3A_469] {strides = array<i32>} : memref<80x512xf32, #tpu.memory_space<vmem>>, vector<16xf32>,
      %parallel_loop3A_471 = arith.mulf %parallel_loop3A_470, %get3A_59 : vector<16xf32>
      %parallel_loop3A_472 = arith.index_cast %parallel_loop3A_355 : i32 to index
      %parallel_loop3A_473 = arith.constant 464 : index
      %parallel_loop3A_474 = tpu.vector_load %arg6[%parallel_loop3A_472, %parallel_loop3A_473] {strides = array<i32>} : memref<80x512xf32, #tpu.memory_space<vmem>>, vector<16xf32>,
      %parallel_loop3A_475 = arith.mulf %parallel_loop3A_474, %get3A_61 : vector<16xf32>
      %parallel_loop3A_476 = arith.index_cast %parallel_loop3A_355 : i32 to index
      %parallel_loop3A_477 = arith.constant 480 : index
      %parallel_loop3A_478 = tpu.vector_load %arg6[%parallel_loop3A_476, %parallel_loop3A_477] {strides = array<i32>} : memref<80x512xf32, #tpu.memory_space<vmem>>, vector<16xf32>,
      %parallel_loop3A_479 = arith.mulf %parallel_loop3A_478, %get3A_63 : vector<16xf32>
      %parallel_loop3A_480 = arith.index_cast %parallel_loop3A_355 : i32 to index
      %parallel_loop3A_481 = arith.constant 496 : index
      %parallel_loop3A_482 = tpu.vector_load %arg6[%parallel_loop3A_480, %parallel_loop3A_481] {strides = array<i32>} : memref<80x512xf32, #tpu.memory_space<vmem>>, vector<16xf32>,
      %parallel_loop3A_483 = arith.mulf %parallel_loop3A_482, %get3A_65 : vector<16xf32>
      %parallel_loop3A_484 = arith.addf %parallel_loop3A_359, %parallel_loop3A_363 : vector<16xf32>
      %parallel_loop3A_485 = arith.addf %parallel_loop3A_367, %parallel_loop3A_371 : vector<16xf32>
      %parallel_loop3A_486 = arith.addf %parallel_loop3A_375, %parallel_loop3A_379 : vector<16xf32>
      %parallel_loop3A_487 = arith.addf %parallel_loop3A_383, %parallel_loop3A_387 : vector<16xf32>
      %parallel_loop3A_488 = arith.addf %parallel_loop3A_391, %parallel_loop3A_395 : vector<16xf32>
      %parallel_loop3A_489 = arith.addf %parallel_loop3A_399, %parallel_loop3A_403 : vector<16xf32>
      %parallel_loop3A_490 = arith.addf %parallel_loop3A_407, %parallel_loop3A_411 : vector<16xf32>
      %parallel_loop3A_491 = arith.addf %parallel_loop3A_415, %parallel_loop3A_419 : vector<16xf32>
      %parallel_loop3A_492 = arith.addf %parallel_loop3A_423, %parallel_loop3A_427 : vector<16xf32>
      %parallel_loop3A_493 = arith.addf %parallel_loop3A_431, %parallel_loop3A_435 : vector<16xf32>
      %parallel_loop3A_494 = arith.addf %parallel_loop3A_439, %parallel_loop3A_443 : vector<16xf32>
      %parallel_loop3A_495 = arith.addf %parallel_loop3A_447, %parallel_loop3A_451 : vector<16xf32>
      %parallel_loop3A_496 = arith.addf %parallel_loop3A_455, %parallel_loop3A_459 : vector<16xf32>
      %parallel_loop3A_497 = arith.addf %parallel_loop3A_463, %parallel_loop3A_467 : vector<16xf32>
      %parallel_loop3A_498 = arith.addf %parallel_loop3A_471, %parallel_loop3A_475 : vector<16xf32>
      %parallel_loop3A_499 = arith.addf %parallel_loop3A_479, %parallel_loop3A_483 : vector<16xf32>
      %parallel_loop3A_500 = arith.addf %parallel_loop3A_484, %parallel_loop3A_485 : vector<16xf32>
      %parallel_loop3A_501 = arith.addf %parallel_loop3A_486, %parallel_loop3A_487 : vector<16xf32>
      %parallel_loop3A_502 = arith.addf %parallel_loop3A_488, %parallel_loop3A_489 : vector<16xf32>
      %parallel_loop3A_503 = arith.addf %parallel_loop3A_490, %parallel_loop3A_491 : vector<16xf32>
      %parallel_loop3A_504 = arith.addf %parallel_loop3A_492, %parallel_loop3A_493 : vector<16xf32>
      %parallel_loop3A_505 = arith.addf %parallel_loop3A_494, %parallel_loop3A_495 : vector<16xf32>
      %parallel_loop3A_506 = arith.addf %parallel_loop3A_496, %parallel_loop3A_497 : vector<16xf32>
      %parallel_loop3A_507 = arith.addf %parallel_loop3A_498, %parallel_loop3A_499 : vector<16xf32>
      %parallel_loop3A_508 = arith.addf %parallel_loop3A_500, %parallel_loop3A_501 : vector<16xf32>
      %parallel_loop3A_509 = arith.addf %parallel_loop3A_502, %parallel_loop3A_503 : vector<16xf32>
      %parallel_loop3A_510 = arith.addf %parallel_loop3A_504, %parallel_loop3A_505 : vector<16xf32>
      %parallel_loop3A_511 = arith.addf %parallel_loop3A_506, %parallel_loop3A_507 : vector<16xf32>
      %parallel_loop3A_512 = arith.addf %parallel_loop3A_508, %parallel_loop3A_509 : vector<16xf32>
      %parallel_loop3A_513 = arith.addf %parallel_loop3A_510, %parallel_loop3A_511 : vector<16xf32>
      %parallel_loop3A_514 = arith.addf %parallel_loop3A_512, %parallel_loop3A_513 : vector<16xf32>
      %parallel_loop3A_515 = arith.constant 320 : i32
      %parallel_loop3A_516 = arith.addi %parallel_loop3A_515, %parallel_loop3A_355 : i32
      %parallel_loop3A_517 = vector.broadcast %parallel_loop3A_516 : i32 to vector<16xi32>
      %parallel_loop3A_518 = arith.constant true
      %parallel_loop3A_519 = vector.broadcast %parallel_loop3A_518 : i1 to vector<16xi1>
      %parallel_loop3A_520 = tpu.scan <sum>, %parallel_loop3A_514 masked %parallel_loop3A_519 : vector<16xf32>, vector<16xi1> -> vector<16xf32>
      %parallel_loop3A_521 = vector.extract %parallel_loop3A_520[15] : f32 from vector<16xf32>
      %parallel_loop3A_522 = vector.broadcast %parallel_loop3A_521 : f32 to vector<16xf32>
      tpu.vector_store_idx %arg8[%parallel_loop3A_517], %parallel_loop3A_522 masked %eq3A_2 : memref<400xf32, #tpu.memory_space<vmem>>[vector<16xi32>], vector<16xf32>, vector<16xi1>
    } {sc.loop_unroll_factor = 4 : i64, sc.parallel_access}
    %add3A_271 = arith.constant 128 : i32
    %add3A_272 = arith.addi %add3A, %add3A_271 : i32
    %lt3A_273 = arith.constant 145 : i32
    %lt3A_274 = arith.cmpi slt, %add3A_272, %lt3A_273 : i32
    %jit3A_275 = arith.constant 0 : i32
    %select_n3A_276 = arith.select %lt3A_274, %add3A_272, %jit3A_275 : i32
    %mul3A_277 = arith.constant 80 : i32
    %mul3A_278 = arith.muli %select_n3A_276, %mul3A_277 : i32
    %dma_start3A_279 = arith.constant 320 : i32
    %dma_start3A_280 = tpu.memref_slice %arg8[%dma_start3A_279] : memref<400xf32, #tpu.memory_space<vmem>> -> memref<80xf32, #tpu.memory_space<vmem>>
    %dma_start3A_281 = tpu.memref_slice %arg4[%mul3A_278] : memref<11616xf32, #tpu.memory_space<hbm>> -> memref<80xf32, #tpu.memory_space<hbm>>
    %dma_start3A_282 = tpu.memref_slice %arg4[%mul3A_278] : memref<11616xf32, #tpu.memory_space<hbm>> -> memref<80xf32, #tpu.memory_space<hbm>>
    %dma_start3A_283 = arith.constant 320 : i32
    %dma_start3A_284 = tpu.memref_slice %arg8[%dma_start3A_283] : memref<400xf32, #tpu.memory_space<vmem>> -> memref<80xf32, #tpu.memory_space<vmem>>
    tpu.enqueue_dma source(%dma_start3A_284 : memref<80xf32, #tpu.memory_space<vmem>>) target(%dma_start3A_282 : memref<80xf32, #tpu.memory_space<hbm>>) target_semaphore(%arg11 : memref<!tpu.dma_semaphore, #tpu.memory_space<semaphore_mem>>)
    %add3A_285 = arith.constant 0 : i32
    %add3A_286 = arith.addi %add3A, %add3A_285 : i32
    %lt3A_287 = arith.constant 145 : i32
    %lt3A_288 = arith.cmpi slt, %add3A_286, %lt3A_287 : i32
    %jit3A_289 = arith.constant 0 : i32
    %select_n3A_290 = arith.select %lt3A_288, %add3A_286, %jit3A_289 : i32
    %mul3A_291 = arith.constant 80 : i32
    %mul3A_292 = arith.muli %select_n3A_290, %mul3A_291 : i32
    %dma_wait3A_293 = arith.constant 0 : i32
    %dma_wait3A_294 = tpu.memref_slice %arg8[%dma_wait3A_293] : memref<400xf32, #tpu.memory_space<vmem>> -> memref<80xf32, #tpu.memory_space<vmem>>
    %dma_wait3A_295 = tpu.memref_slice %arg4[%mul3A_292] : memref<11616xf32, #tpu.memory_space<hbm>> -> memref<80xf32, #tpu.memory_space<hbm>>
    %dma_wait3A_296 = tpu.memref_slice %arg4[%mul3A_292] : memref<11616xf32, #tpu.memory_space<hbm>> -> memref<80xf32, #tpu.memory_space<hbm>>
    %dma_wait3A_297 = arith.constant 0 : i32
    %dma_wait3A_298 = tpu.memref_slice %arg8[%dma_wait3A_297] : memref<400xf32, #tpu.memory_space<vmem>> -> memref<80xf32, #tpu.memory_space<vmem>>
    tpu.wait_dma2 semaphore(%arg11 : memref<!tpu.dma_semaphore, #tpu.memory_space<semaphore_mem>>) src(%dma_wait3A_298 : memref<80xf32, #tpu.memory_space<vmem>>) dst(%dma_wait3A_296 : memref<80xf32, #tpu.memory_space<hbm>>)
    %add3A_299 = arith.constant 32 : i32
    %add3A_300 = arith.addi %add3A, %add3A_299 : i32
    %lt3A_301 = arith.constant 145 : i32
    %lt3A_302 = arith.cmpi slt, %add3A_300, %lt3A_301 : i32
    %jit3A_303 = arith.constant 0 : i32
    %select_n3A_304 = arith.select %lt3A_302, %add3A_300, %jit3A_303 : i32
    %mul3A_305 = arith.constant 80 : i32
    %mul3A_306 = arith.muli %select_n3A_304, %mul3A_305 : i32
    %dma_wait3A_307 = arith.constant 80 : i32
    %dma_wait3A_308 = tpu.memref_slice %arg8[%dma_wait3A_307] : memref<400xf32, #tpu.memory_space<vmem>> -> memref<80xf32, #tpu.memory_space<vmem>>
    %dma_wait3A_309 = tpu.memref_slice %arg4[%mul3A_306] : memref<11616xf32, #tpu.memory_space<hbm>> -> memref<80xf32, #tpu.memory_space<hbm>>
    %dma_wait3A_310 = tpu.memref_slice %arg4[%mul3A_306] : memref<11616xf32, #tpu.memory_space<hbm>> -> memref<80xf32, #tpu.memory_space<hbm>>
    %dma_wait3A_311 = arith.constant 80 : i32
    %dma_wait3A_312 = tpu.memref_slice %arg8[%dma_wait3A_311] : memref<400xf32, #tpu.memory_space<vmem>> -> memref<80xf32, #tpu.memory_space<vmem>>
    tpu.wait_dma2 semaphore(%arg11 : memref<!tpu.dma_semaphore, #tpu.memory_space<semaphore_mem>>) src(%dma_wait3A_312 : memref<80xf32, #tpu.memory_space<vmem>>) dst(%dma_wait3A_310 : memref<80xf32, #tpu.memory_space<hbm>>)
    %add3A_313 = arith.constant 64 : i32
    %add3A_314 = arith.addi %add3A, %add3A_313 : i32
    %lt3A_315 = arith.constant 145 : i32
    %lt3A_316 = arith.cmpi slt, %add3A_314, %lt3A_315 : i32
    %jit3A_317 = arith.constant 0 : i32
    %select_n3A_318 = arith.select %lt3A_316, %add3A_314, %jit3A_317 : i32
    %mul3A_319 = arith.constant 80 : i32
    %mul3A_320 = arith.muli %select_n3A_318, %mul3A_319 : i32
    %dma_wait3A_321 = arith.constant 160 : i32
    %dma_wait3A_322 = tpu.memref_slice %arg8[%dma_wait3A_321] : memref<400xf32, #tpu.memory_space<vmem>> -> memref<80xf32, #tpu.memory_space<vmem>>
    %dma_wait3A_323 = tpu.memref_slice %arg4[%mul3A_320] : memref<11616xf32, #tpu.memory_space<hbm>> -> memref<80xf32, #tpu.memory_space<hbm>>
    %dma_wait3A_324 = tpu.memref_slice %arg4[%mul3A_320] : memref<11616xf32, #tpu.memory_space<hbm>> -> memref<80xf32, #tpu.memory_space<hbm>>
    %dma_wait3A_325 = arith.constant 160 : i32
    %dma_wait3A_326 = tpu.memref_slice %arg8[%dma_wait3A_325] : memref<400xf32, #tpu.memory_space<vmem>> -> memref<80xf32, #tpu.memory_space<vmem>>
    tpu.wait_dma2 semaphore(%arg11 : memref<!tpu.dma_semaphore, #tpu.memory_space<semaphore_mem>>) src(%dma_wait3A_326 : memref<80xf32, #tpu.memory_space<vmem>>) dst(%dma_wait3A_324 : memref<80xf32, #tpu.memory_space<hbm>>)
    %add3A_327 = arith.constant 96 : i32
    %add3A_328 = arith.addi %add3A, %add3A_327 : i32
    %lt3A_329 = arith.constant 145 : i32
    %lt3A_330 = arith.cmpi slt, %add3A_328, %lt3A_329 : i32
    %jit3A_331 = arith.constant 0 : i32
    %select_n3A_332 = arith.select %lt3A_330, %add3A_328, %jit3A_331 : i32
    %mul3A_333 = arith.constant 80 : i32
    %mul3A_334 = arith.muli %select_n3A_332, %mul3A_333 : i32
    %dma_wait3A_335 = arith.constant 240 : i32
    %dma_wait3A_336 = tpu.memref_slice %arg8[%dma_wait3A_335] : memref<400xf32, #tpu.memory_space<vmem>> -> memref<80xf32, #tpu.memory_space<vmem>>
    %dma_wait3A_337 = tpu.memref_slice %arg4[%mul3A_334] : memref<11616xf32, #tpu.memory_space<hbm>> -> memref<80xf32, #tpu.memory_space<hbm>>
    %dma_wait3A_338 = tpu.memref_slice %arg4[%mul3A_334] : memref<11616xf32, #tpu.memory_space<hbm>> -> memref<80xf32, #tpu.memory_space<hbm>>
    %dma_wait3A_339 = arith.constant 240 : i32
    %dma_wait3A_340 = tpu.memref_slice %arg8[%dma_wait3A_339] : memref<400xf32, #tpu.memory_space<vmem>> -> memref<80xf32, #tpu.memory_space<vmem>>
    tpu.wait_dma2 semaphore(%arg11 : memref<!tpu.dma_semaphore, #tpu.memory_space<semaphore_mem>>) src(%dma_wait3A_340 : memref<80xf32, #tpu.memory_space<vmem>>) dst(%dma_wait3A_338 : memref<80xf32, #tpu.memory_space<hbm>>)
    %add3A_341 = arith.constant 128 : i32
    %add3A_342 = arith.addi %add3A, %add3A_341 : i32
    %lt3A_343 = arith.constant 145 : i32
    %lt3A_344 = arith.cmpi slt, %add3A_342, %lt3A_343 : i32
    %jit3A_345 = arith.constant 0 : i32
    %select_n3A_346 = arith.select %lt3A_344, %add3A_342, %jit3A_345 : i32
    %mul3A_347 = arith.constant 80 : i32
    %mul3A_348 = arith.muli %select_n3A_346, %mul3A_347 : i32
    %dma_wait3A_349 = arith.constant 320 : i32
    %dma_wait3A_350 = tpu.memref_slice %arg8[%dma_wait3A_349] : memref<400xf32, #tpu.memory_space<vmem>> -> memref<80xf32, #tpu.memory_space<vmem>>
    %dma_wait3A_351 = tpu.memref_slice %arg4[%mul3A_348] : memref<11616xf32, #tpu.memory_space<hbm>> -> memref<80xf32, #tpu.memory_space<hbm>>
    %dma_wait3A_352 = tpu.memref_slice %arg4[%mul3A_348] : memref<11616xf32, #tpu.memory_space<hbm>> -> memref<80xf32, #tpu.memory_space<hbm>>
    %dma_wait3A_353 = arith.constant 320 : i32
    %dma_wait3A_354 = tpu.memref_slice %arg8[%dma_wait3A_353] : memref<400xf32, #tpu.memory_space<vmem>> -> memref<80xf32, #tpu.memory_space<vmem>>
    tpu.wait_dma2 semaphore(%arg11 : memref<!tpu.dma_semaphore, #tpu.memory_space<semaphore_mem>>) src(%dma_wait3A_354 : memref<80xf32, #tpu.memory_space<vmem>>) dst(%dma_wait3A_352 : memref<80xf32, #tpu.memory_space<hbm>>)
    return
  }
}

module attributes {stable_mosaic.version = 14 : i64} {
  func.func @_ep_body(%arg0: memref<1xi32, #tpu.memory_space<smem>>, %arg1: memref<1x38400xf32, #tpu.memory_space<vmem>>, %arg2: memref<11616xf32, #tpu.memory_space<vmem>>, %arg3: memref<1x49999xf32, #tpu.memory_space<vmem>>, %arg4: memref<1x1xf32, #tpu.memory_space<vmem>>) attributes {dimension_semantics = [], scalar_prefetch = 0 : i64, scratch_operands = 0 : i64, tpu.core_type = #tpu.core_type<tc>} {
    %get3A = arith.constant 0 : index
    %get3A_0 = arith.constant 0 : index
    %get3A_1 = vector.load %arg1[%get3A, %get3A_0] : memref<1x38400xf32, #tpu.memory_space<vmem>>, vector<1x38400xf32>
    %get3A_2 = arith.constant 0 : index
    %get3A_3 = vector.load %arg2[%get3A_2] : memref<11616xf32, #tpu.memory_space<vmem>>, vector<11616xf32>
    %reshape3A = vector.shape_cast %get3A_3 : vector<11616xf32> to vector<1x11616xf32>
    %iota3A = tpu.iota {dimensions = array<i32: 1>} : vector<1x38400xi32>
    %iota3A_4 = tpu.iota {dimensions = array<i32: 1>} : vector<1x11616xi32>
    %add3A = arith.constant 38400 : i32
    %add3A_5 = vector.broadcast %add3A : i32 to vector<1x11616xi32>
    %add3A_6 = arith.addi %iota3A_4, %add3A_5 : vector<1x11616xi32>
    %ge3A = arith.constant 49999 : i32
    %ge3A_7 = vector.broadcast %ge3A : i32 to vector<1x11616xi32>
    %ge3A_8 = arith.cmpi sge, %add3A_6, %ge3A_7 : vector<1x11616xi32>
    %jit3A = arith.constant 0xFF800000 : f32
    %broadcast_in_dim3A = vector.broadcast %jit3A : f32 to vector<1x11616xf32>
    %select_n3A = arith.select %ge3A_8, %broadcast_in_dim3A, %reshape3A : vector<1x11616xi1>, vector<1x11616xf32>
    %reduce_max3A = vector.shape_cast %get3A_1 : vector<1x38400xf32> to vector<1x1x38400xf32>
    %reduce_max3A_9 = arith.constant dense<0xFF800000> : vector<1xf32>
    %reduce_max3A_10 = vector.multi_reduction <maximumf>, %reduce_max3A, %reduce_max3A_9 [1, 2] : vector<1x1x38400xf32> to vector<1xf32>
    %reduce_max3A_11 = vector.shape_cast %reduce_max3A_10 : vector<1xf32> to vector<1x1x1xf32>
    %reduce_max3A_12 = vector.extract %reduce_max3A_11[0, 0, 0] : f32 from vector<1x1x1xf32>
    %reduce_max3A_13 = vector.shape_cast %select_n3A : vector<1x11616xf32> to vector<1x1x11616xf32>
    %reduce_max3A_14 = arith.constant dense<0xFF800000> : vector<1xf32>
    %reduce_max3A_15 = vector.multi_reduction <maximumf>, %reduce_max3A_13, %reduce_max3A_14 [1, 2] : vector<1x1x11616xf32> to vector<1xf32>
    %reduce_max3A_16 = vector.shape_cast %reduce_max3A_15 : vector<1xf32> to vector<1x1x1xf32>
    %reduce_max3A_17 = vector.extract %reduce_max3A_16[0, 0, 0] : f32 from vector<1x1x1xf32>
    %max3A = arith.maximumf %reduce_max3A_12, %reduce_max3A_17 : f32
    %sub3A = vector.broadcast %max3A : f32 to vector<1x38400xf32>
    %sub3A_18 = arith.subf %get3A_1, %sub3A : vector<1x38400xf32>
    %exp3A = math.exp %sub3A_18 : vector<1x38400xf32>
    %sub3A_19 = vector.broadcast %max3A : f32 to vector<1x11616xf32>
    %sub3A_20 = arith.subf %select_n3A, %sub3A_19 : vector<1x11616xf32>
    %exp3A_21 = math.exp %sub3A_20 : vector<1x11616xf32>
    %reduce_sum3A = vector.shape_cast %exp3A : vector<1x38400xf32> to vector<1x1x38400xf32>
    %reduce_sum3A_22 = arith.constant dense<0.000000e+00> : vector<1xf32>
    %reduce_sum3A_23 = vector.multi_reduction <add>, %reduce_sum3A, %reduce_sum3A_22 [1, 2] : vector<1x1x38400xf32> to vector<1xf32>
    %reduce_sum3A_24 = vector.shape_cast %reduce_sum3A_23 : vector<1xf32> to vector<1x1x1xf32>
    %reduce_sum3A_25 = vector.extract %reduce_sum3A_24[0, 0, 0] : f32 from vector<1x1x1xf32>
    %reduce_sum3A_26 = vector.shape_cast %exp3A_21 : vector<1x11616xf32> to vector<1x1x11616xf32>
    %reduce_sum3A_27 = arith.constant dense<0.000000e+00> : vector<1xf32>
    %reduce_sum3A_28 = vector.multi_reduction <add>, %reduce_sum3A_26, %reduce_sum3A_27 [1, 2] : vector<1x1x11616xf32> to vector<1xf32>
    %reduce_sum3A_29 = vector.shape_cast %reduce_sum3A_28 : vector<1xf32> to vector<1x1x1xf32>
    %reduce_sum3A_30 = vector.extract %reduce_sum3A_29[0, 0, 0] : f32 from vector<1x1x1xf32>
    %add3A_31 = arith.addf %reduce_sum3A_25, %reduce_sum3A_30 : f32
    %div3A = arith.constant 1.000000e+00 : f32
    %div3A_32 = arith.divf %div3A, %add3A_31 : f32
    %mul3A = vector.broadcast %div3A_32 : f32 to vector<1x38400xf32>
    %mul3A_33 = arith.mulf %exp3A, %mul3A : vector<1x38400xf32>
    %swap3A = arith.constant 0 : index
    %swap3A_34 = arith.constant 0 : index
    %swap3A_35 = vector.load %arg3[%swap3A, %swap3A_34] : memref<1x49999xf32, #tpu.memory_space<vmem>>, vector<1x38400xf32>
    tpu.vector_store %arg3[%swap3A, %swap3A_34], %mul3A_33 {strides = array<i32>} : memref<1x49999xf32, #tpu.memory_space<vmem>>, vector<1x38400xf32>,
    %mul3A_36 = vector.broadcast %div3A_32 : f32 to vector<1x11616xf32>
    %mul3A_37 = arith.mulf %exp3A_21, %mul3A_36 : vector<1x11616xf32>
    %slice3A = vector.extract_strided_slice %mul3A_37 {offsets = [0, 0], sizes = [1, 11599], strides = [1, 1]} : vector<1x11616xf32> to vector<1x11599xf32>
    %swap3A_38 = arith.constant 0 : index
    %swap3A_39 = arith.constant 38400 : index
    %swap3A_40 = vector.load %arg3[%swap3A_38, %swap3A_39] : memref<1x49999xf32, #tpu.memory_space<vmem>>, vector<1x11599xf32>
    tpu.vector_store %arg3[%swap3A_38, %swap3A_39], %slice3A {strides = array<i32>} : memref<1x49999xf32, #tpu.memory_space<vmem>>, vector<1x11599xf32>,
    %get3A_41 = arith.constant 0 : index
    %get3A_42 = memref.load %arg0[%get3A_41] : memref<1xi32, #tpu.memory_space<smem>>
    %eq3A = vector.broadcast %get3A_42 : i32 to vector<1x38400xi32>
    %eq3A_43 = arith.cmpi eq, %iota3A, %eq3A : vector<1x38400xi32>
    %jit3A_44 = arith.constant 0xFF800000 : f32
    %broadcast_in_dim3A_45 = vector.broadcast %jit3A_44 : f32 to vector<1x38400xf32>
    %select_n3A_46 = arith.select %eq3A_43, %get3A_1, %broadcast_in_dim3A_45 : vector<1x38400xi1>, vector<1x38400xf32>
    %reduce_max3A_47 = vector.shape_cast %select_n3A_46 : vector<1x38400xf32> to vector<1x1x38400xf32>
    %reduce_max3A_48 = arith.constant dense<0xFF800000> : vector<1xf32>
    %reduce_max3A_49 = vector.multi_reduction <maximumf>, %reduce_max3A_47, %reduce_max3A_48 [1, 2] : vector<1x1x38400xf32> to vector<1xf32>
    %reduce_max3A_50 = vector.shape_cast %reduce_max3A_49 : vector<1xf32> to vector<1x1x1xf32>
    %reduce_max3A_51 = vector.extract %reduce_max3A_50[0, 0, 0] : f32 from vector<1x1x1xf32>
    %eq3A_52 = vector.broadcast %get3A_42 : i32 to vector<1x11616xi32>
    %eq3A_53 = arith.cmpi eq, %add3A_6, %eq3A_52 : vector<1x11616xi32>
    %jit3A_54 = arith.constant 0xFF800000 : f32
    %broadcast_in_dim3A_55 = vector.broadcast %jit3A_54 : f32 to vector<1x11616xf32>
    %select_n3A_56 = arith.select %eq3A_53, %select_n3A, %broadcast_in_dim3A_55 : vector<1x11616xi1>, vector<1x11616xf32>
    %reduce_max3A_57 = vector.shape_cast %select_n3A_56 : vector<1x11616xf32> to vector<1x1x11616xf32>
    %reduce_max3A_58 = arith.constant dense<0xFF800000> : vector<1xf32>
    %reduce_max3A_59 = vector.multi_reduction <maximumf>, %reduce_max3A_57, %reduce_max3A_58 [1, 2] : vector<1x1x11616xf32> to vector<1xf32>
    %reduce_max3A_60 = vector.shape_cast %reduce_max3A_59 : vector<1xf32> to vector<1x1x1xf32>
    %reduce_max3A_61 = vector.extract %reduce_max3A_60[0, 0, 0] : f32 from vector<1x1x1xf32>
    %max3A_62 = arith.maximumf %reduce_max3A_51, %reduce_max3A_61 : f32
    %sub3A_63 = arith.subf %max3A_62, %max3A : f32
    %log3A = math.log %div3A_32 : f32
    %add3A_64 = arith.addf %sub3A_63, %log3A : f32
    %broadcast_in_dim3A_65 = vector.broadcast %add3A_64 : f32 to vector<1x1xf32>
    %swap3A_66 = arith.constant 0 : index
    %swap3A_67 = arith.constant 0 : index
    %swap3A_68 = vector.load %arg4[%swap3A_66, %swap3A_67] : memref<1x1xf32, #tpu.memory_space<vmem>>, vector<1x1xf32>
    tpu.vector_store %arg4[%swap3A_66, %swap3A_67], %broadcast_in_dim3A_65 {strides = array<i32>} : memref<1x1xf32, #tpu.memory_space<vmem>>, vector<1x1xf32>,
    return
  }
}

module attributes {stable_mosaic.version = 14 : i64} {
  func.func @_tc_body(%arg0: i32, %arg1: memref<3840x512xf32, #tpu.memory_space<vmem>>, %arg2: memref<1x1024xf32, #tpu.memory_space<vmem>>, %arg3: memref<1x3840xf32, #tpu.memory_space<vmem>>) attributes {dimension_semantics = [#tpu.dimension_semantics<arbitrary>], iteration_bounds = array<i64: 10>, scalar_prefetch = 0 : i64, scratch_operands = 0 : i64, tpu.core_type = #tpu.core_type<tc>, window_params = [{transform_indices = @transform_0, window_bounds = array<i64: 3840, 512>}, {pipeline_mode = #tpu.pipeline_mode<synchronous>, transform_indices = @transform_1, window_bounds = array<i64: 1, 1024>}, {transform_indices = @transform_2, window_bounds = array<i64: 1, 3840>}]} {
    %get3A = arith.constant 0 : index
    %get3A_0 = arith.constant 0 : index
    %get3A_1 = vector.load %arg2[%get3A, %get3A_0] : memref<1x1024xf32, #tpu.memory_space<vmem>>, vector<1x512xf32>
    %get3A_2 = arith.constant 0 : index
    %get3A_3 = arith.constant 0 : index
    %get3A_4 = vector.load %arg1[%get3A_2, %get3A_3] : memref<3840x512xf32, #tpu.memory_space<vmem>>, vector<3840x512xf32>
    %dot_general3A = arith.constant dense<0.000000e+00> : vector<1x3840xf32>
    %dot_general3A_5 = tpu.matmul %get3A_1, %get3A_4, %dot_general3A {dimension_numbers = #tpu.dot_dimension_numbers<[1], [1], [0], [0], [0, 0, 1, 0], [], []>, transpose_lhs_hint = false} : vector<1x512xf32>, vector<3840x512xf32>, vector<1x3840xf32> -> vector<1x3840xf32>
    %swap3A = arith.constant 0 : index
    %swap3A_6 = arith.constant 0 : index
    %swap3A_7 = vector.load %arg3[%swap3A, %swap3A_6] : memref<1x3840xf32, #tpu.memory_space<vmem>>, vector<1x3840xf32>
    tpu.vector_store %arg3[%swap3A, %swap3A_6], %dot_general3A_5 {strides = array<i32>} : memref<1x3840xf32, #tpu.memory_space<vmem>>, vector<1x3840xf32>,
    return
  }
  func.func @transform_0(%arg0: i32) -> (i32, i32) {
    %c0_i32 = arith.constant 0 : i32
    %c0_i32_0 = arith.constant 0 : i32
    return %arg0, %c0_i32 : i32, i32
  }
  func.func @transform_1(%arg0: i32) -> (i32, i32) {
    %c0_i32 = arith.constant 0 : i32
    %c0_i32_0 = arith.constant 0 : i32
    %c0_i32_1 = arith.constant 0 : i32
    return %c0_i32, %c0_i32_0 : i32, i32
  }
  func.func @transform_2(%arg0: i32) -> (i32, i32) {
    %c0_i32 = arith.constant 0 : i32
    %c0_i32_0 = arith.constant 0 : i32
    return %c0_i32, %arg0 : i32, i32
  }
}

</mosaic_0001>

<sc_bundles>
// kernel: kernel.5.cloned.1.call-start
scs
__scs_entry_jumppad:
0x0: {  	(pc) =	sbr.rel $0x88, $3  }
0x1: {  	(tag) =	ssettag $0x0;
	lr =	simm.s32 $0x1  }
0x2: {  	[smem:$0x3F9E] =	sst lr;
	_ =	strace $0xD0000000  }
0x3: {  	_ = 	snop  }
0x4: {  	_ = 	snop  }
0x5: {  	_ = 	snop  }
0x6: {  	_ = 	snop  }
0x7: {  	_ = 	snop  }
__scs_overlays_trampoline_lowered:
0x8: {  	[smem:$0x3FAD] =	sst s0  }
0x9: {  	[smem:$0x3FAE] =	sst s1  }
0xa: {  	[smem:$0x3FAF] =	sst s2  }
0xb: {  	[smem:$0x3FB0] =	sst s3  }
0xc: {  	[smem:$0x3FB1] =	sst s4  }
0xd: {  	[smem:$0x3FB2] =	sst s5  }
0xe: {  	[smem:$0x3FB3] =	sst s6  }
0xf: {  	[smem:$0x3FB4] =	sst s7  }
0x10: {  	[smem:$0x3FB5] =	sst s8  }
0x11: {  	[smem:$0x3FB6] =	sst s9;
	s0 =	simm.s32 @!p0 $0x0  }
0x12: {  	s1 =	sld [smem:$0x3F9C];
	s0 =	simm.s32 @p0 $0x1  }
0x13: {  	[smem:$0x3FB7] =	sst s0;
	s0 =	simm.s32 @!p1 $0x0  }
0x14: {  	s2 =	sld [smem:$0x3F9B];
	s0 =	simm.s32 @p1 $0x1  }
0x15: {  	[smem:$0x3FB8] =	sst s0;
	s0 =	simm.s32 @!p2 $0x0  }
0x16: {  	s3 =	sld [smem:$0x3FDB];
	s0 =	simm.s32 @p2 $0x1  }
0x17: {  	s4 =	simm.s32 $0x1BF5;
	[smem:$0x3FBA] =	sst s0  }
0x18: {  	s0 =	sld [smem:$0x3F9D];
	_ =	swait.ge [sflag:s4], $0x0  }
0x19: {  	s7 =	sld [smem:$0x3F9E]  }
0x1a: {  	s8 =	sadd.s32 $0xFFFFE003, lr  }
0x1b: {  	s9 =	sadd.s32 $0xFFFFFEF7, lr;
	s5 =	simm.s32 $0xFFFFFFFF;
	p2 =	slt.u32 s8, $0xFFFFF086  }
0x1c: {  	p1 =	slt.u32 s9, $0xF7A;
	s5 =	simm.s32 @!p2 $0x0  }
0x1d: {  	s5 =	simm.s32 @p1 $0x1;
	p0 =	seq.s32 s7, s2  }
0x1e: {  	s7 =	smul.u32 @!p0 $0xF7A, s2;
	p2 =	seq.s32 @!p0 s5, $0x0  }
0x1f: {  	s9 =	smul.u32 $0xF7A, s1;
	s8 =	simm.s32 @!p0 $0x1BF5;
	p2 =	por !p2, p0  }
0x20: {  	[sflag:s8] =	ssyncset.s32 @!p0 $0xFFFFF086;
	s6 =	sadd.s32 @!p0 s3, s7;
	s7 =	simm.s32 @!p0 $0x108  }
0x21: {  	s3 =	sadd.s32 s3, s9;
	s6 =	sadd.s32 @!p0 $0x88, s6;
	s7 =	simm.s32 @p2 $0x1082  }
0x22: {  	[simem:s7], [sflag:s8] =	dma.local @!p0 [hbm:s6], $0xF7A  }
0x23: {  	s9 =	sor.u32 $0xD0000000, s2;
	s6 =	simm.s32 $0x108;
	_ =	swait.ge @!p0 [sflag:s8], $0x0  }
0x24: {  	s3 =	sadd.s32 $0x88, s3;
	s6 =	simm.s32 @!p1 $0x1082;
	[sflag:s4] =	ssyncset.s32 $0xFFFFF086  }
0x25: {  	[simem:s6], [sflag:s4] =	dma.local [hbm:s3], $0xF7A  }
0x26: {  	[smem:$0x3F9E] =	sst s1;
	(tag) =	ssettag s2;
	_ =	strace s9  }
0x27: {  	s1 =	sld [smem:$0x3FAE]  }
0x28: {  	s2 =	sld [smem:$0x3FAF]  }
0x29: {  	s4 =	sld [smem:$0x3FB1]  }
0x2a: {  	p0 =	seq.s32 s5, $0x0;
	s5 =	sld [smem:$0x3FB2]  }
0x2b: {  	s6 =	sld [smem:$0x3FB3]  }
0x2c: {  	s7 =	sld [smem:$0x3FB4]  }
0x2d: {  	s3 =	simm.s32 $0x108;
	s8 =	sld [smem:$0x3FB5]  }
0x2e: {  	s3 =	simm.s32 @!p0 $0x1082;
	s9 =	sld [smem:$0x3FB6]  }
0x2f: {  	lr =	sadd.s32 s0, s3;
	s0 =	sld [smem:$0x3FAD]  }
0x30: {  	s3 =	sld [smem:$0x3FB0]  }
0x31: {  	[smem:$0x3FB9] =	sst s10  }
0x32: {  	s10 =	sld [smem:$0x3FB7];
	_ =	sdelay $0x3  }
0x33: {  	p0 =	seq.s32 s10, $0x1;
	s10 =	sld [smem:$0x3FB9];
	_ =	sdelay $0x3  }
0x34: {  	[smem:$0x3FB9] =	sst s10  }
0x35: {  	s10 =	sld [smem:$0x3FB8];
	_ =	sdelay $0x3  }
0x36: {  	p1 =	seq.s32 s10, $0x1;
	s10 =	sld [smem:$0x3FB9];
	_ =	sdelay $0x3  }
0x37: {  	[smem:$0x3FB9] =	sst s10  }
0x38: {  	s10 =	sld [smem:$0x3FBA]  }
0x39: {  	_ = 	snop;
	(pc) =	sbr.ind lr, $3  }
0x3a: {  	_ = 	snop  }
0x3b: {  	_ = 	snop  }
0x3c: {  	p2 =	seq.s32 s10, $0x1;
	s10 =	sld [smem:$0x3FB9]  }
0x3d: {  	_ =	shalt  }
0x3e: {  	_ =	shalt  }
0x3f: {  	_ =	shalt  }
0x40: {  	_ =	shalt  }
0x41: {  	_ =	shalt  }
0x42: {  	_ =	shalt  }
0x43: {  	_ =	shalt  }
0x44: {  	_ =	shalt  }
0x45: {  	_ =	shalt  }
0x46: {  	_ =	shalt  }
0x47: {  	_ =	shalt  }
0x48: {  	_ =	shalt  }
0x49: {  	_ =	shalt  }
0x4a: {  	_ =	shalt  }
0x4b: {  	_ =	shalt  }
0x4c: {  	_ =	shalt  }
0x4d: {  	_ =	shalt  }
0x4e: {  	_ =	shalt  }
0x4f: {  	_ =	shalt  }
0x50: {  	_ =	shalt  }
0x51: {  	_ =	shalt  }
0x52: {  	_ =	shalt  }
0x53: {  	_ =	shalt  }
0x54: {  	_ =	shalt  }
0x55: {  	_ =	shalt  }
0x56: {  	_ =	shalt  }
0x57: {  	_ =	shalt  }
0x58: {  	_ =	shalt  }
0x59: {  	_ =	shalt  }
0x5a: {  	_ =	shalt  }
0x5b: {  	_ =	shalt  }
0x5c: {  	_ =	shalt  }
0x5d: {  	_ =	shalt  }
0x5e: {  	_ =	shalt  }
0x5f: {  	_ =	shalt  }
0x60: {  	_ =	shalt  }
0x61: {  	_ =	shalt  }
0x62: {  	_ =	shalt  }
0x63: {  	_ =	shalt  }
0x64: {  	_ =	shalt  }
0x65: {  	_ =	shalt  }
0x66: {  	_ =	shalt  }
0x67: {  	_ =	shalt  }
0x68: {  	_ =	shalt  }
0x69: {  	_ =	shalt  }
0x6a: {  	_ =	shalt  }
0x6b: {  	_ =	shalt  }
0x6c: {  	_ =	shalt  }
0x6d: {  	_ =	shalt  }
0x6e: {  	_ =	shalt  }
0x6f: {  	_ =	shalt  }
0x70: {  	_ =	shalt  }
0x71: {  	_ =	shalt  }
0x72: {  	_ =	shalt  }
0x73: {  	_ =	shalt  }
0x74: {  	_ =	shalt  }
0x75: {  	_ =	shalt  }
0x76: {  	_ =	shalt  }
0x77: {  	_ =	shalt  }
0x78: {  	_ =	shalt  }
0x79: {  	_ =	shalt  }
0x7a: {  	_ =	shalt  }
0x7b: {  	_ =	shalt  }
0x7c: {  	_ =	shalt  }
0x7d: {  	_ =	shalt  }
0x7e: {  	_ =	shalt  }
0x7f: {  	_ =	shalt  }
0x80: {  	_ =	shalt  }
0x81: {  	_ =	shalt  }
0x82: {  	_ =	shalt  }
0x83: {  	_ =	shalt  }
0x84: {  	_ =	shalt  }
0x85: {  	_ =	shalt  }
0x86: {  	_ =	shalt  }
0x87: {  	_ =	shalt  }
.Lfunc_end0:
.L_simem_size_0:
called_computation_lowered:
.L_overlay_start_0:
0x88: {  	s2 =	sld [smem:$0x3FD9]  }
0x89: {  	s3 =	sld [smem:$0x3FFE];
	_ =	sdelay $0x1  }
0x8a: {  	s1 =	srdreg.scid  }
0x8b: {  	s0 =	sand.u32 $0x1, s1  }
0x8c: {  	s15 =	sshll.u32 s0, $0xA;
	s2 =	sadd.s32 s3, s2  }
0x8d: {  	s2 =	sadd.s32 s2, s15  }
0x8e: {  	[smem:$0x3FC5] =	sst s2  }
0x8f: {  	_ = 	snop  }
0x90: {  	s2 =	sld [smem:$0x3FD0];
	_ =	sdelay $0x1  }
0x91: {  	s16 =	sld [smem:$0x3FC9]  }
0x92: {  	s5 =	simm.s32 $0xA;
	s6 =	simm.s32 $0x10;
	s4 =	sld [smem:$0x3FC8]  }
0x93: {  	[smem:s6], [sflag:s5] =	dma.local [hbm:s2], $0x1  }
0x94: {  	_ =	swait.eq [sflag:s5], $0x1  }
0x95: {  	[sflag:s5] =	ssyncset.done $0x0  }
0x96: {  	[sflag:s5] =	ssyncadd.s32 $0xFFFFFFFF  }
0x97: {  	s17 =	sld [smem:$0x10];
	(tm) =	ssettm $0x1  }
0x98: {  	s18 =	sld [smem:$0x3FFB];
	_ =	sdelay $0x3  }
0x99: {  	_ =	strace s18  }
0x9a: {  	s5 =	sld [smem:$0x3FFC];
	_ =	sdelay $0x3  }
0x9b: {  	_ =	strace s5  }
0x9c: {  	s5 =	sld [smem:$0x3FFD];
	_ =	sdelay $0x3  }
0x9d: {  	_ =	strace s5  }
0x9e: {  	_ =	strace $0x8FFFFFFF  }
0x9f: {  	s19 =	sld [smem:$0x3FDB];
	_ =	sdelay $0x1  }
0xa0: {  	s20 =	simm.s32 $_scs_section_size  }
0xa1: {  	s7 =	simm.s32 $_size__tile_overlayer_lowered;
	s8 =	simm.s32 $_tile_overlayer_lowered  }
0xa2: {  	s23 =	simm.s32 $0x1BFF;
	s22 =	sshll.u32 s8, $0x1;
	s5 =	sadd.s32 s20, s19  }
0xa3: {  	s9 =	simm.s32 $0x0;
	s21 =	sshll.u32 s7, $0x1;
	s7 =	sadd.s32 s22, s5  }
0xa4: {  	[timem:s9], [sflag:s23] =	dma.local [hbm:s7], s21  }
0xa5: {  	_ =	swait.ge [sflag:s23], s21  }
0xa6: {  	s6 =	ssub.s32 $0x0, s21;
	[sflag:s23] =	ssyncset.done $0x0  }
0xa7: {  	[sflag:s23] =	ssyncadd.s32 s6;
	_ =	sdelay $0x1  }
0xa8: {  	s24 =	simm.s32 $0x1B8B  }
0xa9: {  	_ =	swait.ge [sflag:s24], $0x1  }
0xaa: {  	[sflag:s24] =	ssyncset.done $0x0  }
0xab: {  	s25 =	simm.s32 $0x1B8E;
	[sflag:s24] =	ssyncadd.s32 $0xFFFFFFFF  }
0xac: {  	s26 =	simm.s32 $execute0_lowered;
	[smem:$0x3FD2] =	sst s25  }
0xad: {  	s6 =	sshll.u32 s26, $0x1;
	_ =	strace $0x80000046;
	[dreg:$0x1] =	wrdreg $0xFFFFFFFF  }
0xae: {  	s28 =	simm.s32 $_size_execute0_lowered;
	s5 =	sadd.s32 s5, s6;
	[dreg:$0x0] =	wrdreg $0x0  }
0xaf: {  	s6 =	sshll.u32 s28, $0x1;
	[dreg:$0x2] =	wrdreg s5  }
0xb0: {  	[dreg:$0x3] =	wrdreg s6  }
0xb1: {  	[dreg:$0x4] =	wrdreg $0xC0  }
0xb2: {  	_ =	task [dreg:s9], $0x5FFFF  }
0xb3: {  	[dreg:$0x1] =	wrdreg $0xFFFFFFFF  }
0xb4: {  	[dreg:$0x0] =	wrdreg $0x60  }
0xb5: {  	[dreg:$0x2] =	wrdreg s16  }
0xb6: {  	[dreg:$0x3] =	wrdreg s4  }
0xb7: {  	[dreg:$0x4] =	wrdreg s17  }
0xb8: {  	[dreg:$0x5] =	wrdreg $0x9  }
0xb9: {  	_ =	task.clear_ibuf [dreg:s9], $0x6FFFF;
	_ =	strace $0x90000046  }
0xba: {  	s29 =	simm.s32 $0x9;
	_ =	strace $0x80000048  }
0xbb: {  	_ =	swait.ge [sflag:s29], $0x1  }
0xbc: {  	[sflag:s29] =	ssyncadd.s32 $0xFFFFFFFF  }
0xbd: {  	_ =	strace $0x90000048  }
0xbe: {  	_ =	sfence  }
0xbf: {  	s30 =	sld [smem:$0x0];
	_ =	sdelay $0x2  }
0xc0: {  	s31 =	sshll.u32 s1, $0xD;
	s1 =	sshrl.u32 s1, $0x2  }
0xc1: {  	s3 =	sand.u32 $0x4000, s31;
	s1 =	sadd.s32 s1, s30  }
0xc2: {  	s0 =	sor.u32 s3, s0;
	s1 =	sshll.u32 s1, $0x11  }
0xc3: {  	s0 =	sor.u32 s1, s0  }
0xc4: {  	s0 =	sadd.s32 $0x8F2B, s0  }
0xc5: {  	[sflag:s0] =	ssyncadd.remote.s32 $0x1  }
0xc6: {  	_ =	sfence.sel $0xFFFF  }
0xc7: {  	[dreg:$0x0] =	wrdreg $0xFFFFFFFF;
	(pc) =	sbr.abs _section_cstart, $3  }
0xc8: {  	[dreg:$0x1] =	wrdreg $0xFFFFFFFF  }
0xc9: {  	_ =	task.clear_ibuf [dreg:s9], $0x2FFFF;
	_ =	strace $0x9FFFFFFF  }
0xca: {  	(tm) =	ssettm $0x7FFFFFFF  }
0xcb: {  	_ =	shalt  }
tec
execute0_lowered:
.L_overlay_start_1:
0x0: {  	(tag) =	ssettag $0x1  }
0x1: {  	s0 =	rddreg [dreg:$0x0];
	s1 =	srdreg.scid  }
0x2: {  	s3 =	stileid.u32;
	s2 =	rddreg [dreg:$0x2]  }
0x3: {  	s16 =	simm.s32 $0x0;
	s1 =	sand.u32 $0x1, s1;
	s3 =	sshll.u32 s3, $0x1  }
0x4: {  	[smem:$0x7FF] =	sst s16;
	s3 =	sor.u32 s1, s3  }
0x5: {  	s0 =	sadd.s32 $0x258000, s0;
	s1 =	ssub.s32 $0x2, s1;
	s4 =	smul.u32 $0xA000, s3  }
0x6: {  	_ =	strace $0x80000047;
	s5 =	smul.u32 $0x50, s3;
	s6 =	sshrl.u32 s1, $0x1  }
0x7: {  	s7 =	smul.u32 $0xA, s3;
	p0 =	slt.u32 s3, $0x11;
	s1 =	ssub.s32 s1, s6  }
0x8: {  	s4 =	sshrl.u32 s4, $0x3;
	s20 =	sadd.s32 $0xA00, s5;
	s8 =	sadd.s32 $0x1400, s5  }
0x9: {  	s7 =	sadd.s32 s2, s7;
	s23 =	sadd.s32 $0x1E00, s5;
	s3 =	sadd.s32 $0x2800, s5  }
0xa: {  	s31 =	smax.u32 s1, $0x1;
	s4 =	sadd.s32 s4, s0;
	[smem:$0x7F5] =	sst s7  }
0xb: {  	s21 =	sshll.u32 s20, $0x6;
	s22 =	sshll.u32 s8, $0x6;
	[smem:$0x7FD] =	sst s31  }
0xc: {  	s24 =	sshll.u32 s23, $0x6;
	[smem:$0x7F3] =	sst s4;
	s6 =	sadd.s32 s21, s0  }
0xd: {  	s25 =	sshrl.u32 s8, $0x3;
	s5 =	sadd.s32 s24, s0;
	[smem:$0x7F4] =	sst s6  }
0xe: {  	s3 =	simm.s32 @!p0 $0x0;
	s26 =	sadd.s32 s2, s25;
	[smem:$0x7F8] =	sst s5  }
0xf: {  	s4 =	sshrl.u32 s20, $0x3;
	s6 =	sadd.s32 s22, s0;
	[smem:$0x7F9] =	sst s26  }
0x10: {  	s28 =	sshll.u32 s3, $0x6;
	s4 =	sadd.s32 s2, s4;
	[smem:$0x7F6] =	sst s6  }
0x11: {  	s3 =	sshrl.u32 s3, $0x3;
	s0 =	sadd.s32 s28, s0;
	[smem:$0x7F7] =	sst s4  }
0x12: {  	s29 =	sshrl.u32 s23, $0x3;
	s30 =	sadd.s32 s2, s3;
	[smem:$0x7FA] =	sst s0  }
0x13: {  	s0 =	sadd.s32 s2, s29;
	[smem:$0x7FC] =	sst s30  }
0x14: {  	s2 =	simm.s32 $0x0;
	[smem:$0x7FB] =	sst s0  }
.LBB2_1:
0x15: {  	[smem:$0x7F1] =	sst s2  }
0x16: {  	s0 =	rddreg [dreg:$0x1];
	s5 =	simm.s32 $0x4  }
0x17: {  	[tilespmem:s16], [sflag:$0x4] =	stream.linear.gather [hbm4b:s0+s16], $0x200, $0x38;
	[tilespmem:$0x14400] =	vst v63  }
0x18: {  	_ =	swait.ge [sflag:s5], $0x200  }
0x19: {  	[sflag:s5] =	ssyncset.done $0x0  }
0x1a: {  	[sflag:s5] =	ssyncadd.s32 $0xFFFFFE00  }
0x1b: {  	v0 =	vld [tilespmem:$0x0]  }
0x1c: {  	v1 =	vld [tilespmem:$0x10]  }
0x1d: {  	v2 =	vld [tilespmem:$0x20]  }
0x1e: {  	v3 =	vld [tilespmem:$0x30]  }
0x1f: {  	v4 =	vld [tilespmem:$0x40]  }
0x20: {  	v7 =	vld [tilespmem:$0x50]  }
0x21: {  	v13 =	vld [tilespmem:$0x60]  }
0x22: {  	v14 =	vld [tilespmem:$0x70]  }
0x23: {  	v15 =	vld [tilespmem:$0x80]  }
0x24: {  	v8 =	vld [tilespmem:$0x90]  }
0x25: {  	v9 =	vld [tilespmem:$0xA0]  }
0x26: {  	v10 =	vld [tilespmem:$0xB0]  }
0x27: {  	v11 =	vld [tilespmem:$0xC0]  }
0x28: {  	v12 =	vld [tilespmem:$0xD0]  }
0x29: {  	v5 =	vld [tilespmem:$0xE0]  }
0x2a: {  	v6 =	vld [tilespmem:$0xF0]  }
0x2b: {  	v16 =	vld [tilespmem:$0x100]  }
0x2c: {  	v17 =	vld [tilespmem:$0x110]  }
0x2d: {  	v18 =	vld [tilespmem:$0x120]  }
0x2e: {  	v19 =	vld [tilespmem:$0x130]  }
0x2f: {  	v20 =	vld [tilespmem:$0x140]  }
0x30: {  	v21 =	vld [tilespmem:$0x150]  }
0x31: {  	v22 =	vld [tilespmem:$0x160]  }
0x32: {  	v23 =	vld [tilespmem:$0x170]  }
0x33: {  	v24 =	vld [tilespmem:$0x180]  }
0x34: {  	v25 =	vld [tilespmem:$0x190]  }
0x35: {  	v26 =	vld [tilespmem:$0x1A0]  }
0x36: {  	v27 =	vld [tilespmem:$0x1B0]  }
0x37: {  	s6 =	sld [smem:$0x7F3];
	v28 =	vld [tilespmem:$0x1C0]  }
0x38: {  	v29 =	vld [tilespmem:$0x1D0]  }
0x39: {  	s1 =	simm.s32 $0x200;
	s7 =	sld [smem:$0x7F4];
	v30 =	vld [tilespmem:$0x1E0]  }
0x3a: {  	v31 =	vld [tilespmem:$0x1F0];
	[tilespmem:s1], [sflag:$0x1] =	stream.linear.gather [hbm4b:s6+s16], $0xA000, $0x38  }
0x3b: {  	s8 =	simm.s32 $0xA200;
	s9 =	simm.s32 $0x1  }
0x3c: {  	[tilespmem:s8], [sflag:$0x2] =	stream.linear.gather [hbm4b:s7+s16], $0xA000, $0x38;
	[tilespmem:$0x14400] =	vst v63  }
0x3d: {  	s10 =	simm.s32 $0x180;
	s11 =	sand.u32 $0xF000, s16;
	_ =	swait.ge [sflag:s9], $0xA000  }
0x3e: {  	s0 =	sor.u32 $0x200, s11;
	s1 =	sand.u32 $0x380, s10;
	[sflag:s9] =	ssyncset.done $0x0  }
0x3f: {  	s1 =	sadd.s32 s1, s0;
	[sflag:s9] =	ssyncadd.s32 $0xFFFF6000  }
0x40: {  	v34 =	vld [tilespmem:s1+$0x0]  }
0x41: {  	v38 =	vld [tilespmem:s1+$0x10]  }
0x42: {  	v40 =	vld [tilespmem:s1+$0x20]  }
0x43: {  	v42 =	vld [tilespmem:s1+$0x30]  }
0x44: {  	v46 =	vld [tilespmem:s1+$0x40]  }
0x45: {  	v47 =	vld [tilespmem:s1+$0x50]  }
0x46: {  	v48 =	vld [tilespmem:s1+$0x60]  }
0x47: {  	v49 =	vld [tilespmem:s1+$0x70]  }
0x48: {  	v50 =	vld [tilespmem:s1+$0x400]  }
0x49: {  	v54 =	vld [tilespmem:s1+$0x410]  }
0x4a: {  	v56 =	vld [tilespmem:s1+$0x420]  }
0x4b: {  	s12 =	sand.u32 $0x7, s16;
	v57 =	vld [tilespmem:s1+$0x430]  }
0x4c: {  	s2 =	sshll.u32 s12, $0x7;
	v58 =	vld [tilespmem:s1+$0x440]  }
0x4d: {  	s2 =	sadd.s32 $0x0, s2;
	v59 =	vld [tilespmem:s1+$0x450]  }
0x4e: {  	s3 =	sadd.s32 $0x180, s2;
	v60 =	vld [tilespmem:s1+$0x460]  }
0x4f: {  	s13 =	sor.u32 $0x800, s3;
	v61 =	vld [tilespmem:s1+$0x470]  }
0x50: {  	s14 =	sor.u32 $0x810, s3;
	v62 =	vld [tilespmem:s13+$0x200]  }
0x51: {  	s15 =	sor.u32 $0x820, s3;
	v63 =	vld [tilespmem:s14+$0x200]  }
0x52: {  	s17 =	sor.u32 $0x830, s3;
	v36 =	vld [tilespmem:s15+$0x200]  }
0x53: {  	s18 =	sor.u32 $0x840, s3;
	v35 =	vld [tilespmem:s17+$0x200]  }
0x54: {  	s19 =	sor.u32 $0x850, s3;
	v39 =	vld [tilespmem:s18+$0x200]  }
0x55: {  	s20 =	sor.u32 $0x860, s3;
	v37 =	vld [tilespmem:s19+$0x200]  }
0x56: {  	s26 =	sor.u32 $0xC40, s3;
	v43 =	vld [tilespmem:s20+$0x200]  }
0x57: {  	s21 =	sor.u32 $0x870, s3;
	v32 =	vld [tilespmem:s26+$0x200]  }
0x58: {  	s22 =	sor.u32 $0xC00, s3;
	v41 =	vld [tilespmem:s21+$0x200]  }
0x59: {  	s23 =	sor.u32 $0xC10, s3;
	v45 =	vld [tilespmem:s22+$0x200]  }
0x5a: {  	s24 =	sor.u32 $0xC20, s3;
	v44 =	vld [tilespmem:s23+$0x200]  }
0x5b: {  	s25 =	sor.u32 $0xC30, s3;
	v52 =	vld [tilespmem:s24+$0x200]  }
0x5c: {  	s5 =	sor.u32 $0xC60, s3;
	v51 =	vld [tilespmem:s25+$0x200];
	[tilespmem:$0x1FDF0] =	vst v32  }
0x5d: {  	v32 =	vld [tilespmem:s5+$0x200];
	_ =	sdelay $0x3  }
0x5e: {  	s2 =	sadd.s32 $0x80, s2;
	s4 =	sor.u32 $0xC50, s3  }
0x5f: {  	s7 =	sor.u32 $0x800, s2;
	v53 =	vld [tilespmem:s4+$0x200];
	[tilespmem:$0x1FE00] =	vst v32  }
0x60: {  	v32 =	vld [tilespmem:s7+$0x200];
	_ =	sdelay $0x3  }
0x61: {  	s6 =	sor.u32 $0xC70, s3  }
0x62: {  	s8 =	sor.u32 $0x810, s2;
	v55 =	vld [tilespmem:s6+$0x200];
	[tilespmem:$0x1FE10] =	vst v32  }
0x63: {  	v32 =	vld [tilespmem:s8+$0x200];
	_ =	sdelay $0x4  }
0x64: {  	s9 =	sor.u32 $0x820, s2;
	[tilespmem:$0x1FE20] =	vst v32  }
0x65: {  	v32 =	vld [tilespmem:s9+$0x200];
	_ =	sdelay $0x4  }
0x66: {  	s10 =	sor.u32 $0x830, s2;
	[tilespmem:$0x1FE30] =	vst v32  }
0x67: {  	v32 =	vld [tilespmem:s10+$0x200];
	_ =	sdelay $0x4  }
0x68: {  	s11 =	sor.u32 $0x840, s2;
	[tilespmem:$0x1FE40] =	vst v32  }
0x69: {  	v32 =	vld [tilespmem:s11+$0x200];
	_ =	sdelay $0x4  }
0x6a: {  	s12 =	sor.u32 $0x850, s2;
	[tilespmem:$0x1FE50] =	vst v32  }
0x6b: {  	v32 =	vld [tilespmem:s12+$0x200];
	_ =	sdelay $0x4  }
0x6c: {  	s13 =	sor.u32 $0x860, s2;
	[tilespmem:$0x1FE60] =	vst v32  }
0x6d: {  	v32 =	vld [tilespmem:s13+$0x200];
	_ =	sdelay $0x4  }
0x6e: {  	s14 =	sor.u32 $0x870, s2;
	[tilespmem:$0x1FE70] =	vst v32  }
0x6f: {  	v32 =	vld [tilespmem:s14+$0x200];
	_ =	sdelay $0x4  }
0x70: {  	s15 =	sor.u32 $0xC00, s2;
	[tilespmem:$0x1FE80] =	vst v32  }
0x71: {  	v32 =	vld [tilespmem:s15+$0x200];
	_ =	sdelay $0x4  }
0x72: {  	s17 =	sor.u32 $0xC10, s2;
	[tilespmem:$0x1FE90] =	vst v32  }
0x73: {  	v32 =	vld [tilespmem:s17+$0x200];
	_ =	sdelay $0x4  }
0x74: {  	s18 =	sor.u32 $0xC20, s2;
	[tilespmem:$0x1FEA0] =	vst v32  }
0x75: {  	v32 =	vld [tilespmem:s18+$0x200];
	_ =	sdelay $0x4  }
0x76: {  	s19 =	sor.u32 $0xC30, s2;
	[tilespmem:$0x1FEB0] =	vst v32  }
0x77: {  	v32 =	vld [tilespmem:s19+$0x200];
	_ =	sdelay $0x4  }
0x78: {  	s4 =	sor.u32 $0xC40, s2;
	[tilespmem:$0x1FEC0] =	vst v32  }
0x79: {  	v32 =	vld [tilespmem:s4+$0x200];
	_ =	sdelay $0x4  }
0x7a: {  	s22 =	sor.u32 $0xC50, s2;
	[tilespmem:$0x1FED0] =	vst v32  }
0x7b: {  	v33 =	vld [tilespmem:s22+$0x200];
	_ =	sdelay $0x4  }
0x7c: {  	s23 =	sor.u32 $0xC60, s2;
	[tilespmem:$0x1FEE0] =	vst v33  }
0x7d: {  	v33 =	vmul.f32 v40, v2;
	v40 =	vld [tilespmem:s23+$0x200]  }
0x7e: {  	s20 =	sand.u32 $0x3, s16  }
0x7f: {  	s21 =	sshll.u32 s20, $0x8  }
0x80: {  	s1 =	sadd.s32 $0x0, s21  }
0x81: {  	s1 =	sadd.s32 $0x100, s1;
	v38 =	vmul.f32 v38, v1;
	v32 =	vmul.f32 v34, v0  }
0x82: {  	s25 =	sor.u32 $0x810, s1;
	[tilespmem:$0x1FEF0] =	vst v40  }
0x83: {  	v32 =	vadd.f32 v38, v32;
	v38 =	vld [tilespmem:s25+$0x200];
	_ =	sdelay $0x2  }
0x84: {  	s2 =	sor.u32 $0xC70, s2  }
0x85: {  	s24 =	sor.u32 $0x800, s1;
	v34 =	vmul.f32 v46, v4;
	v46 =	vld [tilespmem:s2+$0x200]  }
0x86: {  	s4 =	sor.u32 $0x830, s1;
	v40 =	vld [tilespmem:s24+$0x200];
	[tilespmem:$0x1FF00] =	vst v38  }
0x87: {  	v38 =	vld [tilespmem:s4+$0x200];
	_ =	sdelay $0x2  }
0x88: {  	v42 =	vmul.f32 v42, v3  }
0x89: {  	s26 =	sor.u32 $0x820, s1  }
0x8a: {  	s5 =	sor.u32 $0x840, s1;
	v33 =	vadd.f32 v42, v33;
	v42 =	vld [tilespmem:s26+$0x200];
	[tilespmem:$0x1FF10] =	vst v38  }
0x8b: {  	v38 =	vld [tilespmem:s5+$0x200];
	_ =	sdelay $0x4  }
0x8c: {  	s6 =	sor.u32 $0x850, s1;
	[tilespmem:$0x1FF20] =	vst v38  }
0x8d: {  	v38 =	vld [tilespmem:s6+$0x200];
	_ =	sdelay $0x4  }
0x8e: {  	s7 =	sor.u32 $0x860, s1;
	[tilespmem:$0x1FF30] =	vst v38  }
0x8f: {  	v38 =	vld [tilespmem:s7+$0x200];
	_ =	sdelay $0x1  }
0x90: {  	v47 =	vmul.f32 v47, v7;
	_ =	sdelay $0x1  }
0x91: {  	v61 =	vmul.f32 v61, v6;
	v34 =	vadd.f32 v47, v34;
	v47 =	vmul.f32 v60, v5  }
0x92: {  	s8 =	sor.u32 $0x870, s1;
	[tilespmem:$0x1FF40] =	vst v38  }
0x93: {  	v61 =	vadd.f32 v61, v47;
	v47 =	vld [tilespmem:s8+$0x200];
	_ =	sdelay $0x4  }
0x94: {  	s9 =	sor.u32 $0xC00, s1;
	[tilespmem:$0x1FF50] =	vst v47  }
0x95: {  	v32 =	vadd.f32 v33, v32;
	v33 =	vld [tilespmem:s9+$0x200];
	_ =	sdelay $0x2  }
0x96: {  	v48 =	vmul.f32 v48, v13;
	v49 =	vmul.f32 v49, v14  }
0x97: {  	v50 =	vmul.f32 v50, v15;
	v54 =	vmul.f32 v54, v8  }
0x98: {  	v56 =	vmul.f32 v56, v9;
	v57 =	vmul.f32 v57, v10;
	s10 =	sor.u32 $0xC10, s1;
	[tilespmem:$0x1FF60] =	vst v33  }
0x99: {  	v58 =	vmul.f32 v58, v11;
	v59 =	vmul.f32 v59, v12;
	v33 =	vld [tilespmem:s10+$0x200]  }
0x9a: {  	v62 =	vmul.f32 v62, v16;
	v63 =	vmul.f32 v63, v17  }
0x9b: {  	v36 =	vmul.f32 v36, v18;
	v35 =	vmul.f32 v35, v19;
	v48 =	vadd.f32 v49, v48  }
0x9c: {  	v39 =	vmul.f32 v39, v20;
	v54 =	vadd.f32 v54, v50;
	v57 =	vadd.f32 v57, v56  }
0x9d: {  	v37 =	vmul.f32 v37, v21;
	v43 =	vmul.f32 v43, v22;
	v49 =	vld [tilespmem:$0x1FDF0]  }
0x9e: {  	v41 =	vmul.f32 v41, v23;
	s11 =	sor.u32 $0xC20, s1;
	v34 =	vadd.f32 v48, v34;
	v48 =	vadd.f32 v57, v54;
	v57 =	vld [tilespmem:$0x1FE00];
	[tilespmem:$0x1FF70] =	vst v33  }
0x9f: {  	v45 =	vmul.f32 v45, v24;
	v44 =	vmul.f32 v44, v25;
	v33 =	vld [tilespmem:s11+$0x200]  }
0xa0: {  	v51 =	vmul.f32 v51, v27;
	v59 =	vadd.f32 v59, v58;
	v35 =	vadd.f32 v35, v36  }
0xa1: {  	v36 =	vmul.f32 v52, v26;
	v37 =	vadd.f32 v37, v39;
	v41 =	vadd.f32 v41, v43  }
0xa2: {  	v44 =	vadd.f32 v44, v45;
	v53 =	vmul.f32 v53, v29;
	v50 =	vmul.f32 v49, v28  }
0xa3: {  	v36 =	vadd.f32 v51, v36;
	v55 =	vmul.f32 v55, v31;
	v45 =	vld [tilespmem:$0x1FE30];
	v58 =	vmul.f32 v57, v30  }
0xa4: {  	v49 =	vld [tilespmem:$0x1FE40];
	s12 =	sor.u32 $0xC30, s1;
	v54 =	vadd.f32 v61, v59;
	v59 =	vadd.f32 v63, v62;
	[tilespmem:$0x1FF80] =	vst v33  }
0xa5: {  	v39 =	vadd.f32 v53, v50;
	v43 =	vadd.f32 v55, v58;
	v33 =	vld [tilespmem:s12+$0x200]  }
0xa6: {  	v35 =	vadd.f32 v35, v59;
	v59 =	vld [tilespmem:$0x1FE10]  }
0xa7: {  	v36 =	vadd.f32 v36, v44;
	v39 =	vadd.f32 v43, v39;
	v38 =	vld [tilespmem:$0x1FE20]  }
0xa8: {  	v43 =	vld [tilespmem:$0x1FE60]  }
0xa9: {  	v36 =	vadd.f32 v39, v36;
	v39 =	vld [tilespmem:$0x1FE50]  }
0xaa: {  	s13 =	sor.u32 $0xC40, s1;
	v47 =	vmul.f32 v45, v18;
	v45 =	vld [tilespmem:$0x1FE70];
	[tilespmem:$0x1FF90] =	vst v33  }
0xab: {  	v37 =	vadd.f32 v41, v37;
	v33 =	vld [tilespmem:s13+$0x200]  }
0xac: {  	v32 =	vadd.f32 v34, v32;
	v34 =	vmul.f32 v59, v16;
	v41 =	vmul.f32 v38, v17  }
0xad: {  	v50 =	vmul.f32 v49, v19;
	v48 =	vadd.f32 v54, v48;
	v38 =	vld [tilespmem:$0x1FEE0]  }
0xae: {  	v44 =	vmul.f32 v43, v21;
	v34 =	vadd.f32 v41, v34;
	v41 =	vmul.f32 v39, v20;
	v39 =	vld [tilespmem:$0x1FE80]  }
0xaf: {  	v35 =	vadd.f32 v37, v35;
	v37 =	vadd.f32 v50, v47;
	v47 =	vmul.f32 v45, v22;
	v45 =	vld [tilespmem:$0x1FEB0]  }
0xb0: {  	p0 =	por $0x0, $0x0;
	s3 =	simm.s32 $0x1;
	[tilespmem:$0x1FFA0] =	vst v33;
	v33 =	vadd.f32 v48, v32;
	v48 =	vadd.f32 v44, v41;
	v41 =	vld [tilespmem:$0x1FE90]  }
0xb1: {  	s3 =	simm.s32 @!p0 $0x0;
	s14 =	sor.u32 $0xC50, s1;
	v44 =	vld [tilespmem:$0x1FEA0]  }
0xb2: {  	s3 =	sshll.u32 s3, $0x9;
	s15 =	sor.u32 $0xC60, s1;
	v62 =	vld [tilespmem:s14+$0x200]  }
0xb3: {  	s17 =	sadd.s32 $0x0, s3;
	s1 =	sor.u32 $0xC70, s1;
	v63 =	vld [tilespmem:s15+$0x200]  }
0xb4: {  	s3 =	sor.u32 $0x800, s17;
	v61 =	vld [tilespmem:s1+$0x200]  }
0xb5: {  	s18 =	sor.u32 $0x810, s17;
	v60 =	vld [tilespmem:s3+$0x200]  }
0xb6: {  	s19 =	sor.u32 $0x820, s17;
	v57 =	vld [tilespmem:s18+$0x200]  }
0xb7: {  	s20 =	sor.u32 $0x830, s17;
	v58 =	vld [tilespmem:s19+$0x200]  }
0xb8: {  	s21 =	sor.u32 $0x840, s17;
	v56 =	vld [tilespmem:s20+$0x200]  }
0xb9: {  	s22 =	sor.u32 $0x850, s17;
	v59 =	vld [tilespmem:s21+$0x200]  }
0xba: {  	s23 =	sor.u32 $0x860, s17;
	v52 =	vld [tilespmem:s22+$0x200]  }
0xbb: {  	s24 =	sor.u32 $0x870, s17;
	v32 =	vmul.f32 v39, v23;
	v53 =	vld [tilespmem:s23+$0x200]  }
0xbc: {  	v55 =	vld [tilespmem:s24+$0x200]  }
0xbd: {  	v35 =	vadd.f32 v36, v35;
	v36 =	vadd.f32 v32, v47;
	v47 =	vld [tilespmem:$0x1FEC0]  }
0xbe: {  	s25 =	sor.u32 $0xC00, s17;
	v43 =	vmul.f32 v41, v24;
	v41 =	vld [tilespmem:$0x1FEF0]  }
0xbf: {  	s26 =	sor.u32 $0xC10, s17;
	v51 =	vld [tilespmem:s25+$0x200]  }
0xc0: {  	s4 =	sor.u32 $0xC20, s17;
	v54 =	vld [tilespmem:s26+$0x200];
	v33 =	vadd.f32 v35, v33  }
0xc1: {  	v39 =	vadd.f32 v37, v34;
	v34 =	vmul.f32 v45, v26;
	v50 =	vld [tilespmem:s4+$0x200];
	v32 =	vmul.f32 v44, v25  }
0xc2: {  	s5 =	sor.u32 $0xC30, s17;
	[tilespmem:$0x1FFB0] =	vst v33;
	v36 =	vadd.f32 v36, v48;
	v48 =	vld [tilespmem:$0x1FED0];
	v33 =	vmul.f32 v38, v29;
	v35 =	vmul.f32 v47, v27  }
0xc3: {  	v49 =	vld [tilespmem:s5+$0x200];
	v38 =	vadd.f32 v32, v43;
	v43 =	vmul.f32 v46, v31;
	v37 =	vmul.f32 v41, v30  }
0xc4: {  	v39 =	vadd.f32 v36, v39;
	v36 =	vmul.f32 v40, v16;
	v40 =	vld [tilespmem:$0x1FF10]  }
0xc5: {  	v34 =	vadd.f32 v35, v34;
	v32 =	vadd.f32 v43, v37;
	v37 =	vld [tilespmem:$0x1FF00]  }
0xc6: {  	s8 =	simm.s32 $0x0;
	v41 =	vld [tilespmem:$0x1FF20]  }
0xc7: {  	s9 =	sor.u32 $0xC60, s17;
	s10 =	sand.u32 $0x200, s8;
	v48 =	vmul.f32 v48, v28;
	v38 =	vadd.f32 v34, v38;
	v34 =	vmul.f32 v42, v18;
	v42 =	vld [tilespmem:$0x1FF30]  }
0xc8: {  	s1 =	sadd.s32 s10, s0;
	v45 =	vld [tilespmem:s9+$0x200]  }
0xc9: {  	s6 =	sor.u32 $0xC40, s17;
	v44 =	vld [tilespmem:s1+$0x0];
	v33 =	vadd.f32 v33, v48  }
0xca: {  	s7 =	sor.u32 $0xC50, s17;
	v47 =	vld [tilespmem:s6+$0x200];
	v37 =	vmul.f32 v37, v17  }
0xcb: {  	s2 =	sor.u32 $0xC70, s17;
	v46 =	vld [tilespmem:s7+$0x200];
	v35 =	vadd.f32 v32, v33;
	v33 =	vmul.f32 v40, v19  }
0xcc: {  	v48 =	vld [tilespmem:s2+$0x200];
	v32 =	vmul.f32 v42, v21;
	v36 =	vadd.f32 v37, v36;
	v37 =	vmul.f32 v41, v20  }
0xcd: {  	v40 =	vld [tilespmem:$0x1FF50];
	v33 =	vadd.f32 v33, v34  }
0xce: {  	v34 =	vadd.f32 v35, v38;
	v38 =	vadd.f32 v32, v37;
	v37 =	vld [tilespmem:$0x1FF40]  }
0xcf: {  	v43 =	vld [tilespmem:s1+$0x10]  }
0xd0: {  	v42 =	vld [tilespmem:s1+$0x20]  }
0xd1: {  	v41 =	vld [tilespmem:s1+$0x30]  }
0xd2: {  	v36 =	vadd.f32 v33, v36;
	v32 =	vld [tilespmem:$0x1FF70]  }
0xd3: {  	v35 =	vmul.f32 v37, v22;
	v37 =	vmul.f32 v40, v23;
	v40 =	vld [tilespmem:s1+$0x40]  }
0xd4: {  	[tilespmem:$0x1FFD0] =	vst v36;
	v36 =	vld [tilespmem:$0x1FF60]  }
0xd5: {  	v34 =	vadd.f32 v34, v39  }
0xd6: {  	v33 =	vld [tilespmem:s1+$0x50]  }
0xd7: {  	[tilespmem:$0x1FFC0] =	vst v34;
	v34 =	vadd.f32 v37, v35;
	v37 =	vld [tilespmem:$0x1FF80];
	_ =	sdelay $0x1  }
0xd8: {  	v32 =	vmul.f32 v32, v25;
	v39 =	vld [tilespmem:s1+$0x60];
	v36 =	vmul.f32 v36, v24  }
0xd9: {  	v60 =	vmul.f32 v60, v16;
	v34 =	vadd.f32 v34, v38;
	v38 =	vld [tilespmem:$0x1FFA0]  }
0xda: {  	v57 =	vmul.f32 v57, v17;
	v58 =	vmul.f32 v58, v18;
	v32 =	vadd.f32 v32, v36;
	v36 =	vld [tilespmem:$0x1FF90]  }
0xdb: {  	v56 =	vmul.f32 v56, v19;
	v35 =	vmul.f32 v37, v26;
	v37 =	vld [tilespmem:s1+$0x70];
	[tilespmem:$0x1FFE0] =	vst v34  }
0xdc: {  	s11 =	simm.s32 $0x80;
	v53 =	vmul.f32 v53, v22;
	v55 =	vmul.f32 v55, v23;
	v34 =	vld [tilespmem:s1+$0x400]  }
0xdd: {  	v50 =	vmul.f32 v50, v26;
	v57 =	vadd.f32 v57, v60;
	v49 =	vmul.f32 v49, v27;
	s2 =	sand.u32 $0x280, s11;
	v60 =	vld [tilespmem:s1+$0x440]  }
0xde: {  	v56 =	vadd.f32 v56, v58;
	v45 =	vmul.f32 v45, v30;
	s2 =	sadd.s32 s2, s0;
	v47 =	vmul.f32 v47, v28;
	v58 =	vld [tilespmem:s1+$0x460]  }
0xdf: {  	v53 =	vadd.f32 v55, v53;
	v46 =	vmul.f32 v46, v29;
	v48 =	vmul.f32 v48, v31;
	v55 =	vld [tilespmem:s2+$0x0]  }
0xe0: {  	v44 =	vmul.f32 v44, v0;
	v49 =	vadd.f32 v49, v50;
	v50 =	vld [tilespmem:s2+$0x30]  }
0xe1: {  	v46 =	vadd.f32 v46, v47;
	v43 =	vmul.f32 v43, v1;
	v45 =	vadd.f32 v48, v45;
	v47 =	vld [tilespmem:s2+$0x40]  }
0xe2: {  	v42 =	vmul.f32 v42, v2;
	v41 =	vmul.f32 v41, v3;
	v48 =	vld [tilespmem:s2+$0x50]  }
0xe3: {  	v45 =	vadd.f32 v45, v46;
	v40 =	vmul.f32 v40, v4;
	v33 =	vmul.f32 v33, v7;
	v46 =	vld [tilespmem:s2+$0x70]  }
0xe4: {  	v43 =	vadd.f32 v43, v44;
	v41 =	vadd.f32 v41, v42;
	v42 =	vld [tilespmem:s2+$0x400]  }
0xe5: {  	v33 =	vadd.f32 v33, v40;
	v40 =	vld [tilespmem:s2+$0x410];
	v36 =	vmul.f32 v36, v27  }
0xe6: {  	v62 =	vmul.f32 v62, v29;
	v61 =	vmul.f32 v61, v31;
	v41 =	vadd.f32 v41, v43;
	v43 =	vld [tilespmem:s2+$0x420]  }
0xe7: {  	v38 =	vmul.f32 v38, v28;
	v35 =	vadd.f32 v36, v35;
	v36 =	vmul.f32 v63, v30;
	v63 =	vld [tilespmem:s1+$0x410]  }
0xe8: {  	v56 =	vadd.f32 v56, v57;
	v44 =	vld [tilespmem:s2+$0x430]  }
0xe9: {  	v57 =	vld [tilespmem:s2+$0x450];
	v38 =	vadd.f32 v62, v38;
	v36 =	vadd.f32 v61, v36  }
0xea: {  	v39 =	vmul.f32 v39, v13;
	v62 =	vld [tilespmem:s1+$0x420];
	v37 =	vmul.f32 v37, v14;
	v35 =	vadd.f32 v35, v32  }
0xeb: {  	v61 =	vld [tilespmem:s1+$0x430];
	v32 =	vmul.f32 v59, v20;
	v36 =	vadd.f32 v36, v38;
	v38 =	vmul.f32 v52, v21  }
0xec: {  	v34 =	vmul.f32 v34, v15;
	v37 =	vadd.f32 v37, v39;
	v52 =	vld [tilespmem:s1+$0x450];
	v63 =	vmul.f32 v63, v8  }
0xed: {  	v32 =	vadd.f32 v38, v32;
	v38 =	vmul.f32 v51, v24;
	v51 =	vmul.f32 v54, v25;
	v54 =	vld [tilespmem:s1+$0x470]  }
0xee: {  	s12 =	simm.s32 $0x100;
	v34 =	vadd.f32 v63, v34;
	v63 =	vmul.f32 v60, v11;
	v60 =	vmul.f32 v58, v5;
	v58 =	vld [tilespmem:s2+$0x460]  }
0xef: {  	v33 =	vadd.f32 v37, v33;
	s1 =	sand.u32 $0x300, s12;
	v38 =	vadd.f32 v51, v38;
	v51 =	vld [tilespmem:s2+$0x10]  }
0xf0: {  	v43 =	vmul.f32 v43, v9;
	v44 =	vmul.f32 v44, v10;
	s0 =	sadd.s32 s1, s0;
	v32 =	vadd.f32 v53, v32;
	v53 =	vld [tilespmem:s2+$0x20]  }
0xf1: {  	v33 =	vadd.f32 v33, v41;
	v41 =	vld [tilespmem:s0+$0x40]  }
0xf2: {  	v43 =	vadd.f32 v44, v43;
	v44 =	vld [tilespmem:s0+$0x420]  }
0xf3: {  	v38 =	vadd.f32 v49, v38;
	v49 =	vld [tilespmem:s2+$0x60]  }
0xf4: {  	v32 =	vadd.f32 v32, v56;
	v56 =	vld [tilespmem:s2+$0x440];
	v54 =	vmul.f32 v54, v6  }
0xf5: {  	v39 =	vmul.f32 v62, v9;
	v62 =	vmul.f32 v61, v10;
	v38 =	vadd.f32 v45, v38;
	v45 =	vld [tilespmem:s2+$0x470]  }
0xf6: {  	v50 =	vmul.f32 v50, v3;
	v37 =	vadd.f32 v54, v60;
	v54 =	vld [tilespmem:s0+$0x0]  }
0xf7: {  	v52 =	vmul.f32 v52, v12;
	v39 =	vadd.f32 v62, v39;
	v62 =	vmul.f32 v53, v2;
	v53 =	vld [tilespmem:s0+$0x10]  }
0xf8: {  	v61 =	vmul.f32 v55, v0;
	v51 =	vmul.f32 v51, v1;
	v60 =	vld [tilespmem:s0+$0x60]  }
0xf9: {  	v47 =	vmul.f32 v47, v4;
	v32 =	vadd.f32 v38, v32;
	v38 =	vadd.f32 v52, v63;
	v52 =	vld [tilespmem:$0x1FFB0]  }
0xfa: {  	v48 =	vmul.f32 v48, v7;
	v34 =	vadd.f32 v39, v34;
	v63 =	vadd.f32 v51, v61;
	v51 =	vld [tilespmem:s0+$0x20]  }
0xfb: {  	v40 =	vmul.f32 v40, v8;
	v39 =	vadd.f32 v50, v62;
	v50 =	vld [tilespmem:s0+$0x30];
	v37 =	vadd.f32 v37, v38  }
0xfc: {  	v59 =	vmul.f32 v42, v15;
	v61 =	vld [tilespmem:s0+$0x70];
	v62 =	vmul.f32 v56, v11  }
0xfd: {  	v56 =	vld [tilespmem:s0+$0x400];
	v38 =	vadd.f32 v39, v63;
	v63 =	vmul.f32 v57, v12;
	v34 =	vadd.f32 v37, v34  }
0xfe: {  	v39 =	vld [tilespmem:s0+$0x50];
	v57 =	vmul.f32 v58, v5;
	v45 =	vmul.f32 v45, v6  }
0xff: {  	s31 =	simm.s32 $0x800;
	s14 =	simm.s32 $0x2;
	v46 =	vmul.f32 v46, v14;
	v55 =	vmul.f32 v49, v13;
	v58 =	vld [tilespmem:s0+$0x410];
	v33 =	vadd.f32 v34, v33  }
0x100: {  	s17 =	sand.u32 $0xF000, s31;
	s1 =	simm.s32 $0x380;
	v34 =	vadd.f32 v40, v59;
	v40 =	vadd.f32 v45, v57;
	v45 =	vld [tilespmem:s0+$0x430];
	[dreg:$0x5] =	wrdreg s14  }
0x101: {  	s13 =	simm.s32 $0x2;
	s10 =	sor.u32 $0x200, s17;
	v47 =	vadd.f32 v48, v47;
	s18 =	sand.u32 $0x380, s1;
	v37 =	vadd.f32 v46, v55;
	v48 =	vld [tilespmem:s0+$0x440]  }
0x102: {  	s11 =	sadd.s32 s18, s10;
	s2 =	sand.u32 $0x3, s13;
	v55 =	vld [tilespmem:s0+$0x460]  }
0x103: {  	s2 =	sshll.u32 s2, $0x8;
	v37 =	vadd.f32 v37, v47;
	v57 =	vld [tilespmem:s11+$0x10];
	v32 =	vadd.f32 v32, v33  }
0x104: {  	s2 =	sadd.s32 $0x800, s2;
	v33 =	vadd.f32 v63, v62;
	v62 =	vmul.f32 v54, v0;
	v63 =	vmul.f32 v53, v1;
	v53 =	vld [tilespmem:s0+$0x450]  }
0x105: {  	s12 =	sadd.s32 $0x100, s2;
	v59 =	vmul.f32 v39, v7;
	v39 =	vld [tilespmem:s0+$0x470]  }
0x106: {  	s2 =	sor.u32 $0x820, s12;
	v37 =	vadd.f32 v37, v38;
	v38 =	vadd.f32 v63, v62;
	v63 =	vld [tilespmem:s11+$0x0]  }
0x107: {  	s21 =	sor.u32 $0x830, s12;
	v46 =	vmul.f32 v61, v14;
	v61 =	vmul.f32 v45, v10;
	v45 =	vld [tilespmem:s11+$0x20];
	[smem:$0x7F2] =	sst s2  }
0x108: {  	s22 =	sor.u32 $0x860, s12;
	[dreg:$0x1f] =	wrdreg s21  }
0x109: {  	p0 =	por !p0, !p0;
	s23 =	sor.u32 $0xC00, s12;
	v62 =	vmul.f32 v48, v11;
	v48 =	vld [tilespmem:s11+$0x30];
	[dreg:$0x1d] =	wrdreg s22  }
0x10a: {  	s15 =	simm.s32 $0x4;
	s24 =	sor.u32 $0xC10, s12;
	(xrf2) =	vadd.scan.msk.f32 $0xffff, v52;
	v52 =	vld [tilespmem:s11+$0x40];
	[dreg:$0x1e] =	wrdreg s23  }
0x10b: {  	s3 =	simm.s32 $0x1;
	v41 =	vmul.f32 v41, v4;
	s25 =	sor.u32 $0xC20, s12;
	v42 =	vmul.f32 v60, v13;
	[dreg:$0x1b] =	wrdreg s24  }
0x10c: {  	s19 =	simm.s32 $0x200;
	s26 =	sor.u32 $0xC30, s12;
	v60 =	vmul.f32 v44, v9;
	v33 =	vadd.f32 v40, v33;
	v40 =	vmul.f32 v53, v12;
	v44 =	vld [tilespmem:s11+$0x50];
	[dreg:$0x1c] =	wrdreg s25  }
0x10d: {  	s20 =	simm.s32 $0x280;
	s4 =	simm.s32 $0x4;
	v50 =	vmul.f32 v50, v3;
	v34 =	vadd.f32 v43, v34;
	v54 =	vmul.f32 v51, v2;
	[dreg:$0x1a] =	wrdreg s26  }
0x10e: {  	s3 =	simm.s32 @!p0 $0x0;
	s18 =	sor.u32 $0xC40, s12;
	v42 =	vadd.f32 v46, v42;
	v47 =	vmul.f32 v55, v5;
	v55 =	vadd.f32 v40, v62;
	v40 =	vld [tilespmem:s11+$0x60];
	[dreg:$0x4] =	wrdreg s4  }
0x10f: {  	s0 =	sand.u32 $0x200, s19;
	s19 =	sor.u32 $0xC50, s12;
	v33 =	vadd.f32 v33, v34;
	v34 =	vadd.f32 v59, v41;
	[dreg:$0x19] =	wrdreg s18  }
0x110: {  	s17 =	sand.u32 $0x7, s15;
	s3 =	sshll.u32 s3, $0x9;
	v43 =	vadd.f32 v50, v54;
	[dreg:$0x15] =	wrdreg s19  }
0x111: {  	s15 =	sshll.u32 s17, $0x7;
	s13 =	sand.u32 $0x280, s20;
	s20 =	sor.u32 $0xC60, s12;
	v34 =	vadd.f32 v42, v34;
	v42 =	vld [tilespmem:s11+$0x70]  }
0x112: {  	s3 =	sadd.s32 $0x800, s3;
	s21 =	sor.u32 $0xC70, s12;
	v38 =	vadd.f32 v43, v38;
	v43 =	vld [tilespmem:s11+$0x400];
	[dreg:$0x17] =	wrdreg s20  }
0x113: {  	s5 =	simm.s32 $0x300;
	s9 =	sor.u32 $0x810, s12;
	v49 =	vmul.f32 v58, v8;
	v41 =	vmul.f32 v56, v15;
	[dreg:$0x14] =	wrdreg s21  }
0x114: {  	s8 =	sor.u32 $0x840, s12;
	s6 =	sor.u32 $0x850, s12;
	v39 =	vmul.f32 v39, v6;
	s23 =	sor.u32 $0x800, s3;
	v51 =	vld [tilespmem:s11+$0x410]  }
0x115: {  	s7 =	sor.u32 $0x870, s12;
	s24 =	sor.u32 $0x810, s3;
	v54 =	vadd.f32 v49, v41;
	v49 =	vld [tilespmem:s11+$0x420];
	[dreg:$0x18] =	wrdreg s23  }
0x116: {  	s14 =	sand.u32 $0x300, s5;
	s25 =	sor.u32 $0x820, s3;
	v39 =	vadd.f32 v39, v47;
	v47 =	vld [tilespmem:s11+$0x430];
	[dreg:$0x16] =	wrdreg s24  }
0x117: {  	s5 =	sor.u32 $0x800, s12;
	v53 =	vld [tilespmem:$0x1FFC0];
	v33 =	vadd.f32 v33, v37;
	v37 =	vadd.f32 v61, v60;
	s26 =	sor.u32 $0x830, s3;
	[dreg:$0x13] =	wrdreg s25  }
0x118: {  	s29 =	sadd.s32 s14, s10;
	s14 =	sor.u32 $0x840, s3;
	[dreg:$0x12] =	wrdreg s26  }
0x119: {  	(xrf2) =	vadd.scan.msk.f32 $0xffff, v32;
	s12 =	sadd.s32 $0x800, s15;
	s15 =	sor.u32 $0x850, s3;
	v32 =	vadd.f32 v37, v54;
	v54 =	vld [tilespmem:s11+$0x440];
	[dreg:$0x11] =	wrdreg s14  }
0x11a: {  	s17 =	sor.u32 $0x860, s3;
	[dreg:$0x10] =	wrdreg s15  }
0x11b: {  	v58 =	vld [tilespmem:$0x1FFE0];
	[dreg:$0xf] =	wrdreg s17  }
0x11c: {  	v33 =	vadd.f32 v53, v33;
	v59 =	vld [tilespmem:s11+$0x450]  }
0x11d: {  	v56 =	vld [tilespmem:$0x1FFD0]  }
0x11e: {  	s18 =	sor.u32 $0x870, s3;
	(xrf2) =	vadd.scan.msk.f32 $0xffff, v33  }
0x11f: {  	s2 =	sadd.s32 s0, s10;
	s19 =	sor.u32 $0xC00, s3;
	[dreg:$0xe] =	wrdreg s18  }
0x120: {  	s0 =	sadd.s32 s13, s10;
	s20 =	sor.u32 $0xC10, s3;
	v33 =	vadd.f32 v39, v55;
	[dreg:$0xd] =	wrdreg s19  }
0x121: {  	v35 =	vadd.f32 v36, v35;
	s22 =	simm.s32 $0x1;
	v34 =	vadd.f32 v34, v38;
	s21 =	sor.u32 $0xC20, s3;
	[dreg:$0xa] =	wrdreg s20;
	[tilespmem:$0x1FFF0] =	vst v59  }
0x122: {  	s13 =	simm.s32 $0x2;
	v60 =	vmov s22;
	s22 =	sor.u32 $0xC30, s3;
	v37 =	vadd.f32 v58, v56;
	v32 =	vadd.f32 v33, v32;
	v50 =	vld [tilespmem:s11+$0x460];
	[dreg:$0xb] =	wrdreg s21  }
0x123: {  	s10 =	sadd.s32 $0x180, s12;
	v62 =	vmov s16;
	v38 =	vmov s13;
	s23 =	sor.u32 $0xC40, s3;
	[dreg:$0x9] =	wrdreg s22  }
0x124: {  	s13 =	simm.s32 $0x3;
	s24 =	sor.u32 $0xC50, s3;
	v35 =	vadd.f32 v35, v37;
	v37 =	vand.u32 $0xFFFFFFFC, v62;
	v32 =	vadd.f32 v32, v34;
	v58 =	vld [tilespmem:s11+$0x470];
	[dreg:$0xc] =	wrdreg s23  }
0x125: {  	v36 =	vand.u32 $0xFFFFFFFD, v60;
	s25 =	sor.u32 $0x800, s10;
	s26 =	sor.u32 $0xC60, s3;
	v62 =	vmov s13;
	v56 =	vbroadcast v37, $0x0;
	[dreg:$0x7] =	wrdreg s24  }
0x126: {  	v61, _, _ =	vpop (xrf2);
	v60 =	vbroadcast v36, $0x0;
	s3 =	sor.u32 $0xC70, s3;
	v32 =	vadd.f32 v35, v32;
	v34 =	vld [tilespmem:s25+$0x200];
	[dreg:$0x8] =	wrdreg s26  }
0x127: {  	v41, _, _ =	vpop (xrf2);
	s11 =	sor.u32 $0x810, s10;
	[dreg:$0x6] =	wrdreg s3  }
0x128: {  	v53 =	vbroadcast v61, $0xF;
	s14 =	sor.u32 $0x820, s10;
	v35 =	vld [tilespmem:s11+$0x200];
	v46, _, _ =	vpop (xrf2);
	(xrf2) =	vadd.scan.msk.f32 $0xffff, v32  }
0x129: {  	v63 =	vmul.f32 v63, v0;
	s15 =	sor.u32 $0x830, s10;
	v59 =	vbroadcast v41, $0xF;
	s23 =	simm.s32 $0x14200;
	v36 =	vld [tilespmem:s14+$0x200]  }
0x12a: {  	s16 =	sor.u32 $0x840, s10;
	s17 =	sor.u32 $0x850, s10;
	v33 =	vmul.f32 v48, v3;
	s21 =	sadd.s32 $0x80, s12;
	v37 =	vld [tilespmem:s15+$0x200];
	[tilespmem:v62+s23+$0x0] =	vst.idx.msk $0x1, v53;
	v61 =	vbroadcast v46, $0xF  }
0x12b: {  	v55 =	vand.u32 $0xFFFFFFFE, v38;
	s19 =	sor.u32 $0x860, s10;
	v48 =	vmul.f32 v42, v14;
	v51 =	vmul.f32 v51, v8;
	s22 =	sor.u32 $0x870, s10;
	s18 =	sor.u32 $0x800, s21;
	v38 =	vld [tilespmem:s16+$0x200];
	[tilespmem:v56+s23+$0x0] =	vst.idx.msk $0x1, v59  }
0x12c: {  	v49 =	vmul.f32 v49, v9;
	v41 =	vmul.f32 v52, v4;
	s20 =	sor.u32 $0x820, s21;
	s12 =	sor.u32 $0x850, s21;
	s13 =	sor.u32 $0x870, s21;
	v39 =	vld [tilespmem:s17+$0x200];
	[tilespmem:v60+s23+$0x0] =	vst.idx.msk $0x1, v61  }
0x12d: {  	v52 =	vmul.f32 v54, v11;
	s30 =	sor.u32 $0xC20, s21;
	s28 =	sor.u32 $0xC70, s21;
	s24 =	sor.u32 $0xC20, s10;
	v32 =	vbroadcast v55, $0x0;
	v62 =	vld [tilespmem:$0x1FFF0]  }
0x12e: {  	s26 =	sor.u32 $0x840, s21;
	s3 =	sor.u32 $0x860, s21;
	s25 =	sor.u32 $0xC00, s21;
	v42 =	vld [tilespmem:s22+$0x200];
	v55 =	vmul.f32 v57, v1;
	v57 =	vmul.f32 v45, v2  }
0x12f: {  	s14 =	sor.u32 $0x810, s21;
	s11 =	sor.u32 $0x830, s21;
	s22 =	sor.u32 $0xC10, s10;
	v45 =	vmul.f32 v44, v7;
	v44 =	vmul.f32 v40, v13;
	v40 =	vld [tilespmem:s19+$0x200]  }
0x130: {  	s15 =	sor.u32 $0xC10, s21;
	s16 =	sor.u32 $0xC30, s21;
	s17 =	sor.u32 $0xC00, s10;
	v53 =	vmul.f32 v47, v10;
	v47 =	vld [tilespmem:s22+$0x200];
	v46 =	vmul.f32 v43, v15  }
0x131: {  	s19 =	sor.u32 $0xC50, s21;
	s22 =	simm.s32 $0x4;
	v43 =	vld [tilespmem:s17+$0x200];
	s17 =	sor.u32 $0xC40, s21;
	v54 =	vmul.f32 v50, v5;
	v58 =	vmul.f32 v58, v6  }
0x132: {  	v50 =	vld [tilespmem:s24+$0x200];
	s24 =	sor.u32 $0xC30, s10;
	v55 =	vadd.f32 v55, v63;
	v57 =	vadd.f32 v33, v57;
	s23 =	sor.u32 $0xC60, s21;
	s21 =	simm.s32 $0x8;
	v56 =	vmul.f32 v62, v12;
	v33, _, _ =	vpop (xrf2)  }
.LBB2_2:
0x133: {  	v59 =	vld [tilespmem:s24+$0x200]  }
0x134: {  	s4 =	sor.u32 $0xC40, s10;
	v63 =	vld [tilespmem:s18+$0x200]  }
0x135: {  	v41 =	vadd.f32 v45, v41;
	v45 =	vld [tilespmem:s4+$0x200]  }
0x136: {  	v54 =	vadd.f32 v58, v54;
	v58 =	vld [tilespmem:s14+$0x200]  }
0x137: {  	s4 =	sor.u32 $0xC50, s10;
	v55 =	vadd.f32 v57, v55;
	v57 =	vld [tilespmem:s3+$0x200]  }
0x138: {  	v44 =	vadd.f32 v48, v44;
	v39 =	vmul.f32 v39, v21;
	v46 =	vadd.f32 v51, v46;
	v60 =	vld [tilespmem:s4+$0x200];
	s4 =	sor.u32 $0xC60, s10  }
0x139: {  	v49 =	vadd.f32 v53, v49;
	v52 =	vadd.f32 v56, v52;
	v40 =	vmul.f32 v40, v22;
	v61 =	vld [tilespmem:s4+$0x200]  }
0x13a: {  	v42 =	vmul.f32 v42, v23;
	v47 =	vmul.f32 v47, v25;
	v41 =	vadd.f32 v44, v41;
	v44 =	vld [tilespmem:s20+$0x200]  }
0x13b: {  	s4 =	sor.u32 $0xC70, s10;
	v46 =	vadd.f32 v49, v46;
	v49 =	vadd.f32 v54, v52;
	v52 =	vld [tilespmem:s11+$0x200];
	v34 =	vmul.f32 v34, v16  }
0x13c: {  	v35 =	vmul.f32 v35, v17;
	v36 =	vmul.f32 v36, v18;
	v62 =	vld [tilespmem:s4+$0x200]  }
0x13d: {  	v37 =	vmul.f32 v37, v19;
	v38 =	vmul.f32 v38, v20;
	v41 =	vadd.f32 v41, v55;
	v55 =	vld [tilespmem:s16+$0x200]  }
0x13e: {  	v43 =	vmul.f32 v43, v24;
	v50 =	vmul.f32 v50, v26;
	v46 =	vadd.f32 v49, v46;
	v49 =	vld [tilespmem:s5+$0x200]  }
0x13f: {  	v59 =	vmul.f32 v59, v27;
	v56 =	vmul.f32 v58, v17;
	v58 =	vld [tilespmem:s13+$0x200]  }
0x140: {  	v38 =	vadd.f32 v39, v38;
	v54 =	vmul.f32 v57, v22;
	v57 =	vld [tilespmem:s17+$0x200];
	v48 =	vmul.f32 v60, v29  }
0x141: {  	v60 =	vadd.f32 v37, v36;
	v36 =	vld [tilespmem:s26+$0x200];
	v51 =	vmul.f32 v61, v30;
	v61 =	vmul.f32 v62, v31  }
0x142: {  	v45 =	vmul.f32 v45, v28;
	v43 =	vadd.f32 v47, v43;
	v62 =	vadd.f32 v42, v40;
	v42 =	vld [tilespmem:s12+$0x200]  }
0x143: {  	v40 =	vmul.f32 v63, v16;
	v63 =	vadd.f32 v59, v50;
	v37 =	vadd.f32 v61, v51;
	v61 =	vld [tilespmem:s25+$0x200]  }
0x144: {  	v33 =	vbroadcast v33, $0xF;
	v34 =	vadd.f32 v35, v34;
	v59 =	vadd.f32 v62, v38;
	v62 =	vld [tilespmem:s15+$0x200]  }
0x145: {  	s14 =	simm.s32 $0x14200;
	s20 =	sld [smem:$0x7F2];
	v45 =	vadd.f32 v48, v45;
	v43 =	vadd.f32 v63, v43;
	v63 =	vld [tilespmem:s30+$0x200]  }
0x146: {  	s4 =	rddreg [dreg:$0x1e];
	v34 =	vadd.f32 v60, v34;
	v51 =	vld [tilespmem:s9+$0x200];
	[tilespmem:v32+s14+$0x0] =	vst.idx.msk $0x1, v33  }
0x147: {  	v40 =	vadd.f32 v56, v40;
	v56 =	vmul.f32 v58, v23;
	v48 =	vld [tilespmem:s4+$0x200];
	v37 =	vadd.f32 v37, v45  }
0x148: {  	v44 =	vmul.f32 v44, v18;
	v60 =	vmul.f32 v52, v19;
	v34 =	vadd.f32 v59, v34;
	v59 =	vld [tilespmem:s19+$0x200]  }
0x149: {  	v52 =	vadd.f32 v37, v43;
	v37 =	vadd.f32 v56, v54;
	v54 =	vld [tilespmem:s20+$0x200]  }
0x14a: {  	v38 =	vadd.f32 v60, v44;
	v58 =	vmul.f32 v61, v24;
	v61 =	vld [tilespmem:s23+$0x200]  }
0x14b: {  	s4 =	rddreg [dreg:$0x1c];
	v60 =	vmul.f32 v62, v25;
	v62 =	vmul.f32 v63, v26;
	v63 =	vld [tilespmem:s28+$0x200]  }
0x14c: {  	v38 =	vadd.f32 v38, v40;
	s23 =	rddreg [dreg:$0x1f];
	v40 =	vmul.f32 v51, v17;
	v51 =	vld [tilespmem:s4+$0x200]  }
0x14d: {  	v36 =	vmul.f32 v36, v20;
	v42 =	vmul.f32 v42, v21;
	v56 =	vld [tilespmem:s23+$0x200]  }
0x14e: {  	v50 =	vmul.f32 v57, v28;
	v43 =	vmul.f32 v55, v27;
	v35 =	vadd.f32 v60, v58;
	v58 =	vld [tilespmem:s8+$0x200]  }
0x14f: {  	s24 =	rddreg [dreg:$0x1d];
	v36 =	vadd.f32 v42, v36;
	v34 =	vadd.f32 v52, v34;
	v52 =	vmul.f32 v59, v29;
	v60 =	vld [tilespmem:s6+$0x200]  }
0x150: {  	s26 =	rddreg [dreg:$0x1b];
	v53 =	vadd.f32 v43, v62;
	v62 =	vld [tilespmem:s7+$0x200]  }
0x151: {  	v36 =	vadd.f32 v37, v36;
	s6 =	rddreg [dreg:$0x1a];
	v32 =	vadd.f32 v52, v50;
	v50 =	vld [tilespmem:s26+$0x200]  }
0x152: {  	v41 =	vadd.f32 v46, v41;
	s7 =	rddreg [dreg:$0x19];
	v33 =	vadd.f32 v53, v35;
	v53 =	vld [tilespmem:s6+$0x200]  }
0x153: {  	s10 =	rddreg [dreg:$0x14];
	v36 =	vadd.f32 v36, v38;
	v38 =	vmul.f32 v54, v18;
	v54 =	vld [tilespmem:s7+$0x200]  }
0x154: {  	s8 =	rddreg [dreg:$0x15];
	v34 =	vadd.f32 v34, v41;
	v55 =	vmul.f32 v61, v30;
	v61 =	vld [tilespmem:s24+$0x200]  }
0x155: {  	s9 =	rddreg [dreg:$0x17];
	v57 =	vmul.f32 v63, v31;
	v63 =	vmul.f32 v56, v19;
	v56 =	vld [tilespmem:s8+$0x200]  }
0x156: {  	s11 =	rddreg [dreg:$0x18];
	(xrf2) =	vadd.scan.msk.f32 $0xffff, v34;
	v34 =	vmul.f32 v58, v20;
	v58 =	vld [tilespmem:s9+$0x200]  }
0x157: {  	s12 =	rddreg [dreg:$0x16];
	v43 =	vmul.f32 v62, v23;
	v62 =	vld [tilespmem:s11+$0x200]  }
0x158: {  	s15 =	rddreg [dreg:$0x12];
	v59 =	vmul.f32 v49, v16;
	v39 =	vadd.f32 v57, v55;
	v55 =	vmul.f32 v48, v24;
	v48 =	vld [tilespmem:s12+$0x200]  }
0x159: {  	s13 =	rddreg [dreg:$0x13];
	v37 =	vmul.f32 v60, v21;
	v60 =	vmul.f32 v51, v26;
	v51 =	vld [tilespmem:s15+$0x200]  }
0x15a: {  	s5 =	rddreg [dreg:$0x4];
	v38 =	vadd.f32 v63, v38;
	v57 =	vmul.f32 v50, v25;
	v63 =	vmul.f32 v53, v27;
	v50 =	vld [tilespmem:s13+$0x200]  }
0x15b: {  	s25 =	sadd.s32 $0x3, s5;
	s23 =	rddreg [dreg:$0xa];
	v35 =	vadd.f32 v40, v59;
	v32 =	vadd.f32 v39, v32;
	v42 =	vmul.f32 v61, v22;
	v61 =	vld [tilespmem:s10+$0x200]  }
0x15c: {  	v49 =	vmov s25;
	s25 =	rddreg [dreg:$0x9];
	v34 =	vadd.f32 v37, v34;
	v40 =	vadd.f32 v63, v60;
	v60 =	vld [tilespmem:s23+$0x200]  }
0x15d: {  	s20 =	rddreg [dreg:$0xd];
	v35 =	vadd.f32 v38, v35;
	v32 =	vadd.f32 v32, v33;
	v63 =	vld [tilespmem:s25+$0x200]  }
0x15e: {  	s18 =	rddreg [dreg:$0xf];
	v59 =	vadd.f32 v43, v42;
	v38 =	vmul.f32 v58, v30;
	v53 =	vmul.f32 v62, v16;
	v58 =	vld [tilespmem:s20+$0x200]  }
0x15f: {  	s19 =	rddreg [dreg:$0xe];
	v37 =	vmul.f32 v48, v17;
	v33 =	vadd.f32 v32, v36;
	v32 =	vadd.f32 v57, v55;
	v55 =	vld [tilespmem:s18+$0x200]  }
0x160: {  	s6 =	rddreg [dreg:$0x8];
	v57 =	vld [tilespmem:s19+$0x200]  }
0x161: {  	s16 =	rddreg [dreg:$0x11];
	v34 =	vadd.f32 v59, v34;
	v37 =	vadd.f32 v37, v53;
	v53 =	vld [tilespmem:s6+$0x200];
	v52, _, _ =	vpop (xrf2)  }
0x162: {  	s4 =	rddreg [dreg:$0x7];
	v41 =	vbroadcast v52, $0xF;
	v52 =	vld [tilespmem:s16+$0x200]  }
0x163: {  	s17 =	rddreg [dreg:$0x10];
	v34 =	vadd.f32 v34, v35;
	v35 =	vmul.f32 v51, v19;
	v51 =	vld [tilespmem:s4+$0x200]  }
0x164: {  	s24 =	rddreg [dreg:$0xb];
	v36 =	vmul.f32 v56, v29;
	[tilespmem:v49+s14+$0x0] =	vst.idx.msk $0x1, v41;
	v49 =	vmul.f32 v54, v28;
	v54 =	vld [tilespmem:s17+$0x200]  }
0x165: {  	s7 =	rddreg [dreg:$0x6];
	v56 =	vmul.f32 v50, v18;
	v41 =	vmul.f32 v61, v31;
	v61 =	vld [tilespmem:s24+$0x200]  }
0x166: {  	v62 =	vmul.f32 v55, v22;
	v55 =	vld [tilespmem:s7+$0x200]  }
0x167: {  	v35 =	vadd.f32 v35, v56;
	v56 =	vld [tilespmem:s2+$0x0]  }
0x168: {  	v48 =	vmul.f32 v57, v23;
	v57 =	vld [tilespmem:s2+$0x10]  }
0x169: {  	s26 =	rddreg [dreg:$0xc];
	v39 =	vmul.f32 v53, v30;
	v53 =	vld [tilespmem:s2+$0x410]  }
0x16a: {  	v36 =	vadd.f32 v36, v49;
	v49 =	vld [tilespmem:s26+$0x200]  }
0x16b: {  	v38 =	vadd.f32 v41, v38;
	v41 =	vmul.f32 v63, v27;
	v63 =	vld [tilespmem:s2+$0x50]  }
0x16c: {  	v32 =	vadd.f32 v40, v32;
	v59 =	vmul.f32 v52, v20;
	v52 =	vmul.f32 v60, v25;
	v60 =	vld [tilespmem:s2+$0x30]  }
0x16d: {  	v36 =	vadd.f32 v38, v36;
	v40 =	vmul.f32 v54, v21;
	v54 =	vmul.f32 v61, v26;
	v61 =	vld [tilespmem:s2+$0x40]  }
0x16e: {  	v35 =	vadd.f32 v35, v37;
	v37 =	vmul.f32 v57, v1;
	v57 =	vld [tilespmem:s2+$0x440]  }
0x16f: {  	v32 =	vadd.f32 v36, v32;
	v36 =	vadd.f32 v48, v62;
	v48 =	vld [tilespmem:s2+$0x60]  }
0x170: {  	v62 =	vmul.f32 v56, v0;
	v56 =	vld [tilespmem:s2+$0x430]  }
0x171: {  	v38 =	vadd.f32 v40, v59;
	v59 =	vld [tilespmem:s2+$0x20]  }
0x172: {  	v50 =	vmul.f32 v58, v24;
	v40 =	vmul.f32 v51, v29;
	v51 =	vld [tilespmem:s2+$0x400]  }
0x173: {  	v41 =	vadd.f32 v41, v54;
	v54 =	vld [tilespmem:s2+$0x420]  }
0x174: {  	v32 =	vadd.f32 v32, v34;
	v34 =	vadd.f32 v52, v50;
	v50 =	vld [tilespmem:s2+$0x70]  }
0x175: {  	v43 =	vmul.f32 v55, v31;
	v58 =	vmul.f32 v49, v28;
	v37 =	vadd.f32 v37, v62;
	v62 =	vld [tilespmem:s2+$0x470]  }
0x176: {  	v36 =	vadd.f32 v36, v38;
	v52 =	vmul.f32 v61, v4;
	v61 =	vld [tilespmem:s2+$0x460]  }
0x177: {  	v39 =	vadd.f32 v43, v39;
	v38 =	vadd.f32 v40, v58;
	v55 =	vmul.f32 v48, v13;
	v48 =	vld [tilespmem:s0+$0x0]  }
0x178: {  	v35 =	vadd.f32 v36, v35;
	v36 =	vmul.f32 v60, v3;
	v60 =	vmul.f32 v53, v8;
	v53 =	vld [tilespmem:s0+$0x40]  }
0x179: {  	v34 =	vadd.f32 v41, v34;
	v41 =	vmul.f32 v63, v7;
	v49 =	vmul.f32 v59, v2;
	v59 =	vld [tilespmem:s2+$0x450]  }
0x17a: {  	v38 =	vadd.f32 v39, v38;
	v43 =	vmul.f32 v56, v10;
	v56 =	vld [tilespmem:s0+$0x60];
	v58 =	vmul.f32 v51, v15  }
0x17b: {  	v39 =	vadd.f32 v41, v52;
	v42 =	vmul.f32 v54, v9;
	v51 =	vld [tilespmem:s0+$0x20];
	v44 =	vmul.f32 v50, v14  }
0x17c: {  	v52 =	vld [tilespmem:s0+$0x30];
	v34 =	vadd.f32 v38, v34;
	v36 =	vadd.f32 v36, v49;
	v49 =	vmul.f32 v57, v11  }
0x17d: {  	v54 =	vld [tilespmem:s0+$0x50];
	v42 =	vadd.f32 v43, v42;
	v38 =	vadd.f32 v44, v55;
	v40 =	vmul.f32 v61, v5  }
0x17e: {  	v50 =	vld [tilespmem:s0+$0x10];
	v34 =	vadd.f32 v34, v35;
	v44 =	vmul.f32 v62, v6;
	v41 =	vmul.f32 v59, v12  }
0x17f: {  	v57 =	vld [tilespmem:s0+$0x70];
	v35 =	vadd.f32 v60, v58;
	v63 =	vadd.f32 v38, v39  }
0x180: {  	v60 =	vld [tilespmem:s0+$0x410];
	v40 =	vadd.f32 v44, v40;
	v39 =	vadd.f32 v41, v49  }
0x181: {  	v62 =	vld [tilespmem:s0+$0x420];
	v36 =	vadd.f32 v36, v37  }
0x182: {  	v35 =	vadd.f32 v42, v35;
	v59 =	vld [tilespmem:s0+$0x400];
	v39 =	vadd.f32 v40, v39  }
0x183: {  	v38 =	vmul.f32 v48, v0;
	v48 =	vld [tilespmem:s0+$0x430]  }
0x184: {  	v37 =	vmul.f32 v51, v2;
	v51 =	vld [tilespmem:s0+$0x450];
	v36 =	vadd.f32 v63, v36;
	v35 =	vadd.f32 v39, v35  }
0x185: {  	p0 =	por !p0, !p0;
	v49 =	vld [tilespmem:s0+$0x440]  }
0x186: {  	s31 =	sadd.s32 $0x800, s31;
	s1 =	sadd.s32 $0x200, s1;
	s8 =	rddreg [dreg:$0x5];
	v55 =	vmul.f32 v50, v1;
	v41 =	vmul.f32 v53, v4;
	v53 =	vld [tilespmem:s0+$0x460];
	v35 =	vadd.f32 v35, v36  }
0x187: {  	s11 =	sand.u32 $0xF000, s31;
	s4 =	simm.s32 $0x1;
	s2 =	sadd.s32 $0x2, s8;
	v63 =	vmul.f32 v56, v13;
	v46 =	vmul.f32 v57, v14;
	v57 =	vld [tilespmem:s29+$0x0]  }
0x188: {  	s4 =	simm.s32 @!p0 $0x0;
	[dreg:$0x5] =	wrdreg s2;
	s2 =	sand.u32 $0x3, s2;
	v38 =	vadd.f32 v55, v38;
	v55 =	vld [tilespmem:s0+$0x470];
	v34 =	vadd.f32 v34, v35  }
0x189: {  	s13 =	sand.u32 $0x380, s1;
	s4 =	sshll.u32 s4, $0x9;
	s2 =	sshll.u32 s2, $0x8;
	v40 =	vadd.f32 v46, v63;
	v63 =	vld [tilespmem:s29+$0x30]  }
0x18a: {  	s24 =	sor.u32 $0x200, s11;
	s10 =	sadd.s32 s4, s31;
	s9 =	sadd.s32 s31, s2;
	v61 =	vmul.f32 v54, v7;
	v50 =	vmul.f32 v59, v15;
	v59 =	vld [tilespmem:s29+$0x10];
	(xrf2) =	vadd.scan.msk.f32 $0xffff, v34  }
0x18b: {  	s11 =	sadd.s32 s13, s24;
	s4 =	sor.u32 $0x850, s10;
	s13 =	sadd.s32 $0x100, s9;
	v58 =	vmul.f32 v52, v3;
	v56 =	vmul.f32 v48, v10;
	v48 =	vld [tilespmem:s29+$0x40]  }
0x18c: {  	[dreg:$0x10] =	wrdreg s4;
	s17 =	sor.u32 $0x820, s13;
	v39 =	vadd.f32 v61, v41;
	v61 =	vld [tilespmem:s29+$0x20]  }
0x18d: {  	s18 =	sor.u32 $0x830, s13;
	[smem:$0x7F2] =	sst s17;
	v37 =	vadd.f32 v58, v37;
	v52 =	vmul.f32 v60, v8;
	v58 =	vmul.f32 v49, v11;
	v49 =	vld [tilespmem:s29+$0x50]  }
0x18e: {  	s19 =	sor.u32 $0x860, s13;
	[dreg:$0x1f] =	wrdreg s18;
	v54 =	vmul.f32 v62, v9;
	v62 =	vmul.f32 v53, v5;
	v53 =	vld [tilespmem:s29+$0x70]  }
0x18f: {  	s20 =	sor.u32 $0xC00, s13;
	[dreg:$0x1d] =	wrdreg s19;
	v37 =	vadd.f32 v37, v38;
	v36 =	vadd.f32 v52, v50;
	v50 =	vmov s5;
	v52 =	vld [tilespmem:s29+$0x60]  }
0x190: {  	s12 =	sadd.s32 $0xFFFFFE80, s1;
	s23 =	sor.u32 $0xC10, s13;
	[dreg:$0x1e] =	wrdreg s20;
	v39 =	vadd.f32 v40, v39;
	v42 =	vmul.f32 v55, v6;
	v55 =	vld [tilespmem:s29+$0x400];
	v44 =	vand.u32 $0xFFFFFFFC, v50  }
0x191: {  	s15 =	sadd.s32 $0xFFFFFF00, s1;
	s25 =	sor.u32 $0xC20, s13;
	[dreg:$0x1b] =	wrdreg s23;
	v40 =	vmul.f32 v57, v0;
	v57 =	vld [tilespmem:s29+$0x410];
	v35 =	vadd.f32 v56, v54;
	v56 =	vbroadcast v44, $0x0  }
0x192: {  	s2 =	sand.u32 $0x200, s12;
	s26 =	sor.u32 $0xC30, s13;
	[dreg:$0x1c] =	wrdreg s25;
	v60 =	vmul.f32 v51, v12;
	v51 =	vmul.f32 v59, v1;
	v59 =	vld [tilespmem:s29+$0x420]  }
0x193: {  	s12 =	sand.u32 $0x280, s15;
	s15 =	sor.u32 $0xC40, s13;
	[dreg:$0x1a] =	wrdreg s26;
	v37 =	vadd.f32 v39, v37;
	v39 =	vadd.f32 v42, v62;
	v54 =	vmul.f32 v63, v3;
	v63 =	vld [tilespmem:s29+$0x440]  }
0x194: {  	[dreg:$0x19] =	wrdreg s15;
	s17 =	sor.u32 $0xC60, s13;
	v38 =	vmul.f32 v61, v2;
	v61 =	vld [tilespmem:s29+$0x430];
	v34 =	vadd.f32 v60, v58;
	v35 =	vadd.f32 v35, v36;
	v62, _, _ =	vpop (xrf2)  }
0x195: {  	s18 =	sor.u32 $0xC70, s13;
	[dreg:$0x17] =	wrdreg s17;
	v40 =	vadd.f32 v51, v40;
	v60 =	vmul.f32 v52, v13;
	v52 =	vld [tilespmem:s29+$0x450];
	v50 =	vbroadcast v62, $0xF  }
0x196: {  	s19 =	sor.u32 $0x800, s10;
	[dreg:$0x14] =	wrdreg s18;
	v36 =	vmul.f32 v48, v4;
	v38 =	vadd.f32 v54, v38;
	v54 =	vld [tilespmem:s29+$0x460];
	v34 =	vadd.f32 v39, v34  }
0x197: {  	s20 =	sor.u32 $0x810, s10;
	[dreg:$0x18] =	wrdreg s19;
	v58 =	vmul.f32 v49, v7;
	v46 =	vmul.f32 v53, v14;
	[tilespmem:v56+s14+$0x0] =	vst.idx.msk $0x1, v50;
	v56 =	vld [tilespmem:s29+$0x470]  }
0x198: {  	v47 =	vld [tilespmem:s11+$0x70];
	s23 =	sor.u32 $0x820, s10;
	[dreg:$0x16] =	wrdreg s20;
	v51 =	vmul.f32 v55, v15;
	v53 =	vmul.f32 v57, v8;
	v34 =	vadd.f32 v34, v35  }
0x199: {  	s22 =	sadd.s32 $0x4, s22;
	v43 =	vld [tilespmem:s11+$0x50];
	s25 =	sor.u32 $0x830, s10;
	[dreg:$0x13] =	wrdreg s23;
	v49 =	vadd.f32 v38, v40;
	v39 =	vadd.f32 v46, v60;
	v55 =	vmul.f32 v59, v9  }
0x19a: {  	s3 =	sadd.s32 $0x2, s5;
	s26 =	sor.u32 $0x840, s10;
	[dreg:$0x12] =	wrdreg s25;
	v41 =	vld [tilespmem:s11+$0x0];
	v35 =	vadd.f32 v58, v36;
	v57 =	vmul.f32 v61, v10;
	v34 =	vadd.f32 v34, v37  }
0x19b: {  	s16 =	sadd.s32 $0xFFFFFF80, s1;
	s15 =	sor.u32 $0x870, s10;
	[dreg:$0x11] =	wrdreg s26;
	v42 =	vld [tilespmem:s11+$0x30];
	v58 =	vmul.f32 v63, v11;
	v37 =	vadd.f32 v53, v51;
	v40 =	vmul.f32 v52, v12  }
0x19c: {  	s2 =	sadd.s32 s2, s24;
	[dreg:$0xe] =	wrdreg s15;
	s17 =	sor.u32 $0xC10, s10;
	v44 =	vld [tilespmem:s11+$0x40];
	v59 =	vmul.f32 v54, v5;
	v33 =	vadd.f32 v33, v34;
	v38 =	vmul.f32 v56, v6  }
0x19d: {  	s9 =	sor.u32 $0x810, s13;
	s18 =	sor.u32 $0xC20, s10;
	[dreg:$0xa] =	wrdreg s17;
	v46 =	vld [tilespmem:s11+$0x60];
	v35 =	vadd.f32 v39, v35;
	v34 =	vadd.f32 v57, v55  }
0x19e: {  	s8 =	sor.u32 $0x840, s13;
	s20 =	sor.u32 $0xC30, s10;
	[dreg:$0xb] =	wrdreg s18;
	v39 =	vld [tilespmem:s11+$0x10];
	v40 =	vadd.f32 v40, v58;
	(xrf2) =	vadd.scan.msk.f32 $0xffff, v33;
	v36 =	vadd.f32 v38, v59  }
0x19f: {  	s6 =	sor.u32 $0x850, s13;
	s23 =	sor.u32 $0xC40, s10;
	[dreg:$0x9] =	wrdreg s20;
	v52 =	vld [tilespmem:s11+$0x420]  }
0x1a0: {  	s19 =	sand.u32 $0x7, s22;
	s25 =	sor.u32 $0xC50, s10;
	[dreg:$0xc] =	wrdreg s23;
	v53 =	vld [tilespmem:s11+$0x430];
	v34 =	vadd.f32 v34, v37;
	v38 =	vadd.f32 v36, v40  }
0x1a1: {  	s26 =	sor.u32 $0xC60, s10;
	s0 =	sadd.s32 $0x1, s5;
	[dreg:$0x7] =	wrdreg s25;
	v54 =	vld [tilespmem:s11+$0x440]  }
0x1a2: {  	s15 =	sor.u32 $0xC70, s10;
	[dreg:$0x8] =	wrdreg s26;
	v60 =	vmov s0;
	s0 =	sshll.u32 s19, $0x7;
	v35 =	vadd.f32 v35, v49;
	v49 =	vld [tilespmem:s11+$0x400];
	v34 =	vadd.f32 v38, v34  }
0x1a3: {  	s7 =	sor.u32 $0x870, s13;
	[dreg:$0x6] =	wrdreg s15;
	s4 =	sadd.s32 s31, s0;
	v55 =	vld [tilespmem:s11+$0x450]  }
0x1a4: {  	s5 =	sor.u32 $0x800, s13;
	s0 =	sadd.s32 s12, s24;
	s28 =	sadd.s32 $0x80, s4;
	v57 =	vld [tilespmem:s11+$0x460];
	v34 =	vadd.f32 v34, v35  }
0x1a5: {  	s29 =	sand.u32 $0x300, s16;
	s16 =	sor.u32 $0xC50, s13;
	s13 =	sor.u32 $0x860, s10;
	v50 =	vld [tilespmem:s11+$0x410]  }
0x1a6: {  	v58 =	vld [tilespmem:s11+$0x470];
	v37 =	vand.u32 $0xFFFFFFFD, v60;
	[dreg:$0x15] =	wrdreg s16;
	s16 =	sor.u32 $0xC00, s10;
	s10 =	sadd.s32 $0x180, s4;
	v32 =	vadd.f32 v32, v34  }
0x1a7: {  	v33 =	vld [tilespmem:s11+$0x20];
	v37 =	vbroadcast v37, $0x0;
	s29 =	sadd.s32 s29, s24;
	s24 =	smov.u32 s21;
	s4 =	sor.u32 $0x850, s10  }
0x1a8: {  	p1 =	slt.u32 s21, $0x4C;
	v60 =	vmul.f32 v39, v1;
	[dreg:$0x4] =	wrdreg s24;
	s24 =	sor.u32 $0xC10, s10;
	v39 =	vld [tilespmem:s4+$0x200];
	v61, _, _ =	vpop (xrf2);
	(xrf2) =	vadd.scan.msk.f32 $0xffff, v32  }
0x1a9: {  	v48 =	vmul.f32 v47, v14;
	s18 =	sor.u32 $0x800, s28;
	s20 =	sor.u32 $0x820, s28;
	v47 =	vld [tilespmem:s24+$0x200];
	s24 =	sor.u32 $0xC20, s10  }
0x1aa: {  	s26 =	sor.u32 $0x840, s28;
	s12 =	sor.u32 $0x850, s28;
	s4 =	sor.u32 $0x860, s10;
	v51 =	vmul.f32 v50, v8;
	v50 =	vld [tilespmem:s24+$0x200]  }
0x1ab: {  	v45 =	vmul.f32 v43, v7;
	s25 =	sor.u32 $0xC00, s28;
	s15 =	sor.u32 $0xC10, s28;
	v36 =	vbroadcast v61, $0xF;
	v40 =	vld [tilespmem:s4+$0x200];
	s4 =	sor.u32 $0x870, s10  }
0x1ac: {  	s30 =	sor.u32 $0xC20, s28;
	v62 =	vmov s3;
	s3 =	sor.u32 $0x860, s28;
	v53 =	vmul.f32 v53, v10;
	s17 =	sor.u32 $0x820, s10;
	v61 =	vmul.f32 v42, v3;
	v42 =	vld [tilespmem:s4+$0x200]  }
0x1ad: {  	s11 =	sor.u32 $0x830, s28;
	v58 =	vmul.f32 v58, v6;
	[dreg:$0xf] =	wrdreg s13;
	s19 =	sor.u32 $0x830, s10;
	v33 =	vmul.f32 v33, v2;
	[tilespmem:v37+s14+$0x0] =	vst.idx.msk $0x1, v36;
	v36 =	vld [tilespmem:s17+$0x200]  }
.Ltmp0:
0x1ae: {  	s21 =	sadd.s32 $0x4, s21;
	s23 =	sor.u32 $0x840, s10;
	v56 =	vmul.f32 v55, v12;
	v59 =	vmul.f32 v41, v0;
	v37 =	vld [tilespmem:s19+$0x200];
	(pc) =	sbr.rel @p1 .LBB2_2-.Ltmp0, $4  }
0x1af: {  	[dreg:$0xd] =	wrdreg s16;
	s16 =	sor.u32 $0x800, s10;
	v41 =	vmul.f32 v44, v4;
	v44 =	vmul.f32 v46, v13;
	s4 =	sor.u32 $0xC00, s10;
	v38 =	vld [tilespmem:s23+$0x200]  }
0x1b0: {  	s13 =	sor.u32 $0x810, s10;
	s24 =	sor.u32 $0xC30, s10;
	v46 =	vmul.f32 v49, v15;
	v49 =	vmul.f32 v52, v9;
	s14 =	sor.u32 $0x810, s28;
	v43 =	vld [tilespmem:s4+$0x200]  }
0x1b1: {  	v63 =	vand.u32 $0xFFFFFFFE, v62;
	v52 =	vmul.f32 v54, v11;
	v54 =	vmul.f32 v57, v5;
	s17 =	sor.u32 $0xC40, s28;
	s19 =	sor.u32 $0xC50, s28;
	s23 =	sor.u32 $0xC60, s28;
	v35 =	vld [tilespmem:s13+$0x200]  }
0x1b2: {  	v55 =	vadd.f32 v60, v59;
	v57 =	vadd.f32 v61, v33;
	s13 =	sor.u32 $0x870, s28;
	v34 =	vld [tilespmem:s16+$0x200];
	s16 =	sor.u32 $0xC30, s28;
	s28 =	sor.u32 $0xC70, s28;
	v32 =	vbroadcast v63, $0x0;
	v33, _, _ =	vpop (xrf2)  }
0x1b3: {  	s1 =	sor.u32 $0xC40, s10  }
0x1b4: {  	v60 =	vld [tilespmem:s1+$0x200];
	_ =	sdelay $0x4  }
0x1b5: {  	v59 =	vld [tilespmem:s24+$0x200];
	[tilespmem:$0x1FA90] =	vst v60  }
0x1b6: {  	v60 =	vld [tilespmem:s18+$0x200];
	_ =	sdelay $0x1  }
0x1b7: {  	s22 =	sor.u32 $0xC50, s10  }
0x1b8: {  	s24 =	sor.u32 $0xC60, s10;
	v61 =	vld [tilespmem:s22+$0x200]  }
0x1b9: {  	s31 =	sor.u32 $0xC70, s10;
	v62 =	vld [tilespmem:s24+$0x200]  }
0x1ba: {  	v63 =	vld [tilespmem:s31+$0x200];
	[tilespmem:$0x1FAA0] =	vst v60  }
0x1bb: {  	v60 =	vld [tilespmem:s14+$0x200];
	_ =	sdelay $0x4  }
0x1bc: {  	[tilespmem:$0x1FAB0] =	vst v60  }
0x1bd: {  	v60 =	vld [tilespmem:s20+$0x200];
	_ =	sdelay $0x4  }
0x1be: {  	[tilespmem:$0x1FAC0] =	vst v60  }
0x1bf: {  	v60 =	vld [tilespmem:s11+$0x200];
	_ =	sdelay $0x4  }
0x1c0: {  	[tilespmem:$0x1FAD0] =	vst v60  }
0x1c1: {  	v60 =	vld [tilespmem:s26+$0x200];
	_ =	sdelay $0x4  }
0x1c2: {  	[tilespmem:$0x1FAE0] =	vst v60  }
0x1c3: {  	v60 =	vld [tilespmem:s12+$0x200];
	_ =	sdelay $0x4  }
0x1c4: {  	[tilespmem:$0x1FAF0] =	vst v60  }
0x1c5: {  	v60 =	vld [tilespmem:s3+$0x200];
	_ =	sdelay $0x4  }
0x1c6: {  	[tilespmem:$0x1FB00] =	vst v60  }
0x1c7: {  	v60 =	vld [tilespmem:s13+$0x200];
	_ =	sdelay $0x4  }
0x1c8: {  	[tilespmem:$0x1FB10] =	vst v60  }
0x1c9: {  	v60 =	vld [tilespmem:s25+$0x200];
	_ =	sdelay $0x4  }
0x1ca: {  	[tilespmem:$0x1FB20] =	vst v60  }
0x1cb: {  	v60 =	vld [tilespmem:s15+$0x200];
	_ =	sdelay $0x4  }
0x1cc: {  	[tilespmem:$0x1FB30] =	vst v60  }
0x1cd: {  	v60 =	vld [tilespmem:s30+$0x200];
	_ =	sdelay $0x4  }
0x1ce: {  	[tilespmem:$0x1FB40] =	vst v60  }
0x1cf: {  	v60 =	vld [tilespmem:s16+$0x200];
	_ =	sdelay $0x4  }
0x1d0: {  	[tilespmem:$0x1FB50] =	vst v60  }
0x1d1: {  	v60 =	vld [tilespmem:s17+$0x200];
	_ =	sdelay $0x4  }
0x1d2: {  	[tilespmem:$0x1FB60] =	vst v60  }
0x1d3: {  	v60 =	vld [tilespmem:s19+$0x200];
	_ =	sdelay $0x4  }
0x1d4: {  	[tilespmem:$0x1FB70] =	vst v60  }
0x1d5: {  	v60 =	vld [tilespmem:s23+$0x200];
	_ =	sdelay $0x4  }
0x1d6: {  	[tilespmem:$0x1FB80] =	vst v60  }
0x1d7: {  	v60 =	vld [tilespmem:s28+$0x200];
	_ =	sdelay $0x4  }
0x1d8: {  	[tilespmem:$0x1FB90] =	vst v60  }
0x1d9: {  	v60 =	vld [tilespmem:s5+$0x200];
	_ =	sdelay $0x4  }
0x1da: {  	[tilespmem:$0x1FBA0] =	vst v60  }
0x1db: {  	v60 =	vld [tilespmem:s9+$0x200];
	_ =	sdelay $0x2  }
0x1dc: {  	s4 =	sld [smem:$0x7F2];
	_ =	sdelay $0x1  }
0x1dd: {  	[tilespmem:$0x1FBB0] =	vst v60  }
0x1de: {  	v60 =	vld [tilespmem:s4+$0x200];
	_ =	sdelay $0x4  }
0x1df: {  	s5 =	rddreg [dreg:$0x1f];
	[tilespmem:$0x1FBC0] =	vst v60  }
0x1e0: {  	v60 =	vld [tilespmem:s5+$0x200];
	_ =	sdelay $0x4  }
0x1e1: {  	[tilespmem:$0x1FBD0] =	vst v60  }
0x1e2: {  	v60 =	vld [tilespmem:s8+$0x200];
	_ =	sdelay $0x4  }
0x1e3: {  	[tilespmem:$0x1FBE0] =	vst v60  }
0x1e4: {  	v60 =	vld [tilespmem:s6+$0x200];
	_ =	sdelay $0x4  }
0x1e5: {  	[tilespmem:$0x1FBF0] =	vst v60  }
0x1e6: {  	v44 =	vadd.f32 v48, v44;
	v48 =	vadd.f32 v53, v49;
	v53 =	vld [tilespmem:s7+$0x200];
	_ =	sdelay $0x3  }
0x1e7: {  	s6 =	rddreg [dreg:$0x1d]  }
0x1e8: {  	v41 =	vadd.f32 v45, v41;
	s9 =	rddreg [dreg:$0x1b];
	v45 =	vld [tilespmem:s6+$0x200];
	[tilespmem:$0x1FC00] =	vst v53  }
0x1e9: {  	v46 =	vadd.f32 v51, v46;
	v51 =	vadd.f32 v56, v52;
	v56 =	vld [tilespmem:s9+$0x200];
	_ =	sdelay $0x3  }
0x1ea: {  	s8 =	rddreg [dreg:$0x1e]  }
0x1eb: {  	s11 =	rddreg [dreg:$0x1a];
	v49 =	vld [tilespmem:s8+$0x200];
	[tilespmem:$0x1FC10] =	vst v56  }
0x1ec: {  	v60 =	vadd.f32 v58, v54;
	v54 =	vadd.f32 v57, v55;
	v57 =	vld [tilespmem:s11+$0x200];
	_ =	sdelay $0x3  }
0x1ed: {  	s10 =	rddreg [dreg:$0x1c]  }
0x1ee: {  	v41 =	vadd.f32 v44, v41;
	s12 =	rddreg [dreg:$0x19];
	v44 =	vld [tilespmem:s10+$0x200];
	[tilespmem:$0x1FC20] =	vst v57  }
0x1ef: {  	v46 =	vadd.f32 v48, v46;
	v48 =	vld [tilespmem:s12+$0x200];
	_ =	sdelay $0x4  }
0x1f0: {  	s13 =	rddreg [dreg:$0x15];
	[tilespmem:$0x1FC30] =	vst v48  }
0x1f1: {  	v58 =	vld [tilespmem:s13+$0x200];
	_ =	sdelay $0x3  }
0x1f2: {  	v35 =	vmul.f32 v35, v17;
	v34 =	vmul.f32 v34, v16  }
0x1f3: {  	s14 =	rddreg [dreg:$0x17];
	[tilespmem:$0x1FC40] =	vst v58  }
0x1f4: {  	v34 =	vadd.f32 v35, v34;
	v35 =	vmul.f32 v50, v26;
	v50 =	vmul.f32 v59, v27;
	v59 =	vld [tilespmem:s14+$0x200];
	_ =	sdelay $0x4  }
0x1f5: {  	s15 =	rddreg [dreg:$0x14];
	[tilespmem:$0x1FC50] =	vst v59  }
0x1f6: {  	v53 =	vld [tilespmem:s15+$0x200];
	_ =	sdelay $0x3  }
0x1f7: {  	v36 =	vmul.f32 v36, v18;
	v37 =	vmul.f32 v37, v19  }
0x1f8: {  	s17 =	rddreg [dreg:$0x16];
	[tilespmem:$0x1FC60] =	vst v53  }
0x1f9: {  	v36 =	vadd.f32 v37, v36;
	v37 =	vld [tilespmem:s17+$0x200];
	_ =	sdelay $0x2  }
0x1fa: {  	v40 =	vmul.f32 v40, v22;
	v42 =	vmul.f32 v42, v23  }
0x1fb: {  	s16 =	rddreg [dreg:$0x18]  }
0x1fc: {  	v40 =	vadd.f32 v42, v40;
	s18 =	rddreg [dreg:$0x13];
	v42 =	vld [tilespmem:s16+$0x200];
	[tilespmem:$0x1FC70] =	vst v37  }
0x1fd: {  	v37 =	vld [tilespmem:s18+$0x200];
	_ =	sdelay $0x4  }
0x1fe: {  	s19 =	rddreg [dreg:$0x12];
	[tilespmem:$0x1FC80] =	vst v37  }
0x1ff: {  	v37 =	vld [tilespmem:s19+$0x200];
	_ =	sdelay $0x4  }
0x200: {  	v47 =	vmul.f32 v47, v25;
	v43 =	vmul.f32 v43, v24;
	s20 =	rddreg [dreg:$0x11];
	v51 =	vadd.f32 v60, v51;
	v60 =	vld [tilespmem:$0x1FA90];
	[tilespmem:$0x1FC90] =	vst v37  }
0x201: {  	v37 =	vld [tilespmem:s20+$0x200]  }
0x202: {  	v43 =	vadd.f32 v47, v43;
	v35 =	vadd.f32 v50, v35;
	_ =	sdelay $0x1  }
0x203: {  	v35 =	vadd.f32 v35, v43;
	v43 =	vld [tilespmem:$0x1FAA0]  }
0x204: {  	v52 =	vmul.f32 v61, v29;
	v41 =	vadd.f32 v41, v54;
	v54 =	vld [tilespmem:$0x1FAD0];
	v48 =	vmul.f32 v60, v28  }
0x205: {  	s21 =	rddreg [dreg:$0x10];
	v47 =	vld [tilespmem:$0x1FAB0];
	[tilespmem:$0x1FCA0] =	vst v37  }
0x206: {  	v39 =	vmul.f32 v39, v21;
	v55 =	vmul.f32 v62, v30;
	v62 =	vadd.f32 v52, v48;
	v48 =	vld [tilespmem:s21+$0x200]  }
0x207: {  	v38 =	vmul.f32 v38, v20;
	v56 =	vmul.f32 v63, v31;
	_ =	sdelay $0x1  }
0x208: {  	v38 =	vadd.f32 v39, v38;
	v63 =	vadd.f32 v56, v55;
	v55 =	vmul.f32 v54, v19;
	v54 =	vld [tilespmem:$0x1FAF0]  }
0x209: {  	v34 =	vadd.f32 v36, v34;
	v52 =	vld [tilespmem:$0x1FAC0]  }
0x20a: {  	s22 =	rddreg [dreg:$0xf];
	v36 =	vadd.f32 v40, v38;
	v50 =	vmul.f32 v43, v16;
	v57 =	vmul.f32 v47, v17;
	[tilespmem:$0x1FCB0] =	vst v48;
	v48 =	vld [tilespmem:$0x1FB10]  }
0x20b: {  	v43 =	vld [tilespmem:s22+$0x200]  }
0x20c: {  	v34 =	vadd.f32 v36, v34;
	v36 =	vadd.f32 v57, v50;
	v50 =	vld [tilespmem:$0x1FB50]  }
0x20d: {  	v40 =	vadd.f32 v63, v62;
	v63 =	vld [tilespmem:$0x1FB00]  }
0x20e: {  	v53 =	vmul.f32 v52, v18;
	v52 =	vld [tilespmem:$0x1FAE0]  }
0x20f: {  	v46 =	vadd.f32 v51, v46;
	v35 =	vadd.f32 v40, v35;
	v51 =	vmul.f32 v48, v23;
	v48 =	vld [tilespmem:$0x1FB40]  }
0x210: {  	s24 =	rddreg [dreg:$0xd];
	[tilespmem:$0x1FCC0] =	vst v43;
	v43 =	vld [tilespmem:$0x1FB20]  }
0x211: {  	v41 =	vadd.f32 v46, v41;
	v34 =	vadd.f32 v35, v34;
	v37 =	vld [tilespmem:s24+$0x200]  }
0x212: {  	s23 =	rddreg [dreg:$0xe];
	v46 =	vld [tilespmem:$0x1FB30];
	v40 =	vmul.f32 v63, v22  }
0x213: {  	v34 =	vadd.f32 v34, v41;
	v47 =	vadd.f32 v55, v53;
	v55 =	vmul.f32 v54, v21;
	v58 =	vld [tilespmem:s23+$0x200]  }
0x214: {  	v61 =	vadd.f32 v51, v40;
	v51 =	vmul.f32 v50, v27;
	v40 =	vld [tilespmem:$0x1FB60];
	v41 =	vmul.f32 v48, v26  }
0x215: {  	v53 =	vmul.f32 v52, v20;
	v59 =	vmul.f32 v43, v24;
	v43 =	vld [tilespmem:$0x1FB70]  }
0x216: {  	[tilespmem:$0x1FCD0] =	vst v37;
	v37 =	vadd.f32 v51, v41;
	v41 =	vld [tilespmem:$0x1FBB0]  }
0x217: {  	s26 =	rddreg [dreg:$0xb];
	v53 =	vadd.f32 v55, v53;
	v50 =	vld [tilespmem:$0x1FB90]  }
0x218: {  	s25 =	rddreg [dreg:$0xa];
	v38 =	vadd.f32 v47, v36;
	v47 =	vmul.f32 v46, v25;
	v52 =	vld [tilespmem:s26+$0x200]  }
0x219: {  	v35 =	vadd.f32 v61, v53;
	v57 =	vld [tilespmem:s25+$0x200]  }
0x21a: {  	v61 =	vmul.f32 v40, v28;
	v59 =	vadd.f32 v47, v59;
	v47 =	vld [tilespmem:$0x1FB80];
	v46 =	vmul.f32 v43, v29  }
0x21b: {  	v43 =	vmul.f32 v41, v17;
	v41 =	vld [tilespmem:$0x1FBE0]  }
0x21c: {  	v40 =	vadd.f32 v35, v38;
	v38 =	vadd.f32 v46, v61;
	v46 =	vld [tilespmem:$0x1FBC0]  }
0x21d: {  	s30 =	rddreg [dreg:$0x9];
	[tilespmem:$0x1FCE0] =	vst v52;
	v52 =	vld [tilespmem:$0x1FBD0]  }
0x21e: {  	s31 =	rddreg [dreg:$0xc];
	v63 =	vld [tilespmem:s30+$0x200]  }
0x21f: {  	s3 =	rddreg [dreg:$0x7];
	v62 =	vld [tilespmem:s31+$0x200];
	[tilespmem:$0x1FD10] =	vst v34  }
0x220: {  	s4 =	rddreg [dreg:$0x8];
	v56 =	vld [tilespmem:s3+$0x200]  }
0x221: {  	s5 =	rddreg [dreg:$0x6];
	v48 =	vmul.f32 v47, v30;
	v34 =	vmul.f32 v50, v31;
	v55 =	vld [tilespmem:s4+$0x200]  }
0x222: {  	v53 =	vld [tilespmem:s5+$0x200]  }
0x223: {  	v51 =	vadd.f32 v34, v48;
	v48 =	vld [tilespmem:$0x1FBA0]  }
0x224: {  	v54 =	vld [tilespmem:s2+$0x0]  }
0x225: {  	v61 =	vld [tilespmem:s2+$0x10]  }
0x226: {  	v34 =	vmul.f32 v52, v19;
	v52 =	vld [tilespmem:s2+$0x20]  }
0x227: {  	v36 =	vadd.f32 v51, v38;
	v51 =	vld [tilespmem:s2+$0x40]  }
0x228: {  	v39 =	vadd.f32 v37, v59;
	v38 =	vld [tilespmem:$0x1FC20];
	v50 =	vmul.f32 v48, v16  }
0x229: {  	v47 =	vmul.f32 v46, v18;
	v48 =	vld [tilespmem:$0x1FC00]  }
0x22a: {  	v46 =	vadd.f32 v36, v39;
	v59 =	vadd.f32 v43, v50;
	v43 =	vld [tilespmem:$0x1FBF0]  }
0x22b: {  	v34 =	vadd.f32 v34, v47;
	v39 =	vld [tilespmem:$0x1FC30]  }
0x22c: {  	v37 =	vadd.f32 v46, v40;
	v40 =	vmul.f32 v44, v26;
	v44 =	vld [tilespmem:$0x1FC50]  }
0x22d: {  	v60 =	vmul.f32 v41, v20;
	v41 =	vadd.f32 v34, v59;
	v59 =	vmul.f32 v49, v24;
	v49 =	vld [tilespmem:$0x1FC10]  }
0x22e: {  	v47 =	vmul.f32 v45, v22;
	v46 =	vld [tilespmem:$0x1FC60]  }
0x22f: {  	v50 =	vld [tilespmem:s2+$0x30];
	v36 =	vmul.f32 v48, v23;
	v35 =	vmul.f32 v43, v21  }
0x230: {  	v48 =	vld [tilespmem:s2+$0x50]  }
0x231: {  	v36 =	vadd.f32 v36, v47;
	v43 =	vld [tilespmem:$0x1FC40];
	v60 =	vadd.f32 v35, v60  }
0x232: {  	v34 =	vmul.f32 v49, v25;
	v49 =	vld [tilespmem:s2+$0x60];
	[tilespmem:$0x1FD20] =	vst v37  }
0x233: {  	v47 =	vld [tilespmem:s2+$0x70];
	v36 =	vadd.f32 v36, v60  }
0x234: {  	v35 =	vmul.f32 v38, v27;
	v45 =	vld [tilespmem:s2+$0x410]  }
0x235: {  	v38 =	vadd.f32 v34, v59;
	v59 =	vld [tilespmem:s2+$0x400];
	v36 =	vadd.f32 v36, v41  }
0x236: {  	v37 =	vadd.f32 v35, v40;
	v35 =	vmul.f32 v46, v31;
	v46 =	vld [tilespmem:s2+$0x420]  }
0x237: {  	v60 =	vmul.f32 v39, v28;
	v34 =	vmul.f32 v43, v29;
	[tilespmem:$0x1FCF0] =	vst v36;
	v36 =	vld [tilespmem:$0x1FC70]  }
0x238: {  	v41 =	vld [tilespmem:$0x1FC80]  }
0x239: {  	v39 =	vadd.f32 v34, v60;
	v60 =	vmul.f32 v42, v16;
	v42 =	vld [tilespmem:$0x1FC90]  }
0x23a: {  	v40 =	vmul.f32 v44, v30;
	v44 =	vld [tilespmem:s2+$0x430]  }
0x23b: {  	v43 =	vld [tilespmem:s2+$0x440]  }
0x23c: {  	v35 =	vadd.f32 v35, v40;
	v40 =	vld [tilespmem:s2+$0x450];
	v34 =	vmul.f32 v36, v17  }
0x23d: {  	v37 =	vadd.f32 v37, v38;
	v38 =	vmul.f32 v41, v18;
	v41 =	vld [tilespmem:s2+$0x460]  }
0x23e: {  	v36 =	vmul.f32 v42, v19;
	v42 =	vld [tilespmem:$0x1FCB0];
	v60 =	vadd.f32 v34, v60;
	v34 =	vadd.f32 v35, v39  }
0x23f: {  	v39 =	vld [tilespmem:$0x1FCA0]  }
0x240: {  	v36 =	vadd.f32 v36, v38;
	v38 =	vld [tilespmem:s2+$0x470];
	v34 =	vadd.f32 v34, v37  }
0x241: {  	v37 =	vld [tilespmem:$0x1FCC0]  }
0x242: {  	v58 =	vmul.f32 v58, v23;
	v55 =	vmul.f32 v55, v30;
	v36 =	vadd.f32 v36, v60;
	v60 =	vld [tilespmem:$0x1FCE0];
	[tilespmem:$0x1FD00] =	vst v34  }
0x243: {  	v53 =	vmul.f32 v53, v31;
	v35 =	vmul.f32 v42, v21;
	v42 =	vld [tilespmem:s0+$0x0]  }
0x244: {  	v52 =	vmul.f32 v52, v2;
	v50 =	vmul.f32 v50, v3;
	v34 =	vld [tilespmem:s0+$0x10]  }
0x245: {  	v53 =	vadd.f32 v53, v55;
	v51 =	vmul.f32 v51, v4;
	v48 =	vmul.f32 v48, v7;
	v55 =	vld [tilespmem:s0+$0x70]  }
0x246: {  	v50 =	vadd.f32 v50, v52;
	v43 =	vmul.f32 v43, v11;
	v39 =	vmul.f32 v39, v20;
	v52 =	vld [tilespmem:s0+$0x420]  }
0x247: {  	v48 =	vadd.f32 v48, v51;
	v40 =	vmul.f32 v40, v12;
	v41 =	vmul.f32 v41, v5;
	v51 =	vld [tilespmem:s0+$0x440]  }
0x248: {  	v38 =	vmul.f32 v38, v6;
	v37 =	vmul.f32 v37, v22;
	v35 =	vadd.f32 v35, v39;
	v39 =	vld [tilespmem:$0x1FCD0]  }
0x249: {  	v63 =	vmul.f32 v63, v27;
	v40 =	vadd.f32 v40, v43;
	v43 =	vld [tilespmem:s29+$0x30]  }
0x24a: {  	v60 =	vmul.f32 v60, v26;
	v38 =	vadd.f32 v38, v41;
	v41 =	vld [tilespmem:s29+$0x20];
	v37 =	vadd.f32 v58, v37  }
0x24b: {  	v56 =	vmul.f32 v56, v29;
	v58 =	vld [tilespmem:s0+$0x20]  }
0x24c: {  	v60 =	vadd.f32 v63, v60;
	v63 =	vld [tilespmem:s0+$0x50];
	v35 =	vadd.f32 v37, v35;
	v37 =	vmul.f32 v62, v28  }
0x24d: {  	v57 =	vmul.f32 v57, v25;
	v62 =	vld [tilespmem:s0+$0x40];
	v39 =	vmul.f32 v39, v24  }
0x24e: {  	v35 =	vadd.f32 v35, v36;
	v36 =	vadd.f32 v56, v37;
	v37 =	vld [tilespmem:s0+$0x60];
	v56 =	vmul.f32 v61, v1  }
0x24f: {  	v61 =	vmul.f32 v59, v15;
	v59 =	vmul.f32 v46, v9;
	v46 =	vld [tilespmem:s0+$0x460]  }
0x250: {  	v45 =	vmul.f32 v45, v8;
	v39 =	vadd.f32 v57, v39;
	v57 =	vld [tilespmem:s0+$0x30]  }
0x251: {  	v54 =	vmul.f32 v54, v0;
	v36 =	vadd.f32 v53, v36;
	v53 =	vld [tilespmem:s0+$0x410]  }
0x252: {  	v45 =	vadd.f32 v45, v61;
	v61 =	vmul.f32 v63, v7;
	v63 =	vmul.f32 v55, v14;
	v55 =	vld [tilespmem:s29+$0x70]  }
0x253: {  	v54 =	vadd.f32 v56, v54;
	v56 =	vld [tilespmem:s29+$0x400]  }
0x254: {  	v47 =	vmul.f32 v47, v14;
	v44 =	vmul.f32 v44, v10;
	v39 =	vadd.f32 v60, v39;
	v60 =	vld [tilespmem:s0+$0x400]  }
0x255: {  	v42 =	vmul.f32 v42, v0;
	v34 =	vmul.f32 v34, v1;
	v50 =	vadd.f32 v50, v54;
	v54 =	vld [tilespmem:s29+$0x0]  }
0x256: {  	v38 =	vadd.f32 v38, v40;
	v36 =	vadd.f32 v36, v39;
	v39 =	vmul.f32 v49, v13;
	v49 =	vld [tilespmem:s0+$0x430]  }
0x257: {  	v43 =	vmul.f32 v43, v3;
	v34 =	vadd.f32 v34, v42;
	v40 =	vmul.f32 v57, v3;
	v57 =	vld [tilespmem:s29+$0x50]  }
0x258: {  	v41 =	vmul.f32 v41, v2;
	v37 =	vmul.f32 v37, v13;
	v39 =	vadd.f32 v47, v39;
	v47 =	vld [tilespmem:s0+$0x450]  }
0x259: {  	v42 =	vmul.f32 v62, v4;
	v35 =	vadd.f32 v36, v35;
	v36 =	vadd.f32 v44, v59;
	v44 =	vld [tilespmem:s29+$0x10]  }
0x25a: {  	v46 =	vmul.f32 v46, v5;
	v37 =	vadd.f32 v63, v37;
	v63 =	vmul.f32 v51, v11;
	v51 =	vld [tilespmem:s29+$0x430]  }
0x25b: {  	v53 =	vmul.f32 v53, v8;
	v59 =	vld [tilespmem:s29+$0x460];
	v39 =	vadd.f32 v39, v48;
	v36 =	vadd.f32 v36, v45  }
0x25c: {  	v42 =	vadd.f32 v61, v42;
	v61 =	vmul.f32 v60, v15;
	v48 =	vld [tilespmem:s0+$0x470];
	v45 =	vmul.f32 v58, v2  }
0x25d: {  	v58 =	vld [tilespmem:s29+$0x450];
	v49 =	vmul.f32 v49, v10;
	v39 =	vadd.f32 v39, v50;
	v36 =	vadd.f32 v38, v36  }
0x25e: {  	v50 =	vld [tilespmem:s29+$0x40];
	v62 =	vadd.f32 v40, v45;
	v38 =	vadd.f32 v53, v61;
	v61 =	vmul.f32 v57, v7  }
0x25f: {  	v40 =	vld [tilespmem:s29+$0x60];
	v47 =	vmul.f32 v47, v12;
	v44 =	vmul.f32 v44, v1  }
0x260: {  	v34 =	vadd.f32 v62, v34;
	v36 =	vadd.f32 v36, v39;
	v39 =	vld [tilespmem:s29+$0x410];
	v62 =	vmul.f32 v52, v9  }
0x261: {  	v37 =	vadd.f32 v37, v42;
	v51 =	vmul.f32 v51, v10;
	v52 =	vld [tilespmem:s29+$0x420];
	v48 =	vmul.f32 v48, v6  }
0x262: {  	v42 =	vadd.f32 v47, v63;
	v47 =	vmul.f32 v54, v0;
	v45 =	vadd.f32 v49, v62;
	v49 =	vld [tilespmem:s29+$0x440]  }
0x263: {  	v41 =	vadd.f32 v43, v41;
	v63 =	vmul.f32 v55, v14;
	v55 =	vmul.f32 v56, v15;
	v62 =	vld [tilespmem:s29+$0x470]  }
0x264: {  	v57 =	vmul.f32 v58, v12;
	v58 =	vmul.f32 v59, v5;
	v46 =	vadd.f32 v48, v46  }
0x265: {  	v60 =	vmul.f32 v50, v4;
	v40 =	vmul.f32 v40, v13;
	v44 =	vadd.f32 v44, v47  }
0x266: {  	v38 =	vadd.f32 v45, v38;
	v42 =	vadd.f32 v46, v42;
	v39 =	vmul.f32 v39, v8  }
0x267: {  	v56 =	vmul.f32 v52, v9;
	v45 =	vadd.f32 v61, v60;
	v40 =	vadd.f32 v63, v40  }
0x268: {  	v41 =	vadd.f32 v41, v44;
	v49 =	vmul.f32 v49, v11;
	v59 =	vmul.f32 v62, v6  }
0x269: {  	v47 =	vld [tilespmem:$0x1FD10];
	v39 =	vadd.f32 v39, v55;
	v43 =	vadd.f32 v51, v56  }
0x26a: {  	v44 =	vld [tilespmem:$0x1FCF0];
	v60 =	vadd.f32 v57, v49;
	v46 =	vadd.f32 v59, v58  }
0x26b: {  	v40 =	vadd.f32 v40, v45;
	v45 =	vld [tilespmem:$0x1FD00]  }
0x26c: {  	v48 =	vld [tilespmem:$0x1FD20];
	v39 =	vadd.f32 v43, v39;
	v61 =	vadd.f32 v46, v60  }
0x26d: {  	v34 =	vadd.f32 v37, v34;
	v62 =	vadd.f32 v42, v38  }
0x26e: {  	v63 =	vadd.f32 v40, v41;
	v39 =	vadd.f32 v61, v39  }
0x26f: {  	v35 =	vadd.f32 v35, v36;
	v34 =	vadd.f32 v62, v34  }
0x270: {  	v40 =	vadd.f32 v45, v44;
	v46 =	vadd.f32 v39, v63  }
0x271: {  	(xrf2) =	vadd.scan.msk.f32 $0xffff, v47;
	v34 =	vadd.f32 v48, v34  }
0x272: {  	(xrf2) =	vadd.scan.msk.f32 $0xffff, v35;
	v49 =	vadd.f32 v40, v46  }
0x273: {  	(xrf2) =	vadd.scan.msk.f32 $0xffff, v34  }
0x274: {  	(xrf2) =	vadd.scan.msk.f32 $0xffff, v49;
	_ =	sdelay $0x1  }
0x275: {  	s6 =	rddreg [dreg:$0x4]  }
0x276: {  	s8 =	sadd.s32 $0x1, s6;
	s9 =	sadd.s32 $0x2, s6;
	v50 =	vmov s6  }
0x277: {  	s7 =	sadd.s32 $0x3, s6;
	v53 =	vmov s9;
	v52 =	vmov s8;
	v34 =	vand.u32 $0xFFFFFFFC, v50  }
0x278: {  	v36 =	vand.u32 $0xFFFFFFFD, v52;
	v51 =	vmov s7;
	v34 =	vbroadcast v34, $0x0  }
0x279: {  	v37 =	vand.u32 $0xFFFFFFFE, v53;
	v36 =	vbroadcast v36, $0x0  }
0x27a: {  	v33 =	vbroadcast v33, $0xF;
	v37 =	vbroadcast v37, $0x0;
	v54, _, _ =	vpop (xrf2)  }
0x27b: {  	s4 =	simm.s32 $0x14200;
	v55, _, _ =	vpop (xrf2);
	v38 =	vbroadcast v54, $0xF  }
0x27c: {  	[tilespmem:v32+s4+$0x0] =	vst.idx.msk $0x1, v33;
	v56 =	vbroadcast v55, $0xF;
	v57, _, _ =	vpop (xrf2)  }
0x27d: {  	[tilespmem:v51+s4+$0x0] =	vst.idx.msk $0x1, v38;
	v33 =	vbroadcast v57, $0xF;
	v58, _, _ =	vpop (xrf2)  }
0x27e: {  	[tilespmem:v34+s4+$0x0] =	vst.idx.msk $0x1, v56;
	v59 =	vbroadcast v58, $0xF  }
0x27f: {  	[tilespmem:v36+s4+$0x0] =	vst.idx.msk $0x1, v33  }
0x280: {  	[tilespmem:v37+s4+$0x0] =	vst.idx.msk $0x1, v59  }
0x281: {  	s11 =	sld [smem:$0x7F5];
	_ =	sdelay $0x1  }
0x282: {  	s10 =	simm.s32 $0x0;
	s12 =	sld [smem:$0x7F6]  }
0x283: {  	[hbm4b:s11+s10] =	stream.linear.scatter [tilespmem:s4], [sflag:$0x3], $0x50, $0x38;
	[tilespmem:$0x14400] =	vst v63  }
0x284: {  	s13 =	simm.s32 $0x200;
	s14 =	simm.s32 $0x2  }
0x285: {  	[tilespmem:s13], [sflag:$0x1] =	stream.linear.gather [hbm4b:s12+s10], $0xA000, $0x38;
	[tilespmem:$0x14400] =	vst v63  }
0x286: {  	_ =	swait.ge [sflag:s14], $0xA000  }
0x287: {  	s15 =	sand.u32 $0xF000, s10;
	s0 =	sand.u32 $0x200, s10;
	[sflag:s14] =	ssyncset.done $0x0  }
0x288: {  	s28 =	sor.u32 s0, s15;
	[sflag:s14] =	ssyncadd.s32 $0xFFFF6000  }
0x289: {  	v32 =	vld [tilespmem:s28+$0xA380]  }
0x28a: {  	v33 =	vld [tilespmem:s28+$0xA390]  }
0x28b: {  	v34 =	vld [tilespmem:s28+$0xA3A0]  }
0x28c: {  	v35 =	vld [tilespmem:s28+$0xA3B0]  }
0x28d: {  	v36 =	vld [tilespmem:s28+$0xA3C0]  }
0x28e: {  	v37 =	vld [tilespmem:s28+$0xA3D0]  }
0x28f: {  	v38 =	vld [tilespmem:s28+$0xA3E0]  }
0x290: {  	v39 =	vld [tilespmem:s28+$0xA3F0]  }
0x291: {  	v40 =	vld [tilespmem:s28+$0xA780]  }
0x292: {  	v41 =	vld [tilespmem:s28+$0xA790]  }
0x293: {  	p0 =	por $0x0, $0x0;
	s0 =	simm.s32 $0x1;
	v42 =	vld [tilespmem:s28+$0xA7A0]  }
0x294: {  	s0 =	simm.s32 @!p0 $0x0;
	v43 =	vld [tilespmem:s28+$0xA7B0]  }
0x295: {  	s0 =	sshll.u32 s0, $0x9;
	v44 =	vld [tilespmem:s28+$0xA7C0]  }
0x296: {  	s0 =	sadd.s32 $0x0, s0;
	v45 =	vld [tilespmem:s28+$0xA7D0]  }
0x297: {  	s16 =	sadd.s32 $0x180, s0;
	v46 =	vld [tilespmem:s28+$0xA7E0]  }
0x298: {  	s17 =	sor.u32 $0x800, s16;
	v47 =	vld [tilespmem:s28+$0xA7F0]  }
0x299: {  	s18 =	sor.u32 $0x810, s16;
	v48 =	vld [tilespmem:s17+$0xA200]  }
0x29a: {  	s19 =	sor.u32 $0x820, s16;
	v49 =	vld [tilespmem:s18+$0xA200]  }
0x29b: {  	s20 =	sor.u32 $0x830, s16;
	v50 =	vld [tilespmem:s19+$0xA200]  }
0x29c: {  	s21 =	sor.u32 $0x840, s16;
	v51 =	vld [tilespmem:s20+$0xA200]  }
0x29d: {  	s22 =	sor.u32 $0x850, s16;
	v52 =	vld [tilespmem:s21+$0xA200]  }
0x29e: {  	s23 =	sor.u32 $0x860, s16;
	v53 =	vld [tilespmem:s22+$0xA200]  }
0x29f: {  	s31 =	sor.u32 $0xC40, s16;
	v54 =	vld [tilespmem:s23+$0xA200]  }
0x2a0: {  	s24 =	sor.u32 $0x870, s16;
	v60 =	vld [tilespmem:s31+$0xA200]  }
0x2a1: {  	s25 =	sor.u32 $0xC00, s16;
	v55 =	vld [tilespmem:s24+$0xA200]  }
0x2a2: {  	s26 =	sor.u32 $0xC10, s16;
	v56 =	vld [tilespmem:s25+$0xA200]  }
0x2a3: {  	s29 =	sor.u32 $0xC20, s16;
	v57 =	vld [tilespmem:s26+$0xA200]  }
0x2a4: {  	s30 =	sor.u32 $0xC30, s16;
	s6 =	sadd.s32 $0x80, s0;
	v58 =	vld [tilespmem:s29+$0xA200]  }
0x2a5: {  	s7 =	sor.u32 $0x800, s6;
	v59 =	vld [tilespmem:s30+$0xA200];
	[tilespmem:$0x1FD30] =	vst v60  }
0x2a6: {  	v60 =	vld [tilespmem:s7+$0xA200];
	_ =	sdelay $0x1  }
0x2a7: {  	s3 =	sor.u32 $0xC50, s16  }
0x2a8: {  	s5 =	sor.u32 $0xC60, s16;
	v61 =	vld [tilespmem:s3+$0xA200]  }
0x2a9: {  	s1 =	sor.u32 $0xC70, s16;
	v62 =	vld [tilespmem:s5+$0xA200]  }
0x2aa: {  	s8 =	sor.u32 $0x810, s6;
	v63 =	vld [tilespmem:s1+$0xA200];
	[tilespmem:$0x1FD40] =	vst v60  }
0x2ab: {  	v60 =	vld [tilespmem:s8+$0xA200];
	_ =	sdelay $0x4  }
0x2ac: {  	s9 =	sor.u32 $0x820, s6;
	[tilespmem:$0x1FD50] =	vst v60  }
0x2ad: {  	v60 =	vld [tilespmem:s9+$0xA200];
	_ =	sdelay $0x4  }
0x2ae: {  	s10 =	sor.u32 $0x830, s6;
	[tilespmem:$0x1FD60] =	vst v60  }
0x2af: {  	v60 =	vld [tilespmem:s10+$0xA200];
	_ =	sdelay $0x4  }
0x2b0: {  	s11 =	sor.u32 $0x840, s6;
	[tilespmem:$0x1FD70] =	vst v60  }
0x2b1: {  	v60 =	vld [tilespmem:s11+$0xA200];
	_ =	sdelay $0x4  }
0x2b2: {  	s12 =	sor.u32 $0x850, s6;
	[tilespmem:$0x1FD80] =	vst v60  }
0x2b3: {  	v60 =	vld [tilespmem:s12+$0xA200];
	_ =	sdelay $0x4  }
0x2b4: {  	s13 =	sor.u32 $0x860, s6;
	[tilespmem:$0x1FD90] =	vst v60  }
0x2b5: {  	v60 =	vld [tilespmem:s13+$0xA200];
	_ =	sdelay $0x4  }
0x2b6: {  	s14 =	sor.u32 $0x870, s6;
	[tilespmem:$0x1FDA0] =	vst v60  }
0x2b7: {  	v60 =	vld [tilespmem:s14+$0xA200];
	_ =	sdelay $0x4  }
0x2b8: {  	s15 =	sor.u32 $0xC00, s6;
	[tilespmem:$0x1FDB0] =	vst v60  }
0x2b9: {  	v60 =	vld [tilespmem:s15+$0xA200];
	_ =	sdelay $0x4  }
0x2ba: {  	s16 =	sor.u32 $0xC10, s6;
	v32 =	vmul.f32 v32, v0;
	v33 =	vmul.f32 v33, v1;
	[tilespmem:$0x1FDC0] =	vst v60  }
0x2bb: {  	v34 =	vmul.f32 v34, v2;
	v35 =	vmul.f32 v35, v3;
	v60 =	vld [tilespmem:s16+$0xA200];
	_ =	sdelay $0x1  }
0x2bc: {  	v32 =	vadd.f32 v33, v32;
	v34 =	vadd.f32 v35, v34  }
0x2bd: {  	v36 =	vmul.f32 v36, v4  }
0x2be: {  	v37 =	vmul.f32 v37, v7;
	v32 =	vadd.f32 v34, v32;
	v34 =	vmul.f32 v48, v16  }
0x2bf: {  	s17 =	sor.u32 $0xC20, s6;
	v48 =	vmul.f32 v50, v18;
	v50 =	vmul.f32 v52, v20;
	[tilespmem:$0x1FDD0] =	vst v60  }
0x2c0: {  	v52 =	vmul.f32 v54, v22;
	v54 =	vmul.f32 v56, v24;
	v33 =	vld [tilespmem:s17+$0xA200]  }
0x2c1: {  	v56 =	vmul.f32 v58, v26;
	v60 =	vmul.f32 v53, v21  }
0x2c2: {  	v53 =	vmul.f32 v55, v23;
	v55 =	vmul.f32 v57, v25  }
0x2c3: {  	v57 =	vmul.f32 v59, v27;
	v59 =	vmul.f32 v61, v29;
	v61 =	vld [tilespmem:$0x1FD70]  }
0x2c4: {  	v38 =	vmul.f32 v38, v13;
	v39 =	vmul.f32 v39, v14;
	v50 =	vadd.f32 v60, v50;
	v60 =	vld [tilespmem:$0x1FD30]  }
0x2c5: {  	s18 =	sor.u32 $0xC30, s6;
	v40 =	vmul.f32 v40, v15;
	v41 =	vmul.f32 v41, v8;
	v56 =	vadd.f32 v57, v56;
	v57 =	vld [tilespmem:$0x1FD40];
	[tilespmem:$0x1FDE0] =	vst v33  }
0x2c6: {  	s19 =	sor.u32 $0xC40, s6;
	v42 =	vmul.f32 v42, v9;
	v43 =	vmul.f32 v43, v10;
	v36 =	vadd.f32 v37, v36;
	v37 =	vld [tilespmem:s18+$0xA200]  }
0x2c7: {  	s20 =	sor.u32 $0xC50, s6;
	v44 =	vmul.f32 v44, v11;
	v45 =	vmul.f32 v45, v12;
	v38 =	vadd.f32 v39, v38;
	v39 =	vld [tilespmem:s19+$0xA200]  }
0x2c8: {  	s21 =	sor.u32 $0xC60, s6;
	v46 =	vmul.f32 v46, v5;
	v47 =	vmul.f32 v47, v6;
	v40 =	vadd.f32 v41, v40;
	v41 =	vld [tilespmem:s20+$0xA200]  }
0x2c9: {  	s22 =	sadd.s32 $0x100, s0;
	s3 =	sor.u32 $0xC70, s6;
	v42 =	vadd.f32 v43, v42;
	v43 =	vadd.f32 v45, v44;
	v44 =	vld [tilespmem:s21+$0xA200]  }
0x2ca: {  	s23 =	sor.u32 $0x800, s22;
	v45 =	vadd.f32 v47, v46;
	v46 =	vld [tilespmem:s3+$0xA200]  }
0x2cb: {  	s24 =	sor.u32 $0x810, s22;
	v36 =	vadd.f32 v38, v36;
	v38 =	vld [tilespmem:s23+$0xA200]  }
0x2cc: {  	s25 =	sor.u32 $0x820, s22;
	v40 =	vadd.f32 v42, v40;
	v42 =	vld [tilespmem:s24+$0xA200]  }
0x2cd: {  	s26 =	sor.u32 $0x830, s22;
	v35 =	vmul.f32 v49, v17;
	v49 =	vmul.f32 v51, v19;
	v43 =	vadd.f32 v45, v43;
	v45 =	vld [tilespmem:s25+$0xA200]  }
0x2ce: {  	s29 =	sor.u32 $0x840, s22;
	v47 =	vld [tilespmem:s26+$0xA200]  }
0x2cf: {  	s30 =	sor.u32 $0x850, s22;
	v48 =	vadd.f32 v49, v48;
	v49 =	vld [tilespmem:s29+$0xA200]  }
0x2d0: {  	s31 =	sor.u32 $0x860, s22;
	v51 =	vld [tilespmem:s30+$0xA200]  }
0x2d1: {  	s5 =	sor.u32 $0x870, s22;
	v34 =	vadd.f32 v35, v34;
	v52 =	vadd.f32 v53, v52;
	v53 =	vld [tilespmem:s31+$0xA200]  }
0x2d2: {  	s7 =	sor.u32 $0xC10, s22;
	v54 =	vadd.f32 v55, v54;
	v55 =	vld [tilespmem:s5+$0xA200]  }
0x2d3: {  	s8 =	sor.u32 $0xC20, s22;
	v34 =	vadd.f32 v48, v34;
	v48 =	vld [tilespmem:s7+$0xA200]  }
0x2d4: {  	s9 =	sor.u32 $0xC30, s22;
	v50 =	vadd.f32 v52, v50;
	v52 =	vadd.f32 v56, v54;
	v54 =	vld [tilespmem:s8+$0xA200]  }
0x2d5: {  	v32 =	vadd.f32 v36, v32;
	s10 =	sor.u32 $0xC40, s22;
	v36 =	vld [tilespmem:s9+$0xA200]  }
0x2d6: {  	v35 =	vmul.f32 v63, v31;
	v40 =	vadd.f32 v43, v40;
	v33 =	vmul.f32 v62, v30;
	v43 =	vld [tilespmem:s10+$0xA200]  }
0x2d7: {  	s11 =	sor.u32 $0xC50, s22;
	v58 =	vmul.f32 v60, v28;
	v60 =	vld [tilespmem:$0x1FD60]  }
0x2d8: {  	s13 =	sor.u32 $0x800, s0;
	v34 =	vadd.f32 v50, v34;
	v50 =	vld [tilespmem:s11+$0xA200];
	v63 =	vadd.f32 v35, v33  }
0x2d9: {  	v33 =	vadd.f32 v40, v32;
	v40 =	vld [tilespmem:s13+$0xA200];
	v62 =	vadd.f32 v59, v58  }
0x2da: {  	v59 =	vld [tilespmem:$0x1FD50]  }
0x2db: {  	v56 =	vadd.f32 v63, v62;
	v62 =	vld [tilespmem:$0x1FD80]  }
0x2dc: {  	v63 =	vld [tilespmem:$0x1FD90]  }
0x2dd: {  	s15 =	sor.u32 $0x820, s0;
	v32 =	vld [tilespmem:$0x1FDC0]  }
0x2de: {  	s6 =	sor.u32 $0xC00, s22;
	v61 =	vmul.f32 v61, v19;
	v57 =	vmul.f32 v57, v16;
	v35 =	vld [tilespmem:s15+$0xA200];
	v52 =	vadd.f32 v56, v52  }
0x2df: {  	v58 =	vld [tilespmem:s6+$0xA200];
	v60 =	vmul.f32 v60, v18;
	v59 =	vmul.f32 v59, v17  }
0x2e0: {  	v39 =	vmul.f32 v39, v28;
	v41 =	vmul.f32 v41, v29;
	v34 =	vadd.f32 v52, v34;
	v52 =	vld [tilespmem:$0x1FDA0]  }
0x2e1: {  	s1 =	sor.u32 $0xC70, s22;
	v56 =	vadd.f32 v59, v57;
	v59 =	vmul.f32 v62, v20;
	v62 =	vmul.f32 v63, v21;
	v63 =	vld [tilespmem:$0x1FDB0]  }
0x2e2: {  	s20 =	sor.u32 $0x870, s0;
	v44 =	vmul.f32 v44, v30;
	v46 =	vmul.f32 v46, v31;
	v60 =	vadd.f32 v61, v60;
	v61 =	vld [tilespmem:s1+$0xA200]  }
0x2e3: {  	s21 =	sor.u32 $0xC00, s0;
	v38 =	vmul.f32 v38, v16;
	v42 =	vmul.f32 v42, v17;
	v39 =	vadd.f32 v41, v39;
	v41 =	vld [tilespmem:s20+$0xA200]  }
0x2e4: {  	s23 =	sor.u32 $0xC20, s0;
	v44 =	vadd.f32 v46, v44;
	v46 =	vld [tilespmem:s21+$0xA200]  }
0x2e5: {  	s12 =	sor.u32 $0xC60, s22;
	v38 =	vadd.f32 v42, v38;
	v42 =	vld [tilespmem:s23+$0xA200]  }
0x2e6: {  	v57 =	vld [tilespmem:s12+$0xA200];
	v52 =	vmul.f32 v52, v22;
	v63 =	vmul.f32 v63, v23  }
0x2e7: {  	v56 =	vadd.f32 v60, v56;
	v60 =	vld [tilespmem:$0x1FDD0]  }
0x2e8: {  	s29 =	sor.u32 $0xC60, s0;
	v48 =	vmul.f32 v48, v25;
	v58 =	vmul.f32 v58, v24;
	v52 =	vadd.f32 v63, v52;
	v63 =	vld [tilespmem:$0x1FDE0]  }
0x2e9: {  	v39 =	vadd.f32 v44, v39;
	v44 =	vmul.f32 v49, v20;
	v49 =	vmul.f32 v51, v21;
	v51 =	vld [tilespmem:s29+$0xA200]  }
0x2ea: {  	s16 =	sor.u32 $0x830, s0;
	v48 =	vadd.f32 v48, v58;
	v58 =	vmul.f32 v50, v29;
	v50 =	vld [tilespmem:s28+$0xA210]  }
0x2eb: {  	s14 =	sor.u32 $0x810, s0;
	v37 =	vmul.f32 v37, v27;
	v34 =	vadd.f32 v34, v33;
	v33 =	vld [tilespmem:s16+$0xA200]  }
0x2ec: {  	v43 =	vmul.f32 v43, v28;
	v32 =	vmul.f32 v32, v24;
	v59 =	vadd.f32 v62, v59;
	v62 =	vld [tilespmem:s14+$0xA200]  }
0x2ed: {  	v44 =	vadd.f32 v49, v44;
	v49 =	vld [tilespmem:s28+$0xA250];
	v60 =	vmul.f32 v60, v25;
	v63 =	vmul.f32 v63, v26  }
0x2ee: {  	s17 =	sor.u32 $0x840, s0;
	v43 =	vadd.f32 v58, v43;
	v58 =	vld [tilespmem:s28+$0xA270];
	v52 =	vadd.f32 v52, v59  }
0x2ef: {  	s18 =	sor.u32 $0x850, s0;
	v32 =	vadd.f32 v60, v32;
	v60 =	vld [tilespmem:s17+$0xA200];
	v37 =	vadd.f32 v37, v63  }
0x2f0: {  	s22 =	sor.u32 $0xC10, s0;
	v59 =	vld [tilespmem:s18+$0xA200];
	v52 =	vadd.f32 v52, v56  }
0x2f1: {  	s19 =	sor.u32 $0x860, s0;
	v56 =	vmul.f32 v47, v19;
	v47 =	vld [tilespmem:s22+$0xA200];
	v32 =	vadd.f32 v37, v32;
	v37 =	vmul.f32 v45, v18  }
0x2f2: {  	s24 =	sor.u32 $0xC30, s0;
	v63 =	vld [tilespmem:s19+$0xA200]  }
0x2f3: {  	s25 =	sor.u32 $0xC40, s0;
	v36 =	vmul.f32 v36, v27;
	v45 =	vld [tilespmem:s24+$0xA200];
	v37 =	vadd.f32 v56, v37  }
0x2f4: {  	v32 =	vadd.f32 v39, v32;
	v39 =	vmul.f32 v53, v22;
	v56 =	vmul.f32 v55, v23;
	v53 =	vld [tilespmem:s25+$0xA200]  }
0x2f5: {  	s26 =	sor.u32 $0xC50, s0;
	s0 =	sor.u32 $0xC70, s0;
	v35 =	vmul.f32 v35, v18;
	v33 =	vmul.f32 v33, v19;
	v55 =	vld [tilespmem:s28+$0xA220]  }
0x2f6: {  	v39 =	vadd.f32 v56, v39;
	v32 =	vadd.f32 v32, v52;
	v52 =	vmul.f32 v54, v26;
	v54 =	vld [tilespmem:s0+$0xA200]  }
0x2f7: {  	v41 =	vmul.f32 v41, v23;
	v63 =	vmul.f32 v63, v22;
	v37 =	vadd.f32 v37, v38;
	v38 =	vld [tilespmem:s26+$0xA200]  }
0x2f8: {  	v61 =	vmul.f32 v61, v31;
	v33 =	vadd.f32 v33, v35;
	v56 =	vld [tilespmem:s28+$0xA230];
	v39 =	vadd.f32 v39, v44  }
0x2f9: {  	v42 =	vmul.f32 v42, v26;
	v35 =	vadd.f32 v41, v63;
	v41 =	vld [tilespmem:s28+$0xA610];
	v36 =	vadd.f32 v36, v52  }
0x2fa: {  	v45 =	vmul.f32 v45, v27;
	v63 =	vmul.f32 v51, v30;
	v44 =	vld [tilespmem:s28+$0xA200];
	v37 =	vadd.f32 v39, v37  }
0x2fb: {  	v39 =	vmul.f32 v57, v30;
	v36 =	vadd.f32 v36, v48;
	v48 =	vld [tilespmem:s28+$0xA240];
	v54 =	vmul.f32 v54, v31  }
0x2fc: {  	v40 =	vmul.f32 v40, v16;
	v62 =	vmul.f32 v62, v17;
	v42 =	vadd.f32 v45, v42;
	v57 =	vld [tilespmem:s28+$0xA260]  }
0x2fd: {  	v39 =	vadd.f32 v61, v39;
	v45 =	vadd.f32 v54, v63;
	v63 =	vmul.f32 v49, v7;
	v49 =	vld [tilespmem:s28+$0xA290]  }
0x2fe: {  	v40 =	vadd.f32 v62, v40;
	v62 =	vmul.f32 v59, v21;
	v61 =	vmul.f32 v60, v20;
	v54 =	vld [tilespmem:s28+$0xA2E0]  }
0x2ff: {  	v39 =	vadd.f32 v39, v43;
	v43 =	vld [tilespmem:s28+$0xA600]  }
0x300: {  	v60 =	vadd.f32 v62, v61;
	v61 =	vmul.f32 v47, v25;
	v47 =	vld [tilespmem:s28+$0xA640]  }
0x301: {  	v46 =	vmul.f32 v46, v24;
	v62 =	vmul.f32 v53, v28;
	v53 =	vld [tilespmem:s28+$0xA280]  }
0x302: {  	v40 =	vadd.f32 v33, v40;
	v38 =	vmul.f32 v38, v29;
	v36 =	vadd.f32 v39, v36;
	v39 =	vld [tilespmem:s28+$0xA630]  }
0x303: {  	v41 =	vmul.f32 v41, v8;
	v35 =	vadd.f32 v35, v60;
	v60 =	vmul.f32 v50, v1;
	v50 =	vld [tilespmem:s28+$0xA670]  }
0x304: {  	v59 =	vmul.f32 v44, v0;
	v44 =	vmul.f32 v48, v4;
	v33 =	vadd.f32 v36, v37;
	v37 =	vld [tilespmem:s28+$0xA620]  }
0x305: {  	v57 =	vmul.f32 v57, v13;
	v38 =	vadd.f32 v38, v62;
	v35 =	vadd.f32 v35, v40;
	v40 =	vld [tilespmem:s28+$0xA650]  }
0x306: {  	v62 =	vmul.f32 v56, v3;
	v44 =	vadd.f32 v63, v44;
	v36 =	vadd.f32 v61, v46;
	v46 =	vld [tilespmem:s28+$0xA660]  }
0x307: {  	v63 =	vld [tilespmem:s28+$0xA2D0];
	v61 =	vmul.f32 v55, v2;
	v38 =	vadd.f32 v45, v38;
	v43 =	vmul.f32 v43, v15  }
0x308: {  	v55 =	vld [tilespmem:s28+$0xA6F0];
	v47 =	vmul.f32 v47, v11;
	v36 =	vadd.f32 v42, v36;
	v42 =	vadd.f32 v60, v59  }
0x309: {  	v59 =	vmul.f32 v58, v14;
	v60 =	vld [tilespmem:s28+$0xA2A0];
	v51 =	vadd.f32 v62, v61;
	v62 =	vmul.f32 v39, v10  }
0x30a: {  	v61 =	vld [tilespmem:s28+$0xA2B0];
	v50 =	vmul.f32 v50, v6;
	v41 =	vadd.f32 v41, v43;
	v37 =	vmul.f32 v37, v9  }
0x30b: {  	v58 =	vld [tilespmem:s28+$0xA6B0];
	v36 =	vadd.f32 v38, v36;
	v40 =	vmul.f32 v40, v12;
	v46 =	vmul.f32 v46, v5  }
0x30c: {  	v39 =	vld [tilespmem:s28+$0xA2C0];
	v45 =	vadd.f32 v59, v57;
	v37 =	vadd.f32 v62, v37  }
0x30d: {  	v56 =	vmul.f32 v53, v0;
	v38 =	vld [tilespmem:s28+$0xA2F0];
	v40 =	vadd.f32 v40, v47;
	v50 =	vadd.f32 v50, v46  }
0x30e: {  	v42 =	vadd.f32 v51, v42;
	v57 =	vmul.f32 v49, v1;
	v59 =	vld [tilespmem:s28+$0xA6C0];
	v44 =	vadd.f32 v45, v44  }
0x30f: {  	v48 =	vmul.f32 v63, v7;
	v63 =	vld [tilespmem:s28+$0xA6E0];
	v37 =	vadd.f32 v37, v41;
	v40 =	vadd.f32 v50, v40  }
0x310: {  	(xrf2) =	vadd.scan.msk.f32 $0xffff, v34;
	v45 =	vld [tilespmem:s28+$0xA690];
	v34 =	vadd.f32 v36, v35;
	v35 =	vadd.f32 v57, v56  }
0x311: {  	v57 =	vld [tilespmem:s28+$0xA310];
	v42 =	vadd.f32 v44, v42;
	v37 =	vadd.f32 v40, v37  }
0x312: {  	v54 =	vmul.f32 v54, v13;
	v46 =	vld [tilespmem:s28+$0xA680]  }
0x313: {  	v60 =	vmul.f32 v60, v2;
	v61 =	vmul.f32 v61, v3;
	v62 =	vld [tilespmem:s28+$0xA6D0];
	v37 =	vadd.f32 v37, v42  }
0x314: {  	v43 =	vmul.f32 v58, v10;
	v39 =	vmul.f32 v39, v4;
	v41 =	vld [tilespmem:s28+$0xA6A0]  }
0x315: {  	v44 =	vadd.f32 v61, v60;
	v38 =	vmul.f32 v38, v14;
	v34 =	vadd.f32 v34, v37  }
0x316: {  	s30 =	simm.s32 $0x53;
	v52 =	vld [tilespmem:s28+$0xA330];
	v60 =	vmul.f32 v63, v5;
	v61 =	vmul.f32 v55, v6;
	v39 =	vadd.f32 v48, v39  }
0x317: {  	v56 =	vld [tilespmem:s28+$0xA300];
	v48 =	vmov s30;
	v45 =	vmul.f32 v45, v8;
	v40 =	vmul.f32 v59, v11;
	(xrf2) =	vadd.scan.msk.f32 $0xffff, v34  }
0x318: {  	v58 =	vld [tilespmem:s28+$0xA320];
	v38 =	vadd.f32 v38, v54;
	v55 =	vmul.f32 v57, v1;
	v46 =	vmul.f32 v46, v15  }
0x319: {  	s31 =	simm.s32 $0x50;
	v53 =	vld [tilespmem:s28+$0xA340];
	v35 =	vadd.f32 v44, v35;
	v36 =	vmul.f32 v62, v12;
	v41 =	vmul.f32 v41, v9  }
0x31a: {  	v57 =	vmov s31;
	v62 =	vld [tilespmem:s28+$0xA350];
	v38 =	vadd.f32 v38, v39;
	v51 =	vadd.f32 v45, v46  }
0x31b: {  	v54 =	vld [tilespmem:s28+$0xA360];
	v47 =	vand.u32 $0xFFFFFFFC, v57;
	v36 =	vadd.f32 v36, v40;
	v41 =	vadd.f32 v43, v41  }
0x31c: {  	v46 =	vadd.f32 v38, v35;
	v37 =	vmul.f32 v56, v0;
	v35 =	vadd.f32 v61, v60;
	v56 =	vld [tilespmem:s28+$0xA370]  }
0x31d: {  	v59, _, _ =	vpop (xrf2);
	v39 =	vmul.f32 v52, v3;
	v34 =	vmul.f32 v58, v2;
	v58 =	vld [tilespmem:s28+$0xA700];
	v63 =	vadd.f32 v41, v51  }
0x31e: {  	v45 =	vbroadcast v59, $0xF;
	v40 =	vld [tilespmem:s28+$0xA730];
	v43 =	vmul.f32 v53, v4;
	v35 =	vadd.f32 v35, v36  }
0x31f: {  	v38 =	vld [tilespmem:s28+$0xA720];
	v59 =	vadd.f32 v55, v37;
	v60 =	vmul.f32 v62, v7;
	v61 =	vadd.f32 v39, v34  }
0x320: {  	v42 =	vmul.f32 v54, v13;
	[tilespmem:v48+s4+$0x0] =	vst.idx.msk $0x1, v45;
	v45 =	vld [tilespmem:s28+$0xA750];
	v34 =	vbroadcast v47, $0x0;
	v62 =	vadd.f32 v35, v63  }
0x321: {  	s5 =	simm.s32 $0xFFFFFFFC;
	v37 =	vld [tilespmem:s28+$0xA710];
	v39 =	vadd.f32 v60, v43;
	v44 =	vmul.f32 v56, v14;
	v35 =	vadd.f32 v61, v59;
	v63, _, _ =	vpop (xrf2)  }
0x322: {  	s1 =	simm.s32 $0x0;
	s21 =	simm.s32 $0x800;
	s26 =	simm.s32 $0x200;
	v41 =	vld [tilespmem:s28+$0xA740];
	v43 =	vadd.f32 v62, v46;
	v46 =	vmul.f32 v58, v15;
	v36 =	vbroadcast v63, $0xF  }
.LBB2_4:
0x323: {  	s0 =	sand.u32 $0xF000, s21;
	s2 =	sand.u32 $0x200, s26;
	v47 =	vld [tilespmem:s28+$0xA760]  }
0x324: {  	v53 =	vld [tilespmem:s28+$0xA770];
	s28 =	sor.u32 s2, s0  }
0x325: {  	v32 =	vadd.f32 v32, v43;
	v43 =	vld [tilespmem:s28+$0xA3A0]  }
0x326: {  	v42 =	vadd.f32 v44, v42;
	v44 =	vld [tilespmem:s28+$0xA3C0]  }
0x327: {  	v57 =	vld [tilespmem:s28+$0xA780]  }
0x328: {  	v58 =	vld [tilespmem:s28+$0xA790]  }
0x329: {  	v59 =	vld [tilespmem:s28+$0xA7A0]  }
0x32a: {  	v49 =	vld [tilespmem:s28+$0xA7C0]  }
0x32b: {  	v62 =	vld [tilespmem:s28+$0xA7D0]  }
0x32c: {  	v50 =	vld [tilespmem:s28+$0xA7E0]  }
0x32d: {  	p0 =	por !p0, !p0;
	s0 =	simm.s32 $0x1;
	v63 =	vld [tilespmem:s28+$0xA7F0]  }
0x32e: {  	s0 =	simm.s32 @!p0 $0x0;
	v39 =	vadd.f32 v42, v39;
	v42 =	vld [tilespmem:s28+$0xA390];
	v52 =	vmul.f32 v38, v9  }
0x32f: {  	s3 =	simm.s32 $0x14200;
	s0 =	sshll.u32 s0, $0x9;
	v38 =	vld [tilespmem:s28+$0xA380];
	v41 =	vmul.f32 v41, v11;
	v54 =	vmul.f32 v45, v12  }
0x330: {  	[tilespmem:v34+s3+$0x0] =	vst.idx.msk $0x1, v36;
	v40 =	vmul.f32 v40, v10;
	s3 =	sadd.s32 s0, s21;
	v35 =	vadd.f32 v39, v35;
	v39 =	vld [tilespmem:s28+$0xA3B0]  }
0x331: {  	(xrf2) =	vadd.scan.msk.f32 $0xffff, v32;
	s6 =	sadd.s32 $0x180, s3;
	v32 =	vadd.f32 v54, v41;
	v41 =	vld [tilespmem:s28+$0xA3E0]  }
0x332: {  	v34 =	vadd.f32 v40, v52;
	v40 =	vld [tilespmem:s28+$0xA3F0];
	s31 =	sor.u32 $0x810, s6  }
0x333: {  	s8 =	sor.u32 $0x830, s6;
	v51 =	vld [tilespmem:s31+$0xA200]  }
0x334: {  	v37 =	vmul.f32 v37, v8;
	s9 =	sor.u32 $0x840, s6;
	v52 =	vld [tilespmem:s8+$0xA200]  }
0x335: {  	v55 =	vmul.f32 v47, v5;
	v36 =	vmul.f32 v53, v6;
	s10 =	sor.u32 $0x850, s6;
	v53 =	vld [tilespmem:s9+$0xA200]  }
0x336: {  	s23 =	sadd.s32 $0x55, s5;
	s12 =	sor.u32 $0x860, s6;
	v54 =	vld [tilespmem:s10+$0xA200]  }
0x337: {  	v56 =	vmov s23;
	v37 =	vadd.f32 v37, v46;
	s23 =	sor.u32 $0x870, s6;
	v36 =	vadd.f32 v36, v55;
	v55 =	vld [tilespmem:s12+$0xA200]  }
0x338: {  	s7 =	simm.s32 $0x14200;
	v45 =	vand.u32 $0xFFFFFFFD, v56;
	v56 =	vld [tilespmem:s23+$0xA200]  }
0x339: {  	s4 =	sadd.s32 $0x56, s5;
	v45 =	vbroadcast v45, $0x0;
	s29 =	sadd.s32 $0x100, s3;
	s8 =	sor.u32 $0xC00, s6;
	v34 =	vadd.f32 v34, v37;
	v37 =	vld [tilespmem:s28+$0xA3D0]  }
0x33a: {  	s24 =	smov.u32 s1;
	v60 =	vmov s4;
	v43 =	vmul.f32 v43, v2;
	v46 =	vmul.f32 v57, v15;
	s10 =	sor.u32 $0x820, s29;
	s23 =	sor.u32 $0xC10, s6;
	v57 =	vld [tilespmem:s8+$0xA200]  }
0x33b: {  	s25 =	sadd.s32 $0x80, s3;
	v47 =	vmul.f32 v59, v9;
	[smem:$0x7DD] =	sst s10;
	s10 =	sor.u32 $0xC20, s6;
	v32 =	vadd.f32 v36, v32;
	v36 =	vmul.f32 v58, v8;
	v58 =	vld [tilespmem:s23+$0xA200]  }
0x33c: {  	[smem:$0x7E2] =	sst s24;
	v61 =	vand.u32 $0xFFFFFFFE, v60;
	s24 =	sor.u32 $0x800, s25;
	v50 =	vmul.f32 v50, v5;
	s8 =	sor.u32 $0x850, s29;
	v60 =	vld [tilespmem:s10+$0xA200];
	v39 =	vmul.f32 v39, v3  }
0x33d: {  	s2 =	sor.u32 $0x810, s25;
	v59 =	vmul.f32 v63, v6;
	v42 =	vmul.f32 v42, v1;
	[smem:$0x7E0] =	sst s8;
	s8 =	sor.u32 $0xC40, s6;
	v32 =	vadd.f32 v32, v34;
	v34 =	vld [tilespmem:s28+$0xA7B0];
	v48, _, _ =	vpop (xrf2)  }
0x33e: {  	s30 =	sor.u32 $0x800, s6;
	s0 =	sor.u32 $0x820, s25;
	s23 =	sor.u32 $0xC30, s6;
	v39 =	vadd.f32 v39, v43;
	v43 =	vmul.f32 v51, v17;
	v51 =	vld [tilespmem:s8+$0xA200];
	v48 =	vbroadcast v48, $0xF  }
0x33f: {  	s22 =	sor.u32 $0x830, s25;
	s20 =	sor.u32 $0x840, s25;
	s18 =	sor.u32 $0x850, s25;
	v38 =	vmul.f32 v38, v0;
	v32 =	vadd.f32 v32, v35;
	v35 =	vmul.f32 v62, v12;
	v62 =	vld [tilespmem:s23+$0xA200]  }
0x340: {  	s19 =	sor.u32 $0x860, s25;
	s16 =	sor.u32 $0x870, s25;
	v44 =	vmul.f32 v44, v4;
	v49 =	vmul.f32 v49, v11;
	[tilespmem:v45+s7+$0x0] =	vst.idx.msk $0x1, v48;
	v45 =	vld [tilespmem:s30+$0xA200];
	s7 =	sor.u32 $0x820, s6  }
0x341: {  	s17 =	sor.u32 $0xC00, s25;
	s14 =	sor.u32 $0xC10, s25;
	s15 =	sor.u32 $0xC20, s25;
	v50 =	vadd.f32 v59, v50;
	v41 =	vmul.f32 v41, v13;
	v38 =	vadd.f32 v42, v38;
	v48 =	vld [tilespmem:s7+$0xA200]  }
0x342: {  	s11 =	sor.u32 $0xC30, s25;
	s13 =	sor.u32 $0xC40, s25;
	s9 =	sor.u32 $0xC60, s25;
	v40 =	vmul.f32 v40, v14;
	v32 =	vadd.f32 v33, v32;
	v35 =	vadd.f32 v35, v49;
	v49 =	vld [tilespmem:s24+$0xA200]  }
0x343: {  	v37 =	vmul.f32 v37, v7;
	v38 =	vadd.f32 v39, v38;
	s30 =	sor.u32 $0xC70, s25;
	v34 =	vmul.f32 v34, v10;
	s7 =	sor.u32 $0xC50, s25;
	s25 =	sor.u32 $0x810, s29;
	v39 =	vld [tilespmem:s0+$0xA200]  }
0x344: {  	v36 =	vadd.f32 v36, v46;
	(xrf2) =	vadd.scan.msk.f32 $0xffff, v32;
	v32 =	vbroadcast v61, $0x0;
	v61 =	vmul.f32 v60, v26;
	v60 =	vld [tilespmem:s18+$0xA200];
	[smem:$0x7DC] =	sst s25;
	s25 =	sor.u32 $0x840, s29  }
0x345: {  	v46 =	vmul.f32 v55, v22;
	v40 =	vadd.f32 v40, v41;
	v41 =	vmul.f32 v53, v20;
	v55 =	vld [tilespmem:s17+$0xA200];
	[smem:$0x7DF] =	sst s25;
	s25 =	sor.u32 $0xC50, s6  }
0x346: {  	v37 =	vadd.f32 v37, v44;
	v51 =	vmul.f32 v51, v28;
	v34 =	vadd.f32 v34, v47;
	v53 =	vld [tilespmem:s25+$0xA200];
	s25 =	sor.u32 $0xC60, s6  }
0x347: {  	s12 =	sor.u32 $0x830, s29;
	v35 =	vadd.f32 v50, v35;
	v47 =	vmul.f32 v57, v24;
	v42 =	vmul.f32 v45, v16;
	v63 =	vld [tilespmem:s25+$0xA200];
	s25 =	sor.u32 $0xC70, s6  }
0x348: {  	[smem:$0x7DE] =	sst s12;
	s12 =	sor.u32 $0x860, s29;
	v34 =	vadd.f32 v34, v36;
	v45 =	vmul.f32 v62, v27;
	v44 =	vmul.f32 v48, v18;
	v57 =	vld [tilespmem:s25+$0xA200]  }
0x349: {  	[smem:$0x7E1] =	sst s12;
	s23 =	sor.u32 $0xC30, s29;
	v37 =	vadd.f32 v40, v37;
	v62 =	vld [tilespmem:s2+$0xA200];
	v48 =	vmul.f32 v52, v19;
	v52 =	vmul.f32 v54, v21  }
0x34a: {  	[smem:$0x7E3] =	sst s23;
	s23 =	sor.u32 $0xC50, s29;
	v36 =	vld [tilespmem:s22+$0xA200];
	v54 =	vmul.f32 v56, v23;
	v56 =	vmul.f32 v58, v25;
	v34 =	vadd.f32 v35, v34  }
0x34b: {  	[smem:$0x7E4] =	sst s23;
	s23 =	sor.u32 $0x800, s3;
	v49 =	vmul.f32 v49, v16;
	v58 =	vld [tilespmem:s15+$0xA200];
	v42 =	vadd.f32 v43, v42;
	v45 =	vadd.f32 v45, v61  }
0x34c: {  	[smem:$0x7E5] =	sst s23;
	s23 =	sor.u32 $0x810, s3;
	v39 =	vmul.f32 v39, v18;
	v43 =	vadd.f32 v48, v44;
	v44 =	vld [tilespmem:s20+$0xA200];
	v41 =	vadd.f32 v52, v41  }
0x34d: {  	[smem:$0x7E6] =	sst s23;
	s23 =	sor.u32 $0x820, s3;
	v47 =	vadd.f32 v56, v47;
	v56 =	vld [tilespmem:s14+$0xA200];
	v63 =	vmul.f32 v63, v30;
	v57 =	vmul.f32 v57, v31  }
0x34e: {  	[smem:$0x7E7] =	sst s23;
	s23 =	sor.u32 $0x830, s3;
	v46 =	vadd.f32 v54, v46;
	v40 =	vmul.f32 v53, v29;
	v61 =	vmul.f32 v62, v17;
	v62 =	vld [tilespmem:s19+$0xA200]  }
0x34f: {  	[smem:$0x7E8] =	sst s23;
	v36 =	vmul.f32 v36, v19;
	v42 =	vadd.f32 v43, v42;
	v48 =	vadd.f32 v57, v63;
	v63 =	vld [tilespmem:s16+$0xA200]  }
0x350: {  	s23 =	sor.u32 $0x840, s3;
	s18 =	sld [smem:$0x7DC];
	v52 =	vmul.f32 v55, v24;
	v55 =	vld [tilespmem:s9+$0xA200];
	v41 =	vadd.f32 v46, v41;
	v40 =	vadd.f32 v40, v51  }
0x351: {  	[smem:$0x7E9] =	sst s23;
	s23 =	sor.u32 $0x860, s3;
	v53 =	vld [tilespmem:s7+$0xA200];
	v36 =	vadd.f32 v36, v39;
	v61 =	vadd.f32 v61, v49  }
0x352: {  	[smem:$0x7EB] =	sst s23;
	s23 =	sor.u32 $0xC00, s3;
	v45 =	vadd.f32 v45, v47;
	v33, _, _ =	vpop (xrf2);
	v44 =	vmul.f32 v44, v20;
	v57 =	vmul.f32 v60, v21;
	v60 =	vld [tilespmem:s11+$0xA200]  }
0x353: {  	[smem:$0x7ED] =	sst s23;
	v33 =	vbroadcast v33, $0xF;
	v36 =	vadd.f32 v36, v61;
	v61 =	vld [tilespmem:s18+$0xA200];
	v40 =	vadd.f32 v48, v40  }
0x354: {  	s20 =	sld [smem:$0x7DD];
	v59 =	vmul.f32 v62, v22;
	v35 =	vadd.f32 v57, v44;
	v57 =	vld [tilespmem:s30+$0xA200];
	v62 =	vmul.f32 v63, v23  }
0x355: {  	s31 =	sor.u32 $0x800, s29;
	v37 =	vadd.f32 v37, v38;
	s23 =	sld [smem:$0x7DE];
	s19 =	simm.s32 $0x14200;
	v41 =	vadd.f32 v41, v42;
	v63 =	vld [tilespmem:s13+$0xA200]  }
0x356: {  	s30 =	sld [smem:$0x7DF];
	v40 =	vadd.f32 v40, v45;
	v39 =	vadd.f32 v62, v59;
	v59 =	vld [tilespmem:s31+$0xA200];
	[tilespmem:v32+s19+$0x0] =	vst.idx.msk $0x1, v33  }
0x357: {  	s7 =	sld [smem:$0x7E1];
	v45 =	vld [tilespmem:s20+$0xA200]  }
0x358: {  	s24 =	sor.u32 $0xC10, s3;
	v34 =	vadd.f32 v34, v37;
	v51 =	vadd.f32 v40, v41;
	v47 =	vld [tilespmem:s23+$0xA200]  }
0x359: {  	[smem:$0x7EE] =	sst s24;
	s2 =	sor.u32 $0xC30, s3;
	v54 =	vmul.f32 v56, v25;
	v48 =	vld [tilespmem:s30+$0xA200]  }
0x35a: {  	s5 =	sor.u32 $0x870, s29;
	s25 =	sor.u32 $0x850, s3;
	[smem:$0x7F0] =	sst s2;
	v34 =	vadd.f32 v51, v34;
	v51 =	vld [tilespmem:s7+$0xA200]  }
0x35b: {  	s12 =	sor.u32 $0xC00, s29;
	[smem:$0x7EA] =	sst s25;
	v40 =	vadd.f32 v54, v52;
	v52 =	vld [tilespmem:s5+$0xA200]  }
0x35c: {  	s10 =	sor.u32 $0xC20, s29;
	s25 =	sor.u32 $0x870, s3;
	s31 =	sld [smem:$0x7E0];
	v54 =	vld [tilespmem:s12+$0xA200]  }
0x35d: {  	s8 =	sor.u32 $0xC40, s29;
	[smem:$0x7EC] =	sst s25;
	v56 =	vmul.f32 v58, v26;
	v38 =	vmul.f32 v57, v31;
	v57 =	vld [tilespmem:s10+$0xA200]  }
0x35e: {  	v58 =	vmul.f32 v60, v27;
	v50 =	vmul.f32 v61, v17;
	s10 =	sld [smem:$0x7E3];
	v61 =	vld [tilespmem:s8+$0xA200]  }
0x35f: {  	s4 =	sor.u32 $0xC10, s29;
	s11 =	sld [smem:$0x7E4];
	v62 =	vmul.f32 v53, v29;
	v60 =	vmul.f32 v63, v28;
	v49 =	vld [tilespmem:s31+$0xA200]  }
0x360: {  	s13 =	sld [smem:$0x7E6];
	v63 =	vadd.f32 v58, v56;
	v56 =	vld [tilespmem:s4+$0xA200]  }
0x361: {  	s12 =	sld [smem:$0x7E5];
	v32 =	vadd.f32 v62, v60;
	v60 =	vld [tilespmem:s10+$0xA200]  }
0x362: {  	s6 =	sor.u32 $0xC60, s29;
	v46 =	vmul.f32 v55, v30;
	s5 =	sld [smem:$0x7E2];
	v33 =	vadd.f32 v63, v40;
	v63 =	vld [tilespmem:s11+$0xA200]  }
0x363: {  	s25 =	sor.u32 $0xC20, s3;
	s14 =	sld [smem:$0x7E7];
	v35 =	vadd.f32 v39, v35;
	(xrf2) =	vadd.scan.msk.f32 $0xffff, v34;
	v34 =	vmul.f32 v48, v20;
	v48 =	vld [tilespmem:s6+$0xA200]  }
0x364: {  	[smem:$0x7EF] =	sst s25;
	v37 =	vadd.f32 v38, v46;
	v39 =	vmul.f32 v59, v16;
	v59 =	vmul.f32 v51, v22;
	v51 =	vld [tilespmem:s12+$0xA200]  }
0x365: {  	s16 =	sld [smem:$0x7E9];
	v35 =	vadd.f32 v35, v36;
	s9 =	sadd.s32 $0x57, s5;
	v43 =	vmul.f32 v52, v23;
	v52 =	vld [tilespmem:s13+$0xA200]  }
0x366: {  	s29 =	sor.u32 $0xC70, s29;
	s18 =	sld [smem:$0x7EB];
	v55 =	vmov s9;
	v62 =	vmul.f32 v54, v24;
	v54 =	vld [tilespmem:s14+$0xA200];
	v32 =	vadd.f32 v37, v32  }
0x367: {  	s20 =	sld [smem:$0x7ED];
	v36 =	vmul.f32 v45, v18;
	v53 =	vmul.f32 v47, v19;
	v38 =	vadd.f32 v50, v39;
	v50 =	vld [tilespmem:s29+$0xA200]  }
0x368: {  	s23 =	sld [smem:$0x7EE];
	v40 =	vmul.f32 v49, v21;
	v37 =	vmul.f32 v56, v25;
	v56 =	vld [tilespmem:s16+$0xA200];
	v32 =	vadd.f32 v32, v33  }
0x369: {  	s30 =	sld [smem:$0x7F0];
	v36 =	vadd.f32 v53, v36;
	v49 =	vmul.f32 v57, v26;
	v33 =	vadd.f32 v43, v59;
	v59 =	vld [tilespmem:s18+$0xA200]  }
0x36a: {  	s29 =	sld [smem:$0x7EF];
	v53 =	vmul.f32 v61, v28;
	v32 =	vadd.f32 v32, v35;
	v35 =	vadd.f32 v37, v62;
	v62 =	vld [tilespmem:s20+$0xA200]  }
0x36b: {  	v34 =	vadd.f32 v40, v34;
	v42 =	vmul.f32 v60, v27;
	v39 =	vmul.f32 v48, v30;
	v48 =	vld [tilespmem:s23+$0xA200]  }
0x36c: {  	s17 =	sld [smem:$0x7EA];
	v36 =	vadd.f32 v36, v38;
	v38 =	vmul.f32 v63, v29;
	v57 =	vmul.f32 v51, v16;
	v51 =	vld [tilespmem:s30+$0xA200]  }
0x36d: {  	s24 =	sor.u32 $0xC40, s3;
	v40 =	vadd.f32 v42, v49;
	v49 =	vld [tilespmem:s29+$0xA200]  }
0x36e: {  	s15 =	sld [smem:$0x7E8];
	v33 =	vadd.f32 v33, v34;
	v37 =	vadd.f32 v38, v53;
	v34 =	vmul.f32 v52, v17;
	v53 =	vld [tilespmem:s24+$0xA200];
	v58, _, _ =	vpop (xrf2)  }
0x36f: {  	s22 =	sor.u32 $0xC60, s3;
	v41 =	vbroadcast v58, $0xF;
	v58 =	vld [tilespmem:s17+$0xA200]  }
0x370: {  	v34 =	vadd.f32 v34, v57;
	v57 =	vld [tilespmem:s22+$0xA200]  }
0x371: {  	[tilespmem:v55+s19+$0x0] =	vst.idx.msk $0x1, v41;
	v55 =	vld [tilespmem:s15+$0xA200]  }
0x372: {  	v41 =	vmul.f32 v50, v31;
	v50 =	vmul.f32 v59, v22;
	v59 =	vld [tilespmem:s28+$0xA200]  }
0x373: {  	v63 =	vmul.f32 v56, v20;
	s19 =	sld [smem:$0x7EC];
	v56 =	vmul.f32 v48, v25;
	v48 =	vld [tilespmem:s28+$0xA230]  }
0x374: {  	v42 =	vmul.f32 v49, v26;
	v49 =	vld [tilespmem:s28+$0xA240]  }
0x375: {  	v39 =	vadd.f32 v41, v39;
	v41 =	vmul.f32 v51, v27;
	v51 =	vld [tilespmem:s28+$0xA250]  }
0x376: {  	s25 =	sor.u32 $0xC50, s3;
	s3 =	sor.u32 $0xC70, s3;
	v61 =	vld [tilespmem:s19+$0xA200]  }
0x377: {  	v35 =	vadd.f32 v40, v35;
	v40 =	vmul.f32 v58, v21;
	v58 =	vld [tilespmem:s3+$0xA200]  }
0x378: {  	v37 =	vadd.f32 v39, v37;
	v39 =	vmul.f32 v57, v30;
	v57 =	vld [tilespmem:s28+$0xA610]  }
0x379: {  	v60 =	vmul.f32 v54, v18;
	v33 =	vadd.f32 v33, v36;
	v36 =	vmul.f32 v55, v19;
	v55 =	vld [tilespmem:s25+$0xA200]  }
0x37a: {  	v54 =	vmul.f32 v62, v24;
	v38 =	vadd.f32 v40, v63;
	v63 =	vld [tilespmem:s28+$0xA220];
	v35 =	vadd.f32 v37, v35  }
0x37b: {  	v52 =	vmul.f32 v61, v23;
	v61 =	vld [tilespmem:s28+$0xA210]  }
0x37c: {  	v33 =	vadd.f32 v35, v33;
	v35 =	vadd.f32 v56, v54;
	v54 =	vld [tilespmem:s28+$0xA270]  }
0x37d: {  	v36 =	vadd.f32 v36, v60;
	v43 =	vmul.f32 v58, v31;
	v58 =	vld [tilespmem:s28+$0xA620]  }
0x37e: {  	v56 =	vmul.f32 v49, v4;
	v49 =	vld [tilespmem:s28+$0xA660]  }
0x37f: {  	v34 =	vadd.f32 v36, v34;
	v36 =	vmul.f32 v48, v3;
	v48 =	vmul.f32 v57, v8;
	v57 =	vld [tilespmem:s28+$0xA2C0]  }
0x380: {  	v37 =	vadd.f32 v52, v50;
	v52 =	vld [tilespmem:s28+$0xA260]  }
0x381: {  	v40 =	vmul.f32 v55, v29;
	v55 =	vld [tilespmem:s28+$0xA600]  }
0x382: {  	v62 =	vmul.f32 v53, v28;
	v41 =	vadd.f32 v41, v42;
	v53 =	vmul.f32 v63, v2;
	v63 =	vld [tilespmem:s28+$0xA650]  }
0x383: {  	v50 =	vmul.f32 v59, v0;
	v60 =	vadd.f32 v37, v38;
	v37 =	vmul.f32 v61, v1;
	v61 =	vld [tilespmem:s28+$0xA640]  }
0x384: {  	v39 =	vadd.f32 v43, v39;
	v38 =	vadd.f32 v40, v62;
	v44 =	vmul.f32 v54, v14;
	v54 =	vld [tilespmem:s28+$0xA290]  }
0x385: {  	v35 =	vadd.f32 v41, v35;
	v34 =	vadd.f32 v60, v34;
	v60 =	vld [tilespmem:s28+$0xA630]  }
0x386: {  	v41 =	vmul.f32 v51, v7;
	v38 =	vadd.f32 v39, v38;
	v37 =	vadd.f32 v37, v50;
	v50 =	vld [tilespmem:s28+$0xA670]  }
0x387: {  	v42 =	vmul.f32 v58, v9;
	v40 =	vmul.f32 v49, v5;
	v58 =	vld [tilespmem:s28+$0xA2D0]  }
0x388: {  	v39 =	vadd.f32 v41, v56;
	v56 =	vld [tilespmem:s28+$0xA2B0];
	v59 =	vmul.f32 v52, v13;
	v35 =	vadd.f32 v38, v35  }
0x389: {  	v36 =	vadd.f32 v36, v53;
	v62 =	vmul.f32 v55, v15;
	v52 =	vld [tilespmem:s28+$0xA280];
	v41 =	vmul.f32 v63, v12  }
0x38a: {  	v55 =	vld [tilespmem:s28+$0xA2A0];
	v38 =	vadd.f32 v44, v59;
	v34 =	vadd.f32 v35, v34;
	v53 =	vmul.f32 v61, v11  }
0x38b: {  	v63 =	vld [tilespmem:s28+$0xA680];
	v35 =	vadd.f32 v48, v62;
	v43 =	vmul.f32 v60, v10;
	v44 =	vmul.f32 v50, v6  }
0x38c: {  	v61 =	vld [tilespmem:s28+$0xA2F0];
	v51 =	vadd.f32 v38, v39;
	v39 =	vadd.f32 v41, v53  }
0x38d: {  	v48 =	vld [tilespmem:s28+$0xA690];
	v42 =	vadd.f32 v43, v42;
	v40 =	vadd.f32 v44, v40  }
0x38e: {  	v36 =	vadd.f32 v36, v37;
	v60 =	vld [tilespmem:s28+$0xA2E0]  }
0x38f: {  	v50 =	vld [tilespmem:s28+$0xA6A0];
	v35 =	vadd.f32 v42, v35;
	v39 =	vadd.f32 v40, v39  }
0x390: {  	v38 =	vmul.f32 v52, v0;
	v52 =	vld [tilespmem:s28+$0xA6B0]  }
0x391: {  	v53 =	vld [tilespmem:s28+$0xA6C0];
	v36 =	vadd.f32 v51, v36;
	v35 =	vadd.f32 v39, v35  }
0x392: {  	v59 =	vmul.f32 v54, v1;
	v37 =	vmul.f32 v55, v2;
	v55 =	vld [tilespmem:s28+$0xA6D0]  }
0x393: {  	v41 =	vmul.f32 v57, v4;
	v57 =	vld [tilespmem:s28+$0xA6E0];
	v35 =	vadd.f32 v35, v36  }
0x394: {  	v49 =	vmul.f32 v58, v7;
	v62 =	vmul.f32 v56, v3;
	v38 =	vadd.f32 v59, v38;
	v59 =	vld [tilespmem:s28+$0xA6F0]  }
0x395: {  	v54 =	vmul.f32 v63, v15;
	v63 =	vld [tilespmem:s28+$0xA310];
	v46 =	vmul.f32 v61, v14;
	v34 =	vadd.f32 v34, v35  }
0x396: {  	v37 =	vadd.f32 v62, v37;
	v56 =	vmul.f32 v48, v8;
	v61 =	vld [tilespmem:s28+$0xA300];
	v51 =	vmul.f32 v60, v13  }
0x397: {  	v58 =	vmul.f32 v50, v9;
	v60 =	vmul.f32 v52, v10;
	v39 =	vadd.f32 v49, v41;
	v49 =	vld [tilespmem:s28+$0xA320];
	(xrf2) =	vadd.scan.msk.f32 $0xffff, v34  }
0x398: {  	v62 =	vmul.f32 v53, v11;
	v48 =	vmul.f32 v55, v12;
	v40 =	vadd.f32 v46, v51;
	v51 =	vld [tilespmem:s28+$0xA330]  }
0x399: {  	v37 =	vadd.f32 v37, v38;
	v50 =	vmul.f32 v57, v5;
	v52 =	vld [tilespmem:s28+$0xA340];
	v42 =	vmul.f32 v59, v6  }
0x39a: {  	v53 =	vld [tilespmem:s28+$0xA350];
	v55 =	vmul.f32 v63, v1;
	v36 =	vadd.f32 v56, v54;
	v39 =	vadd.f32 v40, v39  }
0x39b: {  	s31 =	sadd.s32 $0x54, s5;
	v40 =	vmul.f32 v61, v0;
	v56 =	vld [tilespmem:s28+$0xA360];
	v38 =	vadd.f32 v42, v50;
	v35 =	vadd.f32 v60, v58  }
0x39c: {  	s1 =	sadd.s32 $0x4, s1;
	v54 =	vmov s31;
	v46 =	vadd.f32 v39, v37;
	v58 =	vld [tilespmem:s28+$0xA370];
	v34 =	vadd.f32 v48, v62  }
0x39d: {  	p1 =	slt.u32 s1, $0x4C;
	v59 =	vld [tilespmem:s28+$0xA700];
	v60 =	vadd.f32 v55, v40;
	v57 =	vmul.f32 v49, v2;
	v39 =	vmul.f32 v51, v3  }
.Ltmp1:
0x39e: {  	v41 =	vld [tilespmem:s28+$0xA740];
	v43 =	vand.u32 $0xFFFFFFFC, v54;
	v35 =	vadd.f32 v35, v36;
	v38 =	vadd.f32 v38, v34;
	(pc) =	sbr.rel @p1 .LBB2_4-.Ltmp1, $4  }
0x39f: {  	v37 =	vld [tilespmem:s28+$0xA710];
	v36 =	vmul.f32 v52, v4;
	v62 =	vmul.f32 v53, v7;
	v45 =	vadd.f32 v39, v57  }
0x3a0: {  	v40 =	vld [tilespmem:s28+$0xA730];
	v42 =	vmul.f32 v56, v13;
	v34 =	vbroadcast v43, $0x0;
	v61 =	vadd.f32 v38, v35  }
0x3a1: {  	v39 =	vadd.f32 v62, v36;
	v44 =	vmul.f32 v58, v14;
	v38 =	vld [tilespmem:s28+$0xA720];
	v35 =	vadd.f32 v45, v60;
	v63, _, _ =	vpop (xrf2)  }
0x3a2: {  	s26 =	sadd.s32 $0x200, s26;
	s21 =	sadd.s32 $0x800, s21;
	v45 =	vld [tilespmem:s28+$0xA750];
	v43 =	vadd.f32 v61, v46;
	v46 =	vmul.f32 v59, v15;
	v36 =	vbroadcast v63, $0xF  }
0x3a3: {  	v47 =	vld [tilespmem:s28+$0xA760]  }
0x3a4: {  	v48 =	vld [tilespmem:s28+$0xA770];
	_ =	sdelay $0x1  }
0x3a5: {  	v41 =	vmul.f32 v41, v11  }
0x3a6: {  	v37 =	vmul.f32 v37, v8;
	v40 =	vmul.f32 v40, v10  }
0x3a7: {  	v38 =	vmul.f32 v38, v9;
	v45 =	vmul.f32 v45, v12  }
0x3a8: {  	v42 =	vadd.f32 v44, v42;
	v50 =	vmul.f32 v47, v5;
	v51 =	vmul.f32 v48, v6  }
0x3a9: {  	v37 =	vadd.f32 v37, v46;
	v38 =	vadd.f32 v40, v38  }
0x3aa: {  	v52 =	vadd.f32 v45, v41;
	v53 =	vadd.f32 v51, v50  }
0x3ab: {  	v39 =	vadd.f32 v42, v39  }
0x3ac: {  	v37 =	vadd.f32 v38, v37;
	v54 =	vadd.f32 v53, v52;
	_ =	sdelay $0x1  }
0x3ad: {  	v35 =	vadd.f32 v39, v35;
	v37 =	vadd.f32 v54, v37;
	_ =	sdelay $0x1  }
0x3ae: {  	v35 =	vadd.f32 v37, v35  }
0x3af: {  	v32 =	vadd.f32 v32, v43  }
0x3b0: {  	v33 =	vadd.f32 v33, v35  }
0x3b1: {  	(xrf2) =	vadd.scan.msk.f32 $0xffff, v32  }
0x3b2: {  	(xrf2) =	vadd.scan.msk.f32 $0xffff, v33;
	_ =	sdelay $0x2  }
0x3b3: {  	s0 =	sadd.s32 $0x55, s5  }
0x3b4: {  	s11 =	sadd.s32 $0x56, s5;
	v55 =	vmov s0  }
0x3b5: {  	v56 =	vmov s11;
	v32 =	vand.u32 $0xFFFFFFFD, v55  }
0x3b6: {  	v32 =	vbroadcast v32, $0x0;
	v33 =	vand.u32 $0xFFFFFFFE, v56  }
0x3b7: {  	v33 =	vbroadcast v33, $0x0;
	_ =	sdelay $0x1  }
0x3b8: {  	v57, _, _ =	vpop (xrf2)  }
0x3b9: {  	s4 =	simm.s32 $0x14200;
	v35 =	vbroadcast v57, $0xF;
	v58, _, _ =	vpop (xrf2)  }
0x3ba: {  	[tilespmem:v34+s4+$0x0] =	vst.idx.msk $0x1, v36;
	v59 =	vbroadcast v58, $0xF  }
0x3bb: {  	[tilespmem:v32+s4+$0x0] =	vst.idx.msk $0x1, v35  }
0x3bc: {  	[tilespmem:v33+s4+$0x0] =	vst.idx.msk $0x1, v59  }
0x3bd: {  	s1 =	sld [smem:$0x7F7];
	_ =	sdelay $0x1  }
0x3be: {  	s12 =	simm.s32 $0x0;
	s2 =	simm.s32 $0x14250;
	s13 =	sld [smem:$0x7F8]  }
0x3bf: {  	[hbm4b:s1+s12] =	stream.linear.scatter [tilespmem:s2], [sflag:$0x3], $0x50, $0x38;
	[tilespmem:$0x14400] =	vst v63  }
0x3c0: {  	s14 =	simm.s32 $0xA200;
	s15 =	simm.s32 $0x1  }
0x3c1: {  	[tilespmem:s14], [sflag:$0x2] =	stream.linear.gather [hbm4b:s13+s12], $0xA000, $0x38;
	[tilespmem:$0x14400] =	vst v63  }
0x3c2: {  	_ =	swait.ge [sflag:s15], $0xA000  }
0x3c3: {  	s16 =	sand.u32 $0xF000, s12;
	s0 =	sand.u32 $0x200, s12;
	[sflag:s15] =	ssyncset.done $0x0  }
0x3c4: {  	s28 =	sor.u32 s0, s16;
	[sflag:s15] =	ssyncadd.s32 $0xFFFF6000  }
0x3c5: {  	v32 =	vld [tilespmem:s28+$0x380]  }
0x3c6: {  	v33 =	vld [tilespmem:s28+$0x390]  }
0x3c7: {  	v34 =	vld [tilespmem:s28+$0x3A0]  }
0x3c8: {  	v35 =	vld [tilespmem:s28+$0x3B0]  }
0x3c9: {  	v36 =	vld [tilespmem:s28+$0x3C0]  }
0x3ca: {  	v37 =	vld [tilespmem:s28+$0x3D0]  }
0x3cb: {  	v38 =	vld [tilespmem:s28+$0x3E0]  }
0x3cc: {  	v39 =	vld [tilespmem:s28+$0x3F0]  }
0x3cd: {  	v40 =	vld [tilespmem:s28+$0x780]  }
0x3ce: {  	v41 =	vld [tilespmem:s28+$0x790]  }
0x3cf: {  	p0 =	por $0x0, $0x0;
	s0 =	simm.s32 $0x1;
	v42 =	vld [tilespmem:s28+$0x7A0]  }
0x3d0: {  	s0 =	simm.s32 @!p0 $0x0;
	v43 =	vld [tilespmem:s28+$0x7B0]  }
0x3d1: {  	s0 =	sshll.u32 s0, $0x9;
	v44 =	vld [tilespmem:s28+$0x7C0]  }
0x3d2: {  	s0 =	sadd.s32 $0x0, s0;
	v45 =	vld [tilespmem:s28+$0x7D0]  }
0x3d3: {  	s17 =	sadd.s32 $0x180, s0;
	v46 =	vld [tilespmem:s28+$0x7E0]  }
0x3d4: {  	s18 =	sor.u32 $0x800, s17;
	v47 =	vld [tilespmem:s28+$0x7F0]  }
0x3d5: {  	s19 =	sor.u32 $0x810, s17;
	v48 =	vld [tilespmem:s18+$0x200]  }
0x3d6: {  	s20 =	sor.u32 $0x820, s17;
	v49 =	vld [tilespmem:s19+$0x200]  }
0x3d7: {  	s21 =	sor.u32 $0x830, s17;
	v50 =	vld [tilespmem:s20+$0x200]  }
0x3d8: {  	s22 =	sor.u32 $0x840, s17;
	v51 =	vld [tilespmem:s21+$0x200]  }
0x3d9: {  	s23 =	sor.u32 $0x850, s17;
	v52 =	vld [tilespmem:s22+$0x200]  }
0x3da: {  	s24 =	sor.u32 $0x860, s17;
	v53 =	vld [tilespmem:s23+$0x200]  }
0x3db: {  	s3 =	sor.u32 $0xC40, s17;
	v54 =	vld [tilespmem:s24+$0x200]  }
0x3dc: {  	s25 =	sor.u32 $0x870, s17;
	v60 =	vld [tilespmem:s3+$0x200]  }
0x3dd: {  	s26 =	sor.u32 $0xC00, s17;
	v55 =	vld [tilespmem:s25+$0x200]  }
0x3de: {  	s29 =	sor.u32 $0xC10, s17;
	v56 =	vld [tilespmem:s26+$0x200]  }
0x3df: {  	s30 =	sor.u32 $0xC20, s17;
	v57 =	vld [tilespmem:s29+$0x200]  }
0x3e0: {  	s31 =	sor.u32 $0xC30, s17;
	v58 =	vld [tilespmem:s30+$0x200];
	s3 =	sadd.s32 $0x80, s0  }
0x3e1: {  	v59 =	vld [tilespmem:s31+$0x200];
	s7 =	sor.u32 $0x800, s3;
	[tilespmem:$0x1F9D0] =	vst v60  }
0x3e2: {  	v60 =	vld [tilespmem:s7+$0x200];
	_ =	sdelay $0x1  }
0x3e3: {  	s5 =	sor.u32 $0xC50, s17  }
0x3e4: {  	s6 =	sor.u32 $0xC60, s17;
	v61 =	vld [tilespmem:s5+$0x200]  }
0x3e5: {  	s1 =	sor.u32 $0xC70, s17;
	v62 =	vld [tilespmem:s6+$0x200]  }
0x3e6: {  	s8 =	sor.u32 $0x810, s3;
	v63 =	vld [tilespmem:s1+$0x200];
	[tilespmem:$0x1F9E0] =	vst v60  }
0x3e7: {  	v60 =	vld [tilespmem:s8+$0x200];
	_ =	sdelay $0x4  }
0x3e8: {  	s9 =	sor.u32 $0x820, s3;
	[tilespmem:$0x1F9F0] =	vst v60  }
0x3e9: {  	v60 =	vld [tilespmem:s9+$0x200];
	_ =	sdelay $0x4  }
0x3ea: {  	s10 =	sor.u32 $0x830, s3;
	[tilespmem:$0x1FA00] =	vst v60  }
0x3eb: {  	v60 =	vld [tilespmem:s10+$0x200];
	_ =	sdelay $0x4  }
0x3ec: {  	s11 =	sor.u32 $0x840, s3;
	[tilespmem:$0x1FA10] =	vst v60  }
0x3ed: {  	v60 =	vld [tilespmem:s11+$0x200];
	_ =	sdelay $0x4  }
0x3ee: {  	s12 =	sor.u32 $0x850, s3;
	[tilespmem:$0x1FA20] =	vst v60  }
0x3ef: {  	v60 =	vld [tilespmem:s12+$0x200];
	_ =	sdelay $0x4  }
0x3f0: {  	s13 =	sor.u32 $0x860, s3;
	[tilespmem:$0x1FA30] =	vst v60  }
0x3f1: {  	v60 =	vld [tilespmem:s13+$0x200];
	_ =	sdelay $0x4  }
0x3f2: {  	s14 =	sor.u32 $0x870, s3;
	[tilespmem:$0x1FA40] =	vst v60  }
0x3f3: {  	v60 =	vld [tilespmem:s14+$0x200];
	_ =	sdelay $0x4  }
0x3f4: {  	s15 =	sor.u32 $0xC00, s3;
	[tilespmem:$0x1FA50] =	vst v60  }
0x3f5: {  	v60 =	vld [tilespmem:s15+$0x200];
	_ =	sdelay $0x4  }
0x3f6: {  	s16 =	sor.u32 $0xC10, s3;
	v32 =	vmul.f32 v32, v0;
	v33 =	vmul.f32 v33, v1;
	[tilespmem:$0x1FA60] =	vst v60  }
0x3f7: {  	v34 =	vmul.f32 v34, v2;
	v35 =	vmul.f32 v35, v3;
	v60 =	vld [tilespmem:s16+$0x200];
	_ =	sdelay $0x1  }
0x3f8: {  	v32 =	vadd.f32 v33, v32;
	v34 =	vadd.f32 v35, v34  }
0x3f9: {  	v36 =	vmul.f32 v36, v4  }
0x3fa: {  	v37 =	vmul.f32 v37, v7;
	v32 =	vadd.f32 v34, v32;
	v34 =	vmul.f32 v48, v16  }
0x3fb: {  	s17 =	sor.u32 $0xC20, s3;
	v48 =	vmul.f32 v50, v18;
	v50 =	vmul.f32 v52, v20;
	[tilespmem:$0x1FA70] =	vst v60  }
0x3fc: {  	v52 =	vmul.f32 v54, v22;
	v54 =	vmul.f32 v56, v24;
	v33 =	vld [tilespmem:s17+$0x200]  }
0x3fd: {  	v56 =	vmul.f32 v58, v26;
	v60 =	vmul.f32 v53, v21  }
0x3fe: {  	v53 =	vmul.f32 v55, v23;
	v55 =	vmul.f32 v57, v25  }
0x3ff: {  	v57 =	vmul.f32 v59, v27;
	v59 =	vmul.f32 v61, v29;
	v61 =	vld [tilespmem:$0x1FA10]  }
0x400: {  	v38 =	vmul.f32 v38, v13;
	v39 =	vmul.f32 v39, v14;
	v50 =	vadd.f32 v60, v50;
	v60 =	vld [tilespmem:$0x1F9D0]  }
0x401: {  	s18 =	sor.u32 $0xC30, s3;
	v40 =	vmul.f32 v40, v15;
	v41 =	vmul.f32 v41, v8;
	v56 =	vadd.f32 v57, v56;
	v57 =	vld [tilespmem:$0x1F9E0];
	[tilespmem:$0x1FA80] =	vst v33  }
0x402: {  	s19 =	sor.u32 $0xC40, s3;
	v42 =	vmul.f32 v42, v9;
	v43 =	vmul.f32 v43, v10;
	v36 =	vadd.f32 v37, v36;
	v37 =	vld [tilespmem:s18+$0x200]  }
0x403: {  	s20 =	sor.u32 $0xC50, s3;
	v44 =	vmul.f32 v44, v11;
	v45 =	vmul.f32 v45, v12;
	v38 =	vadd.f32 v39, v38;
	v39 =	vld [tilespmem:s19+$0x200]  }
0x404: {  	s21 =	sor.u32 $0xC60, s3;
	v46 =	vmul.f32 v46, v5;
	v47 =	vmul.f32 v47, v6;
	v40 =	vadd.f32 v41, v40;
	v41 =	vld [tilespmem:s20+$0x200]  }
0x405: {  	s22 =	sadd.s32 $0x100, s0;
	s3 =	sor.u32 $0xC70, s3;
	v42 =	vadd.f32 v43, v42;
	v43 =	vadd.f32 v45, v44;
	v44 =	vld [tilespmem:s21+$0x200]  }
0x406: {  	s23 =	sor.u32 $0x800, s22;
	v45 =	vadd.f32 v47, v46;
	v46 =	vld [tilespmem:s3+$0x200]  }
0x407: {  	s24 =	sor.u32 $0x810, s22;
	v36 =	vadd.f32 v38, v36;
	v38 =	vld [tilespmem:s23+$0x200]  }
0x408: {  	s25 =	sor.u32 $0x820, s22;
	v40 =	vadd.f32 v42, v40;
	v42 =	vld [tilespmem:s24+$0x200]  }
0x409: {  	s26 =	sor.u32 $0x830, s22;
	v35 =	vmul.f32 v49, v17;
	v49 =	vmul.f32 v51, v19;
	v43 =	vadd.f32 v45, v43;
	v45 =	vld [tilespmem:s25+$0x200]  }
0x40a: {  	s29 =	sor.u32 $0x840, s22;
	v47 =	vld [tilespmem:s26+$0x200]  }
0x40b: {  	s30 =	sor.u32 $0x850, s22;
	v48 =	vadd.f32 v49, v48;
	v49 =	vld [tilespmem:s29+$0x200]  }
0x40c: {  	s31 =	sor.u32 $0x860, s22;
	v51 =	vld [tilespmem:s30+$0x200]  }
0x40d: {  	s5 =	sor.u32 $0x870, s22;
	v34 =	vadd.f32 v35, v34;
	v52 =	vadd.f32 v53, v52;
	v53 =	vld [tilespmem:s31+$0x200]  }
0x40e: {  	s7 =	sor.u32 $0xC10, s22;
	v54 =	vadd.f32 v55, v54;
	v55 =	vld [tilespmem:s5+$0x200]  }
0x40f: {  	s8 =	sor.u32 $0xC20, s22;
	v34 =	vadd.f32 v48, v34;
	v48 =	vld [tilespmem:s7+$0x200]  }
0x410: {  	s9 =	sor.u32 $0xC30, s22;
	v50 =	vadd.f32 v52, v50;
	v52 =	vadd.f32 v56, v54;
	v54 =	vld [tilespmem:s8+$0x200]  }
0x411: {  	v32 =	vadd.f32 v36, v32;
	s10 =	sor.u32 $0xC40, s22;
	v36 =	vld [tilespmem:s9+$0x200]  }
0x412: {  	v35 =	vmul.f32 v63, v31;
	v40 =	vadd.f32 v43, v40;
	v33 =	vmul.f32 v62, v30;
	v43 =	vld [tilespmem:s10+$0x200]  }
0x413: {  	s11 =	sor.u32 $0xC50, s22;
	v58 =	vmul.f32 v60, v28;
	v60 =	vld [tilespmem:$0x1FA00]  }
0x414: {  	s13 =	sor.u32 $0x800, s0;
	v34 =	vadd.f32 v50, v34;
	v50 =	vld [tilespmem:s11+$0x200];
	v63 =	vadd.f32 v35, v33  }
0x415: {  	v33 =	vadd.f32 v40, v32;
	v40 =	vld [tilespmem:s13+$0x200];
	v62 =	vadd.f32 v59, v58  }
0x416: {  	v59 =	vld [tilespmem:$0x1F9F0]  }
0x417: {  	v56 =	vadd.f32 v63, v62;
	v62 =	vld [tilespmem:$0x1FA20]  }
0x418: {  	v63 =	vld [tilespmem:$0x1FA30]  }
0x419: {  	s15 =	sor.u32 $0x820, s0;
	v32 =	vld [tilespmem:$0x1FA60]  }
0x41a: {  	s6 =	sor.u32 $0xC00, s22;
	v61 =	vmul.f32 v61, v19;
	v57 =	vmul.f32 v57, v16;
	v35 =	vld [tilespmem:s15+$0x200];
	v52 =	vadd.f32 v56, v52  }
0x41b: {  	v58 =	vld [tilespmem:s6+$0x200];
	v60 =	vmul.f32 v60, v18;
	v59 =	vmul.f32 v59, v17  }
0x41c: {  	v39 =	vmul.f32 v39, v28;
	v41 =	vmul.f32 v41, v29;
	v34 =	vadd.f32 v52, v34;
	v52 =	vld [tilespmem:$0x1FA40]  }
0x41d: {  	s1 =	sor.u32 $0xC70, s22;
	v56 =	vadd.f32 v59, v57;
	v59 =	vmul.f32 v62, v20;
	v62 =	vmul.f32 v63, v21;
	v63 =	vld [tilespmem:$0x1FA50]  }
0x41e: {  	s20 =	sor.u32 $0x870, s0;
	v44 =	vmul.f32 v44, v30;
	v46 =	vmul.f32 v46, v31;
	v60 =	vadd.f32 v61, v60;
	v61 =	vld [tilespmem:s1+$0x200]  }
0x41f: {  	s21 =	sor.u32 $0xC00, s0;
	v38 =	vmul.f32 v38, v16;
	v42 =	vmul.f32 v42, v17;
	v39 =	vadd.f32 v41, v39;
	v41 =	vld [tilespmem:s20+$0x200]  }
0x420: {  	s23 =	sor.u32 $0xC20, s0;
	v44 =	vadd.f32 v46, v44;
	v46 =	vld [tilespmem:s21+$0x200]  }
0x421: {  	s12 =	sor.u32 $0xC60, s22;
	v38 =	vadd.f32 v42, v38;
	v42 =	vld [tilespmem:s23+$0x200]  }
0x422: {  	v57 =	vld [tilespmem:s12+$0x200];
	v52 =	vmul.f32 v52, v22;
	v63 =	vmul.f32 v63, v23  }
0x423: {  	v56 =	vadd.f32 v60, v56;
	v60 =	vld [tilespmem:$0x1FA70]  }
0x424: {  	s29 =	sor.u32 $0xC60, s0;
	v48 =	vmul.f32 v48, v25;
	v58 =	vmul.f32 v58, v24;
	v52 =	vadd.f32 v63, v52;
	v63 =	vld [tilespmem:$0x1FA80]  }
0x425: {  	v39 =	vadd.f32 v44, v39;
	v44 =	vmul.f32 v49, v20;
	v49 =	vmul.f32 v51, v21;
	v51 =	vld [tilespmem:s29+$0x200]  }
0x426: {  	s16 =	sor.u32 $0x830, s0;
	v48 =	vadd.f32 v48, v58;
	v58 =	vmul.f32 v50, v29;
	v50 =	vld [tilespmem:s28+$0x210]  }
0x427: {  	s14 =	sor.u32 $0x810, s0;
	v37 =	vmul.f32 v37, v27;
	v34 =	vadd.f32 v34, v33;
	v33 =	vld [tilespmem:s16+$0x200]  }
0x428: {  	v43 =	vmul.f32 v43, v28;
	v32 =	vmul.f32 v32, v24;
	v59 =	vadd.f32 v62, v59;
	v62 =	vld [tilespmem:s14+$0x200]  }
0x429: {  	v44 =	vadd.f32 v49, v44;
	v49 =	vld [tilespmem:s28+$0x250];
	v60 =	vmul.f32 v60, v25;
	v63 =	vmul.f32 v63, v26  }
0x42a: {  	s17 =	sor.u32 $0x840, s0;
	v43 =	vadd.f32 v58, v43;
	v58 =	vld [tilespmem:s28+$0x270];
	v52 =	vadd.f32 v52, v59  }
0x42b: {  	s18 =	sor.u32 $0x850, s0;
	v32 =	vadd.f32 v60, v32;
	v60 =	vld [tilespmem:s17+$0x200];
	v37 =	vadd.f32 v37, v63  }
0x42c: {  	s22 =	sor.u32 $0xC10, s0;
	v59 =	vld [tilespmem:s18+$0x200];
	v52 =	vadd.f32 v52, v56  }
0x42d: {  	s19 =	sor.u32 $0x860, s0;
	v56 =	vmul.f32 v47, v19;
	v47 =	vld [tilespmem:s22+$0x200];
	v32 =	vadd.f32 v37, v32;
	v37 =	vmul.f32 v45, v18  }
0x42e: {  	s24 =	sor.u32 $0xC30, s0;
	v63 =	vld [tilespmem:s19+$0x200]  }
0x42f: {  	s25 =	sor.u32 $0xC40, s0;
	v36 =	vmul.f32 v36, v27;
	v45 =	vld [tilespmem:s24+$0x200];
	v37 =	vadd.f32 v56, v37  }
0x430: {  	v32 =	vadd.f32 v39, v32;
	v39 =	vmul.f32 v53, v22;
	v56 =	vmul.f32 v55, v23;
	v53 =	vld [tilespmem:s25+$0x200]  }
0x431: {  	s26 =	sor.u32 $0xC50, s0;
	s0 =	sor.u32 $0xC70, s0;
	v35 =	vmul.f32 v35, v18;
	v33 =	vmul.f32 v33, v19;
	v55 =	vld [tilespmem:s28+$0x220]  }
0x432: {  	v39 =	vadd.f32 v56, v39;
	v32 =	vadd.f32 v32, v52;
	v52 =	vmul.f32 v54, v26;
	v54 =	vld [tilespmem:s0+$0x200]  }
0x433: {  	v41 =	vmul.f32 v41, v23;
	v63 =	vmul.f32 v63, v22;
	v37 =	vadd.f32 v37, v38;
	v38 =	vld [tilespmem:s26+$0x200]  }
0x434: {  	v61 =	vmul.f32 v61, v31;
	v33 =	vadd.f32 v33, v35;
	v56 =	vld [tilespmem:s28+$0x230];
	v39 =	vadd.f32 v39, v44  }
0x435: {  	v42 =	vmul.f32 v42, v26;
	v35 =	vadd.f32 v41, v63;
	v41 =	vld [tilespmem:s28+$0x610];
	v36 =	vadd.f32 v36, v52  }
0x436: {  	v45 =	vmul.f32 v45, v27;
	v63 =	vmul.f32 v51, v30;
	v44 =	vld [tilespmem:s28+$0x200];
	v37 =	vadd.f32 v39, v37  }
0x437: {  	v39 =	vmul.f32 v57, v30;
	v36 =	vadd.f32 v36, v48;
	v48 =	vld [tilespmem:s28+$0x240];
	v54 =	vmul.f32 v54, v31  }
0x438: {  	v40 =	vmul.f32 v40, v16;
	v62 =	vmul.f32 v62, v17;
	v42 =	vadd.f32 v45, v42;
	v57 =	vld [tilespmem:s28+$0x260]  }
0x439: {  	v39 =	vadd.f32 v61, v39;
	v45 =	vadd.f32 v54, v63;
	v63 =	vmul.f32 v49, v7;
	v49 =	vld [tilespmem:s28+$0x290]  }
0x43a: {  	v40 =	vadd.f32 v62, v40;
	v62 =	vmul.f32 v59, v21;
	v61 =	vmul.f32 v60, v20;
	v54 =	vld [tilespmem:s28+$0x2E0]  }
0x43b: {  	v39 =	vadd.f32 v39, v43;
	v43 =	vld [tilespmem:s28+$0x600]  }
0x43c: {  	v60 =	vadd.f32 v62, v61;
	v61 =	vmul.f32 v47, v25;
	v47 =	vld [tilespmem:s28+$0x640]  }
0x43d: {  	v46 =	vmul.f32 v46, v24;
	v62 =	vmul.f32 v53, v28;
	v53 =	vld [tilespmem:s28+$0x280]  }
0x43e: {  	v40 =	vadd.f32 v33, v40;
	v38 =	vmul.f32 v38, v29;
	v36 =	vadd.f32 v39, v36;
	v39 =	vld [tilespmem:s28+$0x630]  }
0x43f: {  	v41 =	vmul.f32 v41, v8;
	v35 =	vadd.f32 v35, v60;
	v60 =	vmul.f32 v50, v1;
	v50 =	vld [tilespmem:s28+$0x670]  }
0x440: {  	v59 =	vmul.f32 v44, v0;
	v44 =	vmul.f32 v48, v4;
	v33 =	vadd.f32 v36, v37;
	v37 =	vld [tilespmem:s28+$0x620]  }
0x441: {  	v57 =	vmul.f32 v57, v13;
	v38 =	vadd.f32 v38, v62;
	v35 =	vadd.f32 v35, v40;
	v40 =	vld [tilespmem:s28+$0x650]  }
0x442: {  	v62 =	vmul.f32 v56, v3;
	v44 =	vadd.f32 v63, v44;
	v36 =	vadd.f32 v61, v46;
	v46 =	vld [tilespmem:s28+$0x660]  }
0x443: {  	v63 =	vld [tilespmem:s28+$0x2D0];
	v61 =	vmul.f32 v55, v2;
	v38 =	vadd.f32 v45, v38;
	v43 =	vmul.f32 v43, v15  }
0x444: {  	v55 =	vld [tilespmem:s28+$0x6F0];
	v47 =	vmul.f32 v47, v11;
	v36 =	vadd.f32 v42, v36;
	v42 =	vadd.f32 v60, v59  }
0x445: {  	v59 =	vmul.f32 v58, v14;
	v60 =	vld [tilespmem:s28+$0x2A0];
	v51 =	vadd.f32 v62, v61;
	v62 =	vmul.f32 v39, v10  }
0x446: {  	v61 =	vld [tilespmem:s28+$0x2B0];
	v50 =	vmul.f32 v50, v6;
	v41 =	vadd.f32 v41, v43;
	v37 =	vmul.f32 v37, v9  }
0x447: {  	v58 =	vld [tilespmem:s28+$0x6B0];
	v36 =	vadd.f32 v38, v36;
	v40 =	vmul.f32 v40, v12;
	v46 =	vmul.f32 v46, v5  }
0x448: {  	v39 =	vld [tilespmem:s28+$0x2C0];
	v45 =	vadd.f32 v59, v57;
	v37 =	vadd.f32 v62, v37  }
0x449: {  	v56 =	vmul.f32 v53, v0;
	v38 =	vld [tilespmem:s28+$0x2F0];
	v40 =	vadd.f32 v40, v47;
	v50 =	vadd.f32 v50, v46  }
0x44a: {  	v42 =	vadd.f32 v51, v42;
	v57 =	vmul.f32 v49, v1;
	v59 =	vld [tilespmem:s28+$0x6C0];
	v44 =	vadd.f32 v45, v44  }
0x44b: {  	v48 =	vmul.f32 v63, v7;
	v63 =	vld [tilespmem:s28+$0x6E0];
	v37 =	vadd.f32 v37, v41;
	v40 =	vadd.f32 v50, v40  }
0x44c: {  	(xrf2) =	vadd.scan.msk.f32 $0xffff, v34;
	v45 =	vld [tilespmem:s28+$0x690];
	v34 =	vadd.f32 v36, v35;
	v35 =	vadd.f32 v57, v56  }
0x44d: {  	v57 =	vld [tilespmem:s28+$0x310];
	v42 =	vadd.f32 v44, v42;
	v37 =	vadd.f32 v40, v37  }
0x44e: {  	v54 =	vmul.f32 v54, v13;
	v46 =	vld [tilespmem:s28+$0x680]  }
0x44f: {  	v60 =	vmul.f32 v60, v2;
	v61 =	vmul.f32 v61, v3;
	v62 =	vld [tilespmem:s28+$0x6D0];
	v37 =	vadd.f32 v37, v42  }
0x450: {  	v43 =	vmul.f32 v58, v10;
	v39 =	vmul.f32 v39, v4;
	v41 =	vld [tilespmem:s28+$0x6A0]  }
0x451: {  	v44 =	vadd.f32 v61, v60;
	v38 =	vmul.f32 v38, v14;
	v34 =	vadd.f32 v34, v37  }
0x452: {  	s30 =	simm.s32 $0xA3;
	v52 =	vld [tilespmem:s28+$0x330];
	v60 =	vmul.f32 v63, v5;
	v61 =	vmul.f32 v55, v6;
	v39 =	vadd.f32 v48, v39  }
0x453: {  	v56 =	vld [tilespmem:s28+$0x300];
	v48 =	vmov s30;
	v45 =	vmul.f32 v45, v8;
	v40 =	vmul.f32 v59, v11;
	(xrf2) =	vadd.scan.msk.f32 $0xffff, v34  }
0x454: {  	v58 =	vld [tilespmem:s28+$0x320];
	v38 =	vadd.f32 v38, v54;
	v55 =	vmul.f32 v57, v1;
	v46 =	vmul.f32 v46, v15  }
0x455: {  	s31 =	simm.s32 $0xA0;
	v53 =	vld [tilespmem:s28+$0x340];
	v35 =	vadd.f32 v44, v35;
	v36 =	vmul.f32 v62, v12;
	v41 =	vmul.f32 v41, v9  }
0x456: {  	v57 =	vmov s31;
	v62 =	vld [tilespmem:s28+$0x350];
	v38 =	vadd.f32 v38, v39;
	v51 =	vadd.f32 v45, v46  }
0x457: {  	v54 =	vld [tilespmem:s28+$0x360];
	v47 =	vand.u32 $0xFFFFFFFC, v57;
	v36 =	vadd.f32 v36, v40;
	v41 =	vadd.f32 v43, v41  }
0x458: {  	v46 =	vadd.f32 v38, v35;
	v37 =	vmul.f32 v56, v0;
	v35 =	vadd.f32 v61, v60;
	v56 =	vld [tilespmem:s28+$0x370]  }
0x459: {  	v59, _, _ =	vpop (xrf2);
	v39 =	vmul.f32 v52, v3;
	v34 =	vmul.f32 v58, v2;
	v58 =	vld [tilespmem:s28+$0x700];
	v63 =	vadd.f32 v41, v51  }
0x45a: {  	v45 =	vbroadcast v59, $0xF;
	v40 =	vld [tilespmem:s28+$0x730];
	v43 =	vmul.f32 v53, v4;
	v35 =	vadd.f32 v35, v36  }
0x45b: {  	v38 =	vld [tilespmem:s28+$0x720];
	v59 =	vadd.f32 v55, v37;
	v60 =	vmul.f32 v62, v7;
	v61 =	vadd.f32 v39, v34  }
0x45c: {  	v42 =	vmul.f32 v54, v13;
	[tilespmem:v48+s4+$0x0] =	vst.idx.msk $0x1, v45;
	v45 =	vld [tilespmem:s28+$0x750];
	v34 =	vbroadcast v47, $0x0;
	v62 =	vadd.f32 v35, v63  }
0x45d: {  	s5 =	simm.s32 $0xFFFFFFFC;
	v37 =	vld [tilespmem:s28+$0x710];
	v39 =	vadd.f32 v60, v43;
	v44 =	vmul.f32 v56, v14;
	v35 =	vadd.f32 v61, v59;
	v63, _, _ =	vpop (xrf2)  }
0x45e: {  	s1 =	simm.s32 $0x0;
	s21 =	simm.s32 $0x800;
	s26 =	simm.s32 $0x200;
	v41 =	vld [tilespmem:s28+$0x740];
	v43 =	vadd.f32 v62, v46;
	v46 =	vmul.f32 v58, v15;
	v36 =	vbroadcast v63, $0xF  }
.LBB2_6:
0x45f: {  	s0 =	sand.u32 $0xF000, s21;
	s2 =	sand.u32 $0x200, s26;
	v47 =	vld [tilespmem:s28+$0x760]  }
0x460: {  	v53 =	vld [tilespmem:s28+$0x770];
	s28 =	sor.u32 s2, s0  }
0x461: {  	v32 =	vadd.f32 v32, v43;
	v43 =	vld [tilespmem:s28+$0x3A0]  }
0x462: {  	v42 =	vadd.f32 v44, v42;
	v44 =	vld [tilespmem:s28+$0x3C0]  }
0x463: {  	v57 =	vld [tilespmem:s28+$0x780]  }
0x464: {  	v58 =	vld [tilespmem:s28+$0x790]  }
0x465: {  	v59 =	vld [tilespmem:s28+$0x7A0]  }
0x466: {  	v49 =	vld [tilespmem:s28+$0x7C0]  }
0x467: {  	v62 =	vld [tilespmem:s28+$0x7D0]  }
0x468: {  	v50 =	vld [tilespmem:s28+$0x7E0]  }
0x469: {  	p0 =	por !p0, !p0;
	s0 =	simm.s32 $0x1;
	v63 =	vld [tilespmem:s28+$0x7F0]  }
0x46a: {  	s0 =	simm.s32 @!p0 $0x0;
	v39 =	vadd.f32 v42, v39;
	v42 =	vld [tilespmem:s28+$0x390];
	v52 =	vmul.f32 v38, v9  }
0x46b: {  	s3 =	simm.s32 $0x14200;
	s0 =	sshll.u32 s0, $0x9;
	v38 =	vld [tilespmem:s28+$0x380];
	v41 =	vmul.f32 v41, v11;
	v54 =	vmul.f32 v45, v12  }
0x46c: {  	[tilespmem:v34+s3+$0x0] =	vst.idx.msk $0x1, v36;
	v40 =	vmul.f32 v40, v10;
	s3 =	sadd.s32 s0, s21;
	v35 =	vadd.f32 v39, v35;
	v39 =	vld [tilespmem:s28+$0x3B0]  }
0x46d: {  	(xrf2) =	vadd.scan.msk.f32 $0xffff, v32;
	s6 =	sadd.s32 $0x180, s3;
	v32 =	vadd.f32 v54, v41;
	v41 =	vld [tilespmem:s28+$0x3E0]  }
0x46e: {  	v34 =	vadd.f32 v40, v52;
	v40 =	vld [tilespmem:s28+$0x3F0];
	s31 =	sor.u32 $0x810, s6  }
0x46f: {  	s8 =	sor.u32 $0x830, s6;
	v51 =	vld [tilespmem:s31+$0x200]  }
0x470: {  	v37 =	vmul.f32 v37, v8;
	s9 =	sor.u32 $0x840, s6;
	v52 =	vld [tilespmem:s8+$0x200]  }
0x471: {  	v55 =	vmul.f32 v47, v5;
	v36 =	vmul.f32 v53, v6;
	s10 =	sor.u32 $0x850, s6;
	v53 =	vld [tilespmem:s9+$0x200]  }
0x472: {  	s23 =	sadd.s32 $0xA5, s5;
	s12 =	sor.u32 $0x860, s6;
	v54 =	vld [tilespmem:s10+$0x200]  }
0x473: {  	v56 =	vmov s23;
	v37 =	vadd.f32 v37, v46;
	s23 =	sor.u32 $0x870, s6;
	v36 =	vadd.f32 v36, v55;
	v55 =	vld [tilespmem:s12+$0x200]  }
0x474: {  	s7 =	simm.s32 $0x14200;
	v45 =	vand.u32 $0xFFFFFFFD, v56;
	v56 =	vld [tilespmem:s23+$0x200]  }
0x475: {  	s4 =	sadd.s32 $0xA6, s5;
	v45 =	vbroadcast v45, $0x0;
	s29 =	sadd.s32 $0x100, s3;
	s8 =	sor.u32 $0xC00, s6;
	v34 =	vadd.f32 v34, v37;
	v37 =	vld [tilespmem:s28+$0x3D0]  }
0x476: {  	s24 =	smov.u32 s1;
	v60 =	vmov s4;
	v43 =	vmul.f32 v43, v2;
	v46 =	vmul.f32 v57, v15;
	s10 =	sor.u32 $0x820, s29;
	s23 =	sor.u32 $0xC10, s6;
	v57 =	vld [tilespmem:s8+$0x200]  }
0x477: {  	s25 =	sadd.s32 $0x80, s3;
	v47 =	vmul.f32 v59, v9;
	[smem:$0x7C8] =	sst s10;
	s10 =	sor.u32 $0xC20, s6;
	v32 =	vadd.f32 v36, v32;
	v36 =	vmul.f32 v58, v8;
	v58 =	vld [tilespmem:s23+$0x200]  }
0x478: {  	[smem:$0x7CD] =	sst s24;
	v61 =	vand.u32 $0xFFFFFFFE, v60;
	s24 =	sor.u32 $0x800, s25;
	v50 =	vmul.f32 v50, v5;
	s8 =	sor.u32 $0x850, s29;
	v60 =	vld [tilespmem:s10+$0x200];
	v39 =	vmul.f32 v39, v3  }
0x479: {  	s2 =	sor.u32 $0x810, s25;
	v59 =	vmul.f32 v63, v6;
	v42 =	vmul.f32 v42, v1;
	[smem:$0x7CB] =	sst s8;
	s8 =	sor.u32 $0xC40, s6;
	v32 =	vadd.f32 v32, v34;
	v34 =	vld [tilespmem:s28+$0x7B0];
	v48, _, _ =	vpop (xrf2)  }
0x47a: {  	s30 =	sor.u32 $0x800, s6;
	s0 =	sor.u32 $0x820, s25;
	s23 =	sor.u32 $0xC30, s6;
	v39 =	vadd.f32 v39, v43;
	v43 =	vmul.f32 v51, v17;
	v51 =	vld [tilespmem:s8+$0x200];
	v48 =	vbroadcast v48, $0xF  }
0x47b: {  	s22 =	sor.u32 $0x830, s25;
	s20 =	sor.u32 $0x840, s25;
	s18 =	sor.u32 $0x850, s25;
	v38 =	vmul.f32 v38, v0;
	v32 =	vadd.f32 v32, v35;
	v35 =	vmul.f32 v62, v12;
	v62 =	vld [tilespmem:s23+$0x200]  }
0x47c: {  	s19 =	sor.u32 $0x860, s25;
	s16 =	sor.u32 $0x870, s25;
	v44 =	vmul.f32 v44, v4;
	v49 =	vmul.f32 v49, v11;
	[tilespmem:v45+s7+$0x0] =	vst.idx.msk $0x1, v48;
	v45 =	vld [tilespmem:s30+$0x200];
	s7 =	sor.u32 $0x820, s6  }
0x47d: {  	s17 =	sor.u32 $0xC00, s25;
	s14 =	sor.u32 $0xC10, s25;
	s15 =	sor.u32 $0xC20, s25;
	v50 =	vadd.f32 v59, v50;
	v41 =	vmul.f32 v41, v13;
	v38 =	vadd.f32 v42, v38;
	v48 =	vld [tilespmem:s7+$0x200]  }
0x47e: {  	s11 =	sor.u32 $0xC30, s25;
	s13 =	sor.u32 $0xC40, s25;
	s9 =	sor.u32 $0xC60, s25;
	v40 =	vmul.f32 v40, v14;
	v32 =	vadd.f32 v33, v32;
	v35 =	vadd.f32 v35, v49;
	v49 =	vld [tilespmem:s24+$0x200]  }
0x47f: {  	v37 =	vmul.f32 v37, v7;
	v38 =	vadd.f32 v39, v38;
	s30 =	sor.u32 $0xC70, s25;
	v34 =	vmul.f32 v34, v10;
	s7 =	sor.u32 $0xC50, s25;
	s25 =	sor.u32 $0x810, s29;
	v39 =	vld [tilespmem:s0+$0x200]  }
0x480: {  	v36 =	vadd.f32 v36, v46;
	(xrf2) =	vadd.scan.msk.f32 $0xffff, v32;
	v32 =	vbroadcast v61, $0x0;
	v61 =	vmul.f32 v60, v26;
	v60 =	vld [tilespmem:s18+$0x200];
	[smem:$0x7C7] =	sst s25;
	s25 =	sor.u32 $0x840, s29  }
0x481: {  	v46 =	vmul.f32 v55, v22;
	v40 =	vadd.f32 v40, v41;
	v41 =	vmul.f32 v53, v20;
	v55 =	vld [tilespmem:s17+$0x200];
	[smem:$0x7CA] =	sst s25;
	s25 =	sor.u32 $0xC50, s6  }
0x482: {  	v37 =	vadd.f32 v37, v44;
	v51 =	vmul.f32 v51, v28;
	v34 =	vadd.f32 v34, v47;
	v53 =	vld [tilespmem:s25+$0x200];
	s25 =	sor.u32 $0xC60, s6  }
0x483: {  	s12 =	sor.u32 $0x830, s29;
	v35 =	vadd.f32 v50, v35;
	v47 =	vmul.f32 v57, v24;
	v42 =	vmul.f32 v45, v16;
	v63 =	vld [tilespmem:s25+$0x200];
	s25 =	sor.u32 $0xC70, s6  }
0x484: {  	[smem:$0x7C9] =	sst s12;
	s12 =	sor.u32 $0x860, s29;
	v34 =	vadd.f32 v34, v36;
	v45 =	vmul.f32 v62, v27;
	v44 =	vmul.f32 v48, v18;
	v57 =	vld [tilespmem:s25+$0x200]  }
0x485: {  	[smem:$0x7CC] =	sst s12;
	s23 =	sor.u32 $0xC30, s29;
	v37 =	vadd.f32 v40, v37;
	v62 =	vld [tilespmem:s2+$0x200];
	v48 =	vmul.f32 v52, v19;
	v52 =	vmul.f32 v54, v21  }
0x486: {  	[smem:$0x7CE] =	sst s23;
	s23 =	sor.u32 $0xC50, s29;
	v36 =	vld [tilespmem:s22+$0x200];
	v54 =	vmul.f32 v56, v23;
	v56 =	vmul.f32 v58, v25;
	v34 =	vadd.f32 v35, v34  }
0x487: {  	[smem:$0x7CF] =	sst s23;
	s23 =	sor.u32 $0x800, s3;
	v49 =	vmul.f32 v49, v16;
	v58 =	vld [tilespmem:s15+$0x200];
	v42 =	vadd.f32 v43, v42;
	v45 =	vadd.f32 v45, v61  }
0x488: {  	[smem:$0x7D0] =	sst s23;
	s23 =	sor.u32 $0x810, s3;
	v39 =	vmul.f32 v39, v18;
	v43 =	vadd.f32 v48, v44;
	v44 =	vld [tilespmem:s20+$0x200];
	v41 =	vadd.f32 v52, v41  }
0x489: {  	[smem:$0x7D1] =	sst s23;
	s23 =	sor.u32 $0x820, s3;
	v47 =	vadd.f32 v56, v47;
	v56 =	vld [tilespmem:s14+$0x200];
	v63 =	vmul.f32 v63, v30;
	v57 =	vmul.f32 v57, v31  }
0x48a: {  	[smem:$0x7D2] =	sst s23;
	s23 =	sor.u32 $0x830, s3;
	v46 =	vadd.f32 v54, v46;
	v40 =	vmul.f32 v53, v29;
	v61 =	vmul.f32 v62, v17;
	v62 =	vld [tilespmem:s19+$0x200]  }
0x48b: {  	[smem:$0x7D3] =	sst s23;
	v36 =	vmul.f32 v36, v19;
	v42 =	vadd.f32 v43, v42;
	v48 =	vadd.f32 v57, v63;
	v63 =	vld [tilespmem:s16+$0x200]  }
0x48c: {  	s23 =	sor.u32 $0x840, s3;
	s18 =	sld [smem:$0x7C7];
	v52 =	vmul.f32 v55, v24;
	v55 =	vld [tilespmem:s9+$0x200];
	v41 =	vadd.f32 v46, v41;
	v40 =	vadd.f32 v40, v51  }
0x48d: {  	[smem:$0x7D4] =	sst s23;
	s23 =	sor.u32 $0x860, s3;
	v53 =	vld [tilespmem:s7+$0x200];
	v36 =	vadd.f32 v36, v39;
	v61 =	vadd.f32 v61, v49  }
0x48e: {  	[smem:$0x7D6] =	sst s23;
	s23 =	sor.u32 $0xC00, s3;
	v45 =	vadd.f32 v45, v47;
	v33, _, _ =	vpop (xrf2);
	v44 =	vmul.f32 v44, v20;
	v57 =	vmul.f32 v60, v21;
	v60 =	vld [tilespmem:s11+$0x200]  }
0x48f: {  	[smem:$0x7D8] =	sst s23;
	v33 =	vbroadcast v33, $0xF;
	v36 =	vadd.f32 v36, v61;
	v61 =	vld [tilespmem:s18+$0x200];
	v40 =	vadd.f32 v48, v40  }
0x490: {  	s20 =	sld [smem:$0x7C8];
	v59 =	vmul.f32 v62, v22;
	v35 =	vadd.f32 v57, v44;
	v57 =	vld [tilespmem:s30+$0x200];
	v62 =	vmul.f32 v63, v23  }
0x491: {  	s31 =	sor.u32 $0x800, s29;
	v37 =	vadd.f32 v37, v38;
	s23 =	sld [smem:$0x7C9];
	s19 =	simm.s32 $0x14200;
	v41 =	vadd.f32 v41, v42;
	v63 =	vld [tilespmem:s13+$0x200]  }
0x492: {  	s30 =	sld [smem:$0x7CA];
	v40 =	vadd.f32 v40, v45;
	v39 =	vadd.f32 v62, v59;
	v59 =	vld [tilespmem:s31+$0x200];
	[tilespmem:v32+s19+$0x0] =	vst.idx.msk $0x1, v33  }
0x493: {  	s7 =	sld [smem:$0x7CC];
	v45 =	vld [tilespmem:s20+$0x200]  }
0x494: {  	s24 =	sor.u32 $0xC10, s3;
	v34 =	vadd.f32 v34, v37;
	v51 =	vadd.f32 v40, v41;
	v47 =	vld [tilespmem:s23+$0x200]  }
0x495: {  	[smem:$0x7D9] =	sst s24;
	s2 =	sor.u32 $0xC30, s3;
	v54 =	vmul.f32 v56, v25;
	v48 =	vld [tilespmem:s30+$0x200]  }
0x496: {  	s5 =	sor.u32 $0x870, s29;
	s25 =	sor.u32 $0x850, s3;
	[smem:$0x7DB] =	sst s2;
	v34 =	vadd.f32 v51, v34;
	v51 =	vld [tilespmem:s7+$0x200]  }
0x497: {  	s12 =	sor.u32 $0xC00, s29;
	[smem:$0x7D5] =	sst s25;
	v40 =	vadd.f32 v54, v52;
	v52 =	vld [tilespmem:s5+$0x200]  }
0x498: {  	s10 =	sor.u32 $0xC20, s29;
	s25 =	sor.u32 $0x870, s3;
	s31 =	sld [smem:$0x7CB];
	v54 =	vld [tilespmem:s12+$0x200]  }
0x499: {  	s8 =	sor.u32 $0xC40, s29;
	[smem:$0x7D7] =	sst s25;
	v56 =	vmul.f32 v58, v26;
	v38 =	vmul.f32 v57, v31;
	v57 =	vld [tilespmem:s10+$0x200]  }
0x49a: {  	v58 =	vmul.f32 v60, v27;
	v50 =	vmul.f32 v61, v17;
	s10 =	sld [smem:$0x7CE];
	v61 =	vld [tilespmem:s8+$0x200]  }
0x49b: {  	s4 =	sor.u32 $0xC10, s29;
	s11 =	sld [smem:$0x7CF];
	v62 =	vmul.f32 v53, v29;
	v60 =	vmul.f32 v63, v28;
	v49 =	vld [tilespmem:s31+$0x200]  }
0x49c: {  	s13 =	sld [smem:$0x7D1];
	v63 =	vadd.f32 v58, v56;
	v56 =	vld [tilespmem:s4+$0x200]  }
0x49d: {  	s12 =	sld [smem:$0x7D0];
	v32 =	vadd.f32 v62, v60;
	v60 =	vld [tilespmem:s10+$0x200]  }
0x49e: {  	s6 =	sor.u32 $0xC60, s29;
	v46 =	vmul.f32 v55, v30;
	s5 =	sld [smem:$0x7CD];
	v33 =	vadd.f32 v63, v40;
	v63 =	vld [tilespmem:s11+$0x200]  }
0x49f: {  	s25 =	sor.u32 $0xC20, s3;
	s14 =	sld [smem:$0x7D2];
	v35 =	vadd.f32 v39, v35;
	(xrf2) =	vadd.scan.msk.f32 $0xffff, v34;
	v34 =	vmul.f32 v48, v20;
	v48 =	vld [tilespmem:s6+$0x200]  }
0x4a0: {  	[smem:$0x7DA] =	sst s25;
	v37 =	vadd.f32 v38, v46;
	v39 =	vmul.f32 v59, v16;
	v59 =	vmul.f32 v51, v22;
	v51 =	vld [tilespmem:s12+$0x200]  }
0x4a1: {  	s16 =	sld [smem:$0x7D4];
	v35 =	vadd.f32 v35, v36;
	s9 =	sadd.s32 $0xA7, s5;
	v43 =	vmul.f32 v52, v23;
	v52 =	vld [tilespmem:s13+$0x200]  }
0x4a2: {  	s29 =	sor.u32 $0xC70, s29;
	s18 =	sld [smem:$0x7D6];
	v55 =	vmov s9;
	v62 =	vmul.f32 v54, v24;
	v54 =	vld [tilespmem:s14+$0x200];
	v32 =	vadd.f32 v37, v32  }
0x4a3: {  	s20 =	sld [smem:$0x7D8];
	v36 =	vmul.f32 v45, v18;
	v53 =	vmul.f32 v47, v19;
	v38 =	vadd.f32 v50, v39;
	v50 =	vld [tilespmem:s29+$0x200]  }
0x4a4: {  	s23 =	sld [smem:$0x7D9];
	v40 =	vmul.f32 v49, v21;
	v37 =	vmul.f32 v56, v25;
	v56 =	vld [tilespmem:s16+$0x200];
	v32 =	vadd.f32 v32, v33  }
0x4a5: {  	s30 =	sld [smem:$0x7DB];
	v36 =	vadd.f32 v53, v36;
	v49 =	vmul.f32 v57, v26;
	v33 =	vadd.f32 v43, v59;
	v59 =	vld [tilespmem:s18+$0x200]  }
0x4a6: {  	s29 =	sld [smem:$0x7DA];
	v53 =	vmul.f32 v61, v28;
	v32 =	vadd.f32 v32, v35;
	v35 =	vadd.f32 v37, v62;
	v62 =	vld [tilespmem:s20+$0x200]  }
0x4a7: {  	v34 =	vadd.f32 v40, v34;
	v42 =	vmul.f32 v60, v27;
	v39 =	vmul.f32 v48, v30;
	v48 =	vld [tilespmem:s23+$0x200]  }
0x4a8: {  	s17 =	sld [smem:$0x7D5];
	v36 =	vadd.f32 v36, v38;
	v38 =	vmul.f32 v63, v29;
	v57 =	vmul.f32 v51, v16;
	v51 =	vld [tilespmem:s30+$0x200]  }
0x4a9: {  	s24 =	sor.u32 $0xC40, s3;
	v40 =	vadd.f32 v42, v49;
	v49 =	vld [tilespmem:s29+$0x200]  }
0x4aa: {  	s15 =	sld [smem:$0x7D3];
	v33 =	vadd.f32 v33, v34;
	v37 =	vadd.f32 v38, v53;
	v34 =	vmul.f32 v52, v17;
	v53 =	vld [tilespmem:s24+$0x200];
	v58, _, _ =	vpop (xrf2)  }
0x4ab: {  	s22 =	sor.u32 $0xC60, s3;
	v41 =	vbroadcast v58, $0xF;
	v58 =	vld [tilespmem:s17+$0x200]  }
0x4ac: {  	v34 =	vadd.f32 v34, v57;
	v57 =	vld [tilespmem:s22+$0x200]  }
0x4ad: {  	[tilespmem:v55+s19+$0x0] =	vst.idx.msk $0x1, v41;
	v55 =	vld [tilespmem:s15+$0x200]  }
0x4ae: {  	v41 =	vmul.f32 v50, v31;
	v50 =	vmul.f32 v59, v22;
	v59 =	vld [tilespmem:s28+$0x200]  }
0x4af: {  	v63 =	vmul.f32 v56, v20;
	s19 =	sld [smem:$0x7D7];
	v56 =	vmul.f32 v48, v25;
	v48 =	vld [tilespmem:s28+$0x230]  }
0x4b0: {  	v42 =	vmul.f32 v49, v26;
	v49 =	vld [tilespmem:s28+$0x240]  }
0x4b1: {  	v39 =	vadd.f32 v41, v39;
	v41 =	vmul.f32 v51, v27;
	v51 =	vld [tilespmem:s28+$0x250]  }
0x4b2: {  	s25 =	sor.u32 $0xC50, s3;
	s3 =	sor.u32 $0xC70, s3;
	v61 =	vld [tilespmem:s19+$0x200]  }
0x4b3: {  	v35 =	vadd.f32 v40, v35;
	v40 =	vmul.f32 v58, v21;
	v58 =	vld [tilespmem:s3+$0x200]  }
0x4b4: {  	v37 =	vadd.f32 v39, v37;
	v39 =	vmul.f32 v57, v30;
	v57 =	vld [tilespmem:s28+$0x610]  }
0x4b5: {  	v60 =	vmul.f32 v54, v18;
	v33 =	vadd.f32 v33, v36;
	v36 =	vmul.f32 v55, v19;
	v55 =	vld [tilespmem:s25+$0x200]  }
0x4b6: {  	v54 =	vmul.f32 v62, v24;
	v38 =	vadd.f32 v40, v63;
	v63 =	vld [tilespmem:s28+$0x220];
	v35 =	vadd.f32 v37, v35  }
0x4b7: {  	v52 =	vmul.f32 v61, v23;
	v61 =	vld [tilespmem:s28+$0x210]  }
0x4b8: {  	v33 =	vadd.f32 v35, v33;
	v35 =	vadd.f32 v56, v54;
	v54 =	vld [tilespmem:s28+$0x270]  }
0x4b9: {  	v36 =	vadd.f32 v36, v60;
	v43 =	vmul.f32 v58, v31;
	v58 =	vld [tilespmem:s28+$0x620]  }
0x4ba: {  	v56 =	vmul.f32 v49, v4;
	v49 =	vld [tilespmem:s28+$0x660]  }
0x4bb: {  	v34 =	vadd.f32 v36, v34;
	v36 =	vmul.f32 v48, v3;
	v48 =	vmul.f32 v57, v8;
	v57 =	vld [tilespmem:s28+$0x2C0]  }
0x4bc: {  	v37 =	vadd.f32 v52, v50;
	v52 =	vld [tilespmem:s28+$0x260]  }
0x4bd: {  	v40 =	vmul.f32 v55, v29;
	v55 =	vld [tilespmem:s28+$0x600]  }
0x4be: {  	v62 =	vmul.f32 v53, v28;
	v41 =	vadd.f32 v41, v42;
	v53 =	vmul.f32 v63, v2;
	v63 =	vld [tilespmem:s28+$0x650]  }
0x4bf: {  	v50 =	vmul.f32 v59, v0;
	v60 =	vadd.f32 v37, v38;
	v37 =	vmul.f32 v61, v1;
	v61 =	vld [tilespmem:s28+$0x640]  }
0x4c0: {  	v39 =	vadd.f32 v43, v39;
	v38 =	vadd.f32 v40, v62;
	v44 =	vmul.f32 v54, v14;
	v54 =	vld [tilespmem:s28+$0x290]  }
0x4c1: {  	v35 =	vadd.f32 v41, v35;
	v34 =	vadd.f32 v60, v34;
	v60 =	vld [tilespmem:s28+$0x630]  }
0x4c2: {  	v41 =	vmul.f32 v51, v7;
	v38 =	vadd.f32 v39, v38;
	v37 =	vadd.f32 v37, v50;
	v50 =	vld [tilespmem:s28+$0x670]  }
0x4c3: {  	v42 =	vmul.f32 v58, v9;
	v40 =	vmul.f32 v49, v5;
	v58 =	vld [tilespmem:s28+$0x2D0]  }
0x4c4: {  	v39 =	vadd.f32 v41, v56;
	v56 =	vld [tilespmem:s28+$0x2B0];
	v59 =	vmul.f32 v52, v13;
	v35 =	vadd.f32 v38, v35  }
0x4c5: {  	v36 =	vadd.f32 v36, v53;
	v62 =	vmul.f32 v55, v15;
	v52 =	vld [tilespmem:s28+$0x280];
	v41 =	vmul.f32 v63, v12  }
0x4c6: {  	v55 =	vld [tilespmem:s28+$0x2A0];
	v38 =	vadd.f32 v44, v59;
	v34 =	vadd.f32 v35, v34;
	v53 =	vmul.f32 v61, v11  }
0x4c7: {  	v63 =	vld [tilespmem:s28+$0x680];
	v35 =	vadd.f32 v48, v62;
	v43 =	vmul.f32 v60, v10;
	v44 =	vmul.f32 v50, v6  }
0x4c8: {  	v61 =	vld [tilespmem:s28+$0x2F0];
	v51 =	vadd.f32 v38, v39;
	v39 =	vadd.f32 v41, v53  }
0x4c9: {  	v48 =	vld [tilespmem:s28+$0x690];
	v42 =	vadd.f32 v43, v42;
	v40 =	vadd.f32 v44, v40  }
0x4ca: {  	v36 =	vadd.f32 v36, v37;
	v60 =	vld [tilespmem:s28+$0x2E0]  }
0x4cb: {  	v50 =	vld [tilespmem:s28+$0x6A0];
	v35 =	vadd.f32 v42, v35;
	v39 =	vadd.f32 v40, v39  }
0x4cc: {  	v38 =	vmul.f32 v52, v0;
	v52 =	vld [tilespmem:s28+$0x6B0]  }
0x4cd: {  	v53 =	vld [tilespmem:s28+$0x6C0];
	v36 =	vadd.f32 v51, v36;
	v35 =	vadd.f32 v39, v35  }
0x4ce: {  	v59 =	vmul.f32 v54, v1;
	v37 =	vmul.f32 v55, v2;
	v55 =	vld [tilespmem:s28+$0x6D0]  }
0x4cf: {  	v41 =	vmul.f32 v57, v4;
	v57 =	vld [tilespmem:s28+$0x6E0];
	v35 =	vadd.f32 v35, v36  }
0x4d0: {  	v49 =	vmul.f32 v58, v7;
	v62 =	vmul.f32 v56, v3;
	v38 =	vadd.f32 v59, v38;
	v59 =	vld [tilespmem:s28+$0x6F0]  }
0x4d1: {  	v54 =	vmul.f32 v63, v15;
	v63 =	vld [tilespmem:s28+$0x310];
	v46 =	vmul.f32 v61, v14;
	v34 =	vadd.f32 v34, v35  }
0x4d2: {  	v37 =	vadd.f32 v62, v37;
	v56 =	vmul.f32 v48, v8;
	v61 =	vld [tilespmem:s28+$0x300];
	v51 =	vmul.f32 v60, v13  }
0x4d3: {  	v58 =	vmul.f32 v50, v9;
	v60 =	vmul.f32 v52, v10;
	v39 =	vadd.f32 v49, v41;
	v49 =	vld [tilespmem:s28+$0x320];
	(xrf2) =	vadd.scan.msk.f32 $0xffff, v34  }
0x4d4: {  	v62 =	vmul.f32 v53, v11;
	v48 =	vmul.f32 v55, v12;
	v40 =	vadd.f32 v46, v51;
	v51 =	vld [tilespmem:s28+$0x330]  }
0x4d5: {  	v37 =	vadd.f32 v37, v38;
	v50 =	vmul.f32 v57, v5;
	v52 =	vld [tilespmem:s28+$0x340];
	v42 =	vmul.f32 v59, v6  }
0x4d6: {  	v53 =	vld [tilespmem:s28+$0x350];
	v55 =	vmul.f32 v63, v1;
	v36 =	vadd.f32 v56, v54;
	v39 =	vadd.f32 v40, v39  }
0x4d7: {  	s31 =	sadd.s32 $0xA4, s5;
	v40 =	vmul.f32 v61, v0;
	v56 =	vld [tilespmem:s28+$0x360];
	v38 =	vadd.f32 v42, v50;
	v35 =	vadd.f32 v60, v58  }
0x4d8: {  	s1 =	sadd.s32 $0x4, s1;
	v54 =	vmov s31;
	v46 =	vadd.f32 v39, v37;
	v58 =	vld [tilespmem:s28+$0x370];
	v34 =	vadd.f32 v48, v62  }
0x4d9: {  	p1 =	slt.u32 s1, $0x4C;
	v59 =	vld [tilespmem:s28+$0x700];
	v60 =	vadd.f32 v55, v40;
	v57 =	vmul.f32 v49, v2;
	v39 =	vmul.f32 v51, v3  }
.Ltmp2:
0x4da: {  	v41 =	vld [tilespmem:s28+$0x740];
	v43 =	vand.u32 $0xFFFFFFFC, v54;
	v35 =	vadd.f32 v35, v36;
	v38 =	vadd.f32 v38, v34;
	(pc) =	sbr.rel @p1 .LBB2_6-.Ltmp2, $4  }
0x4db: {  	v37 =	vld [tilespmem:s28+$0x710];
	v36 =	vmul.f32 v52, v4;
	v62 =	vmul.f32 v53, v7;
	v45 =	vadd.f32 v39, v57  }
0x4dc: {  	v40 =	vld [tilespmem:s28+$0x730];
	v42 =	vmul.f32 v56, v13;
	v34 =	vbroadcast v43, $0x0;
	v61 =	vadd.f32 v38, v35  }
0x4dd: {  	v39 =	vadd.f32 v62, v36;
	v44 =	vmul.f32 v58, v14;
	v38 =	vld [tilespmem:s28+$0x720];
	v35 =	vadd.f32 v45, v60;
	v63, _, _ =	vpop (xrf2)  }
0x4de: {  	s26 =	sadd.s32 $0x200, s26;
	s21 =	sadd.s32 $0x800, s21;
	v45 =	vld [tilespmem:s28+$0x750];
	v43 =	vadd.f32 v61, v46;
	v46 =	vmul.f32 v59, v15;
	v36 =	vbroadcast v63, $0xF  }
0x4df: {  	v47 =	vld [tilespmem:s28+$0x760]  }
0x4e0: {  	v48 =	vld [tilespmem:s28+$0x770];
	_ =	sdelay $0x1  }
0x4e1: {  	v41 =	vmul.f32 v41, v11  }
0x4e2: {  	v37 =	vmul.f32 v37, v8;
	v40 =	vmul.f32 v40, v10  }
0x4e3: {  	v38 =	vmul.f32 v38, v9;
	v45 =	vmul.f32 v45, v12  }
0x4e4: {  	v42 =	vadd.f32 v44, v42;
	v50 =	vmul.f32 v47, v5;
	v51 =	vmul.f32 v48, v6  }
0x4e5: {  	v37 =	vadd.f32 v37, v46;
	v38 =	vadd.f32 v40, v38  }
0x4e6: {  	v52 =	vadd.f32 v45, v41;
	v53 =	vadd.f32 v51, v50  }
0x4e7: {  	v39 =	vadd.f32 v42, v39  }
0x4e8: {  	v37 =	vadd.f32 v38, v37;
	v54 =	vadd.f32 v53, v52;
	_ =	sdelay $0x1  }
0x4e9: {  	v35 =	vadd.f32 v39, v35;
	v37 =	vadd.f32 v54, v37;
	_ =	sdelay $0x1  }
0x4ea: {  	v35 =	vadd.f32 v37, v35  }
0x4eb: {  	v32 =	vadd.f32 v32, v43  }
0x4ec: {  	v33 =	vadd.f32 v33, v35  }
0x4ed: {  	(xrf2) =	vadd.scan.msk.f32 $0xffff, v32  }
0x4ee: {  	(xrf2) =	vadd.scan.msk.f32 $0xffff, v33;
	_ =	sdelay $0x2  }
0x4ef: {  	s0 =	sadd.s32 $0xA5, s5  }
0x4f0: {  	s11 =	sadd.s32 $0xA6, s5;
	v55 =	vmov s0  }
0x4f1: {  	v56 =	vmov s11;
	v32 =	vand.u32 $0xFFFFFFFD, v55  }
0x4f2: {  	v32 =	vbroadcast v32, $0x0;
	v33 =	vand.u32 $0xFFFFFFFE, v56  }
0x4f3: {  	v33 =	vbroadcast v33, $0x0;
	_ =	sdelay $0x1  }
0x4f4: {  	v57, _, _ =	vpop (xrf2)  }
0x4f5: {  	s4 =	simm.s32 $0x14200;
	v35 =	vbroadcast v57, $0xF;
	v58, _, _ =	vpop (xrf2)  }
0x4f6: {  	[tilespmem:v34+s4+$0x0] =	vst.idx.msk $0x1, v36;
	v59 =	vbroadcast v58, $0xF  }
0x4f7: {  	[tilespmem:v32+s4+$0x0] =	vst.idx.msk $0x1, v35  }
0x4f8: {  	[tilespmem:v33+s4+$0x0] =	vst.idx.msk $0x1, v59  }
0x4f9: {  	s1 =	sld [smem:$0x7F9];
	_ =	sdelay $0x1  }
0x4fa: {  	s12 =	simm.s32 $0x0;
	s2 =	simm.s32 $0x142A0;
	s13 =	sld [smem:$0x7FA]  }
0x4fb: {  	[hbm4b:s1+s12] =	stream.linear.scatter [tilespmem:s2], [sflag:$0x3], $0x50, $0x38;
	[tilespmem:$0x14400] =	vst v63  }
0x4fc: {  	s14 =	simm.s32 $0x200;
	s15 =	simm.s32 $0x2  }
0x4fd: {  	[tilespmem:s14], [sflag:$0x1] =	stream.linear.gather [hbm4b:s13+s12], $0xA000, $0x38;
	[tilespmem:$0x14400] =	vst v63  }
0x4fe: {  	_ =	swait.ge [sflag:s15], $0xA000  }
0x4ff: {  	s16 =	sand.u32 $0xF000, s12;
	s0 =	sand.u32 $0x200, s12;
	[sflag:s15] =	ssyncset.done $0x0  }
0x500: {  	s28 =	sor.u32 s0, s16;
	[sflag:s15] =	ssyncadd.s32 $0xFFFF6000  }
0x501: {  	v32 =	vld [tilespmem:s28+$0xA380]  }
0x502: {  	v33 =	vld [tilespmem:s28+$0xA390]  }
0x503: {  	v34 =	vld [tilespmem:s28+$0xA3A0]  }
0x504: {  	v35 =	vld [tilespmem:s28+$0xA3B0]  }
0x505: {  	v36 =	vld [tilespmem:s28+$0xA3C0]  }
0x506: {  	v37 =	vld [tilespmem:s28+$0xA3D0]  }
0x507: {  	v38 =	vld [tilespmem:s28+$0xA3E0]  }
0x508: {  	v39 =	vld [tilespmem:s28+$0xA3F0]  }
0x509: {  	v40 =	vld [tilespmem:s28+$0xA780]  }
0x50a: {  	v41 =	vld [tilespmem:s28+$0xA790]  }
0x50b: {  	p0 =	por $0x0, $0x0;
	s0 =	simm.s32 $0x1;
	v42 =	vld [tilespmem:s28+$0xA7A0]  }
0x50c: {  	s0 =	simm.s32 @!p0 $0x0;
	v43 =	vld [tilespmem:s28+$0xA7B0]  }
0x50d: {  	s0 =	sshll.u32 s0, $0x9;
	v44 =	vld [tilespmem:s28+$0xA7C0]  }
0x50e: {  	s0 =	sadd.s32 $0x0, s0;
	v45 =	vld [tilespmem:s28+$0xA7D0]  }
0x50f: {  	s17 =	sadd.s32 $0x180, s0;
	v46 =	vld [tilespmem:s28+$0xA7E0]  }
0x510: {  	s18 =	sor.u32 $0x800, s17;
	v47 =	vld [tilespmem:s28+$0xA7F0]  }
0x511: {  	s19 =	sor.u32 $0x810, s17;
	v48 =	vld [tilespmem:s18+$0xA200]  }
0x512: {  	s20 =	sor.u32 $0x820, s17;
	v49 =	vld [tilespmem:s19+$0xA200]  }
0x513: {  	s21 =	sor.u32 $0x830, s17;
	v50 =	vld [tilespmem:s20+$0xA200]  }
0x514: {  	s22 =	sor.u32 $0x840, s17;
	v51 =	vld [tilespmem:s21+$0xA200]  }
0x515: {  	s23 =	sor.u32 $0x850, s17;
	v52 =	vld [tilespmem:s22+$0xA200]  }
0x516: {  	s24 =	sor.u32 $0x860, s17;
	v53 =	vld [tilespmem:s23+$0xA200]  }
0x517: {  	s3 =	sor.u32 $0xC40, s17;
	v54 =	vld [tilespmem:s24+$0xA200]  }
0x518: {  	s25 =	sor.u32 $0x870, s17;
	v60 =	vld [tilespmem:s3+$0xA200]  }
0x519: {  	s26 =	sor.u32 $0xC00, s17;
	v55 =	vld [tilespmem:s25+$0xA200]  }
0x51a: {  	s29 =	sor.u32 $0xC10, s17;
	v56 =	vld [tilespmem:s26+$0xA200]  }
0x51b: {  	s30 =	sor.u32 $0xC20, s17;
	v57 =	vld [tilespmem:s29+$0xA200]  }
0x51c: {  	s31 =	sor.u32 $0xC30, s17;
	v58 =	vld [tilespmem:s30+$0xA200];
	s3 =	sadd.s32 $0x80, s0  }
0x51d: {  	v59 =	vld [tilespmem:s31+$0xA200];
	s7 =	sor.u32 $0x800, s3;
	[tilespmem:$0x1F910] =	vst v60  }
0x51e: {  	v60 =	vld [tilespmem:s7+$0xA200];
	_ =	sdelay $0x1  }
0x51f: {  	s5 =	sor.u32 $0xC50, s17  }
0x520: {  	s6 =	sor.u32 $0xC60, s17;
	v61 =	vld [tilespmem:s5+$0xA200]  }
0x521: {  	s1 =	sor.u32 $0xC70, s17;
	v62 =	vld [tilespmem:s6+$0xA200]  }
0x522: {  	s8 =	sor.u32 $0x810, s3;
	v63 =	vld [tilespmem:s1+$0xA200];
	[tilespmem:$0x1F920] =	vst v60  }
0x523: {  	v60 =	vld [tilespmem:s8+$0xA200];
	_ =	sdelay $0x4  }
0x524: {  	s9 =	sor.u32 $0x820, s3;
	[tilespmem:$0x1F930] =	vst v60  }
0x525: {  	v60 =	vld [tilespmem:s9+$0xA200];
	_ =	sdelay $0x4  }
0x526: {  	s10 =	sor.u32 $0x830, s3;
	[tilespmem:$0x1F940] =	vst v60  }
0x527: {  	v60 =	vld [tilespmem:s10+$0xA200];
	_ =	sdelay $0x4  }
0x528: {  	s11 =	sor.u32 $0x840, s3;
	[tilespmem:$0x1F950] =	vst v60  }
0x529: {  	v60 =	vld [tilespmem:s11+$0xA200];
	_ =	sdelay $0x4  }
0x52a: {  	s12 =	sor.u32 $0x850, s3;
	[tilespmem:$0x1F960] =	vst v60  }
0x52b: {  	v60 =	vld [tilespmem:s12+$0xA200];
	_ =	sdelay $0x4  }
0x52c: {  	s13 =	sor.u32 $0x860, s3;
	[tilespmem:$0x1F970] =	vst v60  }
0x52d: {  	v60 =	vld [tilespmem:s13+$0xA200];
	_ =	sdelay $0x4  }
0x52e: {  	s14 =	sor.u32 $0x870, s3;
	[tilespmem:$0x1F980] =	vst v60  }
0x52f: {  	v60 =	vld [tilespmem:s14+$0xA200];
	_ =	sdelay $0x4  }
0x530: {  	s15 =	sor.u32 $0xC00, s3;
	[tilespmem:$0x1F990] =	vst v60  }
0x531: {  	v60 =	vld [tilespmem:s15+$0xA200];
	_ =	sdelay $0x4  }
0x532: {  	s16 =	sor.u32 $0xC10, s3;
	v32 =	vmul.f32 v32, v0;
	v33 =	vmul.f32 v33, v1;
	[tilespmem:$0x1F9A0] =	vst v60  }
0x533: {  	v34 =	vmul.f32 v34, v2;
	v35 =	vmul.f32 v35, v3;
	v60 =	vld [tilespmem:s16+$0xA200];
	_ =	sdelay $0x1  }
0x534: {  	v32 =	vadd.f32 v33, v32;
	v34 =	vadd.f32 v35, v34  }
0x535: {  	v36 =	vmul.f32 v36, v4  }
0x536: {  	v37 =	vmul.f32 v37, v7;
	v32 =	vadd.f32 v34, v32;
	v34 =	vmul.f32 v48, v16  }
0x537: {  	s17 =	sor.u32 $0xC20, s3;
	v48 =	vmul.f32 v50, v18;
	v50 =	vmul.f32 v52, v20;
	[tilespmem:$0x1F9B0] =	vst v60  }
0x538: {  	v52 =	vmul.f32 v54, v22;
	v54 =	vmul.f32 v56, v24;
	v33 =	vld [tilespmem:s17+$0xA200]  }
0x539: {  	v56 =	vmul.f32 v58, v26;
	v60 =	vmul.f32 v53, v21  }
0x53a: {  	v53 =	vmul.f32 v55, v23;
	v55 =	vmul.f32 v57, v25  }
0x53b: {  	v57 =	vmul.f32 v59, v27;
	v59 =	vmul.f32 v61, v29;
	v61 =	vld [tilespmem:$0x1F950]  }
0x53c: {  	v38 =	vmul.f32 v38, v13;
	v39 =	vmul.f32 v39, v14;
	v50 =	vadd.f32 v60, v50;
	v60 =	vld [tilespmem:$0x1F910]  }
0x53d: {  	s18 =	sor.u32 $0xC30, s3;
	v40 =	vmul.f32 v40, v15;
	v41 =	vmul.f32 v41, v8;
	v56 =	vadd.f32 v57, v56;
	v57 =	vld [tilespmem:$0x1F920];
	[tilespmem:$0x1F9C0] =	vst v33  }
0x53e: {  	s19 =	sor.u32 $0xC40, s3;
	v42 =	vmul.f32 v42, v9;
	v43 =	vmul.f32 v43, v10;
	v36 =	vadd.f32 v37, v36;
	v37 =	vld [tilespmem:s18+$0xA200]  }
0x53f: {  	s20 =	sor.u32 $0xC50, s3;
	v44 =	vmul.f32 v44, v11;
	v45 =	vmul.f32 v45, v12;
	v38 =	vadd.f32 v39, v38;
	v39 =	vld [tilespmem:s19+$0xA200]  }
0x540: {  	s21 =	sor.u32 $0xC60, s3;
	v46 =	vmul.f32 v46, v5;
	v47 =	vmul.f32 v47, v6;
	v40 =	vadd.f32 v41, v40;
	v41 =	vld [tilespmem:s20+$0xA200]  }
0x541: {  	s22 =	sadd.s32 $0x100, s0;
	s3 =	sor.u32 $0xC70, s3;
	v42 =	vadd.f32 v43, v42;
	v43 =	vadd.f32 v45, v44;
	v44 =	vld [tilespmem:s21+$0xA200]  }
0x542: {  	s23 =	sor.u32 $0x800, s22;
	v45 =	vadd.f32 v47, v46;
	v46 =	vld [tilespmem:s3+$0xA200]  }
0x543: {  	s24 =	sor.u32 $0x810, s22;
	v36 =	vadd.f32 v38, v36;
	v38 =	vld [tilespmem:s23+$0xA200]  }
0x544: {  	s25 =	sor.u32 $0x820, s22;
	v40 =	vadd.f32 v42, v40;
	v42 =	vld [tilespmem:s24+$0xA200]  }
0x545: {  	s26 =	sor.u32 $0x830, s22;
	v35 =	vmul.f32 v49, v17;
	v49 =	vmul.f32 v51, v19;
	v43 =	vadd.f32 v45, v43;
	v45 =	vld [tilespmem:s25+$0xA200]  }
0x546: {  	s29 =	sor.u32 $0x840, s22;
	v47 =	vld [tilespmem:s26+$0xA200]  }
0x547: {  	s30 =	sor.u32 $0x850, s22;
	v48 =	vadd.f32 v49, v48;
	v49 =	vld [tilespmem:s29+$0xA200]  }
0x548: {  	s31 =	sor.u32 $0x860, s22;
	v51 =	vld [tilespmem:s30+$0xA200]  }
0x549: {  	s5 =	sor.u32 $0x870, s22;
	v34 =	vadd.f32 v35, v34;
	v52 =	vadd.f32 v53, v52;
	v53 =	vld [tilespmem:s31+$0xA200]  }
0x54a: {  	s7 =	sor.u32 $0xC10, s22;
	v54 =	vadd.f32 v55, v54;
	v55 =	vld [tilespmem:s5+$0xA200]  }
0x54b: {  	s8 =	sor.u32 $0xC20, s22;
	v34 =	vadd.f32 v48, v34;
	v48 =	vld [tilespmem:s7+$0xA200]  }
0x54c: {  	s9 =	sor.u32 $0xC30, s22;
	v50 =	vadd.f32 v52, v50;
	v52 =	vadd.f32 v56, v54;
	v54 =	vld [tilespmem:s8+$0xA200]  }
0x54d: {  	v32 =	vadd.f32 v36, v32;
	s10 =	sor.u32 $0xC40, s22;
	v36 =	vld [tilespmem:s9+$0xA200]  }
0x54e: {  	v35 =	vmul.f32 v63, v31;
	v40 =	vadd.f32 v43, v40;
	v33 =	vmul.f32 v62, v30;
	v43 =	vld [tilespmem:s10+$0xA200]  }
0x54f: {  	s11 =	sor.u32 $0xC50, s22;
	v58 =	vmul.f32 v60, v28;
	v60 =	vld [tilespmem:$0x1F940]  }
0x550: {  	s13 =	sor.u32 $0x800, s0;
	v34 =	vadd.f32 v50, v34;
	v50 =	vld [tilespmem:s11+$0xA200];
	v63 =	vadd.f32 v35, v33  }
0x551: {  	v33 =	vadd.f32 v40, v32;
	v40 =	vld [tilespmem:s13+$0xA200];
	v62 =	vadd.f32 v59, v58  }
0x552: {  	v59 =	vld [tilespmem:$0x1F930]  }
0x553: {  	v56 =	vadd.f32 v63, v62;
	v62 =	vld [tilespmem:$0x1F960]  }
0x554: {  	v63 =	vld [tilespmem:$0x1F970]  }
0x555: {  	s15 =	sor.u32 $0x820, s0;
	v32 =	vld [tilespmem:$0x1F9A0]  }
0x556: {  	s6 =	sor.u32 $0xC00, s22;
	v61 =	vmul.f32 v61, v19;
	v57 =	vmul.f32 v57, v16;
	v35 =	vld [tilespmem:s15+$0xA200];
	v52 =	vadd.f32 v56, v52  }
0x557: {  	v58 =	vld [tilespmem:s6+$0xA200];
	v60 =	vmul.f32 v60, v18;
	v59 =	vmul.f32 v59, v17  }
0x558: {  	v39 =	vmul.f32 v39, v28;
	v41 =	vmul.f32 v41, v29;
	v34 =	vadd.f32 v52, v34;
	v52 =	vld [tilespmem:$0x1F980]  }
0x559: {  	s1 =	sor.u32 $0xC70, s22;
	v56 =	vadd.f32 v59, v57;
	v59 =	vmul.f32 v62, v20;
	v62 =	vmul.f32 v63, v21;
	v63 =	vld [tilespmem:$0x1F990]  }
0x55a: {  	s20 =	sor.u32 $0x870, s0;
	v44 =	vmul.f32 v44, v30;
	v46 =	vmul.f32 v46, v31;
	v60 =	vadd.f32 v61, v60;
	v61 =	vld [tilespmem:s1+$0xA200]  }
0x55b: {  	s21 =	sor.u32 $0xC00, s0;
	v38 =	vmul.f32 v38, v16;
	v42 =	vmul.f32 v42, v17;
	v39 =	vadd.f32 v41, v39;
	v41 =	vld [tilespmem:s20+$0xA200]  }
0x55c: {  	s23 =	sor.u32 $0xC20, s0;
	v44 =	vadd.f32 v46, v44;
	v46 =	vld [tilespmem:s21+$0xA200]  }
0x55d: {  	s12 =	sor.u32 $0xC60, s22;
	v38 =	vadd.f32 v42, v38;
	v42 =	vld [tilespmem:s23+$0xA200]  }
0x55e: {  	v57 =	vld [tilespmem:s12+$0xA200];
	v52 =	vmul.f32 v52, v22;
	v63 =	vmul.f32 v63, v23  }
0x55f: {  	v56 =	vadd.f32 v60, v56;
	v60 =	vld [tilespmem:$0x1F9B0]  }
0x560: {  	s29 =	sor.u32 $0xC60, s0;
	v48 =	vmul.f32 v48, v25;
	v58 =	vmul.f32 v58, v24;
	v52 =	vadd.f32 v63, v52;
	v63 =	vld [tilespmem:$0x1F9C0]  }
0x561: {  	v39 =	vadd.f32 v44, v39;
	v44 =	vmul.f32 v49, v20;
	v49 =	vmul.f32 v51, v21;
	v51 =	vld [tilespmem:s29+$0xA200]  }
0x562: {  	s16 =	sor.u32 $0x830, s0;
	v48 =	vadd.f32 v48, v58;
	v58 =	vmul.f32 v50, v29;
	v50 =	vld [tilespmem:s28+$0xA210]  }
0x563: {  	s14 =	sor.u32 $0x810, s0;
	v37 =	vmul.f32 v37, v27;
	v34 =	vadd.f32 v34, v33;
	v33 =	vld [tilespmem:s16+$0xA200]  }
0x564: {  	v43 =	vmul.f32 v43, v28;
	v32 =	vmul.f32 v32, v24;
	v59 =	vadd.f32 v62, v59;
	v62 =	vld [tilespmem:s14+$0xA200]  }
0x565: {  	v44 =	vadd.f32 v49, v44;
	v49 =	vld [tilespmem:s28+$0xA250];
	v60 =	vmul.f32 v60, v25;
	v63 =	vmul.f32 v63, v26  }
0x566: {  	s17 =	sor.u32 $0x840, s0;
	v43 =	vadd.f32 v58, v43;
	v58 =	vld [tilespmem:s28+$0xA270];
	v52 =	vadd.f32 v52, v59  }
0x567: {  	s18 =	sor.u32 $0x850, s0;
	v32 =	vadd.f32 v60, v32;
	v60 =	vld [tilespmem:s17+$0xA200];
	v37 =	vadd.f32 v37, v63  }
0x568: {  	s22 =	sor.u32 $0xC10, s0;
	v59 =	vld [tilespmem:s18+$0xA200];
	v52 =	vadd.f32 v52, v56  }
0x569: {  	s19 =	sor.u32 $0x860, s0;
	v56 =	vmul.f32 v47, v19;
	v47 =	vld [tilespmem:s22+$0xA200];
	v32 =	vadd.f32 v37, v32;
	v37 =	vmul.f32 v45, v18  }
0x56a: {  	s24 =	sor.u32 $0xC30, s0;
	v63 =	vld [tilespmem:s19+$0xA200]  }
0x56b: {  	s25 =	sor.u32 $0xC40, s0;
	v36 =	vmul.f32 v36, v27;
	v45 =	vld [tilespmem:s24+$0xA200];
	v37 =	vadd.f32 v56, v37  }
0x56c: {  	v32 =	vadd.f32 v39, v32;
	v39 =	vmul.f32 v53, v22;
	v56 =	vmul.f32 v55, v23;
	v53 =	vld [tilespmem:s25+$0xA200]  }
0x56d: {  	s26 =	sor.u32 $0xC50, s0;
	s0 =	sor.u32 $0xC70, s0;
	v35 =	vmul.f32 v35, v18;
	v33 =	vmul.f32 v33, v19;
	v55 =	vld [tilespmem:s28+$0xA220]  }
0x56e: {  	v39 =	vadd.f32 v56, v39;
	v32 =	vadd.f32 v32, v52;
	v52 =	vmul.f32 v54, v26;
	v54 =	vld [tilespmem:s0+$0xA200]  }
0x56f: {  	v41 =	vmul.f32 v41, v23;
	v63 =	vmul.f32 v63, v22;
	v37 =	vadd.f32 v37, v38;
	v38 =	vld [tilespmem:s26+$0xA200]  }
0x570: {  	v61 =	vmul.f32 v61, v31;
	v33 =	vadd.f32 v33, v35;
	v56 =	vld [tilespmem:s28+$0xA230];
	v39 =	vadd.f32 v39, v44  }
0x571: {  	v42 =	vmul.f32 v42, v26;
	v35 =	vadd.f32 v41, v63;
	v41 =	vld [tilespmem:s28+$0xA610];
	v36 =	vadd.f32 v36, v52  }
0x572: {  	v45 =	vmul.f32 v45, v27;
	v63 =	vmul.f32 v51, v30;
	v44 =	vld [tilespmem:s28+$0xA200];
	v37 =	vadd.f32 v39, v37  }
0x573: {  	v39 =	vmul.f32 v57, v30;
	v36 =	vadd.f32 v36, v48;
	v48 =	vld [tilespmem:s28+$0xA240];
	v54 =	vmul.f32 v54, v31  }
0x574: {  	v40 =	vmul.f32 v40, v16;
	v62 =	vmul.f32 v62, v17;
	v42 =	vadd.f32 v45, v42;
	v57 =	vld [tilespmem:s28+$0xA260]  }
0x575: {  	v39 =	vadd.f32 v61, v39;
	v45 =	vadd.f32 v54, v63;
	v63 =	vmul.f32 v49, v7;
	v49 =	vld [tilespmem:s28+$0xA290]  }
0x576: {  	v40 =	vadd.f32 v62, v40;
	v62 =	vmul.f32 v59, v21;
	v61 =	vmul.f32 v60, v20;
	v54 =	vld [tilespmem:s28+$0xA2E0]  }
0x577: {  	v39 =	vadd.f32 v39, v43;
	v43 =	vld [tilespmem:s28+$0xA600]  }
0x578: {  	v60 =	vadd.f32 v62, v61;
	v61 =	vmul.f32 v47, v25;
	v47 =	vld [tilespmem:s28+$0xA640]  }
0x579: {  	v46 =	vmul.f32 v46, v24;
	v62 =	vmul.f32 v53, v28;
	v53 =	vld [tilespmem:s28+$0xA280]  }
0x57a: {  	v40 =	vadd.f32 v33, v40;
	v38 =	vmul.f32 v38, v29;
	v36 =	vadd.f32 v39, v36;
	v39 =	vld [tilespmem:s28+$0xA630]  }
0x57b: {  	v41 =	vmul.f32 v41, v8;
	v35 =	vadd.f32 v35, v60;
	v60 =	vmul.f32 v50, v1;
	v50 =	vld [tilespmem:s28+$0xA670]  }
0x57c: {  	v59 =	vmul.f32 v44, v0;
	v44 =	vmul.f32 v48, v4;
	v33 =	vadd.f32 v36, v37;
	v37 =	vld [tilespmem:s28+$0xA620]  }
0x57d: {  	v57 =	vmul.f32 v57, v13;
	v38 =	vadd.f32 v38, v62;
	v35 =	vadd.f32 v35, v40;
	v40 =	vld [tilespmem:s28+$0xA650]  }
0x57e: {  	v62 =	vmul.f32 v56, v3;
	v44 =	vadd.f32 v63, v44;
	v36 =	vadd.f32 v61, v46;
	v46 =	vld [tilespmem:s28+$0xA660]  }
0x57f: {  	v63 =	vld [tilespmem:s28+$0xA2D0];
	v61 =	vmul.f32 v55, v2;
	v38 =	vadd.f32 v45, v38;
	v43 =	vmul.f32 v43, v15  }
0x580: {  	v55 =	vld [tilespmem:s28+$0xA6F0];
	v47 =	vmul.f32 v47, v11;
	v36 =	vadd.f32 v42, v36;
	v42 =	vadd.f32 v60, v59  }
0x581: {  	v59 =	vmul.f32 v58, v14;
	v60 =	vld [tilespmem:s28+$0xA2A0];
	v51 =	vadd.f32 v62, v61;
	v62 =	vmul.f32 v39, v10  }
0x582: {  	v61 =	vld [tilespmem:s28+$0xA2B0];
	v50 =	vmul.f32 v50, v6;
	v41 =	vadd.f32 v41, v43;
	v37 =	vmul.f32 v37, v9  }
0x583: {  	v58 =	vld [tilespmem:s28+$0xA6B0];
	v36 =	vadd.f32 v38, v36;
	v40 =	vmul.f32 v40, v12;
	v46 =	vmul.f32 v46, v5  }
0x584: {  	v39 =	vld [tilespmem:s28+$0xA2C0];
	v45 =	vadd.f32 v59, v57;
	v37 =	vadd.f32 v62, v37  }
0x585: {  	v56 =	vmul.f32 v53, v0;
	v38 =	vld [tilespmem:s28+$0xA2F0];
	v40 =	vadd.f32 v40, v47;
	v50 =	vadd.f32 v50, v46  }
0x586: {  	v42 =	vadd.f32 v51, v42;
	v57 =	vmul.f32 v49, v1;
	v59 =	vld [tilespmem:s28+$0xA6C0];
	v44 =	vadd.f32 v45, v44  }
0x587: {  	v48 =	vmul.f32 v63, v7;
	v63 =	vld [tilespmem:s28+$0xA6E0];
	v37 =	vadd.f32 v37, v41;
	v40 =	vadd.f32 v50, v40  }
0x588: {  	(xrf2) =	vadd.scan.msk.f32 $0xffff, v34;
	v45 =	vld [tilespmem:s28+$0xA690];
	v34 =	vadd.f32 v36, v35;
	v35 =	vadd.f32 v57, v56  }
0x589: {  	v57 =	vld [tilespmem:s28+$0xA310];
	v42 =	vadd.f32 v44, v42;
	v37 =	vadd.f32 v40, v37  }
0x58a: {  	v54 =	vmul.f32 v54, v13;
	v46 =	vld [tilespmem:s28+$0xA680]  }
0x58b: {  	v60 =	vmul.f32 v60, v2;
	v61 =	vmul.f32 v61, v3;
	v62 =	vld [tilespmem:s28+$0xA6D0];
	v37 =	vadd.f32 v37, v42  }
0x58c: {  	v43 =	vmul.f32 v58, v10;
	v39 =	vmul.f32 v39, v4;
	v41 =	vld [tilespmem:s28+$0xA6A0]  }
0x58d: {  	v44 =	vadd.f32 v61, v60;
	v38 =	vmul.f32 v38, v14;
	v34 =	vadd.f32 v34, v37  }
0x58e: {  	s30 =	simm.s32 $0xF3;
	v52 =	vld [tilespmem:s28+$0xA330];
	v60 =	vmul.f32 v63, v5;
	v61 =	vmul.f32 v55, v6;
	v39 =	vadd.f32 v48, v39  }
0x58f: {  	v56 =	vld [tilespmem:s28+$0xA300];
	v48 =	vmov s30;
	v45 =	vmul.f32 v45, v8;
	v40 =	vmul.f32 v59, v11;
	(xrf2) =	vadd.scan.msk.f32 $0xffff, v34  }
0x590: {  	v58 =	vld [tilespmem:s28+$0xA320];
	v38 =	vadd.f32 v38, v54;
	v55 =	vmul.f32 v57, v1;
	v46 =	vmul.f32 v46, v15  }
0x591: {  	s31 =	simm.s32 $0xF0;
	v53 =	vld [tilespmem:s28+$0xA340];
	v35 =	vadd.f32 v44, v35;
	v36 =	vmul.f32 v62, v12;
	v41 =	vmul.f32 v41, v9  }
0x592: {  	v57 =	vmov s31;
	v62 =	vld [tilespmem:s28+$0xA350];
	v38 =	vadd.f32 v38, v39;
	v51 =	vadd.f32 v45, v46  }
0x593: {  	v54 =	vld [tilespmem:s28+$0xA360];
	v47 =	vand.u32 $0xFFFFFFFC, v57;
	v36 =	vadd.f32 v36, v40;
	v41 =	vadd.f32 v43, v41  }
0x594: {  	v46 =	vadd.f32 v38, v35;
	v37 =	vmul.f32 v56, v0;
	v35 =	vadd.f32 v61, v60;
	v56 =	vld [tilespmem:s28+$0xA370]  }
0x595: {  	v59, _, _ =	vpop (xrf2);
	v39 =	vmul.f32 v52, v3;
	v34 =	vmul.f32 v58, v2;
	v58 =	vld [tilespmem:s28+$0xA700];
	v63 =	vadd.f32 v41, v51  }
0x596: {  	v45 =	vbroadcast v59, $0xF;
	v40 =	vld [tilespmem:s28+$0xA730];
	v43 =	vmul.f32 v53, v4;
	v35 =	vadd.f32 v35, v36  }
0x597: {  	v38 =	vld [tilespmem:s28+$0xA720];
	v59 =	vadd.f32 v55, v37;
	v60 =	vmul.f32 v62, v7;
	v61 =	vadd.f32 v39, v34  }
0x598: {  	v42 =	vmul.f32 v54, v13;
	[tilespmem:v48+s4+$0x0] =	vst.idx.msk $0x1, v45;
	v45 =	vld [tilespmem:s28+$0xA750];
	v34 =	vbroadcast v47, $0x0;
	v62 =	vadd.f32 v35, v63  }
0x599: {  	s5 =	simm.s32 $0xFFFFFFFC;
	v37 =	vld [tilespmem:s28+$0xA710];
	v39 =	vadd.f32 v60, v43;
	v44 =	vmul.f32 v56, v14;
	v35 =	vadd.f32 v61, v59;
	v63, _, _ =	vpop (xrf2)  }
0x59a: {  	s1 =	simm.s32 $0x0;
	s21 =	simm.s32 $0x800;
	s26 =	simm.s32 $0x200;
	v41 =	vld [tilespmem:s28+$0xA740];
	v43 =	vadd.f32 v62, v46;
	v46 =	vmul.f32 v58, v15;
	v36 =	vbroadcast v63, $0xF  }
.LBB2_8:
0x59b: {  	s0 =	sand.u32 $0xF000, s21;
	s2 =	sand.u32 $0x200, s26;
	v47 =	vld [tilespmem:s28+$0xA760]  }
0x59c: {  	v53 =	vld [tilespmem:s28+$0xA770];
	s28 =	sor.u32 s2, s0  }
0x59d: {  	v32 =	vadd.f32 v32, v43;
	v43 =	vld [tilespmem:s28+$0xA3A0]  }
0x59e: {  	v42 =	vadd.f32 v44, v42;
	v44 =	vld [tilespmem:s28+$0xA3C0]  }
0x59f: {  	v57 =	vld [tilespmem:s28+$0xA780]  }
0x5a0: {  	v58 =	vld [tilespmem:s28+$0xA790]  }
0x5a1: {  	v59 =	vld [tilespmem:s28+$0xA7A0]  }
0x5a2: {  	v49 =	vld [tilespmem:s28+$0xA7C0]  }
0x5a3: {  	v62 =	vld [tilespmem:s28+$0xA7D0]  }
0x5a4: {  	v50 =	vld [tilespmem:s28+$0xA7E0]  }
0x5a5: {  	p0 =	por !p0, !p0;
	s0 =	simm.s32 $0x1;
	v63 =	vld [tilespmem:s28+$0xA7F0]  }
0x5a6: {  	s0 =	simm.s32 @!p0 $0x0;
	v39 =	vadd.f32 v42, v39;
	v42 =	vld [tilespmem:s28+$0xA390];
	v52 =	vmul.f32 v38, v9  }
0x5a7: {  	s3 =	simm.s32 $0x14200;
	s0 =	sshll.u32 s0, $0x9;
	v38 =	vld [tilespmem:s28+$0xA380];
	v41 =	vmul.f32 v41, v11;
	v54 =	vmul.f32 v45, v12  }
0x5a8: {  	[tilespmem:v34+s3+$0x0] =	vst.idx.msk $0x1, v36;
	v40 =	vmul.f32 v40, v10;
	s3 =	sadd.s32 s0, s21;
	v35 =	vadd.f32 v39, v35;
	v39 =	vld [tilespmem:s28+$0xA3B0]  }
0x5a9: {  	(xrf2) =	vadd.scan.msk.f32 $0xffff, v32;
	s6 =	sadd.s32 $0x180, s3;
	v32 =	vadd.f32 v54, v41;
	v41 =	vld [tilespmem:s28+$0xA3E0]  }
0x5aa: {  	v34 =	vadd.f32 v40, v52;
	v40 =	vld [tilespmem:s28+$0xA3F0];
	s31 =	sor.u32 $0x810, s6  }
0x5ab: {  	s8 =	sor.u32 $0x830, s6;
	v51 =	vld [tilespmem:s31+$0xA200]  }
0x5ac: {  	v37 =	vmul.f32 v37, v8;
	s9 =	sor.u32 $0x840, s6;
	v52 =	vld [tilespmem:s8+$0xA200]  }
0x5ad: {  	v55 =	vmul.f32 v47, v5;
	v36 =	vmul.f32 v53, v6;
	s10 =	sor.u32 $0x850, s6;
	v53 =	vld [tilespmem:s9+$0xA200]  }
0x5ae: {  	s23 =	sadd.s32 $0xF5, s5;
	s12 =	sor.u32 $0x860, s6;
	v54 =	vld [tilespmem:s10+$0xA200]  }
0x5af: {  	v56 =	vmov s23;
	v37 =	vadd.f32 v37, v46;
	s23 =	sor.u32 $0x870, s6;
	v36 =	vadd.f32 v36, v55;
	v55 =	vld [tilespmem:s12+$0xA200]  }
0x5b0: {  	s7 =	simm.s32 $0x14200;
	v45 =	vand.u32 $0xFFFFFFFD, v56;
	v56 =	vld [tilespmem:s23+$0xA200]  }
0x5b1: {  	s4 =	sadd.s32 $0xF6, s5;
	v45 =	vbroadcast v45, $0x0;
	s29 =	sadd.s32 $0x100, s3;
	s8 =	sor.u32 $0xC00, s6;
	v34 =	vadd.f32 v34, v37;
	v37 =	vld [tilespmem:s28+$0xA3D0]  }
0x5b2: {  	s24 =	smov.u32 s1;
	v60 =	vmov s4;
	v43 =	vmul.f32 v43, v2;
	v46 =	vmul.f32 v57, v15;
	s10 =	sor.u32 $0x820, s29;
	s23 =	sor.u32 $0xC10, s6;
	v57 =	vld [tilespmem:s8+$0xA200]  }
0x5b3: {  	s25 =	sadd.s32 $0x80, s3;
	v47 =	vmul.f32 v59, v9;
	[smem:$0x7B3] =	sst s10;
	s10 =	sor.u32 $0xC20, s6;
	v32 =	vadd.f32 v36, v32;
	v36 =	vmul.f32 v58, v8;
	v58 =	vld [tilespmem:s23+$0xA200]  }
0x5b4: {  	[smem:$0x7B8] =	sst s24;
	v61 =	vand.u32 $0xFFFFFFFE, v60;
	s24 =	sor.u32 $0x800, s25;
	v50 =	vmul.f32 v50, v5;
	s8 =	sor.u32 $0x850, s29;
	v60 =	vld [tilespmem:s10+$0xA200];
	v39 =	vmul.f32 v39, v3  }
0x5b5: {  	s2 =	sor.u32 $0x810, s25;
	v59 =	vmul.f32 v63, v6;
	v42 =	vmul.f32 v42, v1;
	[smem:$0x7B6] =	sst s8;
	s8 =	sor.u32 $0xC40, s6;
	v32 =	vadd.f32 v32, v34;
	v34 =	vld [tilespmem:s28+$0xA7B0];
	v48, _, _ =	vpop (xrf2)  }
0x5b6: {  	s30 =	sor.u32 $0x800, s6;
	s0 =	sor.u32 $0x820, s25;
	s23 =	sor.u32 $0xC30, s6;
	v39 =	vadd.f32 v39, v43;
	v43 =	vmul.f32 v51, v17;
	v51 =	vld [tilespmem:s8+$0xA200];
	v48 =	vbroadcast v48, $0xF  }
0x5b7: {  	s22 =	sor.u32 $0x830, s25;
	s20 =	sor.u32 $0x840, s25;
	s18 =	sor.u32 $0x850, s25;
	v38 =	vmul.f32 v38, v0;
	v32 =	vadd.f32 v32, v35;
	v35 =	vmul.f32 v62, v12;
	v62 =	vld [tilespmem:s23+$0xA200]  }
0x5b8: {  	s19 =	sor.u32 $0x860, s25;
	s16 =	sor.u32 $0x870, s25;
	v44 =	vmul.f32 v44, v4;
	v49 =	vmul.f32 v49, v11;
	[tilespmem:v45+s7+$0x0] =	vst.idx.msk $0x1, v48;
	v45 =	vld [tilespmem:s30+$0xA200];
	s7 =	sor.u32 $0x820, s6  }
0x5b9: {  	s17 =	sor.u32 $0xC00, s25;
	s14 =	sor.u32 $0xC10, s25;
	s15 =	sor.u32 $0xC20, s25;
	v50 =	vadd.f32 v59, v50;
	v41 =	vmul.f32 v41, v13;
	v38 =	vadd.f32 v42, v38;
	v48 =	vld [tilespmem:s7+$0xA200]  }
0x5ba: {  	s11 =	sor.u32 $0xC30, s25;
	s13 =	sor.u32 $0xC40, s25;
	s9 =	sor.u32 $0xC60, s25;
	v40 =	vmul.f32 v40, v14;
	v32 =	vadd.f32 v33, v32;
	v35 =	vadd.f32 v35, v49;
	v49 =	vld [tilespmem:s24+$0xA200]  }
0x5bb: {  	v37 =	vmul.f32 v37, v7;
	v38 =	vadd.f32 v39, v38;
	s30 =	sor.u32 $0xC70, s25;
	v34 =	vmul.f32 v34, v10;
	s7 =	sor.u32 $0xC50, s25;
	s25 =	sor.u32 $0x810, s29;
	v39 =	vld [tilespmem:s0+$0xA200]  }
0x5bc: {  	v36 =	vadd.f32 v36, v46;
	(xrf2) =	vadd.scan.msk.f32 $0xffff, v32;
	v32 =	vbroadcast v61, $0x0;
	v61 =	vmul.f32 v60, v26;
	v60 =	vld [tilespmem:s18+$0xA200];
	[smem:$0x7B2] =	sst s25;
	s25 =	sor.u32 $0x840, s29  }
0x5bd: {  	v46 =	vmul.f32 v55, v22;
	v40 =	vadd.f32 v40, v41;
	v41 =	vmul.f32 v53, v20;
	v55 =	vld [tilespmem:s17+$0xA200];
	[smem:$0x7B5] =	sst s25;
	s25 =	sor.u32 $0xC50, s6  }
0x5be: {  	v37 =	vadd.f32 v37, v44;
	v51 =	vmul.f32 v51, v28;
	v34 =	vadd.f32 v34, v47;
	v53 =	vld [tilespmem:s25+$0xA200];
	s25 =	sor.u32 $0xC60, s6  }
0x5bf: {  	s12 =	sor.u32 $0x830, s29;
	v35 =	vadd.f32 v50, v35;
	v47 =	vmul.f32 v57, v24;
	v42 =	vmul.f32 v45, v16;
	v63 =	vld [tilespmem:s25+$0xA200];
	s25 =	sor.u32 $0xC70, s6  }
0x5c0: {  	[smem:$0x7B4] =	sst s12;
	s12 =	sor.u32 $0x860, s29;
	v34 =	vadd.f32 v34, v36;
	v45 =	vmul.f32 v62, v27;
	v44 =	vmul.f32 v48, v18;
	v57 =	vld [tilespmem:s25+$0xA200]  }
0x5c1: {  	[smem:$0x7B7] =	sst s12;
	s23 =	sor.u32 $0xC30, s29;
	v37 =	vadd.f32 v40, v37;
	v62 =	vld [tilespmem:s2+$0xA200];
	v48 =	vmul.f32 v52, v19;
	v52 =	vmul.f32 v54, v21  }
0x5c2: {  	[smem:$0x7B9] =	sst s23;
	s23 =	sor.u32 $0xC50, s29;
	v36 =	vld [tilespmem:s22+$0xA200];
	v54 =	vmul.f32 v56, v23;
	v56 =	vmul.f32 v58, v25;
	v34 =	vadd.f32 v35, v34  }
0x5c3: {  	[smem:$0x7BA] =	sst s23;
	s23 =	sor.u32 $0x800, s3;
	v49 =	vmul.f32 v49, v16;
	v58 =	vld [tilespmem:s15+$0xA200];
	v42 =	vadd.f32 v43, v42;
	v45 =	vadd.f32 v45, v61  }
0x5c4: {  	[smem:$0x7BB] =	sst s23;
	s23 =	sor.u32 $0x810, s3;
	v39 =	vmul.f32 v39, v18;
	v43 =	vadd.f32 v48, v44;
	v44 =	vld [tilespmem:s20+$0xA200];
	v41 =	vadd.f32 v52, v41  }
0x5c5: {  	[smem:$0x7BC] =	sst s23;
	s23 =	sor.u32 $0x820, s3;
	v47 =	vadd.f32 v56, v47;
	v56 =	vld [tilespmem:s14+$0xA200];
	v63 =	vmul.f32 v63, v30;
	v57 =	vmul.f32 v57, v31  }
0x5c6: {  	[smem:$0x7BD] =	sst s23;
	s23 =	sor.u32 $0x830, s3;
	v46 =	vadd.f32 v54, v46;
	v40 =	vmul.f32 v53, v29;
	v61 =	vmul.f32 v62, v17;
	v62 =	vld [tilespmem:s19+$0xA200]  }
0x5c7: {  	[smem:$0x7BE] =	sst s23;
	v36 =	vmul.f32 v36, v19;
	v42 =	vadd.f32 v43, v42;
	v48 =	vadd.f32 v57, v63;
	v63 =	vld [tilespmem:s16+$0xA200]  }
0x5c8: {  	s23 =	sor.u32 $0x840, s3;
	s18 =	sld [smem:$0x7B2];
	v52 =	vmul.f32 v55, v24;
	v55 =	vld [tilespmem:s9+$0xA200];
	v41 =	vadd.f32 v46, v41;
	v40 =	vadd.f32 v40, v51  }
0x5c9: {  	[smem:$0x7BF] =	sst s23;
	s23 =	sor.u32 $0x860, s3;
	v53 =	vld [tilespmem:s7+$0xA200];
	v36 =	vadd.f32 v36, v39;
	v61 =	vadd.f32 v61, v49  }
0x5ca: {  	[smem:$0x7C1] =	sst s23;
	s23 =	sor.u32 $0xC00, s3;
	v45 =	vadd.f32 v45, v47;
	v33, _, _ =	vpop (xrf2);
	v44 =	vmul.f32 v44, v20;
	v57 =	vmul.f32 v60, v21;
	v60 =	vld [tilespmem:s11+$0xA200]  }
0x5cb: {  	[smem:$0x7C3] =	sst s23;
	v33 =	vbroadcast v33, $0xF;
	v36 =	vadd.f32 v36, v61;
	v61 =	vld [tilespmem:s18+$0xA200];
	v40 =	vadd.f32 v48, v40  }
0x5cc: {  	s20 =	sld [smem:$0x7B3];
	v59 =	vmul.f32 v62, v22;
	v35 =	vadd.f32 v57, v44;
	v57 =	vld [tilespmem:s30+$0xA200];
	v62 =	vmul.f32 v63, v23  }
0x5cd: {  	s31 =	sor.u32 $0x800, s29;
	v37 =	vadd.f32 v37, v38;
	s23 =	sld [smem:$0x7B4];
	s19 =	simm.s32 $0x14200;
	v41 =	vadd.f32 v41, v42;
	v63 =	vld [tilespmem:s13+$0xA200]  }
0x5ce: {  	s30 =	sld [smem:$0x7B5];
	v40 =	vadd.f32 v40, v45;
	v39 =	vadd.f32 v62, v59;
	v59 =	vld [tilespmem:s31+$0xA200];
	[tilespmem:v32+s19+$0x0] =	vst.idx.msk $0x1, v33  }
0x5cf: {  	s7 =	sld [smem:$0x7B7];
	v45 =	vld [tilespmem:s20+$0xA200]  }
0x5d0: {  	s24 =	sor.u32 $0xC10, s3;
	v34 =	vadd.f32 v34, v37;
	v51 =	vadd.f32 v40, v41;
	v47 =	vld [tilespmem:s23+$0xA200]  }
0x5d1: {  	[smem:$0x7C4] =	sst s24;
	s2 =	sor.u32 $0xC30, s3;
	v54 =	vmul.f32 v56, v25;
	v48 =	vld [tilespmem:s30+$0xA200]  }
0x5d2: {  	s5 =	sor.u32 $0x870, s29;
	s25 =	sor.u32 $0x850, s3;
	[smem:$0x7C6] =	sst s2;
	v34 =	vadd.f32 v51, v34;
	v51 =	vld [tilespmem:s7+$0xA200]  }
0x5d3: {  	s12 =	sor.u32 $0xC00, s29;
	[smem:$0x7C0] =	sst s25;
	v40 =	vadd.f32 v54, v52;
	v52 =	vld [tilespmem:s5+$0xA200]  }
0x5d4: {  	s10 =	sor.u32 $0xC20, s29;
	s25 =	sor.u32 $0x870, s3;
	s31 =	sld [smem:$0x7B6];
	v54 =	vld [tilespmem:s12+$0xA200]  }
0x5d5: {  	s8 =	sor.u32 $0xC40, s29;
	[smem:$0x7C2] =	sst s25;
	v56 =	vmul.f32 v58, v26;
	v38 =	vmul.f32 v57, v31;
	v57 =	vld [tilespmem:s10+$0xA200]  }
0x5d6: {  	v58 =	vmul.f32 v60, v27;
	v50 =	vmul.f32 v61, v17;
	s10 =	sld [smem:$0x7B9];
	v61 =	vld [tilespmem:s8+$0xA200]  }
0x5d7: {  	s4 =	sor.u32 $0xC10, s29;
	s11 =	sld [smem:$0x7BA];
	v62 =	vmul.f32 v53, v29;
	v60 =	vmul.f32 v63, v28;
	v49 =	vld [tilespmem:s31+$0xA200]  }
0x5d8: {  	s13 =	sld [smem:$0x7BC];
	v63 =	vadd.f32 v58, v56;
	v56 =	vld [tilespmem:s4+$0xA200]  }
0x5d9: {  	s12 =	sld [smem:$0x7BB];
	v32 =	vadd.f32 v62, v60;
	v60 =	vld [tilespmem:s10+$0xA200]  }
0x5da: {  	s6 =	sor.u32 $0xC60, s29;
	v46 =	vmul.f32 v55, v30;
	s5 =	sld [smem:$0x7B8];
	v33 =	vadd.f32 v63, v40;
	v63 =	vld [tilespmem:s11+$0xA200]  }
0x5db: {  	s25 =	sor.u32 $0xC20, s3;
	s14 =	sld [smem:$0x7BD];
	v35 =	vadd.f32 v39, v35;
	(xrf2) =	vadd.scan.msk.f32 $0xffff, v34;
	v34 =	vmul.f32 v48, v20;
	v48 =	vld [tilespmem:s6+$0xA200]  }
0x5dc: {  	[smem:$0x7C5] =	sst s25;
	v37 =	vadd.f32 v38, v46;
	v39 =	vmul.f32 v59, v16;
	v59 =	vmul.f32 v51, v22;
	v51 =	vld [tilespmem:s12+$0xA200]  }
0x5dd: {  	s16 =	sld [smem:$0x7BF];
	v35 =	vadd.f32 v35, v36;
	s9 =	sadd.s32 $0xF7, s5;
	v43 =	vmul.f32 v52, v23;
	v52 =	vld [tilespmem:s13+$0xA200]  }
0x5de: {  	s29 =	sor.u32 $0xC70, s29;
	s18 =	sld [smem:$0x7C1];
	v55 =	vmov s9;
	v62 =	vmul.f32 v54, v24;
	v54 =	vld [tilespmem:s14+$0xA200];
	v32 =	vadd.f32 v37, v32  }
0x5df: {  	s20 =	sld [smem:$0x7C3];
	v36 =	vmul.f32 v45, v18;
	v53 =	vmul.f32 v47, v19;
	v38 =	vadd.f32 v50, v39;
	v50 =	vld [tilespmem:s29+$0xA200]  }
0x5e0: {  	s23 =	sld [smem:$0x7C4];
	v40 =	vmul.f32 v49, v21;
	v37 =	vmul.f32 v56, v25;
	v56 =	vld [tilespmem:s16+$0xA200];
	v32 =	vadd.f32 v32, v33  }
0x5e1: {  	s30 =	sld [smem:$0x7C6];
	v36 =	vadd.f32 v53, v36;
	v49 =	vmul.f32 v57, v26;
	v33 =	vadd.f32 v43, v59;
	v59 =	vld [tilespmem:s18+$0xA200]  }
0x5e2: {  	s29 =	sld [smem:$0x7C5];
	v53 =	vmul.f32 v61, v28;
	v32 =	vadd.f32 v32, v35;
	v35 =	vadd.f32 v37, v62;
	v62 =	vld [tilespmem:s20+$0xA200]  }
0x5e3: {  	v34 =	vadd.f32 v40, v34;
	v42 =	vmul.f32 v60, v27;
	v39 =	vmul.f32 v48, v30;
	v48 =	vld [tilespmem:s23+$0xA200]  }
0x5e4: {  	s17 =	sld [smem:$0x7C0];
	v36 =	vadd.f32 v36, v38;
	v38 =	vmul.f32 v63, v29;
	v57 =	vmul.f32 v51, v16;
	v51 =	vld [tilespmem:s30+$0xA200]  }
0x5e5: {  	s24 =	sor.u32 $0xC40, s3;
	v40 =	vadd.f32 v42, v49;
	v49 =	vld [tilespmem:s29+$0xA200]  }
0x5e6: {  	s15 =	sld [smem:$0x7BE];
	v33 =	vadd.f32 v33, v34;
	v37 =	vadd.f32 v38, v53;
	v34 =	vmul.f32 v52, v17;
	v53 =	vld [tilespmem:s24+$0xA200];
	v58, _, _ =	vpop (xrf2)  }
0x5e7: {  	s22 =	sor.u32 $0xC60, s3;
	v41 =	vbroadcast v58, $0xF;
	v58 =	vld [tilespmem:s17+$0xA200]  }
0x5e8: {  	v34 =	vadd.f32 v34, v57;
	v57 =	vld [tilespmem:s22+$0xA200]  }
0x5e9: {  	[tilespmem:v55+s19+$0x0] =	vst.idx.msk $0x1, v41;
	v55 =	vld [tilespmem:s15+$0xA200]  }
0x5ea: {  	v41 =	vmul.f32 v50, v31;
	v50 =	vmul.f32 v59, v22;
	v59 =	vld [tilespmem:s28+$0xA200]  }
0x5eb: {  	v63 =	vmul.f32 v56, v20;
	s19 =	sld [smem:$0x7C2];
	v56 =	vmul.f32 v48, v25;
	v48 =	vld [tilespmem:s28+$0xA230]  }
0x5ec: {  	v42 =	vmul.f32 v49, v26;
	v49 =	vld [tilespmem:s28+$0xA240]  }
0x5ed: {  	v39 =	vadd.f32 v41, v39;
	v41 =	vmul.f32 v51, v27;
	v51 =	vld [tilespmem:s28+$0xA250]  }
0x5ee: {  	s25 =	sor.u32 $0xC50, s3;
	s3 =	sor.u32 $0xC70, s3;
	v61 =	vld [tilespmem:s19+$0xA200]  }
0x5ef: {  	v35 =	vadd.f32 v40, v35;
	v40 =	vmul.f32 v58, v21;
	v58 =	vld [tilespmem:s3+$0xA200]  }
0x5f0: {  	v37 =	vadd.f32 v39, v37;
	v39 =	vmul.f32 v57, v30;
	v57 =	vld [tilespmem:s28+$0xA610]  }
0x5f1: {  	v60 =	vmul.f32 v54, v18;
	v33 =	vadd.f32 v33, v36;
	v36 =	vmul.f32 v55, v19;
	v55 =	vld [tilespmem:s25+$0xA200]  }
0x5f2: {  	v54 =	vmul.f32 v62, v24;
	v38 =	vadd.f32 v40, v63;
	v63 =	vld [tilespmem:s28+$0xA220];
	v35 =	vadd.f32 v37, v35  }
0x5f3: {  	v52 =	vmul.f32 v61, v23;
	v61 =	vld [tilespmem:s28+$0xA210]  }
0x5f4: {  	v33 =	vadd.f32 v35, v33;
	v35 =	vadd.f32 v56, v54;
	v54 =	vld [tilespmem:s28+$0xA270]  }
0x5f5: {  	v36 =	vadd.f32 v36, v60;
	v43 =	vmul.f32 v58, v31;
	v58 =	vld [tilespmem:s28+$0xA620]  }
0x5f6: {  	v56 =	vmul.f32 v49, v4;
	v49 =	vld [tilespmem:s28+$0xA660]  }
0x5f7: {  	v34 =	vadd.f32 v36, v34;
	v36 =	vmul.f32 v48, v3;
	v48 =	vmul.f32 v57, v8;
	v57 =	vld [tilespmem:s28+$0xA2C0]  }
0x5f8: {  	v37 =	vadd.f32 v52, v50;
	v52 =	vld [tilespmem:s28+$0xA260]  }
0x5f9: {  	v40 =	vmul.f32 v55, v29;
	v55 =	vld [tilespmem:s28+$0xA600]  }
0x5fa: {  	v62 =	vmul.f32 v53, v28;
	v41 =	vadd.f32 v41, v42;
	v53 =	vmul.f32 v63, v2;
	v63 =	vld [tilespmem:s28+$0xA650]  }
0x5fb: {  	v50 =	vmul.f32 v59, v0;
	v60 =	vadd.f32 v37, v38;
	v37 =	vmul.f32 v61, v1;
	v61 =	vld [tilespmem:s28+$0xA640]  }
0x5fc: {  	v39 =	vadd.f32 v43, v39;
	v38 =	vadd.f32 v40, v62;
	v44 =	vmul.f32 v54, v14;
	v54 =	vld [tilespmem:s28+$0xA290]  }
0x5fd: {  	v35 =	vadd.f32 v41, v35;
	v34 =	vadd.f32 v60, v34;
	v60 =	vld [tilespmem:s28+$0xA630]  }
0x5fe: {  	v41 =	vmul.f32 v51, v7;
	v38 =	vadd.f32 v39, v38;
	v37 =	vadd.f32 v37, v50;
	v50 =	vld [tilespmem:s28+$0xA670]  }
0x5ff: {  	v42 =	vmul.f32 v58, v9;
	v40 =	vmul.f32 v49, v5;
	v58 =	vld [tilespmem:s28+$0xA2D0]  }
0x600: {  	v39 =	vadd.f32 v41, v56;
	v56 =	vld [tilespmem:s28+$0xA2B0];
	v59 =	vmul.f32 v52, v13;
	v35 =	vadd.f32 v38, v35  }
0x601: {  	v36 =	vadd.f32 v36, v53;
	v62 =	vmul.f32 v55, v15;
	v52 =	vld [tilespmem:s28+$0xA280];
	v41 =	vmul.f32 v63, v12  }
0x602: {  	v55 =	vld [tilespmem:s28+$0xA2A0];
	v38 =	vadd.f32 v44, v59;
	v34 =	vadd.f32 v35, v34;
	v53 =	vmul.f32 v61, v11  }
0x603: {  	v63 =	vld [tilespmem:s28+$0xA680];
	v35 =	vadd.f32 v48, v62;
	v43 =	vmul.f32 v60, v10;
	v44 =	vmul.f32 v50, v6  }
0x604: {  	v61 =	vld [tilespmem:s28+$0xA2F0];
	v51 =	vadd.f32 v38, v39;
	v39 =	vadd.f32 v41, v53  }
0x605: {  	v48 =	vld [tilespmem:s28+$0xA690];
	v42 =	vadd.f32 v43, v42;
	v40 =	vadd.f32 v44, v40  }
0x606: {  	v36 =	vadd.f32 v36, v37;
	v60 =	vld [tilespmem:s28+$0xA2E0]  }
0x607: {  	v50 =	vld [tilespmem:s28+$0xA6A0];
	v35 =	vadd.f32 v42, v35;
	v39 =	vadd.f32 v40, v39  }
0x608: {  	v38 =	vmul.f32 v52, v0;
	v52 =	vld [tilespmem:s28+$0xA6B0]  }
0x609: {  	v53 =	vld [tilespmem:s28+$0xA6C0];
	v36 =	vadd.f32 v51, v36;
	v35 =	vadd.f32 v39, v35  }
0x60a: {  	v59 =	vmul.f32 v54, v1;
	v37 =	vmul.f32 v55, v2;
	v55 =	vld [tilespmem:s28+$0xA6D0]  }
0x60b: {  	v41 =	vmul.f32 v57, v4;
	v57 =	vld [tilespmem:s28+$0xA6E0];
	v35 =	vadd.f32 v35, v36  }
0x60c: {  	v49 =	vmul.f32 v58, v7;
	v62 =	vmul.f32 v56, v3;
	v38 =	vadd.f32 v59, v38;
	v59 =	vld [tilespmem:s28+$0xA6F0]  }
0x60d: {  	v54 =	vmul.f32 v63, v15;
	v63 =	vld [tilespmem:s28+$0xA310];
	v46 =	vmul.f32 v61, v14;
	v34 =	vadd.f32 v34, v35  }
0x60e: {  	v37 =	vadd.f32 v62, v37;
	v56 =	vmul.f32 v48, v8;
	v61 =	vld [tilespmem:s28+$0xA300];
	v51 =	vmul.f32 v60, v13  }
0x60f: {  	v58 =	vmul.f32 v50, v9;
	v60 =	vmul.f32 v52, v10;
	v39 =	vadd.f32 v49, v41;
	v49 =	vld [tilespmem:s28+$0xA320];
	(xrf2) =	vadd.scan.msk.f32 $0xffff, v34  }
0x610: {  	v62 =	vmul.f32 v53, v11;
	v48 =	vmul.f32 v55, v12;
	v40 =	vadd.f32 v46, v51;
	v51 =	vld [tilespmem:s28+$0xA330]  }
0x611: {  	v37 =	vadd.f32 v37, v38;
	v50 =	vmul.f32 v57, v5;
	v52 =	vld [tilespmem:s28+$0xA340];
	v42 =	vmul.f32 v59, v6  }
0x612: {  	v53 =	vld [tilespmem:s28+$0xA350];
	v55 =	vmul.f32 v63, v1;
	v36 =	vadd.f32 v56, v54;
	v39 =	vadd.f32 v40, v39  }
0x613: {  	s31 =	sadd.s32 $0xF4, s5;
	v40 =	vmul.f32 v61, v0;
	v56 =	vld [tilespmem:s28+$0xA360];
	v38 =	vadd.f32 v42, v50;
	v35 =	vadd.f32 v60, v58  }
0x614: {  	s1 =	sadd.s32 $0x4, s1;
	v54 =	vmov s31;
	v46 =	vadd.f32 v39, v37;
	v58 =	vld [tilespmem:s28+$0xA370];
	v34 =	vadd.f32 v48, v62  }
0x615: {  	p1 =	slt.u32 s1, $0x4C;
	v59 =	vld [tilespmem:s28+$0xA700];
	v60 =	vadd.f32 v55, v40;
	v57 =	vmul.f32 v49, v2;
	v39 =	vmul.f32 v51, v3  }
.Ltmp3:
0x616: {  	v41 =	vld [tilespmem:s28+$0xA740];
	v43 =	vand.u32 $0xFFFFFFFC, v54;
	v35 =	vadd.f32 v35, v36;
	v38 =	vadd.f32 v38, v34;
	(pc) =	sbr.rel @p1 .LBB2_8-.Ltmp3, $4  }
0x617: {  	v37 =	vld [tilespmem:s28+$0xA710];
	v36 =	vmul.f32 v52, v4;
	v62 =	vmul.f32 v53, v7;
	v45 =	vadd.f32 v39, v57  }
0x618: {  	v40 =	vld [tilespmem:s28+$0xA730];
	v42 =	vmul.f32 v56, v13;
	v34 =	vbroadcast v43, $0x0;
	v61 =	vadd.f32 v38, v35  }
0x619: {  	v39 =	vadd.f32 v62, v36;
	v44 =	vmul.f32 v58, v14;
	v38 =	vld [tilespmem:s28+$0xA720];
	v35 =	vadd.f32 v45, v60;
	v63, _, _ =	vpop (xrf2)  }
0x61a: {  	s26 =	sadd.s32 $0x200, s26;
	s21 =	sadd.s32 $0x800, s21;
	v45 =	vld [tilespmem:s28+$0xA750];
	v43 =	vadd.f32 v61, v46;
	v46 =	vmul.f32 v59, v15;
	v36 =	vbroadcast v63, $0xF  }
0x61b: {  	v47 =	vld [tilespmem:s28+$0xA760]  }
0x61c: {  	v48 =	vld [tilespmem:s28+$0xA770];
	_ =	sdelay $0x1  }
0x61d: {  	v41 =	vmul.f32 v41, v11  }
0x61e: {  	v37 =	vmul.f32 v37, v8;
	v40 =	vmul.f32 v40, v10  }
0x61f: {  	v38 =	vmul.f32 v38, v9;
	v45 =	vmul.f32 v45, v12  }
0x620: {  	v42 =	vadd.f32 v44, v42;
	v50 =	vmul.f32 v47, v5;
	v51 =	vmul.f32 v48, v6  }
0x621: {  	v37 =	vadd.f32 v37, v46;
	v38 =	vadd.f32 v40, v38  }
0x622: {  	v52 =	vadd.f32 v45, v41;
	v53 =	vadd.f32 v51, v50  }
0x623: {  	v39 =	vadd.f32 v42, v39  }
0x624: {  	v37 =	vadd.f32 v38, v37;
	v54 =	vadd.f32 v53, v52;
	_ =	sdelay $0x1  }
0x625: {  	v35 =	vadd.f32 v39, v35;
	v37 =	vadd.f32 v54, v37;
	_ =	sdelay $0x1  }
0x626: {  	v35 =	vadd.f32 v37, v35  }
0x627: {  	v32 =	vadd.f32 v32, v43  }
0x628: {  	v33 =	vadd.f32 v33, v35  }
0x629: {  	(xrf2) =	vadd.scan.msk.f32 $0xffff, v32  }
0x62a: {  	(xrf2) =	vadd.scan.msk.f32 $0xffff, v33;
	_ =	sdelay $0x2  }
0x62b: {  	s0 =	sadd.s32 $0xF5, s5  }
0x62c: {  	s13 =	sadd.s32 $0xF6, s5;
	v55 =	vmov s0  }
0x62d: {  	v56 =	vmov s13;
	v32 =	vand.u32 $0xFFFFFFFD, v55  }
0x62e: {  	v32 =	vbroadcast v32, $0x0;
	v33 =	vand.u32 $0xFFFFFFFE, v56  }
0x62f: {  	v33 =	vbroadcast v33, $0x0;
	_ =	sdelay $0x1  }
0x630: {  	v57, _, _ =	vpop (xrf2)  }
0x631: {  	s4 =	simm.s32 $0x14200;
	v35 =	vbroadcast v57, $0xF;
	v58, _, _ =	vpop (xrf2)  }
0x632: {  	[tilespmem:v34+s4+$0x0] =	vst.idx.msk $0x1, v36;
	v59 =	vbroadcast v58, $0xF  }
0x633: {  	[tilespmem:v32+s4+$0x0] =	vst.idx.msk $0x1, v35  }
0x634: {  	[tilespmem:v33+s4+$0x0] =	vst.idx.msk $0x1, v59  }
0x635: {  	s1 =	sld [smem:$0x7FB];
	_ =	sdelay $0x1  }
0x636: {  	s14 =	simm.s32 $0x0;
	s2 =	simm.s32 $0x142F0;
	s15 =	simm.s32 $0x1  }
0x637: {  	[hbm4b:s1+s14] =	stream.linear.scatter [tilespmem:s2], [sflag:$0x3], $0x50, $0x38;
	[tilespmem:$0x14400] =	vst v63  }
0x638: {  	_ =	swait.ge [sflag:s15], $0xA000  }
0x639: {  	s16 =	sand.u32 $0xF000, s14;
	s0 =	sand.u32 $0x200, s14;
	[sflag:s15] =	ssyncset.done $0x0  }
0x63a: {  	s28 =	sor.u32 s0, s16;
	[sflag:s15] =	ssyncadd.s32 $0xFFFF6000  }
0x63b: {  	v32 =	vld [tilespmem:s28+$0x380]  }
0x63c: {  	v33 =	vld [tilespmem:s28+$0x390]  }
0x63d: {  	v34 =	vld [tilespmem:s28+$0x3A0]  }
0x63e: {  	v35 =	vld [tilespmem:s28+$0x3B0]  }
0x63f: {  	v36 =	vld [tilespmem:s28+$0x3C0]  }
0x640: {  	v37 =	vld [tilespmem:s28+$0x3D0]  }
0x641: {  	v38 =	vld [tilespmem:s28+$0x3E0]  }
0x642: {  	v39 =	vld [tilespmem:s28+$0x3F0]  }
0x643: {  	v40 =	vld [tilespmem:s28+$0x780]  }
0x644: {  	v41 =	vld [tilespmem:s28+$0x790]  }
0x645: {  	p0 =	por $0x0, $0x0;
	s0 =	simm.s32 $0x1;
	v42 =	vld [tilespmem:s28+$0x7A0]  }
0x646: {  	s0 =	simm.s32 @!p0 $0x0;
	v43 =	vld [tilespmem:s28+$0x7B0]  }
0x647: {  	s0 =	sshll.u32 s0, $0x9;
	v44 =	vld [tilespmem:s28+$0x7C0]  }
0x648: {  	s0 =	sadd.s32 $0x0, s0;
	v45 =	vld [tilespmem:s28+$0x7D0]  }
0x649: {  	s17 =	sadd.s32 $0x180, s0;
	v46 =	vld [tilespmem:s28+$0x7E0]  }
0x64a: {  	s18 =	sor.u32 $0x800, s17;
	v47 =	vld [tilespmem:s28+$0x7F0]  }
0x64b: {  	s19 =	sor.u32 $0x810, s17;
	v48 =	vld [tilespmem:s18+$0x200]  }
0x64c: {  	s20 =	sor.u32 $0x820, s17;
	v49 =	vld [tilespmem:s19+$0x200]  }
0x64d: {  	s21 =	sor.u32 $0x830, s17;
	v50 =	vld [tilespmem:s20+$0x200]  }
0x64e: {  	s22 =	sor.u32 $0x840, s17;
	v51 =	vld [tilespmem:s21+$0x200]  }
0x64f: {  	s23 =	sor.u32 $0x850, s17;
	v52 =	vld [tilespmem:s22+$0x200]  }
0x650: {  	s24 =	sor.u32 $0x860, s17;
	v53 =	vld [tilespmem:s23+$0x200]  }
0x651: {  	s3 =	sor.u32 $0xC40, s17;
	v54 =	vld [tilespmem:s24+$0x200]  }
0x652: {  	s25 =	sor.u32 $0x870, s17;
	v60 =	vld [tilespmem:s3+$0x200]  }
0x653: {  	s26 =	sor.u32 $0xC00, s17;
	v55 =	vld [tilespmem:s25+$0x200]  }
0x654: {  	s29 =	sor.u32 $0xC10, s17;
	v56 =	vld [tilespmem:s26+$0x200]  }
0x655: {  	s30 =	sor.u32 $0xC20, s17;
	v57 =	vld [tilespmem:s29+$0x200]  }
0x656: {  	s31 =	sor.u32 $0xC30, s17;
	v58 =	vld [tilespmem:s30+$0x200];
	s3 =	sadd.s32 $0x80, s0  }
0x657: {  	v59 =	vld [tilespmem:s31+$0x200];
	s7 =	sor.u32 $0x800, s3;
	[tilespmem:$0x1F850] =	vst v60  }
0x658: {  	v60 =	vld [tilespmem:s7+$0x200];
	_ =	sdelay $0x1  }
0x659: {  	s5 =	sor.u32 $0xC50, s17  }
0x65a: {  	s6 =	sor.u32 $0xC60, s17;
	v61 =	vld [tilespmem:s5+$0x200]  }
0x65b: {  	s1 =	sor.u32 $0xC70, s17;
	v62 =	vld [tilespmem:s6+$0x200]  }
0x65c: {  	s8 =	sor.u32 $0x810, s3;
	v63 =	vld [tilespmem:s1+$0x200];
	[tilespmem:$0x1F860] =	vst v60  }
0x65d: {  	v60 =	vld [tilespmem:s8+$0x200];
	_ =	sdelay $0x4  }
0x65e: {  	s9 =	sor.u32 $0x820, s3;
	[tilespmem:$0x1F870] =	vst v60  }
0x65f: {  	v60 =	vld [tilespmem:s9+$0x200];
	_ =	sdelay $0x4  }
0x660: {  	s10 =	sor.u32 $0x830, s3;
	[tilespmem:$0x1F880] =	vst v60  }
0x661: {  	v60 =	vld [tilespmem:s10+$0x200];
	_ =	sdelay $0x4  }
0x662: {  	s11 =	sor.u32 $0x840, s3;
	[tilespmem:$0x1F890] =	vst v60  }
0x663: {  	v60 =	vld [tilespmem:s11+$0x200];
	_ =	sdelay $0x4  }
0x664: {  	s12 =	sor.u32 $0x850, s3;
	[tilespmem:$0x1F8A0] =	vst v60  }
0x665: {  	v60 =	vld [tilespmem:s12+$0x200];
	_ =	sdelay $0x4  }
0x666: {  	s13 =	sor.u32 $0x860, s3;
	[tilespmem:$0x1F8B0] =	vst v60  }
0x667: {  	v60 =	vld [tilespmem:s13+$0x200];
	_ =	sdelay $0x4  }
0x668: {  	s14 =	sor.u32 $0x870, s3;
	[tilespmem:$0x1F8C0] =	vst v60  }
0x669: {  	v60 =	vld [tilespmem:s14+$0x200];
	_ =	sdelay $0x4  }
0x66a: {  	s15 =	sor.u32 $0xC00, s3;
	[tilespmem:$0x1F8D0] =	vst v60  }
0x66b: {  	v60 =	vld [tilespmem:s15+$0x200];
	_ =	sdelay $0x4  }
0x66c: {  	s16 =	sor.u32 $0xC10, s3;
	v32 =	vmul.f32 v32, v0;
	v33 =	vmul.f32 v33, v1;
	[tilespmem:$0x1F8E0] =	vst v60  }
0x66d: {  	v34 =	vmul.f32 v34, v2;
	v35 =	vmul.f32 v35, v3;
	v60 =	vld [tilespmem:s16+$0x200];
	_ =	sdelay $0x1  }
0x66e: {  	v32 =	vadd.f32 v33, v32;
	v34 =	vadd.f32 v35, v34  }
0x66f: {  	v36 =	vmul.f32 v36, v4  }
0x670: {  	v37 =	vmul.f32 v37, v7;
	v32 =	vadd.f32 v34, v32;
	v34 =	vmul.f32 v48, v16  }
0x671: {  	s17 =	sor.u32 $0xC20, s3;
	v48 =	vmul.f32 v50, v18;
	v50 =	vmul.f32 v52, v20;
	[tilespmem:$0x1F8F0] =	vst v60  }
0x672: {  	v52 =	vmul.f32 v54, v22;
	v54 =	vmul.f32 v56, v24;
	v33 =	vld [tilespmem:s17+$0x200]  }
0x673: {  	v56 =	vmul.f32 v58, v26;
	v60 =	vmul.f32 v53, v21  }
0x674: {  	v53 =	vmul.f32 v55, v23;
	v55 =	vmul.f32 v57, v25  }
0x675: {  	v57 =	vmul.f32 v59, v27;
	v59 =	vmul.f32 v61, v29;
	v61 =	vld [tilespmem:$0x1F890]  }
0x676: {  	v38 =	vmul.f32 v38, v13;
	v39 =	vmul.f32 v39, v14;
	v50 =	vadd.f32 v60, v50;
	v60 =	vld [tilespmem:$0x1F850]  }
0x677: {  	s18 =	sor.u32 $0xC30, s3;
	v40 =	vmul.f32 v40, v15;
	v41 =	vmul.f32 v41, v8;
	v56 =	vadd.f32 v57, v56;
	v57 =	vld [tilespmem:$0x1F860];
	[tilespmem:$0x1F900] =	vst v33  }
0x678: {  	s19 =	sor.u32 $0xC40, s3;
	v42 =	vmul.f32 v42, v9;
	v43 =	vmul.f32 v43, v10;
	v36 =	vadd.f32 v37, v36;
	v37 =	vld [tilespmem:s18+$0x200]  }
0x679: {  	s20 =	sor.u32 $0xC50, s3;
	v44 =	vmul.f32 v44, v11;
	v45 =	vmul.f32 v45, v12;
	v38 =	vadd.f32 v39, v38;
	v39 =	vld [tilespmem:s19+$0x200]  }
0x67a: {  	s21 =	sor.u32 $0xC60, s3;
	v46 =	vmul.f32 v46, v5;
	v47 =	vmul.f32 v47, v6;
	v40 =	vadd.f32 v41, v40;
	v41 =	vld [tilespmem:s20+$0x200]  }
0x67b: {  	s22 =	sadd.s32 $0x100, s0;
	s3 =	sor.u32 $0xC70, s3;
	v42 =	vadd.f32 v43, v42;
	v43 =	vadd.f32 v45, v44;
	v44 =	vld [tilespmem:s21+$0x200]  }
0x67c: {  	s23 =	sor.u32 $0x800, s22;
	v45 =	vadd.f32 v47, v46;
	v46 =	vld [tilespmem:s3+$0x200]  }
0x67d: {  	s24 =	sor.u32 $0x810, s22;
	v36 =	vadd.f32 v38, v36;
	v38 =	vld [tilespmem:s23+$0x200]  }
0x67e: {  	s25 =	sor.u32 $0x820, s22;
	v40 =	vadd.f32 v42, v40;
	v42 =	vld [tilespmem:s24+$0x200]  }
0x67f: {  	s26 =	sor.u32 $0x830, s22;
	v35 =	vmul.f32 v49, v17;
	v49 =	vmul.f32 v51, v19;
	v43 =	vadd.f32 v45, v43;
	v45 =	vld [tilespmem:s25+$0x200]  }
0x680: {  	s29 =	sor.u32 $0x840, s22;
	v47 =	vld [tilespmem:s26+$0x200]  }
0x681: {  	s30 =	sor.u32 $0x850, s22;
	v48 =	vadd.f32 v49, v48;
	v49 =	vld [tilespmem:s29+$0x200]  }
0x682: {  	s31 =	sor.u32 $0x860, s22;
	v51 =	vld [tilespmem:s30+$0x200]  }
0x683: {  	s5 =	sor.u32 $0x870, s22;
	v34 =	vadd.f32 v35, v34;
	v52 =	vadd.f32 v53, v52;
	v53 =	vld [tilespmem:s31+$0x200]  }
0x684: {  	s7 =	sor.u32 $0xC10, s22;
	v54 =	vadd.f32 v55, v54;
	v55 =	vld [tilespmem:s5+$0x200]  }
0x685: {  	s8 =	sor.u32 $0xC20, s22;
	v34 =	vadd.f32 v48, v34;
	v48 =	vld [tilespmem:s7+$0x200]  }
0x686: {  	s9 =	sor.u32 $0xC30, s22;
	v50 =	vadd.f32 v52, v50;
	v52 =	vadd.f32 v56, v54;
	v54 =	vld [tilespmem:s8+$0x200]  }
0x687: {  	v32 =	vadd.f32 v36, v32;
	s10 =	sor.u32 $0xC40, s22;
	v36 =	vld [tilespmem:s9+$0x200]  }
0x688: {  	v35 =	vmul.f32 v63, v31;
	v40 =	vadd.f32 v43, v40;
	v33 =	vmul.f32 v62, v30;
	v43 =	vld [tilespmem:s10+$0x200]  }
0x689: {  	s11 =	sor.u32 $0xC50, s22;
	v58 =	vmul.f32 v60, v28;
	v60 =	vld [tilespmem:$0x1F880]  }
0x68a: {  	s13 =	sor.u32 $0x800, s0;
	v34 =	vadd.f32 v50, v34;
	v50 =	vld [tilespmem:s11+$0x200];
	v63 =	vadd.f32 v35, v33  }
0x68b: {  	v33 =	vadd.f32 v40, v32;
	v40 =	vld [tilespmem:s13+$0x200];
	v62 =	vadd.f32 v59, v58  }
0x68c: {  	v59 =	vld [tilespmem:$0x1F870]  }
0x68d: {  	v56 =	vadd.f32 v63, v62;
	v62 =	vld [tilespmem:$0x1F8A0]  }
0x68e: {  	v63 =	vld [tilespmem:$0x1F8B0]  }
0x68f: {  	s15 =	sor.u32 $0x820, s0;
	v32 =	vld [tilespmem:$0x1F8E0]  }
0x690: {  	s6 =	sor.u32 $0xC00, s22;
	v61 =	vmul.f32 v61, v19;
	v57 =	vmul.f32 v57, v16;
	v35 =	vld [tilespmem:s15+$0x200];
	v52 =	vadd.f32 v56, v52  }
0x691: {  	v58 =	vld [tilespmem:s6+$0x200];
	v60 =	vmul.f32 v60, v18;
	v59 =	vmul.f32 v59, v17  }
0x692: {  	v39 =	vmul.f32 v39, v28;
	v41 =	vmul.f32 v41, v29;
	v34 =	vadd.f32 v52, v34;
	v52 =	vld [tilespmem:$0x1F8C0]  }
0x693: {  	s1 =	sor.u32 $0xC70, s22;
	v56 =	vadd.f32 v59, v57;
	v59 =	vmul.f32 v62, v20;
	v62 =	vmul.f32 v63, v21;
	v63 =	vld [tilespmem:$0x1F8D0]  }
0x694: {  	s20 =	sor.u32 $0x870, s0;
	v44 =	vmul.f32 v44, v30;
	v46 =	vmul.f32 v46, v31;
	v60 =	vadd.f32 v61, v60;
	v61 =	vld [tilespmem:s1+$0x200]  }
0x695: {  	s21 =	sor.u32 $0xC00, s0;
	v38 =	vmul.f32 v38, v16;
	v42 =	vmul.f32 v42, v17;
	v39 =	vadd.f32 v41, v39;
	v41 =	vld [tilespmem:s20+$0x200]  }
0x696: {  	s23 =	sor.u32 $0xC20, s0;
	v44 =	vadd.f32 v46, v44;
	v46 =	vld [tilespmem:s21+$0x200]  }
0x697: {  	s12 =	sor.u32 $0xC60, s22;
	v38 =	vadd.f32 v42, v38;
	v42 =	vld [tilespmem:s23+$0x200]  }
0x698: {  	v57 =	vld [tilespmem:s12+$0x200];
	v52 =	vmul.f32 v52, v22;
	v63 =	vmul.f32 v63, v23  }
0x699: {  	v56 =	vadd.f32 v60, v56;
	v60 =	vld [tilespmem:$0x1F8F0]  }
0x69a: {  	s29 =	sor.u32 $0xC60, s0;
	v48 =	vmul.f32 v48, v25;
	v58 =	vmul.f32 v58, v24;
	v52 =	vadd.f32 v63, v52;
	v63 =	vld [tilespmem:$0x1F900]  }
0x69b: {  	v39 =	vadd.f32 v44, v39;
	v44 =	vmul.f32 v49, v20;
	v49 =	vmul.f32 v51, v21;
	v51 =	vld [tilespmem:s29+$0x200]  }
0x69c: {  	s16 =	sor.u32 $0x830, s0;
	v48 =	vadd.f32 v48, v58;
	v58 =	vmul.f32 v50, v29;
	v50 =	vld [tilespmem:s28+$0x210]  }
0x69d: {  	s14 =	sor.u32 $0x810, s0;
	v37 =	vmul.f32 v37, v27;
	v34 =	vadd.f32 v34, v33;
	v33 =	vld [tilespmem:s16+$0x200]  }
0x69e: {  	v43 =	vmul.f32 v43, v28;
	v32 =	vmul.f32 v32, v24;
	v59 =	vadd.f32 v62, v59;
	v62 =	vld [tilespmem:s14+$0x200]  }
0x69f: {  	v44 =	vadd.f32 v49, v44;
	v49 =	vld [tilespmem:s28+$0x250];
	v60 =	vmul.f32 v60, v25;
	v63 =	vmul.f32 v63, v26  }
0x6a0: {  	s17 =	sor.u32 $0x840, s0;
	v43 =	vadd.f32 v58, v43;
	v58 =	vld [tilespmem:s28+$0x270];
	v52 =	vadd.f32 v52, v59  }
0x6a1: {  	s18 =	sor.u32 $0x850, s0;
	v32 =	vadd.f32 v60, v32;
	v60 =	vld [tilespmem:s17+$0x200];
	v37 =	vadd.f32 v37, v63  }
0x6a2: {  	s22 =	sor.u32 $0xC10, s0;
	v59 =	vld [tilespmem:s18+$0x200];
	v52 =	vadd.f32 v52, v56  }
0x6a3: {  	s19 =	sor.u32 $0x860, s0;
	v56 =	vmul.f32 v47, v19;
	v47 =	vld [tilespmem:s22+$0x200];
	v32 =	vadd.f32 v37, v32;
	v37 =	vmul.f32 v45, v18  }
0x6a4: {  	s24 =	sor.u32 $0xC30, s0;
	v63 =	vld [tilespmem:s19+$0x200]  }
0x6a5: {  	s25 =	sor.u32 $0xC40, s0;
	v36 =	vmul.f32 v36, v27;
	v45 =	vld [tilespmem:s24+$0x200];
	v37 =	vadd.f32 v56, v37  }
0x6a6: {  	v32 =	vadd.f32 v39, v32;
	v39 =	vmul.f32 v53, v22;
	v56 =	vmul.f32 v55, v23;
	v53 =	vld [tilespmem:s25+$0x200]  }
0x6a7: {  	s26 =	sor.u32 $0xC50, s0;
	s0 =	sor.u32 $0xC70, s0;
	v35 =	vmul.f32 v35, v18;
	v33 =	vmul.f32 v33, v19;
	v55 =	vld [tilespmem:s28+$0x220]  }
0x6a8: {  	v39 =	vadd.f32 v56, v39;
	v32 =	vadd.f32 v32, v52;
	v52 =	vmul.f32 v54, v26;
	v54 =	vld [tilespmem:s0+$0x200]  }
0x6a9: {  	v41 =	vmul.f32 v41, v23;
	v63 =	vmul.f32 v63, v22;
	v37 =	vadd.f32 v37, v38;
	v38 =	vld [tilespmem:s26+$0x200]  }
0x6aa: {  	v61 =	vmul.f32 v61, v31;
	v33 =	vadd.f32 v33, v35;
	v56 =	vld [tilespmem:s28+$0x230];
	v39 =	vadd.f32 v39, v44  }
0x6ab: {  	v42 =	vmul.f32 v42, v26;
	v35 =	vadd.f32 v41, v63;
	v41 =	vld [tilespmem:s28+$0x610];
	v36 =	vadd.f32 v36, v52  }
0x6ac: {  	v45 =	vmul.f32 v45, v27;
	v63 =	vmul.f32 v51, v30;
	v44 =	vld [tilespmem:s28+$0x200];
	v37 =	vadd.f32 v39, v37  }
0x6ad: {  	v39 =	vmul.f32 v57, v30;
	v36 =	vadd.f32 v36, v48;
	v48 =	vld [tilespmem:s28+$0x240];
	v54 =	vmul.f32 v54, v31  }
0x6ae: {  	v40 =	vmul.f32 v40, v16;
	v62 =	vmul.f32 v62, v17;
	v42 =	vadd.f32 v45, v42;
	v57 =	vld [tilespmem:s28+$0x260]  }
0x6af: {  	v39 =	vadd.f32 v61, v39;
	v45 =	vadd.f32 v54, v63;
	v63 =	vmul.f32 v49, v7;
	v49 =	vld [tilespmem:s28+$0x290]  }
0x6b0: {  	v40 =	vadd.f32 v62, v40;
	v62 =	vmul.f32 v59, v21;
	v61 =	vmul.f32 v60, v20;
	v54 =	vld [tilespmem:s28+$0x2E0]  }
0x6b1: {  	v39 =	vadd.f32 v39, v43;
	v43 =	vld [tilespmem:s28+$0x600]  }
0x6b2: {  	v60 =	vadd.f32 v62, v61;
	v61 =	vmul.f32 v47, v25;
	v47 =	vld [tilespmem:s28+$0x640]  }
0x6b3: {  	v46 =	vmul.f32 v46, v24;
	v62 =	vmul.f32 v53, v28;
	v53 =	vld [tilespmem:s28+$0x280]  }
0x6b4: {  	v40 =	vadd.f32 v33, v40;
	v38 =	vmul.f32 v38, v29;
	v36 =	vadd.f32 v39, v36;
	v39 =	vld [tilespmem:s28+$0x630]  }
0x6b5: {  	v41 =	vmul.f32 v41, v8;
	v35 =	vadd.f32 v35, v60;
	v60 =	vmul.f32 v50, v1;
	v50 =	vld [tilespmem:s28+$0x670]  }
0x6b6: {  	v59 =	vmul.f32 v44, v0;
	v44 =	vmul.f32 v48, v4;
	v33 =	vadd.f32 v36, v37;
	v37 =	vld [tilespmem:s28+$0x620]  }
0x6b7: {  	v57 =	vmul.f32 v57, v13;
	v38 =	vadd.f32 v38, v62;
	v35 =	vadd.f32 v35, v40;
	v40 =	vld [tilespmem:s28+$0x650]  }
0x6b8: {  	v62 =	vmul.f32 v56, v3;
	v44 =	vadd.f32 v63, v44;
	v36 =	vadd.f32 v61, v46;
	v46 =	vld [tilespmem:s28+$0x660]  }
0x6b9: {  	v63 =	vld [tilespmem:s28+$0x2D0];
	v61 =	vmul.f32 v55, v2;
	v38 =	vadd.f32 v45, v38;
	v43 =	vmul.f32 v43, v15  }
0x6ba: {  	v55 =	vld [tilespmem:s28+$0x6F0];
	v47 =	vmul.f32 v47, v11;
	v36 =	vadd.f32 v42, v36;
	v42 =	vadd.f32 v60, v59  }
0x6bb: {  	v59 =	vmul.f32 v58, v14;
	v60 =	vld [tilespmem:s28+$0x2A0];
	v51 =	vadd.f32 v62, v61;
	v62 =	vmul.f32 v39, v10  }
0x6bc: {  	v61 =	vld [tilespmem:s28+$0x2B0];
	v50 =	vmul.f32 v50, v6;
	v41 =	vadd.f32 v41, v43;
	v37 =	vmul.f32 v37, v9  }
0x6bd: {  	v58 =	vld [tilespmem:s28+$0x6B0];
	v36 =	vadd.f32 v38, v36;
	v40 =	vmul.f32 v40, v12;
	v46 =	vmul.f32 v46, v5  }
0x6be: {  	v39 =	vld [tilespmem:s28+$0x2C0];
	v45 =	vadd.f32 v59, v57;
	v37 =	vadd.f32 v62, v37  }
0x6bf: {  	v56 =	vmul.f32 v53, v0;
	v38 =	vld [tilespmem:s28+$0x2F0];
	v40 =	vadd.f32 v40, v47;
	v50 =	vadd.f32 v50, v46  }
0x6c0: {  	v42 =	vadd.f32 v51, v42;
	v57 =	vmul.f32 v49, v1;
	v59 =	vld [tilespmem:s28+$0x6C0];
	v44 =	vadd.f32 v45, v44  }
0x6c1: {  	v48 =	vmul.f32 v63, v7;
	v63 =	vld [tilespmem:s28+$0x6E0];
	v37 =	vadd.f32 v37, v41;
	v40 =	vadd.f32 v50, v40  }
0x6c2: {  	(xrf2) =	vadd.scan.msk.f32 $0xffff, v34;
	v45 =	vld [tilespmem:s28+$0x690];
	v34 =	vadd.f32 v36, v35;
	v35 =	vadd.f32 v57, v56  }
0x6c3: {  	v57 =	vld [tilespmem:s28+$0x310];
	v42 =	vadd.f32 v44, v42;
	v37 =	vadd.f32 v40, v37  }
0x6c4: {  	v54 =	vmul.f32 v54, v13;
	v46 =	vld [tilespmem:s28+$0x680]  }
0x6c5: {  	v60 =	vmul.f32 v60, v2;
	v61 =	vmul.f32 v61, v3;
	v62 =	vld [tilespmem:s28+$0x6D0];
	v37 =	vadd.f32 v37, v42  }
0x6c6: {  	v43 =	vmul.f32 v58, v10;
	v39 =	vmul.f32 v39, v4;
	v41 =	vld [tilespmem:s28+$0x6A0]  }
0x6c7: {  	v44 =	vadd.f32 v61, v60;
	v38 =	vmul.f32 v38, v14;
	v34 =	vadd.f32 v34, v37  }
0x6c8: {  	s30 =	simm.s32 $0x143;
	v52 =	vld [tilespmem:s28+$0x330];
	v60 =	vmul.f32 v63, v5;
	v61 =	vmul.f32 v55, v6;
	v39 =	vadd.f32 v48, v39  }
0x6c9: {  	v56 =	vld [tilespmem:s28+$0x300];
	v48 =	vmov s30;
	v45 =	vmul.f32 v45, v8;
	v40 =	vmul.f32 v59, v11;
	(xrf2) =	vadd.scan.msk.f32 $0xffff, v34  }
0x6ca: {  	v58 =	vld [tilespmem:s28+$0x320];
	v38 =	vadd.f32 v38, v54;
	v55 =	vmul.f32 v57, v1;
	v46 =	vmul.f32 v46, v15  }
0x6cb: {  	s31 =	simm.s32 $0x140;
	v53 =	vld [tilespmem:s28+$0x340];
	v35 =	vadd.f32 v44, v35;
	v36 =	vmul.f32 v62, v12;
	v41 =	vmul.f32 v41, v9  }
0x6cc: {  	v57 =	vmov s31;
	v62 =	vld [tilespmem:s28+$0x350];
	v38 =	vadd.f32 v38, v39;
	v51 =	vadd.f32 v45, v46  }
0x6cd: {  	v54 =	vld [tilespmem:s28+$0x360];
	v47 =	vand.u32 $0xFFFFFFFC, v57;
	v36 =	vadd.f32 v36, v40;
	v41 =	vadd.f32 v43, v41  }
0x6ce: {  	v46 =	vadd.f32 v38, v35;
	v37 =	vmul.f32 v56, v0;
	v35 =	vadd.f32 v61, v60;
	v56 =	vld [tilespmem:s28+$0x370]  }
0x6cf: {  	v59, _, _ =	vpop (xrf2);
	v39 =	vmul.f32 v52, v3;
	v34 =	vmul.f32 v58, v2;
	v58 =	vld [tilespmem:s28+$0x700];
	v63 =	vadd.f32 v41, v51  }
0x6d0: {  	v45 =	vbroadcast v59, $0xF;
	v40 =	vld [tilespmem:s28+$0x730];
	v43 =	vmul.f32 v53, v4;
	v35 =	vadd.f32 v35, v36  }
0x6d1: {  	v38 =	vld [tilespmem:s28+$0x720];
	v59 =	vadd.f32 v55, v37;
	v60 =	vmul.f32 v62, v7;
	v61 =	vadd.f32 v39, v34  }
0x6d2: {  	v42 =	vmul.f32 v54, v13;
	[tilespmem:v48+s4+$0x0] =	vst.idx.msk $0x1, v45;
	v45 =	vld [tilespmem:s28+$0x750];
	v34 =	vbroadcast v47, $0x0;
	v62 =	vadd.f32 v35, v63  }
0x6d3: {  	s5 =	simm.s32 $0xFFFFFFFC;
	v37 =	vld [tilespmem:s28+$0x710];
	v39 =	vadd.f32 v60, v43;
	v44 =	vmul.f32 v56, v14;
	v35 =	vadd.f32 v61, v59;
	v63, _, _ =	vpop (xrf2)  }
0x6d4: {  	s1 =	simm.s32 $0x0;
	s21 =	simm.s32 $0x800;
	s26 =	simm.s32 $0x200;
	v41 =	vld [tilespmem:s28+$0x740];
	v43 =	vadd.f32 v62, v46;
	v46 =	vmul.f32 v58, v15;
	v36 =	vbroadcast v63, $0xF  }
.LBB2_10:
0x6d5: {  	s0 =	sand.u32 $0xF000, s21;
	s2 =	sand.u32 $0x200, s26;
	v47 =	vld [tilespmem:s28+$0x760]  }
0x6d6: {  	v53 =	vld [tilespmem:s28+$0x770];
	s28 =	sor.u32 s2, s0  }
0x6d7: {  	v32 =	vadd.f32 v32, v43;
	v43 =	vld [tilespmem:s28+$0x3A0]  }
0x6d8: {  	v42 =	vadd.f32 v44, v42;
	v44 =	vld [tilespmem:s28+$0x3C0]  }
0x6d9: {  	v57 =	vld [tilespmem:s28+$0x780]  }
0x6da: {  	v58 =	vld [tilespmem:s28+$0x790]  }
0x6db: {  	v59 =	vld [tilespmem:s28+$0x7A0]  }
0x6dc: {  	v49 =	vld [tilespmem:s28+$0x7C0]  }
0x6dd: {  	v62 =	vld [tilespmem:s28+$0x7D0]  }
0x6de: {  	v50 =	vld [tilespmem:s28+$0x7E0]  }
0x6df: {  	p0 =	por !p0, !p0;
	s0 =	simm.s32 $0x1;
	v63 =	vld [tilespmem:s28+$0x7F0]  }
0x6e0: {  	s0 =	simm.s32 @!p0 $0x0;
	v39 =	vadd.f32 v42, v39;
	v42 =	vld [tilespmem:s28+$0x390];
	v52 =	vmul.f32 v38, v9  }
0x6e1: {  	s3 =	simm.s32 $0x14200;
	s0 =	sshll.u32 s0, $0x9;
	v38 =	vld [tilespmem:s28+$0x380];
	v41 =	vmul.f32 v41, v11;
	v54 =	vmul.f32 v45, v12  }
0x6e2: {  	[tilespmem:v34+s3+$0x0] =	vst.idx.msk $0x1, v36;
	v40 =	vmul.f32 v40, v10;
	s3 =	sadd.s32 s0, s21;
	v35 =	vadd.f32 v39, v35;
	v39 =	vld [tilespmem:s28+$0x3B0]  }
0x6e3: {  	(xrf2) =	vadd.scan.msk.f32 $0xffff, v32;
	s6 =	sadd.s32 $0x180, s3;
	v32 =	vadd.f32 v54, v41;
	v41 =	vld [tilespmem:s28+$0x3E0]  }
0x6e4: {  	v34 =	vadd.f32 v40, v52;
	v40 =	vld [tilespmem:s28+$0x3F0];
	s31 =	sor.u32 $0x810, s6  }
0x6e5: {  	s8 =	sor.u32 $0x830, s6;
	v51 =	vld [tilespmem:s31+$0x200]  }
0x6e6: {  	v37 =	vmul.f32 v37, v8;
	s9 =	sor.u32 $0x840, s6;
	v52 =	vld [tilespmem:s8+$0x200]  }
0x6e7: {  	v55 =	vmul.f32 v47, v5;
	v36 =	vmul.f32 v53, v6;
	s10 =	sor.u32 $0x850, s6;
	v53 =	vld [tilespmem:s9+$0x200]  }
0x6e8: {  	s23 =	sadd.s32 $0x145, s5;
	s12 =	sor.u32 $0x860, s6;
	v54 =	vld [tilespmem:s10+$0x200]  }
0x6e9: {  	v56 =	vmov s23;
	v37 =	vadd.f32 v37, v46;
	s23 =	sor.u32 $0x870, s6;
	v36 =	vadd.f32 v36, v55;
	v55 =	vld [tilespmem:s12+$0x200]  }
0x6ea: {  	s7 =	simm.s32 $0x14200;
	v45 =	vand.u32 $0xFFFFFFFD, v56;
	v56 =	vld [tilespmem:s23+$0x200]  }
0x6eb: {  	s4 =	sadd.s32 $0x146, s5;
	v45 =	vbroadcast v45, $0x0;
	s29 =	sadd.s32 $0x100, s3;
	s8 =	sor.u32 $0xC00, s6;
	v34 =	vadd.f32 v34, v37;
	v37 =	vld [tilespmem:s28+$0x3D0]  }
0x6ec: {  	s24 =	smov.u32 s1;
	v60 =	vmov s4;
	v43 =	vmul.f32 v43, v2;
	v46 =	vmul.f32 v57, v15;
	s10 =	sor.u32 $0x820, s29;
	s23 =	sor.u32 $0xC10, s6;
	v57 =	vld [tilespmem:s8+$0x200]  }
0x6ed: {  	s25 =	sadd.s32 $0x80, s3;
	v47 =	vmul.f32 v59, v9;
	[smem:$0x79E] =	sst s10;
	s10 =	sor.u32 $0xC20, s6;
	v32 =	vadd.f32 v36, v32;
	v36 =	vmul.f32 v58, v8;
	v58 =	vld [tilespmem:s23+$0x200]  }
0x6ee: {  	[smem:$0x7A3] =	sst s24;
	v61 =	vand.u32 $0xFFFFFFFE, v60;
	s24 =	sor.u32 $0x800, s25;
	v50 =	vmul.f32 v50, v5;
	s8 =	sor.u32 $0x850, s29;
	v60 =	vld [tilespmem:s10+$0x200];
	v39 =	vmul.f32 v39, v3  }
0x6ef: {  	s2 =	sor.u32 $0x810, s25;
	v59 =	vmul.f32 v63, v6;
	v42 =	vmul.f32 v42, v1;
	[smem:$0x7A1] =	sst s8;
	s8 =	sor.u32 $0xC40, s6;
	v32 =	vadd.f32 v32, v34;
	v34 =	vld [tilespmem:s28+$0x7B0];
	v48, _, _ =	vpop (xrf2)  }
0x6f0: {  	s30 =	sor.u32 $0x800, s6;
	s0 =	sor.u32 $0x820, s25;
	s23 =	sor.u32 $0xC30, s6;
	v39 =	vadd.f32 v39, v43;
	v43 =	vmul.f32 v51, v17;
	v51 =	vld [tilespmem:s8+$0x200];
	v48 =	vbroadcast v48, $0xF  }
0x6f1: {  	s22 =	sor.u32 $0x830, s25;
	s20 =	sor.u32 $0x840, s25;
	s18 =	sor.u32 $0x850, s25;
	v38 =	vmul.f32 v38, v0;
	v32 =	vadd.f32 v32, v35;
	v35 =	vmul.f32 v62, v12;
	v62 =	vld [tilespmem:s23+$0x200]  }
0x6f2: {  	s19 =	sor.u32 $0x860, s25;
	s16 =	sor.u32 $0x870, s25;
	v44 =	vmul.f32 v44, v4;
	v49 =	vmul.f32 v49, v11;
	[tilespmem:v45+s7+$0x0] =	vst.idx.msk $0x1, v48;
	v45 =	vld [tilespmem:s30+$0x200];
	s7 =	sor.u32 $0x820, s6  }
0x6f3: {  	s17 =	sor.u32 $0xC00, s25;
	s14 =	sor.u32 $0xC10, s25;
	s15 =	sor.u32 $0xC20, s25;
	v50 =	vadd.f32 v59, v50;
	v41 =	vmul.f32 v41, v13;
	v38 =	vadd.f32 v42, v38;
	v48 =	vld [tilespmem:s7+$0x200]  }
0x6f4: {  	s11 =	sor.u32 $0xC30, s25;
	s13 =	sor.u32 $0xC40, s25;
	s9 =	sor.u32 $0xC60, s25;
	v40 =	vmul.f32 v40, v14;
	v32 =	vadd.f32 v33, v32;
	v35 =	vadd.f32 v35, v49;
	v49 =	vld [tilespmem:s24+$0x200]  }
0x6f5: {  	v37 =	vmul.f32 v37, v7;
	v38 =	vadd.f32 v39, v38;
	s30 =	sor.u32 $0xC70, s25;
	v34 =	vmul.f32 v34, v10;
	s7 =	sor.u32 $0xC50, s25;
	s25 =	sor.u32 $0x810, s29;
	v39 =	vld [tilespmem:s0+$0x200]  }
0x6f6: {  	v36 =	vadd.f32 v36, v46;
	(xrf2) =	vadd.scan.msk.f32 $0xffff, v32;
	v32 =	vbroadcast v61, $0x0;
	v61 =	vmul.f32 v60, v26;
	v60 =	vld [tilespmem:s18+$0x200];
	[smem:$0x79D] =	sst s25;
	s25 =	sor.u32 $0x840, s29  }
0x6f7: {  	v46 =	vmul.f32 v55, v22;
	v40 =	vadd.f32 v40, v41;
	v41 =	vmul.f32 v53, v20;
	v55 =	vld [tilespmem:s17+$0x200];
	[smem:$0x7A0] =	sst s25;
	s25 =	sor.u32 $0xC50, s6  }
0x6f8: {  	v37 =	vadd.f32 v37, v44;
	v51 =	vmul.f32 v51, v28;
	v34 =	vadd.f32 v34, v47;
	v53 =	vld [tilespmem:s25+$0x200];
	s25 =	sor.u32 $0xC60, s6  }
0x6f9: {  	s12 =	sor.u32 $0x830, s29;
	v35 =	vadd.f32 v50, v35;
	v47 =	vmul.f32 v57, v24;
	v42 =	vmul.f32 v45, v16;
	v63 =	vld [tilespmem:s25+$0x200];
	s25 =	sor.u32 $0xC70, s6  }
0x6fa: {  	[smem:$0x79F] =	sst s12;
	s12 =	sor.u32 $0x860, s29;
	v34 =	vadd.f32 v34, v36;
	v45 =	vmul.f32 v62, v27;
	v44 =	vmul.f32 v48, v18;
	v57 =	vld [tilespmem:s25+$0x200]  }
0x6fb: {  	[smem:$0x7A2] =	sst s12;
	s23 =	sor.u32 $0xC30, s29;
	v37 =	vadd.f32 v40, v37;
	v62 =	vld [tilespmem:s2+$0x200];
	v48 =	vmul.f32 v52, v19;
	v52 =	vmul.f32 v54, v21  }
0x6fc: {  	[smem:$0x7A4] =	sst s23;
	s23 =	sor.u32 $0xC50, s29;
	v36 =	vld [tilespmem:s22+$0x200];
	v54 =	vmul.f32 v56, v23;
	v56 =	vmul.f32 v58, v25;
	v34 =	vadd.f32 v35, v34  }
0x6fd: {  	[smem:$0x7A5] =	sst s23;
	s23 =	sor.u32 $0x800, s3;
	v49 =	vmul.f32 v49, v16;
	v58 =	vld [tilespmem:s15+$0x200];
	v42 =	vadd.f32 v43, v42;
	v45 =	vadd.f32 v45, v61  }
0x6fe: {  	[smem:$0x7A6] =	sst s23;
	s23 =	sor.u32 $0x810, s3;
	v39 =	vmul.f32 v39, v18;
	v43 =	vadd.f32 v48, v44;
	v44 =	vld [tilespmem:s20+$0x200];
	v41 =	vadd.f32 v52, v41  }
0x6ff: {  	[smem:$0x7A7] =	sst s23;
	s23 =	sor.u32 $0x820, s3;
	v47 =	vadd.f32 v56, v47;
	v56 =	vld [tilespmem:s14+$0x200];
	v63 =	vmul.f32 v63, v30;
	v57 =	vmul.f32 v57, v31  }
0x700: {  	[smem:$0x7A8] =	sst s23;
	s23 =	sor.u32 $0x830, s3;
	v46 =	vadd.f32 v54, v46;
	v40 =	vmul.f32 v53, v29;
	v61 =	vmul.f32 v62, v17;
	v62 =	vld [tilespmem:s19+$0x200]  }
0x701: {  	[smem:$0x7A9] =	sst s23;
	v36 =	vmul.f32 v36, v19;
	v42 =	vadd.f32 v43, v42;
	v48 =	vadd.f32 v57, v63;
	v63 =	vld [tilespmem:s16+$0x200]  }
0x702: {  	s23 =	sor.u32 $0x840, s3;
	s18 =	sld [smem:$0x79D];
	v52 =	vmul.f32 v55, v24;
	v55 =	vld [tilespmem:s9+$0x200];
	v41 =	vadd.f32 v46, v41;
	v40 =	vadd.f32 v40, v51  }
0x703: {  	[smem:$0x7AA] =	sst s23;
	s23 =	sor.u32 $0x860, s3;
	v53 =	vld [tilespmem:s7+$0x200];
	v36 =	vadd.f32 v36, v39;
	v61 =	vadd.f32 v61, v49  }
0x704: {  	[smem:$0x7AC] =	sst s23;
	s23 =	sor.u32 $0xC00, s3;
	v45 =	vadd.f32 v45, v47;
	v33, _, _ =	vpop (xrf2);
	v44 =	vmul.f32 v44, v20;
	v57 =	vmul.f32 v60, v21;
	v60 =	vld [tilespmem:s11+$0x200]  }
0x705: {  	[smem:$0x7AE] =	sst s23;
	v33 =	vbroadcast v33, $0xF;
	v36 =	vadd.f32 v36, v61;
	v61 =	vld [tilespmem:s18+$0x200];
	v40 =	vadd.f32 v48, v40  }
0x706: {  	s20 =	sld [smem:$0x79E];
	v59 =	vmul.f32 v62, v22;
	v35 =	vadd.f32 v57, v44;
	v57 =	vld [tilespmem:s30+$0x200];
	v62 =	vmul.f32 v63, v23  }
0x707: {  	s31 =	sor.u32 $0x800, s29;
	v37 =	vadd.f32 v37, v38;
	s23 =	sld [smem:$0x79F];
	s19 =	simm.s32 $0x14200;
	v41 =	vadd.f32 v41, v42;
	v63 =	vld [tilespmem:s13+$0x200]  }
0x708: {  	s30 =	sld [smem:$0x7A0];
	v40 =	vadd.f32 v40, v45;
	v39 =	vadd.f32 v62, v59;
	v59 =	vld [tilespmem:s31+$0x200];
	[tilespmem:v32+s19+$0x0] =	vst.idx.msk $0x1, v33  }
0x709: {  	s7 =	sld [smem:$0x7A2];
	v45 =	vld [tilespmem:s20+$0x200]  }
0x70a: {  	s24 =	sor.u32 $0xC10, s3;
	v34 =	vadd.f32 v34, v37;
	v51 =	vadd.f32 v40, v41;
	v47 =	vld [tilespmem:s23+$0x200]  }
0x70b: {  	[smem:$0x7AF] =	sst s24;
	s2 =	sor.u32 $0xC30, s3;
	v54 =	vmul.f32 v56, v25;
	v48 =	vld [tilespmem:s30+$0x200]  }
0x70c: {  	s5 =	sor.u32 $0x870, s29;
	s25 =	sor.u32 $0x850, s3;
	[smem:$0x7B1] =	sst s2;
	v34 =	vadd.f32 v51, v34;
	v51 =	vld [tilespmem:s7+$0x200]  }
0x70d: {  	s12 =	sor.u32 $0xC00, s29;
	[smem:$0x7AB] =	sst s25;
	v40 =	vadd.f32 v54, v52;
	v52 =	vld [tilespmem:s5+$0x200]  }
0x70e: {  	s10 =	sor.u32 $0xC20, s29;
	s25 =	sor.u32 $0x870, s3;
	s31 =	sld [smem:$0x7A1];
	v54 =	vld [tilespmem:s12+$0x200]  }
0x70f: {  	s8 =	sor.u32 $0xC40, s29;
	[smem:$0x7AD] =	sst s25;
	v56 =	vmul.f32 v58, v26;
	v38 =	vmul.f32 v57, v31;
	v57 =	vld [tilespmem:s10+$0x200]  }
0x710: {  	v58 =	vmul.f32 v60, v27;
	v50 =	vmul.f32 v61, v17;
	s10 =	sld [smem:$0x7A4];
	v61 =	vld [tilespmem:s8+$0x200]  }
0x711: {  	s4 =	sor.u32 $0xC10, s29;
	s11 =	sld [smem:$0x7A5];
	v62 =	vmul.f32 v53, v29;
	v60 =	vmul.f32 v63, v28;
	v49 =	vld [tilespmem:s31+$0x200]  }
0x712: {  	s13 =	sld [smem:$0x7A7];
	v63 =	vadd.f32 v58, v56;
	v56 =	vld [tilespmem:s4+$0x200]  }
0x713: {  	s12 =	sld [smem:$0x7A6];
	v32 =	vadd.f32 v62, v60;
	v60 =	vld [tilespmem:s10+$0x200]  }
0x714: {  	s6 =	sor.u32 $0xC60, s29;
	v46 =	vmul.f32 v55, v30;
	s5 =	sld [smem:$0x7A3];
	v33 =	vadd.f32 v63, v40;
	v63 =	vld [tilespmem:s11+$0x200]  }
0x715: {  	s25 =	sor.u32 $0xC20, s3;
	s14 =	sld [smem:$0x7A8];
	v35 =	vadd.f32 v39, v35;
	(xrf2) =	vadd.scan.msk.f32 $0xffff, v34;
	v34 =	vmul.f32 v48, v20;
	v48 =	vld [tilespmem:s6+$0x200]  }
0x716: {  	[smem:$0x7B0] =	sst s25;
	v37 =	vadd.f32 v38, v46;
	v39 =	vmul.f32 v59, v16;
	v59 =	vmul.f32 v51, v22;
	v51 =	vld [tilespmem:s12+$0x200]  }
0x717: {  	s16 =	sld [smem:$0x7AA];
	v35 =	vadd.f32 v35, v36;
	s9 =	sadd.s32 $0x147, s5;
	v43 =	vmul.f32 v52, v23;
	v52 =	vld [tilespmem:s13+$0x200]  }
0x718: {  	s29 =	sor.u32 $0xC70, s29;
	s18 =	sld [smem:$0x7AC];
	v55 =	vmov s9;
	v62 =	vmul.f32 v54, v24;
	v54 =	vld [tilespmem:s14+$0x200];
	v32 =	vadd.f32 v37, v32  }
0x719: {  	s20 =	sld [smem:$0x7AE];
	v36 =	vmul.f32 v45, v18;
	v53 =	vmul.f32 v47, v19;
	v38 =	vadd.f32 v50, v39;
	v50 =	vld [tilespmem:s29+$0x200]  }
0x71a: {  	s23 =	sld [smem:$0x7AF];
	v40 =	vmul.f32 v49, v21;
	v37 =	vmul.f32 v56, v25;
	v56 =	vld [tilespmem:s16+$0x200];
	v32 =	vadd.f32 v32, v33  }
0x71b: {  	s30 =	sld [smem:$0x7B1];
	v36 =	vadd.f32 v53, v36;
	v49 =	vmul.f32 v57, v26;
	v33 =	vadd.f32 v43, v59;
	v59 =	vld [tilespmem:s18+$0x200]  }
0x71c: {  	s29 =	sld [smem:$0x7B0];
	v53 =	vmul.f32 v61, v28;
	v32 =	vadd.f32 v32, v35;
	v35 =	vadd.f32 v37, v62;
	v62 =	vld [tilespmem:s20+$0x200]  }
0x71d: {  	v34 =	vadd.f32 v40, v34;
	v42 =	vmul.f32 v60, v27;
	v39 =	vmul.f32 v48, v30;
	v48 =	vld [tilespmem:s23+$0x200]  }
0x71e: {  	s17 =	sld [smem:$0x7AB];
	v36 =	vadd.f32 v36, v38;
	v38 =	vmul.f32 v63, v29;
	v57 =	vmul.f32 v51, v16;
	v51 =	vld [tilespmem:s30+$0x200]  }
0x71f: {  	s24 =	sor.u32 $0xC40, s3;
	v40 =	vadd.f32 v42, v49;
	v49 =	vld [tilespmem:s29+$0x200]  }
0x720: {  	s15 =	sld [smem:$0x7A9];
	v33 =	vadd.f32 v33, v34;
	v37 =	vadd.f32 v38, v53;
	v34 =	vmul.f32 v52, v17;
	v53 =	vld [tilespmem:s24+$0x200];
	v58, _, _ =	vpop (xrf2)  }
0x721: {  	s22 =	sor.u32 $0xC60, s3;
	v41 =	vbroadcast v58, $0xF;
	v58 =	vld [tilespmem:s17+$0x200]  }
0x722: {  	v34 =	vadd.f32 v34, v57;
	v57 =	vld [tilespmem:s22+$0x200]  }
0x723: {  	[tilespmem:v55+s19+$0x0] =	vst.idx.msk $0x1, v41;
	v55 =	vld [tilespmem:s15+$0x200]  }
0x724: {  	v41 =	vmul.f32 v50, v31;
	v50 =	vmul.f32 v59, v22;
	v59 =	vld [tilespmem:s28+$0x200]  }
0x725: {  	v63 =	vmul.f32 v56, v20;
	s19 =	sld [smem:$0x7AD];
	v56 =	vmul.f32 v48, v25;
	v48 =	vld [tilespmem:s28+$0x230]  }
0x726: {  	v42 =	vmul.f32 v49, v26;
	v49 =	vld [tilespmem:s28+$0x240]  }
0x727: {  	v39 =	vadd.f32 v41, v39;
	v41 =	vmul.f32 v51, v27;
	v51 =	vld [tilespmem:s28+$0x250]  }
0x728: {  	s25 =	sor.u32 $0xC50, s3;
	s3 =	sor.u32 $0xC70, s3;
	v61 =	vld [tilespmem:s19+$0x200]  }
0x729: {  	v35 =	vadd.f32 v40, v35;
	v40 =	vmul.f32 v58, v21;
	v58 =	vld [tilespmem:s3+$0x200]  }
0x72a: {  	v37 =	vadd.f32 v39, v37;
	v39 =	vmul.f32 v57, v30;
	v57 =	vld [tilespmem:s28+$0x610]  }
0x72b: {  	v60 =	vmul.f32 v54, v18;
	v33 =	vadd.f32 v33, v36;
	v36 =	vmul.f32 v55, v19;
	v55 =	vld [tilespmem:s25+$0x200]  }
0x72c: {  	v54 =	vmul.f32 v62, v24;
	v38 =	vadd.f32 v40, v63;
	v63 =	vld [tilespmem:s28+$0x220];
	v35 =	vadd.f32 v37, v35  }
0x72d: {  	v52 =	vmul.f32 v61, v23;
	v61 =	vld [tilespmem:s28+$0x210]  }
0x72e: {  	v33 =	vadd.f32 v35, v33;
	v35 =	vadd.f32 v56, v54;
	v54 =	vld [tilespmem:s28+$0x270]  }
0x72f: {  	v36 =	vadd.f32 v36, v60;
	v43 =	vmul.f32 v58, v31;
	v58 =	vld [tilespmem:s28+$0x620]  }
0x730: {  	v56 =	vmul.f32 v49, v4;
	v49 =	vld [tilespmem:s28+$0x660]  }
0x731: {  	v34 =	vadd.f32 v36, v34;
	v36 =	vmul.f32 v48, v3;
	v48 =	vmul.f32 v57, v8;
	v57 =	vld [tilespmem:s28+$0x2C0]  }
0x732: {  	v37 =	vadd.f32 v52, v50;
	v52 =	vld [tilespmem:s28+$0x260]  }
0x733: {  	v40 =	vmul.f32 v55, v29;
	v55 =	vld [tilespmem:s28+$0x600]  }
0x734: {  	v62 =	vmul.f32 v53, v28;
	v41 =	vadd.f32 v41, v42;
	v53 =	vmul.f32 v63, v2;
	v63 =	vld [tilespmem:s28+$0x650]  }
0x735: {  	v50 =	vmul.f32 v59, v0;
	v60 =	vadd.f32 v37, v38;
	v37 =	vmul.f32 v61, v1;
	v61 =	vld [tilespmem:s28+$0x640]  }
0x736: {  	v39 =	vadd.f32 v43, v39;
	v38 =	vadd.f32 v40, v62;
	v44 =	vmul.f32 v54, v14;
	v54 =	vld [tilespmem:s28+$0x290]  }
0x737: {  	v35 =	vadd.f32 v41, v35;
	v34 =	vadd.f32 v60, v34;
	v60 =	vld [tilespmem:s28+$0x630]  }
0x738: {  	v41 =	vmul.f32 v51, v7;
	v38 =	vadd.f32 v39, v38;
	v37 =	vadd.f32 v37, v50;
	v50 =	vld [tilespmem:s28+$0x670]  }
0x739: {  	v42 =	vmul.f32 v58, v9;
	v40 =	vmul.f32 v49, v5;
	v58 =	vld [tilespmem:s28+$0x2D0]  }
0x73a: {  	v39 =	vadd.f32 v41, v56;
	v56 =	vld [tilespmem:s28+$0x2B0];
	v59 =	vmul.f32 v52, v13;
	v35 =	vadd.f32 v38, v35  }
0x73b: {  	v36 =	vadd.f32 v36, v53;
	v62 =	vmul.f32 v55, v15;
	v52 =	vld [tilespmem:s28+$0x280];
	v41 =	vmul.f32 v63, v12  }
0x73c: {  	v55 =	vld [tilespmem:s28+$0x2A0];
	v38 =	vadd.f32 v44, v59;
	v34 =	vadd.f32 v35, v34;
	v53 =	vmul.f32 v61, v11  }
0x73d: {  	v63 =	vld [tilespmem:s28+$0x680];
	v35 =	vadd.f32 v48, v62;
	v43 =	vmul.f32 v60, v10;
	v44 =	vmul.f32 v50, v6  }
0x73e: {  	v61 =	vld [tilespmem:s28+$0x2F0];
	v51 =	vadd.f32 v38, v39;
	v39 =	vadd.f32 v41, v53  }
0x73f: {  	v48 =	vld [tilespmem:s28+$0x690];
	v42 =	vadd.f32 v43, v42;
	v40 =	vadd.f32 v44, v40  }
0x740: {  	v36 =	vadd.f32 v36, v37;
	v60 =	vld [tilespmem:s28+$0x2E0]  }
0x741: {  	v50 =	vld [tilespmem:s28+$0x6A0];
	v35 =	vadd.f32 v42, v35;
	v39 =	vadd.f32 v40, v39  }
0x742: {  	v38 =	vmul.f32 v52, v0;
	v52 =	vld [tilespmem:s28+$0x6B0]  }
0x743: {  	v53 =	vld [tilespmem:s28+$0x6C0];
	v36 =	vadd.f32 v51, v36;
	v35 =	vadd.f32 v39, v35  }
0x744: {  	v59 =	vmul.f32 v54, v1;
	v37 =	vmul.f32 v55, v2;
	v55 =	vld [tilespmem:s28+$0x6D0]  }
0x745: {  	v41 =	vmul.f32 v57, v4;
	v57 =	vld [tilespmem:s28+$0x6E0];
	v35 =	vadd.f32 v35, v36  }
0x746: {  	v49 =	vmul.f32 v58, v7;
	v62 =	vmul.f32 v56, v3;
	v38 =	vadd.f32 v59, v38;
	v59 =	vld [tilespmem:s28+$0x6F0]  }
0x747: {  	v54 =	vmul.f32 v63, v15;
	v63 =	vld [tilespmem:s28+$0x310];
	v46 =	vmul.f32 v61, v14;
	v34 =	vadd.f32 v34, v35  }
0x748: {  	v37 =	vadd.f32 v62, v37;
	v56 =	vmul.f32 v48, v8;
	v61 =	vld [tilespmem:s28+$0x300];
	v51 =	vmul.f32 v60, v13  }
0x749: {  	v58 =	vmul.f32 v50, v9;
	v60 =	vmul.f32 v52, v10;
	v39 =	vadd.f32 v49, v41;
	v49 =	vld [tilespmem:s28+$0x320];
	(xrf2) =	vadd.scan.msk.f32 $0xffff, v34  }
0x74a: {  	v62 =	vmul.f32 v53, v11;
	v48 =	vmul.f32 v55, v12;
	v40 =	vadd.f32 v46, v51;
	v51 =	vld [tilespmem:s28+$0x330]  }
0x74b: {  	v37 =	vadd.f32 v37, v38;
	v50 =	vmul.f32 v57, v5;
	v52 =	vld [tilespmem:s28+$0x340];
	v42 =	vmul.f32 v59, v6  }
0x74c: {  	v53 =	vld [tilespmem:s28+$0x350];
	v55 =	vmul.f32 v63, v1;
	v36 =	vadd.f32 v56, v54;
	v39 =	vadd.f32 v40, v39  }
0x74d: {  	s31 =	sadd.s32 $0x144, s5;
	v40 =	vmul.f32 v61, v0;
	v56 =	vld [tilespmem:s28+$0x360];
	v38 =	vadd.f32 v42, v50;
	v35 =	vadd.f32 v60, v58  }
0x74e: {  	s1 =	sadd.s32 $0x4, s1;
	v54 =	vmov s31;
	v46 =	vadd.f32 v39, v37;
	v58 =	vld [tilespmem:s28+$0x370];
	v34 =	vadd.f32 v48, v62  }
0x74f: {  	p1 =	slt.u32 s1, $0x4C;
	v59 =	vld [tilespmem:s28+$0x700];
	v60 =	vadd.f32 v55, v40;
	v57 =	vmul.f32 v49, v2;
	v39 =	vmul.f32 v51, v3  }
.Ltmp4:
0x750: {  	v41 =	vld [tilespmem:s28+$0x740];
	v43 =	vand.u32 $0xFFFFFFFC, v54;
	v35 =	vadd.f32 v35, v36;
	v38 =	vadd.f32 v38, v34;
	(pc) =	sbr.rel @p1 .LBB2_10-.Ltmp4, $4  }
0x751: {  	v37 =	vld [tilespmem:s28+$0x710];
	v36 =	vmul.f32 v52, v4;
	v62 =	vmul.f32 v53, v7;
	v45 =	vadd.f32 v39, v57  }
0x752: {  	v40 =	vld [tilespmem:s28+$0x730];
	v42 =	vmul.f32 v56, v13;
	v34 =	vbroadcast v43, $0x0;
	v61 =	vadd.f32 v38, v35  }
0x753: {  	v39 =	vadd.f32 v62, v36;
	v44 =	vmul.f32 v58, v14;
	v38 =	vld [tilespmem:s28+$0x720];
	v35 =	vadd.f32 v45, v60;
	v63, _, _ =	vpop (xrf2)  }
0x754: {  	s26 =	sadd.s32 $0x200, s26;
	s21 =	sadd.s32 $0x800, s21;
	v45 =	vld [tilespmem:s28+$0x750];
	v43 =	vadd.f32 v61, v46;
	v46 =	vmul.f32 v59, v15;
	v36 =	vbroadcast v63, $0xF  }
0x755: {  	v0 =	vld [tilespmem:s28+$0x760]  }
0x756: {  	v1 =	vld [tilespmem:s28+$0x770];
	_ =	sdelay $0x1  }
0x757: {  	v7 =	vmul.f32 v41, v11  }
0x758: {  	v2 =	vmul.f32 v37, v8;
	v4 =	vmul.f32 v40, v10  }
0x759: {  	v3 =	vmul.f32 v38, v9;
	v55 =	vmul.f32 v45, v12  }
0x75a: {  	v56 =	vadd.f32 v44, v42;
	v0 =	vmul.f32 v0, v5;
	v1 =	vmul.f32 v1, v6  }
0x75b: {  	v2 =	vadd.f32 v2, v46;
	v3 =	vadd.f32 v4, v3  }
0x75c: {  	v57 =	vadd.f32 v55, v7;
	v0 =	vadd.f32 v1, v0  }
0x75d: {  	v58 =	vadd.f32 v56, v39  }
0x75e: {  	v2 =	vadd.f32 v3, v2;
	v0 =	vadd.f32 v0, v57;
	_ =	sdelay $0x1  }
0x75f: {  	v1 =	vadd.f32 v58, v35;
	v0 =	vadd.f32 v0, v2;
	_ =	sdelay $0x1  }
0x760: {  	v0 =	vadd.f32 v0, v1  }
0x761: {  	v59 =	vadd.f32 v32, v43  }
0x762: {  	v0 =	vadd.f32 v33, v0  }
0x763: {  	(xrf2) =	vadd.scan.msk.f32 $0xffff, v59  }
0x764: {  	(xrf2) =	vadd.scan.msk.f32 $0xffff, v0;
	_ =	sdelay $0x2  }
0x765: {  	s0 =	sadd.s32 $0x145, s5  }
0x766: {  	s28 =	sadd.s32 $0x146, s5;
	v60 =	vmov s0  }
0x767: {  	v61 =	vmov s28;
	v0 =	vand.u32 $0xFFFFFFFD, v60  }
0x768: {  	v1 =	vand.u32 $0xFFFFFFFE, v61;
	v0 =	vbroadcast v0, $0x0  }
0x769: {  	v1 =	vbroadcast v1, $0x0;
	_ =	sdelay $0x1  }
0x76a: {  	v62, _, _ =	vpop (xrf2)  }
0x76b: {  	s29 =	simm.s32 $0x14200;
	v2 =	vbroadcast v62, $0xF;
	v63, _, _ =	vpop (xrf2)  }
0x76c: {  	[tilespmem:v34+s29+$0x0] =	vst.idx.msk $0x1, v36;
	v3 =	vbroadcast v63, $0xF  }
0x76d: {  	[tilespmem:v0+s29+$0x0] =	vst.idx.msk $0x1, v2  }
0x76e: {  	[tilespmem:v1+s29+$0x0] =	vst.idx.msk $0x1, v3  }
0x76f: {  	s0 =	sld [smem:$0x7FC];
	_ =	sdelay $0x1  }
0x770: {  	s16 =	simm.s32 $0x0;
	s1 =	simm.s32 $0x14340;
	s30 =	simm.s32 $0x3  }
0x771: {  	[hbm4b:s0+s16] =	stream.linear.scatter [tilespmem:s1], [sflag:$0x3], $0x50, $0x38;
	[tilespmem:$0x14400] =	vst v63  }
0x772: {  	_ =	swait.ge [sflag:s30], $0x50  }
0x773: {  	[sflag:s30] =	ssyncset.done $0x0  }
0x774: {  	[sflag:s30] =	ssyncadd.s32 $0xFFFFFFB0  }
0x775: {  	_ =	swait.ge [sflag:s30], $0x50  }
0x776: {  	[sflag:s30] =	ssyncset.done $0x0  }
0x777: {  	[sflag:s30] =	ssyncadd.s32 $0xFFFFFFB0  }
0x778: {  	_ =	swait.ge [sflag:s30], $0x50  }
0x779: {  	[sflag:s30] =	ssyncset.done $0x0  }
0x77a: {  	[sflag:s30] =	ssyncadd.s32 $0xFFFFFFB0  }
0x77b: {  	_ =	swait.ge [sflag:s30], $0x50  }
0x77c: {  	[sflag:s30] =	ssyncset.done $0x0  }
0x77d: {  	[sflag:s30] =	ssyncadd.s32 $0xFFFFFFB0  }
0x77e: {  	_ =	swait.ge [sflag:s30], $0x50  }
0x77f: {  	s2 =	sld [smem:$0x7F1]  }
0x780: {  	s31 =	sld [smem:$0x7FD];
	_ =	sdelay $0x1  }
0x781: {  	s2 =	sadd.s32 $0x1, s2  }
0x782: {  	p0 =	sne.s32 s2, s31  }
.Ltmp5:
0x783: {  	_ = 	snop;
	(pc) =	sbr.rel @p0 .LBB2_1-.Ltmp5, $3  }
0x784: {  	_ =	sdelay $0x1  }
0x785: {  	[sflag:s30] =	ssyncset.done $0x0  }
0x786: {  	[sflag:s30] =	ssyncadd.s32 $0xFFFFFFB0  }
0x787: {  	_ =	sfence.sel $0x180000  }
0x788: {  	[bflag:$0x0] =	sbarrier.arrive $0xFFFF  }
0x789: {  	_ =	strace $0x90000047  }
0x78a: {  	s0 =	stileid.u32;
	[bflag:$0x2] =	sbarrier.arrive $0xFFFF  }
0x78b: {  	p0 =	sne.s32 s0, $0x0;
	s0 =	rddreg [dreg:$0x3]  }
0x78c: {  	s0 =	sadd.s32 @!p0 $0x100000, s0  }
0x78d: {  	[sflag:s0] =	ssyncadd.tile.s32 @!p0 $0x1;
	_ =	shalt  }
.Lfunc_end2:
_tile_overlayer_lowered:
.L_overlay_start_2:
0x78e: {  	(tag) =	ssettag $0x2  }
0x78f: {  	s0 =	rddreg [dreg:$0x0];
	s2 =	stileid.u32  }
0x790: {  	s1 =	rddreg [dreg:$0x1];
	p0 =	sne.s32 s2, $0x0  }
0x791: {  	s3 =	rddreg [dreg:$0x2];
	[bflag:$0x3] =	sbarrier.arrive $0xFFFF;
	s2 =	simm.s32 @!p0 $0x1C04  }
0x792: {  	[timem:s3], [sflag:s2] =	dma.local @!p0 [hbm:s0], s1  }
0x793: {  	s0 =	simm.s32 @!p0 $0x4  }
0x794: {  	_ =	swait.ge @!p0 [sflag:s0], s1  }
0x795: {  	s1 =	ssub.s32 @!p0 $0x0, s1;
	[sflag:s0] =	ssyncset.done @!p0 $0x0  }
0x796: {  	[sflag:s0] =	ssyncadd.s32 @!p0 s1  }
0x797: {  	[bflag:$0x3] =	sbarrier.arrive $0xFFFF  }
0x798: {  	_ =	shalt  }

</sc_bundles>
